<compile_context>
chip_gen: v7x
topology: tpu7x:2x2x1
jax: 0.10.2.dev20260603
libtpu: 0.0.44.dev20260713+nightly
codegen_flags: <defaults>
</compile_context>

<pallas_src>
import functools

import jax
import jax.numpy as jnp
from jax import lax
from jax.experimental import pallas as pl
from jax.experimental.pallas import tpu as pltpu
from jax.experimental.pallas import tpu_sc as plsc

_N = 10000
_E = 160000
_H = 128
_NP = 10240
_EP = 163840
_NW = 32
_CHUNK = 128
_RPW = _EP // _NW
_NCH = _RPW // _CHUNK
_ZR = _NP // 16
_BLK = 512

def _mesh():
    return plsc.VectorSubcoreMesh(core_axis_name="c", subcore_axis_name="s")


def _dot(a, b):
    return lax.dot_general(a, b, (((1,), (0,)), ((), ())),
                           preferred_element_type=jnp.float32)



def _mlp2_body(x_ref, w1_ref, b1_ref, w2_ref, b2_ref, o_ref):
    t = jnp.maximum(_dot(x_ref[...], w1_ref[...]) + b1_ref[...], 0.0)
    o_ref[...] = _dot(t, w2_ref[...]) + b2_ref[...]


def _mlp2_rows(xx, w1, b1, w2, b2):
    r, k = xx.shape
    hh = w1.shape[1]
    oo = w2.shape[1]
    return pl.pallas_call(
        _mlp2_body,
        grid=(r // _BLK,),
        in_specs=[pl.BlockSpec((_BLK, k), lambda i: (i, 0)),
                  pl.BlockSpec((k, hh), lambda i: (0, 0)),
                  pl.BlockSpec((1, hh), lambda i: (0, 0)),
                  pl.BlockSpec((hh, oo), lambda i: (0, 0)),
                  pl.BlockSpec((1, oo), lambda i: (0, 0))],
        out_specs=pl.BlockSpec((_BLK, oo), lambda i: (i, 0)),
        out_shape=jax.ShapeDtypeStruct((r, oo), jnp.float32),
        compiler_params=pltpu.CompilerParams(
            dimension_semantics=("parallel",)),
    )(xx, w1, b1.reshape(1, -1), w2, b2.reshape(1, -1))


def _enc_nodes_tab_body(x_ref, w1_ref, b1_ref, w2_ref, b2_ref,
                        wa_ref, wb_ref, h_ref, o1_ref, o2_ref):
    t = jnp.maximum(_dot(x_ref[...], w1_ref[...]) + b1_ref[...], 0.0)
    h = _dot(t, w2_ref[...]) + b2_ref[...]
    h_ref[...] = h
    o1_ref[...] = _dot(h, wa_ref[...])
    o2_ref[...] = _dot(h, wb_ref[...])


def _enc_nodes_tab(xx, w1, b1, w2, b2, wa, wb):
    r = xx.shape[0]
    return pl.pallas_call(
        _enc_nodes_tab_body,
        grid=(r // _BLK,),
        in_specs=[pl.BlockSpec((_BLK, _H), lambda i: (i, 0)),
                  pl.BlockSpec((_H, _H), lambda i: (0, 0)),
                  pl.BlockSpec((1, _H), lambda i: (0, 0)),
                  pl.BlockSpec((_H, _H), lambda i: (0, 0)),
                  pl.BlockSpec((1, _H), lambda i: (0, 0)),
                  pl.BlockSpec((_H, _H), lambda i: (0, 0)),
                  pl.BlockSpec((_H, _H), lambda i: (0, 0))],
        out_specs=[pl.BlockSpec((_BLK, _H), lambda i: (i, 0)),
                   pl.BlockSpec((_BLK, _H), lambda i: (i, 0)),
                   pl.BlockSpec((_BLK, _H), lambda i: (i, 0))],
        out_shape=[jax.ShapeDtypeStruct((r, _H), jnp.float32),
                   jax.ShapeDtypeStruct((r, _H), jnp.float32),
                   jax.ShapeDtypeStruct((r, _H), jnp.float32)],
        compiler_params=pltpu.CompilerParams(
            dimension_semantics=("parallel",)),
    )(xx, w1, b1.reshape(1, -1), w2, b2.reshape(1, -1), wa, wb)


def _edge_post_body(g1_ref, g2_ref, e_ref, wc_ref, b1_ref, w2_ref, b2_ref,
                    m_ref, eo_ref):
    e = e_ref[...]
    pre = (g1_ref[...] + g2_ref[...]
           + _dot(e, wc_ref[...]) + b1_ref[...])
    m = _dot(jnp.maximum(pre, 0.0), w2_ref[...]) + b2_ref[...]
    m_ref[...] = m
    eo_ref[...] = e + m


def _edge_post(g1, g2, e, e_off, wc, b1, w2, b2):
    r = g1.shape[0]
    return pl.pallas_call(
        _edge_post_body,
        grid=(r // _BLK,),
        in_specs=[pl.BlockSpec((_BLK, _H), lambda i: (i, 0)),
                  pl.BlockSpec((_BLK, _H), lambda i: (i, 0)),
                  pl.BlockSpec((_BLK, _H), lambda i, e_off=e_off: (i + e_off, 0)),
                  pl.BlockSpec((_H, _H), lambda i: (0, 0)),
                  pl.BlockSpec((1, _H), lambda i: (0, 0)),
                  pl.BlockSpec((_H, _H), lambda i: (0, 0)),
                  pl.BlockSpec((1, _H), lambda i: (0, 0))],
        out_specs=[pl.BlockSpec((_BLK, _H), lambda i: (i, 0)),
                   pl.BlockSpec((_BLK, _H), lambda i: (i, 0))],
        out_shape=[jax.ShapeDtypeStruct((r, _H), jnp.float32),
                   jax.ShapeDtypeStruct((r, _H), jnp.float32)],
        compiler_params=pltpu.CompilerParams(
            dimension_semantics=("parallel",)),
    )(g1, g2, e, wc, b1.reshape(1, -1), w2, b2.reshape(1, -1))


def _node_post_body(h_ref, p0_ref, p1_ref, wa_ref, wb_ref, b1_ref,
                    w2_ref, b2_ref, o_ref):
    h = h_ref[...]
    agg = p0_ref[...] + p1_ref[...]
    t = jnp.maximum(_dot(h, wa_ref[...]) + _dot(agg, wb_ref[...]) + b1_ref[...],
                    0.0)
    o_ref[...] = h + _dot(t, w2_ref[...]) + b2_ref[...]


def _node_post_tab_body(h_ref, p0_ref, p1_ref, wa_ref, wb_ref, b1_ref,
                        w2_ref, b2_ref, na_ref, nb_ref,
                        o_ref, o1_ref, o2_ref):
    h = h_ref[...]
    agg = p0_ref[...] + p1_ref[...]
    t = jnp.maximum(_dot(h, wa_ref[...]) + _dot(agg, wb_ref[...]) + b1_ref[...],
                    0.0)
    hn = h + _dot(t, w2_ref[...]) + b2_ref[...]
    o_ref[...] = hn
    o1_ref[...] = _dot(hn, na_ref[...])
    o2_ref[...] = _dot(hn, nb_ref[...])


def _node_post_tab(h, p0, p1, wa, wb, b1, w2, b2, na, nb):
    r = h.shape[0]
    return pl.pallas_call(
        _node_post_tab_body,
        grid=(r // _BLK,),
        in_specs=[pl.BlockSpec((_BLK, _H), lambda i: (i, 0)),
                  pl.BlockSpec((_BLK, _H), lambda i: (i, 0)),
                  pl.BlockSpec((_BLK, _H), lambda i: (i, 0)),
                  pl.BlockSpec((_H, _H), lambda i: (0, 0)),
                  pl.BlockSpec((_H, _H), lambda i: (0, 0)),
                  pl.BlockSpec((1, _H), lambda i: (0, 0)),
                  pl.BlockSpec((_H, _H), lambda i: (0, 0)),
                  pl.BlockSpec((1, _H), lambda i: (0, 0)),
                  pl.BlockSpec((_H, _H), lambda i: (0, 0)),
                  pl.BlockSpec((_H, _H), lambda i: (0, 0))],
        out_specs=[pl.BlockSpec((_BLK, _H), lambda i: (i, 0)),
                   pl.BlockSpec((_BLK, _H), lambda i: (i, 0)),
                   pl.BlockSpec((_BLK, _H), lambda i: (i, 0))],
        out_shape=[jax.ShapeDtypeStruct((r, _H), jnp.float32),
                   jax.ShapeDtypeStruct((r, _H), jnp.float32),
                   jax.ShapeDtypeStruct((r, _H), jnp.float32)],
        compiler_params=pltpu.CompilerParams(
            dimension_semantics=("parallel",)),
    )(h, p0, p1, wa, wb, b1.reshape(1, -1), w2, b2.reshape(1, -1), na, nb)


def _node_post(h, p0, p1, wa, wb, b1, w2, b2):
    r = h.shape[0]
    return pl.pallas_call(
        _node_post_body,
        grid=(r // _BLK,),
        in_specs=[pl.BlockSpec((_BLK, _H), lambda i: (i, 0)),
                  pl.BlockSpec((_BLK, _H), lambda i: (i, 0)),
                  pl.BlockSpec((_BLK, _H), lambda i: (i, 0)),
                  pl.BlockSpec((_H, _H), lambda i: (0, 0)),
                  pl.BlockSpec((_H, _H), lambda i: (0, 0)),
                  pl.BlockSpec((1, _H), lambda i: (0, 0)),
                  pl.BlockSpec((_H, _H), lambda i: (0, 0)),
                  pl.BlockSpec((1, _H), lambda i: (0, 0))],
        out_specs=pl.BlockSpec((_BLK, _H), lambda i: (i, 0)),
        out_shape=jax.ShapeDtypeStruct((r, _H), jnp.float32),
        compiler_params=pltpu.CompilerParams(
            dimension_semantics=("parallel",)),
    )(h, p0, p1, wa, wb, b1.reshape(1, -1), w2, b2.reshape(1, -1))



def _sc_gather1(tab, idx, rows, nch):
    rpw = rows // _NW

    @functools.partial(
        pl.kernel, mesh=_mesh(),
        out_type=jax.ShapeDtypeStruct((rows, _H), jnp.float32),
        scratch_types=[pltpu.VMEM((nch, _CHUNK), jnp.int32),
                       pltpu.VMEM((_CHUNK, _H), jnp.float32),
                       pltpu.VMEM((_CHUNK, _H), jnp.float32),
                       pltpu.VMEM_SHARED((_NP, _H), jnp.float32),
                       pltpu.SemaphoreType.DMA,
                       pltpu.SemaphoreType.DMA,
                       pltpu.SemaphoreType.DMA],
    )
    def k(t_hbm, i_hbm, o_hbm, i_v, ra, rb, tab_sh, sg1, sg2, sw):
        sid = lax.axis_index("s")
        w = lax.axis_index("c") * 16 + sid
        base = w * rpw
        st = pltpu.async_copy(t_hbm.at[pl.ds(sid * _ZR, _ZR)],
                              tab_sh.at[pl.ds(sid * _ZR, _ZR)], sg2)
        pltpu.async_copy(i_hbm.at[w], i_v, sg1).wait()
        st.wait()
        plsc.subcore_barrier()
        pltpu.async_copy(tab_sh.at[i_v.at[0]], ra, sg1)

        def body(ci, rc, rn):
            @pl.when(ci >= 1)
            def _():
                pltpu.make_async_copy(
                    rn, o_hbm.at[pl.ds(base, _CHUNK)], sw).wait()

            @pl.when(ci + 1 < nch)
            def _():
                pltpu.async_copy(tab_sh.at[i_v.at[ci + 1]], rn, sg1)

            pltpu.make_async_copy(tab_sh.at[i_v.at[ci]], rc, sg1).wait()
            pltpu.async_copy(rc, o_hbm.at[pl.ds(base + ci * _CHUNK, _CHUNK)],
                             sw)

        @pl.loop(0, nch, step=2)
        def _(ci):
            body(ci, ra, rb)
            body(ci + 1, rb, ra)

        pltpu.make_async_copy(ra, o_hbm.at[pl.ds(base, _CHUNK)], sw).wait()

    return k(tab, idx)


def _sc_scatter_add(m, idx, init_tab, rows, nch):
    rpw = rows // _NW

    @functools.partial(
        pl.kernel, mesh=_mesh(),
        out_type=jax.ShapeDtypeStruct((2, _NP, _H), jnp.float32),
        scratch_types=[pltpu.VMEM((nch, _CHUNK), jnp.int32),
                       pltpu.VMEM((_CHUNK, _H), jnp.float32),
                       pltpu.VMEM((_CHUNK, _H), jnp.float32),
                       pltpu.VMEM_SHARED((_NP, _H), jnp.float32),
                       pltpu.SemaphoreType.DMA,
                       pltpu.SemaphoreType.DMA],
    )
    def k(m_hbm, i_hbm, z_hbm, o_hbm, i_v, ra, rb, acc_sh, sem, ss):
        cid = lax.axis_index("c")
        sid = lax.axis_index("s")
        w = cid * 16 + sid
        base = w * rpw
        pltpu.sync_copy(z_hbm.at[cid, pl.ds(sid * _ZR, _ZR)],
                        acc_sh.at[pl.ds(sid * _ZR, _ZR)])
        pltpu.async_copy(i_hbm.at[w], i_v, sem).wait()
        plsc.subcore_barrier()
        pltpu.async_copy(m_hbm.at[pl.ds(base, _CHUNK)], ra, sem)

        def body(ci, cur, nxt):
            @pl.when(ci >= 1)
            def _():
                pltpu.make_async_copy(nxt, acc_sh.at[i_v.at[0]], ss).wait()

            @pl.when(ci + 1 < nch)
            def _():
                pltpu.async_copy(
                    m_hbm.at[pl.ds(base + (ci + 1) * _CHUNK, _CHUNK)], nxt, sem)

            pltpu.make_async_copy(
                m_hbm.at[pl.ds(base + ci * _CHUNK, _CHUNK)], cur, sem).wait()
            pltpu.async_copy(cur, acc_sh.at[i_v.at[ci]], ss, add=True)

        @pl.loop(0, nch, step=2)
        def _(ci):
            body(ci, ra, rb)
            body(ci + 1, rb, ra)

        pltpu.make_async_copy(ra, acc_sh.at[i_v.at[0]], ss).wait()
        plsc.subcore_barrier()
        pltpu.sync_copy(acc_sh.at[pl.ds(sid * _ZR, _ZR)],
                        o_hbm.at[cid, pl.ds(sid * _ZR, _ZR)])

    return k(m, idx, init_tab)



def kernel(x, edge_index, edge_attr, node_positions,
           enW1, enb1, enW2, enb2,
           eeW1, eeb1, eeW2, eeb2,
           mp0_eW1, mp0_eb1, mp0_eW2, mp0_eb2,
           mp0_nW1, mp0_nb1, mp0_nW2, mp0_nb2,
           mp1_eW1, mp1_eb1, mp1_eW2, mp1_eb2,
           mp1_nW1, mp1_nb1, mp1_nW2, mp1_nb2,
           deW1, deb1, deW2, deb2):
    del node_positions
    nsl = 2
    eps = _EP // nsl
    nchs = _NCH // nsl
    xp = jnp.pad(x[0], ((0, _NP - _N), (0, 0)))
    ea = jnp.pad(edge_attr[0], ((0, _EP - _E), (0, 0)))
    src = jnp.pad(edge_index[0], (0, _EP - _E))
    dstg = jnp.pad(edge_index[1], (0, _EP - _E))
    dsts = jnp.pad(edge_index[1], (0, _EP - _E), constant_values=_N)

    def _slc(a):
        return [a[s0 * eps:(s0 + 1) * eps].reshape(_NW, nchs, _CHUNK)
                for s0 in range(nsl)]

    src_s = _slc(src)
    dstg_s = _slc(dstg)
    dsts_s = _slc(dsts)
    zeros_tab = jnp.zeros((2, _NP, _H), dtype=jnp.float32)

    e_full = _mlp2_rows(ea, eeW1, eeb1, eeW2, eeb2)
    e_s = [e_full] * nsl
    e_off = [s0 * (eps // _BLK) for s0 in range(nsl)]

    h, hs, hd = _enc_nodes_tab(xp, enW1, enb1, enW2, enb2,
                               mp0_eW1[:_H], mp0_eW1[_H:2 * _H])

    mps = [(mp0_eW1, mp0_eb1, mp0_eW2, mp0_eb2,
            mp0_nW1, mp0_nb1, mp0_nW2, mp0_nb2),
           (mp1_eW1, mp1_eb1, mp1_eW2, mp1_eb2,
            mp1_nW1, mp1_nb1, mp1_nW2, mp1_nb2)]
    for li, (ew1, eb1, ew2, eb2, nw1, nb1, nw2, nb2) in enumerate(mps):
        wc = ew1[2 * _H:]
        g_s = [(_sc_gather1(hs, src_s[s0], eps, nchs),
                _sc_gather1(hd, dstg_s[s0], eps, nchs))
               for s0 in range(nsl)]
        m_s = [None] * nsl
        for s0 in range(nsl):
            m_s[s0], e_s[s0] = _edge_post(g_s[s0][0], g_s[s0][1], e_s[s0],
                                          e_off[s0], wc, eb1, ew2, eb2)
        e_off = [0] * nsl
        p = zeros_tab
        for s0 in range(nsl):
            p = _sc_scatter_add(m_s[s0], dsts_s[s0], p, eps, nchs)
        if li == 0:
            h, hs, hd = _node_post_tab(h, p[0], p[1], nw1[:_H], nw1[_H:],
                                       nb1, nw2, nb2,
                                       mp1_eW1[:_H], mp1_eW1[_H:2 * _H])
        else:
            h = _node_post(h, p[0], p[1], nw1[:_H], nw1[_H:], nb1, nw2, nb2)

    out = _mlp2_rows(h, deW1, deb1, deW2, deb2)
    return out[:_N][None]

# --- scband reference (transcript-rebuilt; emitter-appended) ---
"""Pipeline reference for scband-gnn-no-mmp-57174604644505 (READ-ONLY COPY).

The authoritative reference and input builder live on the scoring server;
editing this copy changes nothing except your own understanding.
"""

import jax, jax.numpy as jnp
import numpy as np

N = 10000
E = 160000
H = 128
IN_NODE = 128
IN_EDGE = 16
OUT = 128


def _mlp2(h, W1, b1, W2, b2):
    return jax.nn.relu(h @ W1 + b1) @ W2 + b2


def setup_inputs(seed: int = 0):
    key = jax.random.key(seed)
    ks = jax.random.split(key, 64)
    s = 0.05
    inp = {}
    inp["x"] = jax.random.normal(ks[0], (1, N, IN_NODE), dtype=jnp.float32)
    inp["edge_index"] = jax.random.randint(ks[1], (2, E), 0, N, dtype=jnp.int32)
    inp["edge_attr"] = jax.random.normal(ks[2], (1, E, IN_EDGE), dtype=jnp.float32)
    inp["node_positions"] = jax.random.normal(ks[3], (N, 3), dtype=jnp.float32)
    idx = [4]
    def p(shape):
        w = jax.random.normal(ks[idx[0]], shape, dtype=jnp.float32) * s
        idx[0] += 1
        return w
    inp["enW1"] = p((IN_NODE, H)); inp["enb1"] = p((H,))
    inp["enW2"] = p((H, H)); inp["enb2"] = p((H,))
    inp["eeW1"] = p((IN_EDGE, H)); inp["eeb1"] = p((H,))
    inp["eeW2"] = p((H, H)); inp["eeb2"] = p((H,))
    for l in range(2):
        inp[f"mp{l}_eW1"] = p((3 * H, H)); inp[f"mp{l}_eb1"] = p((H,))
        inp[f"mp{l}_eW2"] = p((H, H)); inp[f"mp{l}_eb2"] = p((H,))
        inp[f"mp{l}_nW1"] = p((2 * H, H)); inp[f"mp{l}_nb1"] = p((H,))
        inp[f"mp{l}_nW2"] = p((H, H)); inp[f"mp{l}_nb2"] = p((H,))
    inp["deW1"] = p((H, H)); inp["deb1"] = p((H,))
    inp["deW2"] = p((H, OUT)); inp["deb2"] = p((OUT,))
    return inp


def reference(x, edge_index, edge_attr, node_positions,
              enW1, enb1, enW2, enb2,
              eeW1, eeb1, eeW2, eeb2,
              mp0_eW1, mp0_eb1, mp0_eW2, mp0_eb2, mp0_nW1, mp0_nb1, mp0_nW2, mp0_nb2,
              mp1_eW1, mp1_eb1, mp1_eW2, mp1_eb2, mp1_nW1, mp1_nb1, mp1_nW2, mp1_nb2,
              deW1, deb1, deW2, deb2):
    # encoder_node / encoder_edge (2-layer MLPs, ReLU)
    h = _mlp2(x, enW1, enb1, enW2, enb2)[0]
    e = _mlp2(edge_attr, eeW1, eeb1, eeW2, eeb2)[0]
    src = edge_index[0]
    dst = edge_index[1]
    mps = [(mp0_eW1, mp0_eb1, mp0_eW2, mp0_eb2, mp0_nW1, mp0_nb1, mp0_nW2, mp0_nb2),
           (mp1_eW1, mp1_eb1, mp1_eW2, mp1_eb2, mp1_nW1, mp1_nb1, mp1_nW2, mp1_nb2)]
    # processor: MPblock_layers=2 residual message-passing steps
    for (eW1, eb1, eW2, eb2, nW1, nb1, nW2, nb2) in mps:
        m_in = jnp.concatenate([jnp.take(h, src, axis=0), jnp.take(h, dst, axis=0), e], axis=-1)
        m = _mlp2(m_in, eW1, eb1, eW2, eb2)
        e = e + m
        agg = jax.ops.segment_sum(m, dst, num_segments=N)
        n_in = jnp.concatenate([h, agg], axis=-1)
        h = h + _mlp2(n_in, nW1, nb1, nW2, nb2)
    out = _mlp2(h, deW1, deb1, deW2, deb2)[None]
    return out

if __name__ == "__main__":
    import jax
    _d = setup_inputs()
    print(jax.jit(kernel)(*tuple(_d.values())))

</pallas_src>

<mosaic_0001>
#map = affine_map<(d0, d1) -> (0, 0)>
#map1 = affine_map<(d0, d1) -> (0, 0, 0)>
module attributes {stable_mosaic.version = 14 : i64} {
  func.func @k(%arg0: i32, %arg1: i32, %arg2: memref<10240x128xf32, #tpu.memory_space<hbm>>, %arg3: memref<32x20x128xi32, #tpu.memory_space<hbm>>, %arg4: memref<81920x128xf32, #tpu.memory_space<hbm>>, %arg5: memref<20x128xi32, #tpu.memory_space<vmem>>, %arg6: memref<128x128xf32, #tpu.memory_space<vmem>>, %arg7: memref<128x128xf32, #tpu.memory_space<vmem>>, %arg8: memref<10240x128xf32, #tpu.memory_space<vmem_shared>>, %arg9: memref<!tpu.dma_semaphore, #tpu.memory_space<semaphore_mem>>, %arg10: memref<!tpu.dma_semaphore, #tpu.memory_space<semaphore_mem>>, %arg11: memref<!tpu.dma_semaphore, #tpu.memory_space<semaphore_mem>>) attributes {dimension_semantics = [#tpu.dimension_semantics<core_parallel>, #tpu.dimension_semantics<subcore_parallel>], iteration_bounds = array<i64: 2, 16>, scalar_prefetch = 0 : i64, scratch_operands = 7 : i64, tpu.core_type = #tpu.core_type<sc_vector_subcore>, window_params = [{transform_indices = #map}, {transform_indices = #map1}, {transform_indices = #map}]} {
    %mul3A = arith.constant 16 : i32
    %mul3A_0 = arith.muli %arg0, %mul3A : i32
    %add3A = arith.addi %mul3A_0, %arg1 : i32
    %mul3A_1 = arith.constant 2560 : i32
    %mul3A_2 = arith.muli %add3A, %mul3A_1 : i32
    %mul3A_3 = arith.constant 640 : i32
    %mul3A_4 = arith.muli %arg1, %mul3A_3 : i32
    %mul3A_5 = arith.constant 640 : i32
    %mul3A_6 = arith.muli %arg1, %mul3A_5 : i32
    %dma_start3A = arith.constant 0 : i32
    %dma_start3A_7 = tpu.memref_slice %arg8[%mul3A_6, %dma_start3A] : memref<10240x128xf32, #tpu.memory_space<vmem_shared>> -> memref<640x128xf32, #tpu.memory_space<vmem_shared>>
    %dma_start3A_8 = arith.constant 0 : i32
    %dma_start3A_9 = tpu.memref_slice %arg2[%mul3A_4, %dma_start3A_8] : memref<10240x128xf32, #tpu.memory_space<hbm>> -> memref<640x128xf32, #tpu.memory_space<hbm>>
    tpu.enqueue_dma source(%dma_start3A_9 : memref<640x128xf32, #tpu.memory_space<hbm>>) target(%dma_start3A_7 : memref<640x128xf32, #tpu.memory_space<vmem_shared>>) target_semaphore(%arg10 : memref<!tpu.dma_semaphore, #tpu.memory_space<semaphore_mem>>)
    %dma_start3A_10 = arith.constant 0 : i32
    %dma_start3A_11 = arith.constant 0 : i32
    %dma_start3A_12 = tpu.memref_slice %arg3[%add3A, %dma_start3A_10, %dma_start3A_11] : memref<32x20x128xi32, #tpu.memory_space<hbm>> -> memref<1x20x128xi32, #tpu.memory_space<hbm>>
    %dma_start3A_13 = tpu.memref_squeeze %dma_start3A_12 : memref<1x20x128xi32, #tpu.memory_space<hbm>> -> memref<20x128xi32, #tpu.memory_space<hbm>>
    %dma_start3A_14 = arith.constant 0 : i32
    %dma_start3A_15 = arith.constant 0 : i32
    %dma_start3A_16 = tpu.memref_slice %arg3[%add3A, %dma_start3A_14, %dma_start3A_15] : memref<32x20x128xi32, #tpu.memory_space<hbm>> -> memref<1x20x128xi32, #tpu.memory_space<hbm>>
    %dma_start3A_17 = tpu.memref_squeeze %dma_start3A_16 : memref<1x20x128xi32, #tpu.memory_space<hbm>> -> memref<20x128xi32, #tpu.memory_space<hbm>>
    tpu.enqueue_dma source(%dma_start3A_17 : memref<20x128xi32, #tpu.memory_space<hbm>>) target(%arg5 : memref<20x128xi32, #tpu.memory_space<vmem>>) target_semaphore(%arg9 : memref<!tpu.dma_semaphore, #tpu.memory_space<semaphore_mem>>)
    %dma_wait3A = arith.constant 0 : i32
    %dma_wait3A_18 = arith.constant 0 : i32
    %dma_wait3A_19 = tpu.memref_slice %arg3[%add3A, %dma_wait3A, %dma_wait3A_18] : memref<32x20x128xi32, #tpu.memory_space<hbm>> -> memref<1x20x128xi32, #tpu.memory_space<hbm>>
    %dma_wait3A_20 = tpu.memref_squeeze %dma_wait3A_19 : memref<1x20x128xi32, #tpu.memory_space<hbm>> -> memref<20x128xi32, #tpu.memory_space<hbm>>
    %dma_wait3A_21 = arith.constant 0 : i32
    %dma_wait3A_22 = arith.constant 0 : i32
    %dma_wait3A_23 = tpu.memref_slice %arg3[%add3A, %dma_wait3A_21, %dma_wait3A_22] : memref<32x20x128xi32, #tpu.memory_space<hbm>> -> memref<1x20x128xi32, #tpu.memory_space<hbm>>
    %dma_wait3A_24 = tpu.memref_squeeze %dma_wait3A_23 : memref<1x20x128xi32, #tpu.memory_space<hbm>> -> memref<20x128xi32, #tpu.memory_space<hbm>>
    tpu.wait_dma2 semaphore(%arg9 : memref<!tpu.dma_semaphore, #tpu.memory_space<semaphore_mem>>) src(%dma_wait3A_24 : memref<20x128xi32, #tpu.memory_space<hbm>>) dst(%arg5 : memref<20x128xi32, #tpu.memory_space<vmem>>)
    %dma_wait3A_25 = arith.constant 0 : i32
    %dma_wait3A_26 = tpu.memref_slice %arg8[%mul3A_6, %dma_wait3A_25] : memref<10240x128xf32, #tpu.memory_space<vmem_shared>> -> memref<640x128xf32, #tpu.memory_space<vmem_shared>>
    %dma_wait3A_27 = arith.constant 0 : i32
    %dma_wait3A_28 = tpu.memref_slice %arg2[%mul3A_4, %dma_wait3A_27] : memref<10240x128xf32, #tpu.memory_space<hbm>> -> memref<640x128xf32, #tpu.memory_space<hbm>>
    tpu.wait_dma2 semaphore(%arg10 : memref<!tpu.dma_semaphore, #tpu.memory_space<semaphore_mem>>) src(%dma_wait3A_28 : memref<640x128xf32, #tpu.memory_space<hbm>>) dst(%dma_wait3A_26 : memref<640x128xf32, #tpu.memory_space<vmem_shared>>)
    %barrier3A = arith.constant 0 : index
    tpu.barrier barrier_id(%barrier3A)
    %dma_start3A_29 = arith.constant 0 : i32
    %dma_start3A_30 = arith.constant 0 : i32
    %dma_start3A_31 = tpu.memref_slice %arg5[%dma_start3A_29, %dma_start3A_30] : memref<20x128xi32, #tpu.memory_space<vmem>> -> memref<1x128xi32, #tpu.memory_space<vmem>>
    %dma_start3A_32 = tpu.memref_squeeze %dma_start3A_31 : memref<1x128xi32, #tpu.memory_space<vmem>> -> memref<128xi32, #tpu.memory_space<vmem>>
    %dma_start3A_33 = arith.constant 0 : i32
    %dma_start3A_34 = arith.constant 0 : i32
    %dma_start3A_35 = tpu.memref_slice %arg8[%dma_start3A_33, %dma_start3A_34] : memref<10240x128xf32, #tpu.memory_space<vmem_shared>> -> memref<10240x128xf32, #tpu.memory_space<vmem_shared>>
    tpu.enqueue_indirect_dma source(%dma_start3A_35 : memref<10240x128xf32, #tpu.memory_space<vmem_shared>>) target(%arg6 : memref<128x128xf32, #tpu.memory_space<vmem>>) offsets(%dma_start3A_32 : memref<128xi32, #tpu.memory_space<vmem>>) semaphore(%arg9 : memref<!tpu.dma_semaphore, #tpu.memory_space<semaphore_mem>>)
    %scan3A = arith.constant 0 : i32
    %scan3A_36 = arith.constant 10 : i32
    %scan3A_37 = arith.addi %scan3A, %scan3A_36 : i32
    %scan3A_38 = arith.constant 1 : i32
    scf.for %scan3A_44 = %scan3A to %scan3A_37 step %scan3A_38  : i32 {
      %mul3A_45 = arith.constant 2 : i32
      %mul3A_46 = arith.muli %scan3A_44, %mul3A_45 : i32
      %add3A_47 = arith.constant 0 : i32
      %add3A_48 = arith.addi %add3A_47, %mul3A_46 : i32
      %ge3A = arith.constant 1 : i32
      %ge3A_49 = arith.cmpi sge, %add3A_48, %ge3A : i32
      %convert_element_type3A = arith.extui %ge3A_49 : i1 to i32
      %cond3A = arith.constant 0 : i32
      %cond3A_50 = arith.cmpi ne, %convert_element_type3A, %cond3A : i32
      scf.if %cond3A_50 {
        %dma_wait3A_97 = arith.constant 0 : i32
        %dma_wait3A_98 = tpu.memref_slice %arg4[%mul3A_2, %dma_wait3A_97] : memref<81920x128xf32, #tpu.memory_space<hbm>> -> memref<128x128xf32, #tpu.memory_space<hbm>>
        %dma_wait3A_99 = arith.constant 0 : i32
        %dma_wait3A_100 = tpu.memref_slice %arg4[%mul3A_2, %dma_wait3A_99] : memref<81920x128xf32, #tpu.memory_space<hbm>> -> memref<128x128xf32, #tpu.memory_space<hbm>>
        tpu.wait_dma2 semaphore(%arg11 : memref<!tpu.dma_semaphore, #tpu.memory_space<semaphore_mem>>) src(%arg7 : memref<128x128xf32, #tpu.memory_space<vmem>>) dst(%dma_wait3A_100 : memref<128x128xf32, #tpu.memory_space<hbm>>)
      } else {
      }
      %add3A_51 = arith.constant 1 : i32
      %add3A_52 = arith.addi %add3A_48, %add3A_51 : i32
      %lt3A = arith.constant 20 : i32
      %lt3A_53 = arith.cmpi slt, %add3A_52, %lt3A : i32
      %convert_element_type3A_54 = arith.extui %lt3A_53 : i1 to i32
      %cond3A_55 = arith.constant 0 : i32
      %cond3A_56 = arith.cmpi ne, %convert_element_type3A_54, %cond3A_55 : i32
      scf.if %cond3A_56 {
        %add3A_97 = arith.constant 1 : i32
        %add3A_98 = arith.addi %add3A_48, %add3A_97 : i32
        %dma_start3A_99 = arith.constant 0 : i32
        %dma_start3A_100 = tpu.memref_slice %arg5[%add3A_98, %dma_start3A_99] : memref<20x128xi32, #tpu.memory_space<vmem>> -> memref<1x128xi32, #tpu.memory_space<vmem>>
        %dma_start3A_101 = tpu.memref_squeeze %dma_start3A_100 : memref<1x128xi32, #tpu.memory_space<vmem>> -> memref<128xi32, #tpu.memory_space<vmem>>
        %dma_start3A_102 = arith.constant 0 : i32
        %dma_start3A_103 = arith.constant 0 : i32
        %dma_start3A_104 = tpu.memref_slice %arg8[%dma_start3A_102, %dma_start3A_103] : memref<10240x128xf32, #tpu.memory_space<vmem_shared>> -> memref<10240x128xf32, #tpu.memory_space<vmem_shared>>
        tpu.enqueue_indirect_dma source(%dma_start3A_104 : memref<10240x128xf32, #tpu.memory_space<vmem_shared>>) target(%arg7 : memref<128x128xf32, #tpu.memory_space<vmem>>) offsets(%dma_start3A_101 : memref<128xi32, #tpu.memory_space<vmem>>) semaphore(%arg9 : memref<!tpu.dma_semaphore, #tpu.memory_space<semaphore_mem>>)
      } else {
      }
      %dma_wait3A_57 = arith.constant 0 : i32
      %dma_wait3A_58 = tpu.memref_slice %arg5[%add3A_48, %dma_wait3A_57] : memref<20x128xi32, #tpu.memory_space<vmem>> -> memref<1x128xi32, #tpu.memory_space<vmem>>
      %dma_wait3A_59 = tpu.memref_squeeze %dma_wait3A_58 : memref<1x128xi32, #tpu.memory_space<vmem>> -> memref<128xi32, #tpu.memory_space<vmem>>
      %dma_wait3A_60 = arith.constant 0 : i32
      %dma_wait3A_61 = arith.constant 0 : i32
      %dma_wait3A_62 = tpu.memref_slice %arg8[%dma_wait3A_60, %dma_wait3A_61] : memref<10240x128xf32, #tpu.memory_space<vmem_shared>> -> memref<10240x128xf32, #tpu.memory_space<vmem_shared>>
      tpu.wait_indirect_dma semaphore(%arg9 : memref<!tpu.dma_semaphore, #tpu.memory_space<semaphore_mem>>) src(%dma_wait3A_62 : memref<10240x128xf32, #tpu.memory_space<vmem_shared>>) dst(%arg6 : memref<128x128xf32, #tpu.memory_space<vmem>>)
      %mul3A_63 = arith.constant 128 : i32
      %mul3A_64 = arith.muli %add3A_48, %mul3A_63 : i32
      %add3A_65 = arith.addi %mul3A_2, %mul3A_64 : i32
      %dma_start3A_66 = arith.constant 0 : i32
      %dma_start3A_67 = tpu.memref_slice %arg4[%add3A_65, %dma_start3A_66] : memref<81920x128xf32, #tpu.memory_space<hbm>> -> memref<128x128xf32, #tpu.memory_space<hbm>>
      %dma_start3A_68 = arith.constant 0 : i32
      %dma_start3A_69 = tpu.memref_slice %arg4[%add3A_65, %dma_start3A_68] : memref<81920x128xf32, #tpu.memory_space<hbm>> -> memref<128x128xf32, #tpu.memory_space<hbm>>
      tpu.enqueue_dma source(%arg6 : memref<128x128xf32, #tpu.memory_space<vmem>>) target(%dma_start3A_69 : memref<128x128xf32, #tpu.memory_space<hbm>>) target_semaphore(%arg11 : memref<!tpu.dma_semaphore, #tpu.memory_space<semaphore_mem>>)
      %add3A_70 = arith.constant 1 : i32
      %add3A_71 = arith.addi %add3A_48, %add3A_70 : i32
      %ge3A_72 = arith.constant 1 : i32
      %ge3A_73 = arith.cmpi sge, %add3A_71, %ge3A_72 : i32
      %convert_element_type3A_74 = arith.extui %ge3A_73 : i1 to i32
      %cond3A_75 = arith.constant 0 : i32
      %cond3A_76 = arith.cmpi ne, %convert_element_type3A_74, %cond3A_75 : i32
      scf.if %cond3A_76 {
        %dma_wait3A_97 = arith.constant 0 : i32
        %dma_wait3A_98 = tpu.memref_slice %arg4[%mul3A_2, %dma_wait3A_97] : memref<81920x128xf32, #tpu.memory_space<hbm>> -> memref<128x128xf32, #tpu.memory_space<hbm>>
        %dma_wait3A_99 = arith.constant 0 : i32
        %dma_wait3A_100 = tpu.memref_slice %arg4[%mul3A_2, %dma_wait3A_99] : memref<81920x128xf32, #tpu.memory_space<hbm>> -> memref<128x128xf32, #tpu.memory_space<hbm>>
        tpu.wait_dma2 semaphore(%arg11 : memref<!tpu.dma_semaphore, #tpu.memory_space<semaphore_mem>>) src(%arg6 : memref<128x128xf32, #tpu.memory_space<vmem>>) dst(%dma_wait3A_100 : memref<128x128xf32, #tpu.memory_space<hbm>>)
      } else {
      }
      %add3A_77 = arith.constant 1 : i32
      %add3A_78 = arith.addi %add3A_71, %add3A_77 : i32
      %lt3A_79 = arith.constant 20 : i32
      %lt3A_80 = arith.cmpi slt, %add3A_78, %lt3A_79 : i32
      %convert_element_type3A_81 = arith.extui %lt3A_80 : i1 to i32
      %cond3A_82 = arith.constant 0 : i32
      %cond3A_83 = arith.cmpi ne, %convert_element_type3A_81, %cond3A_82 : i32
      scf.if %cond3A_83 {
        %add3A_97 = arith.constant 1 : i32
        %add3A_98 = arith.addi %add3A_71, %add3A_97 : i32
        %dma_start3A_99 = arith.constant 0 : i32
        %dma_start3A_100 = tpu.memref_slice %arg5[%add3A_98, %dma_start3A_99] : memref<20x128xi32, #tpu.memory_space<vmem>> -> memref<1x128xi32, #tpu.memory_space<vmem>>
        %dma_start3A_101 = tpu.memref_squeeze %dma_start3A_100 : memref<1x128xi32, #tpu.memory_space<vmem>> -> memref<128xi32, #tpu.memory_space<vmem>>
        %dma_start3A_102 = arith.constant 0 : i32
        %dma_start3A_103 = arith.constant 0 : i32
        %dma_start3A_104 = tpu.memref_slice %arg8[%dma_start3A_102, %dma_start3A_103] : memref<10240x128xf32, #tpu.memory_space<vmem_shared>> -> memref<10240x128xf32, #tpu.memory_space<vmem_shared>>
        tpu.enqueue_indirect_dma source(%dma_start3A_104 : memref<10240x128xf32, #tpu.memory_space<vmem_shared>>) target(%arg6 : memref<128x128xf32, #tpu.memory_space<vmem>>) offsets(%dma_start3A_101 : memref<128xi32, #tpu.memory_space<vmem>>) semaphore(%arg9 : memref<!tpu.dma_semaphore, #tpu.memory_space<semaphore_mem>>)
      } else {
      }
      %dma_wait3A_84 = arith.constant 0 : i32
      %dma_wait3A_85 = tpu.memref_slice %arg5[%add3A_71, %dma_wait3A_84] : memref<20x128xi32, #tpu.memory_space<vmem>> -> memref<1x128xi32, #tpu.memory_space<vmem>>
      %dma_wait3A_86 = tpu.memref_squeeze %dma_wait3A_85 : memref<1x128xi32, #tpu.memory_space<vmem>> -> memref<128xi32, #tpu.memory_space<vmem>>
      %dma_wait3A_87 = arith.constant 0 : i32
      %dma_wait3A_88 = arith.constant 0 : i32
      %dma_wait3A_89 = tpu.memref_slice %arg8[%dma_wait3A_87, %dma_wait3A_88] : memref<10240x128xf32, #tpu.memory_space<vmem_shared>> -> memref<10240x128xf32, #tpu.memory_space<vmem_shared>>
      tpu.wait_indirect_dma semaphore(%arg9 : memref<!tpu.dma_semaphore, #tpu.memory_space<semaphore_mem>>) src(%dma_wait3A_89 : memref<10240x128xf32, #tpu.memory_space<vmem_shared>>) dst(%arg7 : memref<128x128xf32, #tpu.memory_space<vmem>>)
      %mul3A_90 = arith.constant 128 : i32
      %mul3A_91 = arith.muli %add3A_71, %mul3A_90 : i32
      %add3A_92 = arith.addi %mul3A_2, %mul3A_91 : i32
      %dma_start3A_93 = arith.constant 0 : i32
      %dma_start3A_94 = tpu.memref_slice %arg4[%add3A_92, %dma_start3A_93] : memref<81920x128xf32, #tpu.memory_space<hbm>> -> memref<128x128xf32, #tpu.memory_space<hbm>>
      %dma_start3A_95 = arith.constant 0 : i32
      %dma_start3A_96 = tpu.memref_slice %arg4[%add3A_92, %dma_start3A_95] : memref<81920x128xf32, #tpu.memory_space<hbm>> -> memref<128x128xf32, #tpu.memory_space<hbm>>
      tpu.enqueue_dma source(%arg7 : memref<128x128xf32, #tpu.memory_space<vmem>>) target(%dma_start3A_96 : memref<128x128xf32, #tpu.memory_space<hbm>>) target_semaphore(%arg11 : memref<!tpu.dma_semaphore, #tpu.memory_space<semaphore_mem>>)
    }
    %scan3A_39 = arith.constant 10 : i32
    %dma_wait3A_40 = arith.constant 0 : i32
    %dma_wait3A_41 = tpu.memref_slice %arg4[%mul3A_2, %dma_wait3A_40] : memref<81920x128xf32, #tpu.memory_space<hbm>> -> memref<128x128xf32, #tpu.memory_space<hbm>>
    %dma_wait3A_42 = arith.constant 0 : i32
    %dma_wait3A_43 = tpu.memref_slice %arg4[%mul3A_2, %dma_wait3A_42] : memref<81920x128xf32, #tpu.memory_space<hbm>> -> memref<128x128xf32, #tpu.memory_space<hbm>>
    tpu.wait_dma2 semaphore(%arg11 : memref<!tpu.dma_semaphore, #tpu.memory_space<semaphore_mem>>) src(%arg6 : memref<128x128xf32, #tpu.memory_space<vmem>>) dst(%dma_wait3A_43 : memref<128x128xf32, #tpu.memory_space<hbm>>)
    return
  }
}

#map = affine_map<(d0, d1) -> (0, 0)>
#map1 = affine_map<(d0, d1) -> (0, 0, 0)>
module attributes {stable_mosaic.version = 14 : i64} {
  func.func @k(%arg0: i32, %arg1: i32, %arg2: memref<10240x128xf32, #tpu.memory_space<hbm>>, %arg3: memref<32x20x128xi32, #tpu.memory_space<hbm>>, %arg4: memref<81920x128xf32, #tpu.memory_space<hbm>>, %arg5: memref<20x128xi32, #tpu.memory_space<vmem>>, %arg6: memref<128x128xf32, #tpu.memory_space<vmem>>, %arg7: memref<128x128xf32, #tpu.memory_space<vmem>>, %arg8: memref<10240x128xf32, #tpu.memory_space<vmem_shared>>, %arg9: memref<!tpu.dma_semaphore, #tpu.memory_space<semaphore_mem>>, %arg10: memref<!tpu.dma_semaphore, #tpu.memory_space<semaphore_mem>>, %arg11: memref<!tpu.dma_semaphore, #tpu.memory_space<semaphore_mem>>) attributes {dimension_semantics = [#tpu.dimension_semantics<core_parallel>, #tpu.dimension_semantics<subcore_parallel>], iteration_bounds = array<i64: 2, 16>, scalar_prefetch = 0 : i64, scratch_operands = 7 : i64, tpu.core_type = #tpu.core_type<sc_vector_subcore>, window_params = [{transform_indices = #map}, {transform_indices = #map1}, {transform_indices = #map}]} {
    %mul3A = arith.constant 16 : i32
    %mul3A_0 = arith.muli %arg0, %mul3A : i32
    %add3A = arith.addi %mul3A_0, %arg1 : i32
    %mul3A_1 = arith.constant 2560 : i32
    %mul3A_2 = arith.muli %add3A, %mul3A_1 : i32
    %mul3A_3 = arith.constant 640 : i32
    %mul3A_4 = arith.muli %arg1, %mul3A_3 : i32
    %mul3A_5 = arith.constant 640 : i32
    %mul3A_6 = arith.muli %arg1, %mul3A_5 : i32
    %dma_start3A = arith.constant 0 : i32
    %dma_start3A_7 = tpu.memref_slice %arg8[%mul3A_6, %dma_start3A] : memref<10240x128xf32, #tpu.memory_space<vmem_shared>> -> memref<640x128xf32, #tpu.memory_space<vmem_shared>>
    %dma_start3A_8 = arith.constant 0 : i32
    %dma_start3A_9 = tpu.memref_slice %arg2[%mul3A_4, %dma_start3A_8] : memref<10240x128xf32, #tpu.memory_space<hbm>> -> memref<640x128xf32, #tpu.memory_space<hbm>>
    tpu.enqueue_dma source(%dma_start3A_9 : memref<640x128xf32, #tpu.memory_space<hbm>>) target(%dma_start3A_7 : memref<640x128xf32, #tpu.memory_space<vmem_shared>>) target_semaphore(%arg10 : memref<!tpu.dma_semaphore, #tpu.memory_space<semaphore_mem>>)
    %dma_start3A_10 = arith.constant 0 : i32
    %dma_start3A_11 = arith.constant 0 : i32
    %dma_start3A_12 = tpu.memref_slice %arg3[%add3A, %dma_start3A_10, %dma_start3A_11] : memref<32x20x128xi32, #tpu.memory_space<hbm>> -> memref<1x20x128xi32, #tpu.memory_space<hbm>>
    %dma_start3A_13 = tpu.memref_squeeze %dma_start3A_12 : memref<1x20x128xi32, #tpu.memory_space<hbm>> -> memref<20x128xi32, #tpu.memory_space<hbm>>
    %dma_start3A_14 = arith.constant 0 : i32
    %dma_start3A_15 = arith.constant 0 : i32
    %dma_start3A_16 = tpu.memref_slice %arg3[%add3A, %dma_start3A_14, %dma_start3A_15] : memref<32x20x128xi32, #tpu.memory_space<hbm>> -> memref<1x20x128xi32, #tpu.memory_space<hbm>>
    %dma_start3A_17 = tpu.memref_squeeze %dma_start3A_16 : memref<1x20x128xi32, #tpu.memory_space<hbm>> -> memref<20x128xi32, #tpu.memory_space<hbm>>
    tpu.enqueue_dma source(%dma_start3A_17 : memref<20x128xi32, #tpu.memory_space<hbm>>) target(%arg5 : memref<20x128xi32, #tpu.memory_space<vmem>>) target_semaphore(%arg9 : memref<!tpu.dma_semaphore, #tpu.memory_space<semaphore_mem>>)
    %dma_wait3A = arith.constant 0 : i32
    %dma_wait3A_18 = arith.constant 0 : i32
    %dma_wait3A_19 = tpu.memref_slice %arg3[%add3A, %dma_wait3A, %dma_wait3A_18] : memref<32x20x128xi32, #tpu.memory_space<hbm>> -> memref<1x20x128xi32, #tpu.memory_space<hbm>>
    %dma_wait3A_20 = tpu.memref_squeeze %dma_wait3A_19 : memref<1x20x128xi32, #tpu.memory_space<hbm>> -> memref<20x128xi32, #tpu.memory_space<hbm>>
    %dma_wait3A_21 = arith.constant 0 : i32
    %dma_wait3A_22 = arith.constant 0 : i32
    %dma_wait3A_23 = tpu.memref_slice %arg3[%add3A, %dma_wait3A_21, %dma_wait3A_22] : memref<32x20x128xi32, #tpu.memory_space<hbm>> -> memref<1x20x128xi32, #tpu.memory_space<hbm>>
    %dma_wait3A_24 = tpu.memref_squeeze %dma_wait3A_23 : memref<1x20x128xi32, #tpu.memory_space<hbm>> -> memref<20x128xi32, #tpu.memory_space<hbm>>
    tpu.wait_dma2 semaphore(%arg9 : memref<!tpu.dma_semaphore, #tpu.memory_space<semaphore_mem>>) src(%dma_wait3A_24 : memref<20x128xi32, #tpu.memory_space<hbm>>) dst(%arg5 : memref<20x128xi32, #tpu.memory_space<vmem>>)
    %dma_wait3A_25 = arith.constant 0 : i32
    %dma_wait3A_26 = tpu.memref_slice %arg8[%mul3A_6, %dma_wait3A_25] : memref<10240x128xf32, #tpu.memory_space<vmem_shared>> -> memref<640x128xf32, #tpu.memory_space<vmem_shared>>
    %dma_wait3A_27 = arith.constant 0 : i32
    %dma_wait3A_28 = tpu.memref_slice %arg2[%mul3A_4, %dma_wait3A_27] : memref<10240x128xf32, #tpu.memory_space<hbm>> -> memref<640x128xf32, #tpu.memory_space<hbm>>
    tpu.wait_dma2 semaphore(%arg10 : memref<!tpu.dma_semaphore, #tpu.memory_space<semaphore_mem>>) src(%dma_wait3A_28 : memref<640x128xf32, #tpu.memory_space<hbm>>) dst(%dma_wait3A_26 : memref<640x128xf32, #tpu.memory_space<vmem_shared>>)
    %barrier3A = arith.constant 0 : index
    tpu.barrier barrier_id(%barrier3A)
    %dma_start3A_29 = arith.constant 0 : i32
    %dma_start3A_30 = arith.constant 0 : i32
    %dma_start3A_31 = tpu.memref_slice %arg5[%dma_start3A_29, %dma_start3A_30] : memref<20x128xi32, #tpu.memory_space<vmem>> -> memref<1x128xi32, #tpu.memory_space<vmem>>
    %dma_start3A_32 = tpu.memref_squeeze %dma_start3A_31 : memref<1x128xi32, #tpu.memory_space<vmem>> -> memref<128xi32, #tpu.memory_space<vmem>>
    %dma_start3A_33 = arith.constant 0 : i32
    %dma_start3A_34 = arith.constant 0 : i32
    %dma_start3A_35 = tpu.memref_slice %arg8[%dma_start3A_33, %dma_start3A_34] : memref<10240x128xf32, #tpu.memory_space<vmem_shared>> -> memref<10240x128xf32, #tpu.memory_space<vmem_shared>>
    tpu.enqueue_indirect_dma source(%dma_start3A_35 : memref<10240x128xf32, #tpu.memory_space<vmem_shared>>) target(%arg6 : memref<128x128xf32, #tpu.memory_space<vmem>>) offsets(%dma_start3A_32 : memref<128xi32, #tpu.memory_space<vmem>>) semaphore(%arg9 : memref<!tpu.dma_semaphore, #tpu.memory_space<semaphore_mem>>)
    %scan3A = arith.constant 0 : i32
    %scan3A_36 = arith.constant 10 : i32
    %scan3A_37 = arith.addi %scan3A, %scan3A_36 : i32
    %scan3A_38 = arith.constant 1 : i32
    scf.for %scan3A_44 = %scan3A to %scan3A_37 step %scan3A_38  : i32 {
      %mul3A_45 = arith.constant 2 : i32
      %mul3A_46 = arith.muli %scan3A_44, %mul3A_45 : i32
      %add3A_47 = arith.constant 0 : i32
      %add3A_48 = arith.addi %add3A_47, %mul3A_46 : i32
      %ge3A = arith.constant 1 : i32
      %ge3A_49 = arith.cmpi sge, %add3A_48, %ge3A : i32
      %convert_element_type3A = arith.extui %ge3A_49 : i1 to i32
      %cond3A = arith.constant 0 : i32
      %cond3A_50 = arith.cmpi ne, %convert_element_type3A, %cond3A : i32
      scf.if %cond3A_50 {
        %dma_wait3A_97 = arith.constant 0 : i32
        %dma_wait3A_98 = tpu.memref_slice %arg4[%mul3A_2, %dma_wait3A_97] : memref<81920x128xf32, #tpu.memory_space<hbm>> -> memref<128x128xf32, #tpu.memory_space<hbm>>
        %dma_wait3A_99 = arith.constant 0 : i32
        %dma_wait3A_100 = tpu.memref_slice %arg4[%mul3A_2, %dma_wait3A_99] : memref<81920x128xf32, #tpu.memory_space<hbm>> -> memref<128x128xf32, #tpu.memory_space<hbm>>
        tpu.wait_dma2 semaphore(%arg11 : memref<!tpu.dma_semaphore, #tpu.memory_space<semaphore_mem>>) src(%arg7 : memref<128x128xf32, #tpu.memory_space<vmem>>) dst(%dma_wait3A_100 : memref<128x128xf32, #tpu.memory_space<hbm>>)
      } else {
      }
      %add3A_51 = arith.constant 1 : i32
      %add3A_52 = arith.addi %add3A_48, %add3A_51 : i32
      %lt3A = arith.constant 20 : i32
      %lt3A_53 = arith.cmpi slt, %add3A_52, %lt3A : i32
      %convert_element_type3A_54 = arith.extui %lt3A_53 : i1 to i32
      %cond3A_55 = arith.constant 0 : i32
      %cond3A_56 = arith.cmpi ne, %convert_element_type3A_54, %cond3A_55 : i32
      scf.if %cond3A_56 {
        %add3A_97 = arith.constant 1 : i32
        %add3A_98 = arith.addi %add3A_48, %add3A_97 : i32
        %dma_start3A_99 = arith.constant 0 : i32
        %dma_start3A_100 = tpu.memref_slice %arg5[%add3A_98, %dma_start3A_99] : memref<20x128xi32, #tpu.memory_space<vmem>> -> memref<1x128xi32, #tpu.memory_space<vmem>>
        %dma_start3A_101 = tpu.memref_squeeze %dma_start3A_100 : memref<1x128xi32, #tpu.memory_space<vmem>> -> memref<128xi32, #tpu.memory_space<vmem>>
        %dma_start3A_102 = arith.constant 0 : i32
        %dma_start3A_103 = arith.constant 0 : i32
        %dma_start3A_104 = tpu.memref_slice %arg8[%dma_start3A_102, %dma_start3A_103] : memref<10240x128xf32, #tpu.memory_space<vmem_shared>> -> memref<10240x128xf32, #tpu.memory_space<vmem_shared>>
        tpu.enqueue_indirect_dma source(%dma_start3A_104 : memref<10240x128xf32, #tpu.memory_space<vmem_shared>>) target(%arg7 : memref<128x128xf32, #tpu.memory_space<vmem>>) offsets(%dma_start3A_101 : memref<128xi32, #tpu.memory_space<vmem>>) semaphore(%arg9 : memref<!tpu.dma_semaphore, #tpu.memory_space<semaphore_mem>>)
      } else {
      }
      %dma_wait3A_57 = arith.constant 0 : i32
      %dma_wait3A_58 = tpu.memref_slice %arg5[%add3A_48, %dma_wait3A_57] : memref<20x128xi32, #tpu.memory_space<vmem>> -> memref<1x128xi32, #tpu.memory_space<vmem>>
      %dma_wait3A_59 = tpu.memref_squeeze %dma_wait3A_58 : memref<1x128xi32, #tpu.memory_space<vmem>> -> memref<128xi32, #tpu.memory_space<vmem>>
      %dma_wait3A_60 = arith.constant 0 : i32
      %dma_wait3A_61 = arith.constant 0 : i32
      %dma_wait3A_62 = tpu.memref_slice %arg8[%dma_wait3A_60, %dma_wait3A_61] : memref<10240x128xf32, #tpu.memory_space<vmem_shared>> -> memref<10240x128xf32, #tpu.memory_space<vmem_shared>>
      tpu.wait_indirect_dma semaphore(%arg9 : memref<!tpu.dma_semaphore, #tpu.memory_space<semaphore_mem>>) src(%dma_wait3A_62 : memref<10240x128xf32, #tpu.memory_space<vmem_shared>>) dst(%arg6 : memref<128x128xf32, #tpu.memory_space<vmem>>)
      %mul3A_63 = arith.constant 128 : i32
      %mul3A_64 = arith.muli %add3A_48, %mul3A_63 : i32
      %add3A_65 = arith.addi %mul3A_2, %mul3A_64 : i32
      %dma_start3A_66 = arith.constant 0 : i32
      %dma_start3A_67 = tpu.memref_slice %arg4[%add3A_65, %dma_start3A_66] : memref<81920x128xf32, #tpu.memory_space<hbm>> -> memref<128x128xf32, #tpu.memory_space<hbm>>
      %dma_start3A_68 = arith.constant 0 : i32
      %dma_start3A_69 = tpu.memref_slice %arg4[%add3A_65, %dma_start3A_68] : memref<81920x128xf32, #tpu.memory_space<hbm>> -> memref<128x128xf32, #tpu.memory_space<hbm>>
      tpu.enqueue_dma source(%arg6 : memref<128x128xf32, #tpu.memory_space<vmem>>) target(%dma_start3A_69 : memref<128x128xf32, #tpu.memory_space<hbm>>) target_semaphore(%arg11 : memref<!tpu.dma_semaphore, #tpu.memory_space<semaphore_mem>>)
      %add3A_70 = arith.constant 1 : i32
      %add3A_71 = arith.addi %add3A_48, %add3A_70 : i32
      %ge3A_72 = arith.constant 1 : i32
      %ge3A_73 = arith.cmpi sge, %add3A_71, %ge3A_72 : i32
      %convert_element_type3A_74 = arith.extui %ge3A_73 : i1 to i32
      %cond3A_75 = arith.constant 0 : i32
      %cond3A_76 = arith.cmpi ne, %convert_element_type3A_74, %cond3A_75 : i32
      scf.if %cond3A_76 {
        %dma_wait3A_97 = arith.constant 0 : i32
        %dma_wait3A_98 = tpu.memref_slice %arg4[%mul3A_2, %dma_wait3A_97] : memref<81920x128xf32, #tpu.memory_space<hbm>> -> memref<128x128xf32, #tpu.memory_space<hbm>>
        %dma_wait3A_99 = arith.constant 0 : i32
        %dma_wait3A_100 = tpu.memref_slice %arg4[%mul3A_2, %dma_wait3A_99] : memref<81920x128xf32, #tpu.memory_space<hbm>> -> memref<128x128xf32, #tpu.memory_space<hbm>>
        tpu.wait_dma2 semaphore(%arg11 : memref<!tpu.dma_semaphore, #tpu.memory_space<semaphore_mem>>) src(%arg6 : memref<128x128xf32, #tpu.memory_space<vmem>>) dst(%dma_wait3A_100 : memref<128x128xf32, #tpu.memory_space<hbm>>)
      } else {
      }
      %add3A_77 = arith.constant 1 : i32
      %add3A_78 = arith.addi %add3A_71, %add3A_77 : i32
      %lt3A_79 = arith.constant 20 : i32
      %lt3A_80 = arith.cmpi slt, %add3A_78, %lt3A_79 : i32
      %convert_element_type3A_81 = arith.extui %lt3A_80 : i1 to i32
      %cond3A_82 = arith.constant 0 : i32
      %cond3A_83 = arith.cmpi ne, %convert_element_type3A_81, %cond3A_82 : i32
      scf.if %cond3A_83 {
        %add3A_97 = arith.constant 1 : i32
        %add3A_98 = arith.addi %add3A_71, %add3A_97 : i32
        %dma_start3A_99 = arith.constant 0 : i32
        %dma_start3A_100 = tpu.memref_slice %arg5[%add3A_98, %dma_start3A_99] : memref<20x128xi32, #tpu.memory_space<vmem>> -> memref<1x128xi32, #tpu.memory_space<vmem>>
        %dma_start3A_101 = tpu.memref_squeeze %dma_start3A_100 : memref<1x128xi32, #tpu.memory_space<vmem>> -> memref<128xi32, #tpu.memory_space<vmem>>
        %dma_start3A_102 = arith.constant 0 : i32
        %dma_start3A_103 = arith.constant 0 : i32
        %dma_start3A_104 = tpu.memref_slice %arg8[%dma_start3A_102, %dma_start3A_103] : memref<10240x128xf32, #tpu.memory_space<vmem_shared>> -> memref<10240x128xf32, #tpu.memory_space<vmem_shared>>
        tpu.enqueue_indirect_dma source(%dma_start3A_104 : memref<10240x128xf32, #tpu.memory_space<vmem_shared>>) target(%arg6 : memref<128x128xf32, #tpu.memory_space<vmem>>) offsets(%dma_start3A_101 : memref<128xi32, #tpu.memory_space<vmem>>) semaphore(%arg9 : memref<!tpu.dma_semaphore, #tpu.memory_space<semaphore_mem>>)
      } else {
      }
      %dma_wait3A_84 = arith.constant 0 : i32
      %dma_wait3A_85 = tpu.memref_slice %arg5[%add3A_71, %dma_wait3A_84] : memref<20x128xi32, #tpu.memory_space<vmem>> -> memref<1x128xi32, #tpu.memory_space<vmem>>
      %dma_wait3A_86 = tpu.memref_squeeze %dma_wait3A_85 : memref<1x128xi32, #tpu.memory_space<vmem>> -> memref<128xi32, #tpu.memory_space<vmem>>
      %dma_wait3A_87 = arith.constant 0 : i32
      %dma_wait3A_88 = arith.constant 0 : i32
      %dma_wait3A_89 = tpu.memref_slice %arg8[%dma_wait3A_87, %dma_wait3A_88] : memref<10240x128xf32, #tpu.memory_space<vmem_shared>> -> memref<10240x128xf32, #tpu.memory_space<vmem_shared>>
      tpu.wait_indirect_dma semaphore(%arg9 : memref<!tpu.dma_semaphore, #tpu.memory_space<semaphore_mem>>) src(%dma_wait3A_89 : memref<10240x128xf32, #tpu.memory_space<vmem_shared>>) dst(%arg7 : memref<128x128xf32, #tpu.memory_space<vmem>>)
      %mul3A_90 = arith.constant 128 : i32
      %mul3A_91 = arith.muli %add3A_71, %mul3A_90 : i32
      %add3A_92 = arith.addi %mul3A_2, %mul3A_91 : i32
      %dma_start3A_93 = arith.constant 0 : i32
      %dma_start3A_94 = tpu.memref_slice %arg4[%add3A_92, %dma_start3A_93] : memref<81920x128xf32, #tpu.memory_space<hbm>> -> memref<128x128xf32, #tpu.memory_space<hbm>>
      %dma_start3A_95 = arith.constant 0 : i32
      %dma_start3A_96 = tpu.memref_slice %arg4[%add3A_92, %dma_start3A_95] : memref<81920x128xf32, #tpu.memory_space<hbm>> -> memref<128x128xf32, #tpu.memory_space<hbm>>
      tpu.enqueue_dma source(%arg7 : memref<128x128xf32, #tpu.memory_space<vmem>>) target(%dma_start3A_96 : memref<128x128xf32, #tpu.memory_space<hbm>>) target_semaphore(%arg11 : memref<!tpu.dma_semaphore, #tpu.memory_space<semaphore_mem>>)
    }
    %scan3A_39 = arith.constant 10 : i32
    %dma_wait3A_40 = arith.constant 0 : i32
    %dma_wait3A_41 = tpu.memref_slice %arg4[%mul3A_2, %dma_wait3A_40] : memref<81920x128xf32, #tpu.memory_space<hbm>> -> memref<128x128xf32, #tpu.memory_space<hbm>>
    %dma_wait3A_42 = arith.constant 0 : i32
    %dma_wait3A_43 = tpu.memref_slice %arg4[%mul3A_2, %dma_wait3A_42] : memref<81920x128xf32, #tpu.memory_space<hbm>> -> memref<128x128xf32, #tpu.memory_space<hbm>>
    tpu.wait_dma2 semaphore(%arg11 : memref<!tpu.dma_semaphore, #tpu.memory_space<semaphore_mem>>) src(%arg6 : memref<128x128xf32, #tpu.memory_space<vmem>>) dst(%dma_wait3A_43 : memref<128x128xf32, #tpu.memory_space<hbm>>)
    return
  }
}

#map = affine_map<(d0, d1) -> (0, 0)>
#map1 = affine_map<(d0, d1) -> (0, 0, 0)>
module attributes {stable_mosaic.version = 14 : i64} {
  func.func @k(%arg0: i32, %arg1: i32, %arg2: memref<10240x128xf32, #tpu.memory_space<hbm>>, %arg3: memref<32x20x128xi32, #tpu.memory_space<hbm>>, %arg4: memref<81920x128xf32, #tpu.memory_space<hbm>>, %arg5: memref<20x128xi32, #tpu.memory_space<vmem>>, %arg6: memref<128x128xf32, #tpu.memory_space<vmem>>, %arg7: memref<128x128xf32, #tpu.memory_space<vmem>>, %arg8: memref<10240x128xf32, #tpu.memory_space<vmem_shared>>, %arg9: memref<!tpu.dma_semaphore, #tpu.memory_space<semaphore_mem>>, %arg10: memref<!tpu.dma_semaphore, #tpu.memory_space<semaphore_mem>>, %arg11: memref<!tpu.dma_semaphore, #tpu.memory_space<semaphore_mem>>) attributes {dimension_semantics = [#tpu.dimension_semantics<core_parallel>, #tpu.dimension_semantics<subcore_parallel>], iteration_bounds = array<i64: 2, 16>, scalar_prefetch = 0 : i64, scratch_operands = 7 : i64, tpu.core_type = #tpu.core_type<sc_vector_subcore>, window_params = [{transform_indices = #map}, {transform_indices = #map1}, {transform_indices = #map}]} {
    %mul3A = arith.constant 16 : i32
    %mul3A_0 = arith.muli %arg0, %mul3A : i32
    %add3A = arith.addi %mul3A_0, %arg1 : i32
    %mul3A_1 = arith.constant 2560 : i32
    %mul3A_2 = arith.muli %add3A, %mul3A_1 : i32
    %mul3A_3 = arith.constant 640 : i32
    %mul3A_4 = arith.muli %arg1, %mul3A_3 : i32
    %mul3A_5 = arith.constant 640 : i32
    %mul3A_6 = arith.muli %arg1, %mul3A_5 : i32
    %dma_start3A = arith.constant 0 : i32
    %dma_start3A_7 = tpu.memref_slice %arg8[%mul3A_6, %dma_start3A] : memref<10240x128xf32, #tpu.memory_space<vmem_shared>> -> memref<640x128xf32, #tpu.memory_space<vmem_shared>>
    %dma_start3A_8 = arith.constant 0 : i32
    %dma_start3A_9 = tpu.memref_slice %arg2[%mul3A_4, %dma_start3A_8] : memref<10240x128xf32, #tpu.memory_space<hbm>> -> memref<640x128xf32, #tpu.memory_space<hbm>>
    tpu.enqueue_dma source(%dma_start3A_9 : memref<640x128xf32, #tpu.memory_space<hbm>>) target(%dma_start3A_7 : memref<640x128xf32, #tpu.memory_space<vmem_shared>>) target_semaphore(%arg10 : memref<!tpu.dma_semaphore, #tpu.memory_space<semaphore_mem>>)
    %dma_start3A_10 = arith.constant 0 : i32
    %dma_start3A_11 = arith.constant 0 : i32
    %dma_start3A_12 = tpu.memref_slice %arg3[%add3A, %dma_start3A_10, %dma_start3A_11] : memref<32x20x128xi32, #tpu.memory_space<hbm>> -> memref<1x20x128xi32, #tpu.memory_space<hbm>>
    %dma_start3A_13 = tpu.memref_squeeze %dma_start3A_12 : memref<1x20x128xi32, #tpu.memory_space<hbm>> -> memref<20x128xi32, #tpu.memory_space<hbm>>
    %dma_start3A_14 = arith.constant 0 : i32
    %dma_start3A_15 = arith.constant 0 : i32
    %dma_start3A_16 = tpu.memref_slice %arg3[%add3A, %dma_start3A_14, %dma_start3A_15] : memref<32x20x128xi32, #tpu.memory_space<hbm>> -> memref<1x20x128xi32, #tpu.memory_space<hbm>>
    %dma_start3A_17 = tpu.memref_squeeze %dma_start3A_16 : memref<1x20x128xi32, #tpu.memory_space<hbm>> -> memref<20x128xi32, #tpu.memory_space<hbm>>
    tpu.enqueue_dma source(%dma_start3A_17 : memref<20x128xi32, #tpu.memory_space<hbm>>) target(%arg5 : memref<20x128xi32, #tpu.memory_space<vmem>>) target_semaphore(%arg9 : memref<!tpu.dma_semaphore, #tpu.memory_space<semaphore_mem>>)
    %dma_wait3A = arith.constant 0 : i32
    %dma_wait3A_18 = arith.constant 0 : i32
    %dma_wait3A_19 = tpu.memref_slice %arg3[%add3A, %dma_wait3A, %dma_wait3A_18] : memref<32x20x128xi32, #tpu.memory_space<hbm>> -> memref<1x20x128xi32, #tpu.memory_space<hbm>>
    %dma_wait3A_20 = tpu.memref_squeeze %dma_wait3A_19 : memref<1x20x128xi32, #tpu.memory_space<hbm>> -> memref<20x128xi32, #tpu.memory_space<hbm>>
    %dma_wait3A_21 = arith.constant 0 : i32
    %dma_wait3A_22 = arith.constant 0 : i32
    %dma_wait3A_23 = tpu.memref_slice %arg3[%add3A, %dma_wait3A_21, %dma_wait3A_22] : memref<32x20x128xi32, #tpu.memory_space<hbm>> -> memref<1x20x128xi32, #tpu.memory_space<hbm>>
    %dma_wait3A_24 = tpu.memref_squeeze %dma_wait3A_23 : memref<1x20x128xi32, #tpu.memory_space<hbm>> -> memref<20x128xi32, #tpu.memory_space<hbm>>
    tpu.wait_dma2 semaphore(%arg9 : memref<!tpu.dma_semaphore, #tpu.memory_space<semaphore_mem>>) src(%dma_wait3A_24 : memref<20x128xi32, #tpu.memory_space<hbm>>) dst(%arg5 : memref<20x128xi32, #tpu.memory_space<vmem>>)
    %dma_wait3A_25 = arith.constant 0 : i32
    %dma_wait3A_26 = tpu.memref_slice %arg8[%mul3A_6, %dma_wait3A_25] : memref<10240x128xf32, #tpu.memory_space<vmem_shared>> -> memref<640x128xf32, #tpu.memory_space<vmem_shared>>
    %dma_wait3A_27 = arith.constant 0 : i32
    %dma_wait3A_28 = tpu.memref_slice %arg2[%mul3A_4, %dma_wait3A_27] : memref<10240x128xf32, #tpu.memory_space<hbm>> -> memref<640x128xf32, #tpu.memory_space<hbm>>
    tpu.wait_dma2 semaphore(%arg10 : memref<!tpu.dma_semaphore, #tpu.memory_space<semaphore_mem>>) src(%dma_wait3A_28 : memref<640x128xf32, #tpu.memory_space<hbm>>) dst(%dma_wait3A_26 : memref<640x128xf32, #tpu.memory_space<vmem_shared>>)
    %barrier3A = arith.constant 0 : index
    tpu.barrier barrier_id(%barrier3A)
    %dma_start3A_29 = arith.constant 0 : i32
    %dma_start3A_30 = arith.constant 0 : i32
    %dma_start3A_31 = tpu.memref_slice %arg5[%dma_start3A_29, %dma_start3A_30] : memref<20x128xi32, #tpu.memory_space<vmem>> -> memref<1x128xi32, #tpu.memory_space<vmem>>
    %dma_start3A_32 = tpu.memref_squeeze %dma_start3A_31 : memref<1x128xi32, #tpu.memory_space<vmem>> -> memref<128xi32, #tpu.memory_space<vmem>>
    %dma_start3A_33 = arith.constant 0 : i32
    %dma_start3A_34 = arith.constant 0 : i32
    %dma_start3A_35 = tpu.memref_slice %arg8[%dma_start3A_33, %dma_start3A_34] : memref<10240x128xf32, #tpu.memory_space<vmem_shared>> -> memref<10240x128xf32, #tpu.memory_space<vmem_shared>>
    tpu.enqueue_indirect_dma source(%dma_start3A_35 : memref<10240x128xf32, #tpu.memory_space<vmem_shared>>) target(%arg6 : memref<128x128xf32, #tpu.memory_space<vmem>>) offsets(%dma_start3A_32 : memref<128xi32, #tpu.memory_space<vmem>>) semaphore(%arg9 : memref<!tpu.dma_semaphore, #tpu.memory_space<semaphore_mem>>)
    %scan3A = arith.constant 0 : i32
    %scan3A_36 = arith.constant 10 : i32
    %scan3A_37 = arith.addi %scan3A, %scan3A_36 : i32
    %scan3A_38 = arith.constant 1 : i32
    scf.for %scan3A_44 = %scan3A to %scan3A_37 step %scan3A_38  : i32 {
      %mul3A_45 = arith.constant 2 : i32
      %mul3A_46 = arith.muli %scan3A_44, %mul3A_45 : i32
      %add3A_47 = arith.constant 0 : i32
      %add3A_48 = arith.addi %add3A_47, %mul3A_46 : i32
      %ge3A = arith.constant 1 : i32
      %ge3A_49 = arith.cmpi sge, %add3A_48, %ge3A : i32
      %convert_element_type3A = arith.extui %ge3A_49 : i1 to i32
      %cond3A = arith.constant 0 : i32
      %cond3A_50 = arith.cmpi ne, %convert_element_type3A, %cond3A : i32
      scf.if %cond3A_50 {
        %dma_wait3A_97 = arith.constant 0 : i32
        %dma_wait3A_98 = tpu.memref_slice %arg4[%mul3A_2, %dma_wait3A_97] : memref<81920x128xf32, #tpu.memory_space<hbm>> -> memref<128x128xf32, #tpu.memory_space<hbm>>
        %dma_wait3A_99 = arith.constant 0 : i32
        %dma_wait3A_100 = tpu.memref_slice %arg4[%mul3A_2, %dma_wait3A_99] : memref<81920x128xf32, #tpu.memory_space<hbm>> -> memref<128x128xf32, #tpu.memory_space<hbm>>
        tpu.wait_dma2 semaphore(%arg11 : memref<!tpu.dma_semaphore, #tpu.memory_space<semaphore_mem>>) src(%arg7 : memref<128x128xf32, #tpu.memory_space<vmem>>) dst(%dma_wait3A_100 : memref<128x128xf32, #tpu.memory_space<hbm>>)
      } else {
      }
      %add3A_51 = arith.constant 1 : i32
      %add3A_52 = arith.addi %add3A_48, %add3A_51 : i32
      %lt3A = arith.constant 20 : i32
      %lt3A_53 = arith.cmpi slt, %add3A_52, %lt3A : i32
      %convert_element_type3A_54 = arith.extui %lt3A_53 : i1 to i32
      %cond3A_55 = arith.constant 0 : i32
      %cond3A_56 = arith.cmpi ne, %convert_element_type3A_54, %cond3A_55 : i32
      scf.if %cond3A_56 {
        %add3A_97 = arith.constant 1 : i32
        %add3A_98 = arith.addi %add3A_48, %add3A_97 : i32
        %dma_start3A_99 = arith.constant 0 : i32
        %dma_start3A_100 = tpu.memref_slice %arg5[%add3A_98, %dma_start3A_99] : memref<20x128xi32, #tpu.memory_space<vmem>> -> memref<1x128xi32, #tpu.memory_space<vmem>>
        %dma_start3A_101 = tpu.memref_squeeze %dma_start3A_100 : memref<1x128xi32, #tpu.memory_space<vmem>> -> memref<128xi32, #tpu.memory_space<vmem>>
        %dma_start3A_102 = arith.constant 0 : i32
        %dma_start3A_103 = arith.constant 0 : i32
        %dma_start3A_104 = tpu.memref_slice %arg8[%dma_start3A_102, %dma_start3A_103] : memref<10240x128xf32, #tpu.memory_space<vmem_shared>> -> memref<10240x128xf32, #tpu.memory_space<vmem_shared>>
        tpu.enqueue_indirect_dma source(%dma_start3A_104 : memref<10240x128xf32, #tpu.memory_space<vmem_shared>>) target(%arg7 : memref<128x128xf32, #tpu.memory_space<vmem>>) offsets(%dma_start3A_101 : memref<128xi32, #tpu.memory_space<vmem>>) semaphore(%arg9 : memref<!tpu.dma_semaphore, #tpu.memory_space<semaphore_mem>>)
      } else {
      }
      %dma_wait3A_57 = arith.constant 0 : i32
      %dma_wait3A_58 = tpu.memref_slice %arg5[%add3A_48, %dma_wait3A_57] : memref<20x128xi32, #tpu.memory_space<vmem>> -> memref<1x128xi32, #tpu.memory_space<vmem>>
      %dma_wait3A_59 = tpu.memref_squeeze %dma_wait3A_58 : memref<1x128xi32, #tpu.memory_space<vmem>> -> memref<128xi32, #tpu.memory_space<vmem>>
      %dma_wait3A_60 = arith.constant 0 : i32
      %dma_wait3A_61 = arith.constant 0 : i32
      %dma_wait3A_62 = tpu.memref_slice %arg8[%dma_wait3A_60, %dma_wait3A_61] : memref<10240x128xf32, #tpu.memory_space<vmem_shared>> -> memref<10240x128xf32, #tpu.memory_space<vmem_shared>>
      tpu.wait_indirect_dma semaphore(%arg9 : memref<!tpu.dma_semaphore, #tpu.memory_space<semaphore_mem>>) src(%dma_wait3A_62 : memref<10240x128xf32, #tpu.memory_space<vmem_shared>>) dst(%arg6 : memref<128x128xf32, #tpu.memory_space<vmem>>)
      %mul3A_63 = arith.constant 128 : i32
      %mul3A_64 = arith.muli %add3A_48, %mul3A_63 : i32
      %add3A_65 = arith.addi %mul3A_2, %mul3A_64 : i32
      %dma_start3A_66 = arith.constant 0 : i32
      %dma_start3A_67 = tpu.memref_slice %arg4[%add3A_65, %dma_start3A_66] : memref<81920x128xf32, #tpu.memory_space<hbm>> -> memref<128x128xf32, #tpu.memory_space<hbm>>
      %dma_start3A_68 = arith.constant 0 : i32
      %dma_start3A_69 = tpu.memref_slice %arg4[%add3A_65, %dma_start3A_68] : memref<81920x128xf32, #tpu.memory_space<hbm>> -> memref<128x128xf32, #tpu.memory_space<hbm>>
      tpu.enqueue_dma source(%arg6 : memref<128x128xf32, #tpu.memory_space<vmem>>) target(%dma_start3A_69 : memref<128x128xf32, #tpu.memory_space<hbm>>) target_semaphore(%arg11 : memref<!tpu.dma_semaphore, #tpu.memory_space<semaphore_mem>>)
      %add3A_70 = arith.constant 1 : i32
      %add3A_71 = arith.addi %add3A_48, %add3A_70 : i32
      %ge3A_72 = arith.constant 1 : i32
      %ge3A_73 = arith.cmpi sge, %add3A_71, %ge3A_72 : i32
      %convert_element_type3A_74 = arith.extui %ge3A_73 : i1 to i32
      %cond3A_75 = arith.constant 0 : i32
      %cond3A_76 = arith.cmpi ne, %convert_element_type3A_74, %cond3A_75 : i32
      scf.if %cond3A_76 {
        %dma_wait3A_97 = arith.constant 0 : i32
        %dma_wait3A_98 = tpu.memref_slice %arg4[%mul3A_2, %dma_wait3A_97] : memref<81920x128xf32, #tpu.memory_space<hbm>> -> memref<128x128xf32, #tpu.memory_space<hbm>>
        %dma_wait3A_99 = arith.constant 0 : i32
        %dma_wait3A_100 = tpu.memref_slice %arg4[%mul3A_2, %dma_wait3A_99] : memref<81920x128xf32, #tpu.memory_space<hbm>> -> memref<128x128xf32, #tpu.memory_space<hbm>>
        tpu.wait_dma2 semaphore(%arg11 : memref<!tpu.dma_semaphore, #tpu.memory_space<semaphore_mem>>) src(%arg6 : memref<128x128xf32, #tpu.memory_space<vmem>>) dst(%dma_wait3A_100 : memref<128x128xf32, #tpu.memory_space<hbm>>)
      } else {
      }
      %add3A_77 = arith.constant 1 : i32
      %add3A_78 = arith.addi %add3A_71, %add3A_77 : i32
      %lt3A_79 = arith.constant 20 : i32
      %lt3A_80 = arith.cmpi slt, %add3A_78, %lt3A_79 : i32
      %convert_element_type3A_81 = arith.extui %lt3A_80 : i1 to i32
      %cond3A_82 = arith.constant 0 : i32
      %cond3A_83 = arith.cmpi ne, %convert_element_type3A_81, %cond3A_82 : i32
      scf.if %cond3A_83 {
        %add3A_97 = arith.constant 1 : i32
        %add3A_98 = arith.addi %add3A_71, %add3A_97 : i32
        %dma_start3A_99 = arith.constant 0 : i32
        %dma_start3A_100 = tpu.memref_slice %arg5[%add3A_98, %dma_start3A_99] : memref<20x128xi32, #tpu.memory_space<vmem>> -> memref<1x128xi32, #tpu.memory_space<vmem>>
        %dma_start3A_101 = tpu.memref_squeeze %dma_start3A_100 : memref<1x128xi32, #tpu.memory_space<vmem>> -> memref<128xi32, #tpu.memory_space<vmem>>
        %dma_start3A_102 = arith.constant 0 : i32
        %dma_start3A_103 = arith.constant 0 : i32
        %dma_start3A_104 = tpu.memref_slice %arg8[%dma_start3A_102, %dma_start3A_103] : memref<10240x128xf32, #tpu.memory_space<vmem_shared>> -> memref<10240x128xf32, #tpu.memory_space<vmem_shared>>
        tpu.enqueue_indirect_dma source(%dma_start3A_104 : memref<10240x128xf32, #tpu.memory_space<vmem_shared>>) target(%arg6 : memref<128x128xf32, #tpu.memory_space<vmem>>) offsets(%dma_start3A_101 : memref<128xi32, #tpu.memory_space<vmem>>) semaphore(%arg9 : memref<!tpu.dma_semaphore, #tpu.memory_space<semaphore_mem>>)
      } else {
      }
      %dma_wait3A_84 = arith.constant 0 : i32
      %dma_wait3A_85 = tpu.memref_slice %arg5[%add3A_71, %dma_wait3A_84] : memref<20x128xi32, #tpu.memory_space<vmem>> -> memref<1x128xi32, #tpu.memory_space<vmem>>
      %dma_wait3A_86 = tpu.memref_squeeze %dma_wait3A_85 : memref<1x128xi32, #tpu.memory_space<vmem>> -> memref<128xi32, #tpu.memory_space<vmem>>
      %dma_wait3A_87 = arith.constant 0 : i32
      %dma_wait3A_88 = arith.constant 0 : i32
      %dma_wait3A_89 = tpu.memref_slice %arg8[%dma_wait3A_87, %dma_wait3A_88] : memref<10240x128xf32, #tpu.memory_space<vmem_shared>> -> memref<10240x128xf32, #tpu.memory_space<vmem_shared>>
      tpu.wait_indirect_dma semaphore(%arg9 : memref<!tpu.dma_semaphore, #tpu.memory_space<semaphore_mem>>) src(%dma_wait3A_89 : memref<10240x128xf32, #tpu.memory_space<vmem_shared>>) dst(%arg7 : memref<128x128xf32, #tpu.memory_space<vmem>>)
      %mul3A_90 = arith.constant 128 : i32
      %mul3A_91 = arith.muli %add3A_71, %mul3A_90 : i32
      %add3A_92 = arith.addi %mul3A_2, %mul3A_91 : i32
      %dma_start3A_93 = arith.constant 0 : i32
      %dma_start3A_94 = tpu.memref_slice %arg4[%add3A_92, %dma_start3A_93] : memref<81920x128xf32, #tpu.memory_space<hbm>> -> memref<128x128xf32, #tpu.memory_space<hbm>>
      %dma_start3A_95 = arith.constant 0 : i32
      %dma_start3A_96 = tpu.memref_slice %arg4[%add3A_92, %dma_start3A_95] : memref<81920x128xf32, #tpu.memory_space<hbm>> -> memref<128x128xf32, #tpu.memory_space<hbm>>
      tpu.enqueue_dma source(%arg7 : memref<128x128xf32, #tpu.memory_space<vmem>>) target(%dma_start3A_96 : memref<128x128xf32, #tpu.memory_space<hbm>>) target_semaphore(%arg11 : memref<!tpu.dma_semaphore, #tpu.memory_space<semaphore_mem>>)
    }
    %scan3A_39 = arith.constant 10 : i32
    %dma_wait3A_40 = arith.constant 0 : i32
    %dma_wait3A_41 = tpu.memref_slice %arg4[%mul3A_2, %dma_wait3A_40] : memref<81920x128xf32, #tpu.memory_space<hbm>> -> memref<128x128xf32, #tpu.memory_space<hbm>>
    %dma_wait3A_42 = arith.constant 0 : i32
    %dma_wait3A_43 = tpu.memref_slice %arg4[%mul3A_2, %dma_wait3A_42] : memref<81920x128xf32, #tpu.memory_space<hbm>> -> memref<128x128xf32, #tpu.memory_space<hbm>>
    tpu.wait_dma2 semaphore(%arg11 : memref<!tpu.dma_semaphore, #tpu.memory_space<semaphore_mem>>) src(%arg6 : memref<128x128xf32, #tpu.memory_space<vmem>>) dst(%dma_wait3A_43 : memref<128x128xf32, #tpu.memory_space<hbm>>)
    return
  }
}

#map = affine_map<(d0, d1) -> (0, 0)>
#map1 = affine_map<(d0, d1) -> (0, 0, 0)>
module attributes {stable_mosaic.version = 14 : i64} {
  func.func @k(%arg0: i32, %arg1: i32, %arg2: memref<10240x128xf32, #tpu.memory_space<hbm>>, %arg3: memref<32x20x128xi32, #tpu.memory_space<hbm>>, %arg4: memref<81920x128xf32, #tpu.memory_space<hbm>>, %arg5: memref<20x128xi32, #tpu.memory_space<vmem>>, %arg6: memref<128x128xf32, #tpu.memory_space<vmem>>, %arg7: memref<128x128xf32, #tpu.memory_space<vmem>>, %arg8: memref<10240x128xf32, #tpu.memory_space<vmem_shared>>, %arg9: memref<!tpu.dma_semaphore, #tpu.memory_space<semaphore_mem>>, %arg10: memref<!tpu.dma_semaphore, #tpu.memory_space<semaphore_mem>>, %arg11: memref<!tpu.dma_semaphore, #tpu.memory_space<semaphore_mem>>) attributes {dimension_semantics = [#tpu.dimension_semantics<core_parallel>, #tpu.dimension_semantics<subcore_parallel>], iteration_bounds = array<i64: 2, 16>, scalar_prefetch = 0 : i64, scratch_operands = 7 : i64, tpu.core_type = #tpu.core_type<sc_vector_subcore>, window_params = [{transform_indices = #map}, {transform_indices = #map1}, {transform_indices = #map}]} {
    %mul3A = arith.constant 16 : i32
    %mul3A_0 = arith.muli %arg0, %mul3A : i32
    %add3A = arith.addi %mul3A_0, %arg1 : i32
    %mul3A_1 = arith.constant 2560 : i32
    %mul3A_2 = arith.muli %add3A, %mul3A_1 : i32
    %mul3A_3 = arith.constant 640 : i32
    %mul3A_4 = arith.muli %arg1, %mul3A_3 : i32
    %mul3A_5 = arith.constant 640 : i32
    %mul3A_6 = arith.muli %arg1, %mul3A_5 : i32
    %dma_start3A = arith.constant 0 : i32
    %dma_start3A_7 = tpu.memref_slice %arg8[%mul3A_6, %dma_start3A] : memref<10240x128xf32, #tpu.memory_space<vmem_shared>> -> memref<640x128xf32, #tpu.memory_space<vmem_shared>>
    %dma_start3A_8 = arith.constant 0 : i32
    %dma_start3A_9 = tpu.memref_slice %arg2[%mul3A_4, %dma_start3A_8] : memref<10240x128xf32, #tpu.memory_space<hbm>> -> memref<640x128xf32, #tpu.memory_space<hbm>>
    tpu.enqueue_dma source(%dma_start3A_9 : memref<640x128xf32, #tpu.memory_space<hbm>>) target(%dma_start3A_7 : memref<640x128xf32, #tpu.memory_space<vmem_shared>>) target_semaphore(%arg10 : memref<!tpu.dma_semaphore, #tpu.memory_space<semaphore_mem>>)
    %dma_start3A_10 = arith.constant 0 : i32
    %dma_start3A_11 = arith.constant 0 : i32
    %dma_start3A_12 = tpu.memref_slice %arg3[%add3A, %dma_start3A_10, %dma_start3A_11] : memref<32x20x128xi32, #tpu.memory_space<hbm>> -> memref<1x20x128xi32, #tpu.memory_space<hbm>>
    %dma_start3A_13 = tpu.memref_squeeze %dma_start3A_12 : memref<1x20x128xi32, #tpu.memory_space<hbm>> -> memref<20x128xi32, #tpu.memory_space<hbm>>
    %dma_start3A_14 = arith.constant 0 : i32
    %dma_start3A_15 = arith.constant 0 : i32
    %dma_start3A_16 = tpu.memref_slice %arg3[%add3A, %dma_start3A_14, %dma_start3A_15] : memref<32x20x128xi32, #tpu.memory_space<hbm>> -> memref<1x20x128xi32, #tpu.memory_space<hbm>>
    %dma_start3A_17 = tpu.memref_squeeze %dma_start3A_16 : memref<1x20x128xi32, #tpu.memory_space<hbm>> -> memref<20x128xi32, #tpu.memory_space<hbm>>
    tpu.enqueue_dma source(%dma_start3A_17 : memref<20x128xi32, #tpu.memory_space<hbm>>) target(%arg5 : memref<20x128xi32, #tpu.memory_space<vmem>>) target_semaphore(%arg9 : memref<!tpu.dma_semaphore, #tpu.memory_space<semaphore_mem>>)
    %dma_wait3A = arith.constant 0 : i32
    %dma_wait3A_18 = arith.constant 0 : i32
    %dma_wait3A_19 = tpu.memref_slice %arg3[%add3A, %dma_wait3A, %dma_wait3A_18] : memref<32x20x128xi32, #tpu.memory_space<hbm>> -> memref<1x20x128xi32, #tpu.memory_space<hbm>>
    %dma_wait3A_20 = tpu.memref_squeeze %dma_wait3A_19 : memref<1x20x128xi32, #tpu.memory_space<hbm>> -> memref<20x128xi32, #tpu.memory_space<hbm>>
    %dma_wait3A_21 = arith.constant 0 : i32
    %dma_wait3A_22 = arith.constant 0 : i32
    %dma_wait3A_23 = tpu.memref_slice %arg3[%add3A, %dma_wait3A_21, %dma_wait3A_22] : memref<32x20x128xi32, #tpu.memory_space<hbm>> -> memref<1x20x128xi32, #tpu.memory_space<hbm>>
    %dma_wait3A_24 = tpu.memref_squeeze %dma_wait3A_23 : memref<1x20x128xi32, #tpu.memory_space<hbm>> -> memref<20x128xi32, #tpu.memory_space<hbm>>
    tpu.wait_dma2 semaphore(%arg9 : memref<!tpu.dma_semaphore, #tpu.memory_space<semaphore_mem>>) src(%dma_wait3A_24 : memref<20x128xi32, #tpu.memory_space<hbm>>) dst(%arg5 : memref<20x128xi32, #tpu.memory_space<vmem>>)
    %dma_wait3A_25 = arith.constant 0 : i32
    %dma_wait3A_26 = tpu.memref_slice %arg8[%mul3A_6, %dma_wait3A_25] : memref<10240x128xf32, #tpu.memory_space<vmem_shared>> -> memref<640x128xf32, #tpu.memory_space<vmem_shared>>
    %dma_wait3A_27 = arith.constant 0 : i32
    %dma_wait3A_28 = tpu.memref_slice %arg2[%mul3A_4, %dma_wait3A_27] : memref<10240x128xf32, #tpu.memory_space<hbm>> -> memref<640x128xf32, #tpu.memory_space<hbm>>
    tpu.wait_dma2 semaphore(%arg10 : memref<!tpu.dma_semaphore, #tpu.memory_space<semaphore_mem>>) src(%dma_wait3A_28 : memref<640x128xf32, #tpu.memory_space<hbm>>) dst(%dma_wait3A_26 : memref<640x128xf32, #tpu.memory_space<vmem_shared>>)
    %barrier3A = arith.constant 0 : index
    tpu.barrier barrier_id(%barrier3A)
    %dma_start3A_29 = arith.constant 0 : i32
    %dma_start3A_30 = arith.constant 0 : i32
    %dma_start3A_31 = tpu.memref_slice %arg5[%dma_start3A_29, %dma_start3A_30] : memref<20x128xi32, #tpu.memory_space<vmem>> -> memref<1x128xi32, #tpu.memory_space<vmem>>
    %dma_start3A_32 = tpu.memref_squeeze %dma_start3A_31 : memref<1x128xi32, #tpu.memory_space<vmem>> -> memref<128xi32, #tpu.memory_space<vmem>>
    %dma_start3A_33 = arith.constant 0 : i32
    %dma_start3A_34 = arith.constant 0 : i32
    %dma_start3A_35 = tpu.memref_slice %arg8[%dma_start3A_33, %dma_start3A_34] : memref<10240x128xf32, #tpu.memory_space<vmem_shared>> -> memref<10240x128xf32, #tpu.memory_space<vmem_shared>>
    tpu.enqueue_indirect_dma source(%dma_start3A_35 : memref<10240x128xf32, #tpu.memory_space<vmem_shared>>) target(%arg6 : memref<128x128xf32, #tpu.memory_space<vmem>>) offsets(%dma_start3A_32 : memref<128xi32, #tpu.memory_space<vmem>>) semaphore(%arg9 : memref<!tpu.dma_semaphore, #tpu.memory_space<semaphore_mem>>)
    %scan3A = arith.constant 0 : i32
    %scan3A_36 = arith.constant 10 : i32
    %scan3A_37 = arith.addi %scan3A, %scan3A_36 : i32
    %scan3A_38 = arith.constant 1 : i32
    scf.for %scan3A_44 = %scan3A to %scan3A_37 step %scan3A_38  : i32 {
      %mul3A_45 = arith.constant 2 : i32
      %mul3A_46 = arith.muli %scan3A_44, %mul3A_45 : i32
      %add3A_47 = arith.constant 0 : i32
      %add3A_48 = arith.addi %add3A_47, %mul3A_46 : i32
      %ge3A = arith.constant 1 : i32
      %ge3A_49 = arith.cmpi sge, %add3A_48, %ge3A : i32
      %convert_element_type3A = arith.extui %ge3A_49 : i1 to i32
      %cond3A = arith.constant 0 : i32
      %cond3A_50 = arith.cmpi ne, %convert_element_type3A, %cond3A : i32
      scf.if %cond3A_50 {
        %dma_wait3A_97 = arith.constant 0 : i32
        %dma_wait3A_98 = tpu.memref_slice %arg4[%mul3A_2, %dma_wait3A_97] : memref<81920x128xf32, #tpu.memory_space<hbm>> -> memref<128x128xf32, #tpu.memory_space<hbm>>
        %dma_wait3A_99 = arith.constant 0 : i32
        %dma_wait3A_100 = tpu.memref_slice %arg4[%mul3A_2, %dma_wait3A_99] : memref<81920x128xf32, #tpu.memory_space<hbm>> -> memref<128x128xf32, #tpu.memory_space<hbm>>
        tpu.wait_dma2 semaphore(%arg11 : memref<!tpu.dma_semaphore, #tpu.memory_space<semaphore_mem>>) src(%arg7 : memref<128x128xf32, #tpu.memory_space<vmem>>) dst(%dma_wait3A_100 : memref<128x128xf32, #tpu.memory_space<hbm>>)
      } else {
      }
      %add3A_51 = arith.constant 1 : i32
      %add3A_52 = arith.addi %add3A_48, %add3A_51 : i32
      %lt3A = arith.constant 20 : i32
      %lt3A_53 = arith.cmpi slt, %add3A_52, %lt3A : i32
      %convert_element_type3A_54 = arith.extui %lt3A_53 : i1 to i32
      %cond3A_55 = arith.constant 0 : i32
      %cond3A_56 = arith.cmpi ne, %convert_element_type3A_54, %cond3A_55 : i32
      scf.if %cond3A_56 {
        %add3A_97 = arith.constant 1 : i32
        %add3A_98 = arith.addi %add3A_48, %add3A_97 : i32
        %dma_start3A_99 = arith.constant 0 : i32
        %dma_start3A_100 = tpu.memref_slice %arg5[%add3A_98, %dma_start3A_99] : memref<20x128xi32, #tpu.memory_space<vmem>> -> memref<1x128xi32, #tpu.memory_space<vmem>>
        %dma_start3A_101 = tpu.memref_squeeze %dma_start3A_100 : memref<1x128xi32, #tpu.memory_space<vmem>> -> memref<128xi32, #tpu.memory_space<vmem>>
        %dma_start3A_102 = arith.constant 0 : i32
        %dma_start3A_103 = arith.constant 0 : i32
        %dma_start3A_104 = tpu.memref_slice %arg8[%dma_start3A_102, %dma_start3A_103] : memref<10240x128xf32, #tpu.memory_space<vmem_shared>> -> memref<10240x128xf32, #tpu.memory_space<vmem_shared>>
        tpu.enqueue_indirect_dma source(%dma_start3A_104 : memref<10240x128xf32, #tpu.memory_space<vmem_shared>>) target(%arg7 : memref<128x128xf32, #tpu.memory_space<vmem>>) offsets(%dma_start3A_101 : memref<128xi32, #tpu.memory_space<vmem>>) semaphore(%arg9 : memref<!tpu.dma_semaphore, #tpu.memory_space<semaphore_mem>>)
      } else {
      }
      %dma_wait3A_57 = arith.constant 0 : i32
      %dma_wait3A_58 = tpu.memref_slice %arg5[%add3A_48, %dma_wait3A_57] : memref<20x128xi32, #tpu.memory_space<vmem>> -> memref<1x128xi32, #tpu.memory_space<vmem>>
      %dma_wait3A_59 = tpu.memref_squeeze %dma_wait3A_58 : memref<1x128xi32, #tpu.memory_space<vmem>> -> memref<128xi32, #tpu.memory_space<vmem>>
      %dma_wait3A_60 = arith.constant 0 : i32
      %dma_wait3A_61 = arith.constant 0 : i32
      %dma_wait3A_62 = tpu.memref_slice %arg8[%dma_wait3A_60, %dma_wait3A_61] : memref<10240x128xf32, #tpu.memory_space<vmem_shared>> -> memref<10240x128xf32, #tpu.memory_space<vmem_shared>>
      tpu.wait_indirect_dma semaphore(%arg9 : memref<!tpu.dma_semaphore, #tpu.memory_space<semaphore_mem>>) src(%dma_wait3A_62 : memref<10240x128xf32, #tpu.memory_space<vmem_shared>>) dst(%arg6 : memref<128x128xf32, #tpu.memory_space<vmem>>)
      %mul3A_63 = arith.constant 128 : i32
      %mul3A_64 = arith.muli %add3A_48, %mul3A_63 : i32
      %add3A_65 = arith.addi %mul3A_2, %mul3A_64 : i32
      %dma_start3A_66 = arith.constant 0 : i32
      %dma_start3A_67 = tpu.memref_slice %arg4[%add3A_65, %dma_start3A_66] : memref<81920x128xf32, #tpu.memory_space<hbm>> -> memref<128x128xf32, #tpu.memory_space<hbm>>
      %dma_start3A_68 = arith.constant 0 : i32
      %dma_start3A_69 = tpu.memref_slice %arg4[%add3A_65, %dma_start3A_68] : memref<81920x128xf32, #tpu.memory_space<hbm>> -> memref<128x128xf32, #tpu.memory_space<hbm>>
      tpu.enqueue_dma source(%arg6 : memref<128x128xf32, #tpu.memory_space<vmem>>) target(%dma_start3A_69 : memref<128x128xf32, #tpu.memory_space<hbm>>) target_semaphore(%arg11 : memref<!tpu.dma_semaphore, #tpu.memory_space<semaphore_mem>>)
      %add3A_70 = arith.constant 1 : i32
      %add3A_71 = arith.addi %add3A_48, %add3A_70 : i32
      %ge3A_72 = arith.constant 1 : i32
      %ge3A_73 = arith.cmpi sge, %add3A_71, %ge3A_72 : i32
      %convert_element_type3A_74 = arith.extui %ge3A_73 : i1 to i32
      %cond3A_75 = arith.constant 0 : i32
      %cond3A_76 = arith.cmpi ne, %convert_element_type3A_74, %cond3A_75 : i32
      scf.if %cond3A_76 {
        %dma_wait3A_97 = arith.constant 0 : i32
        %dma_wait3A_98 = tpu.memref_slice %arg4[%mul3A_2, %dma_wait3A_97] : memref<81920x128xf32, #tpu.memory_space<hbm>> -> memref<128x128xf32, #tpu.memory_space<hbm>>
        %dma_wait3A_99 = arith.constant 0 : i32
        %dma_wait3A_100 = tpu.memref_slice %arg4[%mul3A_2, %dma_wait3A_99] : memref<81920x128xf32, #tpu.memory_space<hbm>> -> memref<128x128xf32, #tpu.memory_space<hbm>>
        tpu.wait_dma2 semaphore(%arg11 : memref<!tpu.dma_semaphore, #tpu.memory_space<semaphore_mem>>) src(%arg6 : memref<128x128xf32, #tpu.memory_space<vmem>>) dst(%dma_wait3A_100 : memref<128x128xf32, #tpu.memory_space<hbm>>)
      } else {
      }
      %add3A_77 = arith.constant 1 : i32
      %add3A_78 = arith.addi %add3A_71, %add3A_77 : i32
      %lt3A_79 = arith.constant 20 : i32
      %lt3A_80 = arith.cmpi slt, %add3A_78, %lt3A_79 : i32
      %convert_element_type3A_81 = arith.extui %lt3A_80 : i1 to i32
      %cond3A_82 = arith.constant 0 : i32
      %cond3A_83 = arith.cmpi ne, %convert_element_type3A_81, %cond3A_82 : i32
      scf.if %cond3A_83 {
        %add3A_97 = arith.constant 1 : i32
        %add3A_98 = arith.addi %add3A_71, %add3A_97 : i32
        %dma_start3A_99 = arith.constant 0 : i32
        %dma_start3A_100 = tpu.memref_slice %arg5[%add3A_98, %dma_start3A_99] : memref<20x128xi32, #tpu.memory_space<vmem>> -> memref<1x128xi32, #tpu.memory_space<vmem>>
        %dma_start3A_101 = tpu.memref_squeeze %dma_start3A_100 : memref<1x128xi32, #tpu.memory_space<vmem>> -> memref<128xi32, #tpu.memory_space<vmem>>
        %dma_start3A_102 = arith.constant 0 : i32
        %dma_start3A_103 = arith.constant 0 : i32
        %dma_start3A_104 = tpu.memref_slice %arg8[%dma_start3A_102, %dma_start3A_103] : memref<10240x128xf32, #tpu.memory_space<vmem_shared>> -> memref<10240x128xf32, #tpu.memory_space<vmem_shared>>
        tpu.enqueue_indirect_dma source(%dma_start3A_104 : memref<10240x128xf32, #tpu.memory_space<vmem_shared>>) target(%arg6 : memref<128x128xf32, #tpu.memory_space<vmem>>) offsets(%dma_start3A_101 : memref<128xi32, #tpu.memory_space<vmem>>) semaphore(%arg9 : memref<!tpu.dma_semaphore, #tpu.memory_space<semaphore_mem>>)
      } else {
      }
      %dma_wait3A_84 = arith.constant 0 : i32
      %dma_wait3A_85 = tpu.memref_slice %arg5[%add3A_71, %dma_wait3A_84] : memref<20x128xi32, #tpu.memory_space<vmem>> -> memref<1x128xi32, #tpu.memory_space<vmem>>
      %dma_wait3A_86 = tpu.memref_squeeze %dma_wait3A_85 : memref<1x128xi32, #tpu.memory_space<vmem>> -> memref<128xi32, #tpu.memory_space<vmem>>
      %dma_wait3A_87 = arith.constant 0 : i32
      %dma_wait3A_88 = arith.constant 0 : i32
      %dma_wait3A_89 = tpu.memref_slice %arg8[%dma_wait3A_87, %dma_wait3A_88] : memref<10240x128xf32, #tpu.memory_space<vmem_shared>> -> memref<10240x128xf32, #tpu.memory_space<vmem_shared>>
      tpu.wait_indirect_dma semaphore(%arg9 : memref<!tpu.dma_semaphore, #tpu.memory_space<semaphore_mem>>) src(%dma_wait3A_89 : memref<10240x128xf32, #tpu.memory_space<vmem_shared>>) dst(%arg7 : memref<128x128xf32, #tpu.memory_space<vmem>>)
      %mul3A_90 = arith.constant 128 : i32
      %mul3A_91 = arith.muli %add3A_71, %mul3A_90 : i32
      %add3A_92 = arith.addi %mul3A_2, %mul3A_91 : i32
      %dma_start3A_93 = arith.constant 0 : i32
      %dma_start3A_94 = tpu.memref_slice %arg4[%add3A_92, %dma_start3A_93] : memref<81920x128xf32, #tpu.memory_space<hbm>> -> memref<128x128xf32, #tpu.memory_space<hbm>>
      %dma_start3A_95 = arith.constant 0 : i32
      %dma_start3A_96 = tpu.memref_slice %arg4[%add3A_92, %dma_start3A_95] : memref<81920x128xf32, #tpu.memory_space<hbm>> -> memref<128x128xf32, #tpu.memory_space<hbm>>
      tpu.enqueue_dma source(%arg7 : memref<128x128xf32, #tpu.memory_space<vmem>>) target(%dma_start3A_96 : memref<128x128xf32, #tpu.memory_space<hbm>>) target_semaphore(%arg11 : memref<!tpu.dma_semaphore, #tpu.memory_space<semaphore_mem>>)
    }
    %scan3A_39 = arith.constant 10 : i32
    %dma_wait3A_40 = arith.constant 0 : i32
    %dma_wait3A_41 = tpu.memref_slice %arg4[%mul3A_2, %dma_wait3A_40] : memref<81920x128xf32, #tpu.memory_space<hbm>> -> memref<128x128xf32, #tpu.memory_space<hbm>>
    %dma_wait3A_42 = arith.constant 0 : i32
    %dma_wait3A_43 = tpu.memref_slice %arg4[%mul3A_2, %dma_wait3A_42] : memref<81920x128xf32, #tpu.memory_space<hbm>> -> memref<128x128xf32, #tpu.memory_space<hbm>>
    tpu.wait_dma2 semaphore(%arg11 : memref<!tpu.dma_semaphore, #tpu.memory_space<semaphore_mem>>) src(%arg6 : memref<128x128xf32, #tpu.memory_space<vmem>>) dst(%dma_wait3A_43 : memref<128x128xf32, #tpu.memory_space<hbm>>)
    return
  }
}

#map = affine_map<(d0, d1) -> (0, 0)>
#map1 = affine_map<(d0, d1) -> (0, 0, 0)>
module attributes {stable_mosaic.version = 14 : i64} {
  func.func @k(%arg0: i32, %arg1: i32, %arg2: memref<81920x128xf32, #tpu.memory_space<hbm>>, %arg3: memref<32x20x128xi32, #tpu.memory_space<hbm>>, %arg4: memref<2x10240x128xf32, #tpu.memory_space<hbm>>, %arg5: memref<2x10240x128xf32, #tpu.memory_space<hbm>>, %arg6: memref<20x128xi32, #tpu.memory_space<vmem>>, %arg7: memref<128x128xf32, #tpu.memory_space<vmem>>, %arg8: memref<128x128xf32, #tpu.memory_space<vmem>>, %arg9: memref<10240x128xf32, #tpu.memory_space<vmem_shared>>, %arg10: memref<!tpu.dma_semaphore, #tpu.memory_space<semaphore_mem>>, %arg11: memref<!tpu.dma_semaphore, #tpu.memory_space<semaphore_mem>>) attributes {dimension_semantics = [#tpu.dimension_semantics<core_parallel>, #tpu.dimension_semantics<subcore_parallel>], iteration_bounds = array<i64: 2, 16>, scalar_prefetch = 0 : i64, scratch_operands = 6 : i64, tpu.core_type = #tpu.core_type<sc_vector_subcore>, window_params = [{transform_indices = #map}, {transform_indices = #map1}, {transform_indices = #map1}, {transform_indices = #map1}]} {
    %mul3A = arith.constant 16 : i32
    %mul3A_0 = arith.muli %arg0, %mul3A : i32
    %add3A = arith.addi %mul3A_0, %arg1 : i32
    %mul3A_1 = arith.constant 2560 : i32
    %mul3A_2 = arith.muli %add3A, %mul3A_1 : i32
    %mul3A_3 = arith.constant 640 : i32
    %mul3A_4 = arith.muli %arg1, %mul3A_3 : i32
    %mul3A_5 = arith.constant 640 : i32
    %mul3A_6 = arith.muli %arg1, %mul3A_5 : i32
    "tpu.region"() ({
      %run_scoped3A = tpu.sem_alloc : memref<!tpu.dma_semaphore, #tpu.memory_space<semaphore_mem>>
      %dma_start3A_41 = arith.constant 0 : i32
      %dma_start3A_42 = tpu.memref_slice %arg9[%mul3A_6, %dma_start3A_41] : memref<10240x128xf32, #tpu.memory_space<vmem_shared>> -> memref<640x128xf32, #tpu.memory_space<vmem_shared>>
      %dma_start3A_43 = arith.constant 0 : i32
      %dma_start3A_44 = tpu.memref_slice %arg4[%arg0, %mul3A_4, %dma_start3A_43] : memref<2x10240x128xf32, #tpu.memory_space<hbm>> -> memref<1x640x128xf32, #tpu.memory_space<hbm>>
      %dma_start3A_45 = tpu.memref_squeeze %dma_start3A_44 : memref<1x640x128xf32, #tpu.memory_space<hbm>> -> memref<640x128xf32, #tpu.memory_space<hbm>>
      tpu.enqueue_dma source(%dma_start3A_45 : memref<640x128xf32, #tpu.memory_space<hbm>>) target(%dma_start3A_42 : memref<640x128xf32, #tpu.memory_space<vmem_shared>>) target_semaphore(%run_scoped3A : memref<!tpu.dma_semaphore, #tpu.memory_space<semaphore_mem>>)
      %dma_wait3A_46 = arith.constant 0 : i32
      %dma_wait3A_47 = tpu.memref_slice %arg9[%mul3A_6, %dma_wait3A_46] : memref<10240x128xf32, #tpu.memory_space<vmem_shared>> -> memref<640x128xf32, #tpu.memory_space<vmem_shared>>
      %dma_wait3A_48 = arith.constant 0 : i32
      %dma_wait3A_49 = tpu.memref_slice %arg4[%arg0, %mul3A_4, %dma_wait3A_48] : memref<2x10240x128xf32, #tpu.memory_space<hbm>> -> memref<1x640x128xf32, #tpu.memory_space<hbm>>
      %dma_wait3A_50 = tpu.memref_squeeze %dma_wait3A_49 : memref<1x640x128xf32, #tpu.memory_space<hbm>> -> memref<640x128xf32, #tpu.memory_space<hbm>>
      tpu.wait_dma2 semaphore(%run_scoped3A : memref<!tpu.dma_semaphore, #tpu.memory_space<semaphore_mem>>) src(%dma_wait3A_50 : memref<640x128xf32, #tpu.memory_space<hbm>>) dst(%dma_wait3A_47 : memref<640x128xf32, #tpu.memory_space<vmem_shared>>)
      tpu.yield
    }) : () -> ()
    %dma_start3A = arith.constant 0 : i32
    %dma_start3A_7 = arith.constant 0 : i32
    %dma_start3A_8 = tpu.memref_slice %arg3[%add3A, %dma_start3A, %dma_start3A_7] : memref<32x20x128xi32, #tpu.memory_space<hbm>> -> memref<1x20x128xi32, #tpu.memory_space<hbm>>
    %dma_start3A_9 = tpu.memref_squeeze %dma_start3A_8 : memref<1x20x128xi32, #tpu.memory_space<hbm>> -> memref<20x128xi32, #tpu.memory_space<hbm>>
    %dma_start3A_10 = arith.constant 0 : i32
    %dma_start3A_11 = arith.constant 0 : i32
    %dma_start3A_12 = tpu.memref_slice %arg3[%add3A, %dma_start3A_10, %dma_start3A_11] : memref<32x20x128xi32, #tpu.memory_space<hbm>> -> memref<1x20x128xi32, #tpu.memory_space<hbm>>
    %dma_start3A_13 = tpu.memref_squeeze %dma_start3A_12 : memref<1x20x128xi32, #tpu.memory_space<hbm>> -> memref<20x128xi32, #tpu.memory_space<hbm>>
    tpu.enqueue_dma source(%dma_start3A_13 : memref<20x128xi32, #tpu.memory_space<hbm>>) target(%arg6 : memref<20x128xi32, #tpu.memory_space<vmem>>) target_semaphore(%arg10 : memref<!tpu.dma_semaphore, #tpu.memory_space<semaphore_mem>>)
    %dma_wait3A = arith.constant 0 : i32
    %dma_wait3A_14 = arith.constant 0 : i32
    %dma_wait3A_15 = tpu.memref_slice %arg3[%add3A, %dma_wait3A, %dma_wait3A_14] : memref<32x20x128xi32, #tpu.memory_space<hbm>> -> memref<1x20x128xi32, #tpu.memory_space<hbm>>
    %dma_wait3A_16 = tpu.memref_squeeze %dma_wait3A_15 : memref<1x20x128xi32, #tpu.memory_space<hbm>> -> memref<20x128xi32, #tpu.memory_space<hbm>>
    %dma_wait3A_17 = arith.constant 0 : i32
    %dma_wait3A_18 = arith.constant 0 : i32
    %dma_wait3A_19 = tpu.memref_slice %arg3[%add3A, %dma_wait3A_17, %dma_wait3A_18] : memref<32x20x128xi32, #tpu.memory_space<hbm>> -> memref<1x20x128xi32, #tpu.memory_space<hbm>>
    %dma_wait3A_20 = tpu.memref_squeeze %dma_wait3A_19 : memref<1x20x128xi32, #tpu.memory_space<hbm>> -> memref<20x128xi32, #tpu.memory_space<hbm>>
    tpu.wait_dma2 semaphore(%arg10 : memref<!tpu.dma_semaphore, #tpu.memory_space<semaphore_mem>>) src(%dma_wait3A_20 : memref<20x128xi32, #tpu.memory_space<hbm>>) dst(%arg6 : memref<20x128xi32, #tpu.memory_space<vmem>>)
    %barrier3A = arith.constant 0 : index
    tpu.barrier barrier_id(%barrier3A)
    %dma_start3A_21 = arith.constant 0 : i32
    %dma_start3A_22 = tpu.memref_slice %arg2[%mul3A_2, %dma_start3A_21] : memref<81920x128xf32, #tpu.memory_space<hbm>> -> memref<128x128xf32, #tpu.memory_space<hbm>>
    %dma_start3A_23 = arith.constant 0 : i32
    %dma_start3A_24 = tpu.memref_slice %arg2[%mul3A_2, %dma_start3A_23] : memref<81920x128xf32, #tpu.memory_space<hbm>> -> memref<128x128xf32, #tpu.memory_space<hbm>>
    tpu.enqueue_dma source(%dma_start3A_24 : memref<128x128xf32, #tpu.memory_space<hbm>>) target(%arg7 : memref<128x128xf32, #tpu.memory_space<vmem>>) target_semaphore(%arg10 : memref<!tpu.dma_semaphore, #tpu.memory_space<semaphore_mem>>)
    %scan3A = arith.constant 0 : i32
    %scan3A_25 = arith.constant 10 : i32
    %scan3A_26 = arith.addi %scan3A, %scan3A_25 : i32
    %scan3A_27 = arith.constant 1 : i32
    scf.for %scan3A_41 = %scan3A to %scan3A_26 step %scan3A_27  : i32 {
      %mul3A_42 = arith.constant 2 : i32
      %mul3A_43 = arith.muli %scan3A_41, %mul3A_42 : i32
      %add3A_44 = arith.constant 0 : i32
      %add3A_45 = arith.addi %add3A_44, %mul3A_43 : i32
      %ge3A = arith.constant 1 : i32
      %ge3A_46 = arith.cmpi sge, %add3A_45, %ge3A : i32
      %convert_element_type3A = arith.extui %ge3A_46 : i1 to i32
      %cond3A = arith.constant 0 : i32
      %cond3A_47 = arith.cmpi ne, %convert_element_type3A, %cond3A : i32
      scf.if %cond3A_47 {
        %dma_wait3A_94 = arith.constant 0 : i32
        %dma_wait3A_95 = arith.constant 0 : i32
        %dma_wait3A_96 = tpu.memref_slice %arg6[%dma_wait3A_94, %dma_wait3A_95] : memref<20x128xi32, #tpu.memory_space<vmem>> -> memref<1x128xi32, #tpu.memory_space<vmem>>
        %dma_wait3A_97 = tpu.memref_squeeze %dma_wait3A_96 : memref<1x128xi32, #tpu.memory_space<vmem>> -> memref<128xi32, #tpu.memory_space<vmem>>
        %dma_wait3A_98 = arith.constant 0 : i32
        %dma_wait3A_99 = arith.constant 0 : i32
        %dma_wait3A_100 = tpu.memref_slice %arg9[%dma_wait3A_98, %dma_wait3A_99] : memref<10240x128xf32, #tpu.memory_space<vmem_shared>> -> memref<10240x128xf32, #tpu.memory_space<vmem_shared>>
        tpu.wait_indirect_dma semaphore(%arg11 : memref<!tpu.dma_semaphore, #tpu.memory_space<semaphore_mem>>) src(%arg8 : memref<128x128xf32, #tpu.memory_space<vmem>>) dst(%dma_wait3A_100 : memref<10240x128xf32, #tpu.memory_space<vmem_shared>>)
      } else {
      }
      %add3A_48 = arith.constant 1 : i32
      %add3A_49 = arith.addi %add3A_45, %add3A_48 : i32
      %lt3A = arith.constant 20 : i32
      %lt3A_50 = arith.cmpi slt, %add3A_49, %lt3A : i32
      %convert_element_type3A_51 = arith.extui %lt3A_50 : i1 to i32
      %cond3A_52 = arith.constant 0 : i32
      %cond3A_53 = arith.cmpi ne, %convert_element_type3A_51, %cond3A_52 : i32
      scf.if %cond3A_53 {
        %add3A_94 = arith.constant 1 : i32
        %add3A_95 = arith.addi %add3A_45, %add3A_94 : i32
        %mul3A_96 = arith.constant 128 : i32
        %mul3A_97 = arith.muli %add3A_95, %mul3A_96 : i32
        %add3A_98 = arith.addi %mul3A_2, %mul3A_97 : i32
        %dma_start3A_99 = arith.constant 0 : i32
        %dma_start3A_100 = tpu.memref_slice %arg2[%add3A_98, %dma_start3A_99] : memref<81920x128xf32, #tpu.memory_space<hbm>> -> memref<128x128xf32, #tpu.memory_space<hbm>>
        %dma_start3A_101 = arith.constant 0 : i32
        %dma_start3A_102 = tpu.memref_slice %arg2[%add3A_98, %dma_start3A_101] : memref<81920x128xf32, #tpu.memory_space<hbm>> -> memref<128x128xf32, #tpu.memory_space<hbm>>
        tpu.enqueue_dma source(%dma_start3A_102 : memref<128x128xf32, #tpu.memory_space<hbm>>) target(%arg8 : memref<128x128xf32, #tpu.memory_space<vmem>>) target_semaphore(%arg10 : memref<!tpu.dma_semaphore, #tpu.memory_space<semaphore_mem>>)
      } else {
      }
      %mul3A_54 = arith.constant 128 : i32
      %mul3A_55 = arith.muli %add3A_45, %mul3A_54 : i32
      %add3A_56 = arith.addi %mul3A_2, %mul3A_55 : i32
      %dma_wait3A_57 = arith.constant 0 : i32
      %dma_wait3A_58 = tpu.memref_slice %arg2[%add3A_56, %dma_wait3A_57] : memref<81920x128xf32, #tpu.memory_space<hbm>> -> memref<128x128xf32, #tpu.memory_space<hbm>>
      %dma_wait3A_59 = arith.constant 0 : i32
      %dma_wait3A_60 = tpu.memref_slice %arg2[%add3A_56, %dma_wait3A_59] : memref<81920x128xf32, #tpu.memory_space<hbm>> -> memref<128x128xf32, #tpu.memory_space<hbm>>
      tpu.wait_dma2 semaphore(%arg10 : memref<!tpu.dma_semaphore, #tpu.memory_space<semaphore_mem>>) src(%dma_wait3A_60 : memref<128x128xf32, #tpu.memory_space<hbm>>) dst(%arg7 : memref<128x128xf32, #tpu.memory_space<vmem>>)
      %dma_start3A_61 = arith.constant 0 : i32
      %dma_start3A_62 = tpu.memref_slice %arg6[%add3A_45, %dma_start3A_61] : memref<20x128xi32, #tpu.memory_space<vmem>> -> memref<1x128xi32, #tpu.memory_space<vmem>>
      %dma_start3A_63 = tpu.memref_squeeze %dma_start3A_62 : memref<1x128xi32, #tpu.memory_space<vmem>> -> memref<128xi32, #tpu.memory_space<vmem>>
      %dma_start3A_64 = arith.constant 0 : i32
      %dma_start3A_65 = arith.constant 0 : i32
      %dma_start3A_66 = tpu.memref_slice %arg9[%dma_start3A_64, %dma_start3A_65] : memref<10240x128xf32, #tpu.memory_space<vmem_shared>> -> memref<10240x128xf32, #tpu.memory_space<vmem_shared>>
      tpu.enqueue_indirect_dma source(%arg7 : memref<128x128xf32, #tpu.memory_space<vmem>>) target(%dma_start3A_66 : memref<10240x128xf32, #tpu.memory_space<vmem_shared>>) offsets(%dma_start3A_63 : memref<128xi32, #tpu.memory_space<vmem>>) semaphore(%arg11 : memref<!tpu.dma_semaphore, #tpu.memory_space<semaphore_mem>>) {add = true}
      %add3A_67 = arith.constant 1 : i32
      %add3A_68 = arith.addi %add3A_45, %add3A_67 : i32
      %ge3A_69 = arith.constant 1 : i32
      %ge3A_70 = arith.cmpi sge, %add3A_68, %ge3A_69 : i32
      %convert_element_type3A_71 = arith.extui %ge3A_70 : i1 to i32
      %cond3A_72 = arith.constant 0 : i32
      %cond3A_73 = arith.cmpi ne, %convert_element_type3A_71, %cond3A_72 : i32
      scf.if %cond3A_73 {
        %dma_wait3A_94 = arith.constant 0 : i32
        %dma_wait3A_95 = arith.constant 0 : i32
        %dma_wait3A_96 = tpu.memref_slice %arg6[%dma_wait3A_94, %dma_wait3A_95] : memref<20x128xi32, #tpu.memory_space<vmem>> -> memref<1x128xi32, #tpu.memory_space<vmem>>
        %dma_wait3A_97 = tpu.memref_squeeze %dma_wait3A_96 : memref<1x128xi32, #tpu.memory_space<vmem>> -> memref<128xi32, #tpu.memory_space<vmem>>
        %dma_wait3A_98 = arith.constant 0 : i32
        %dma_wait3A_99 = arith.constant 0 : i32
        %dma_wait3A_100 = tpu.memref_slice %arg9[%dma_wait3A_98, %dma_wait3A_99] : memref<10240x128xf32, #tpu.memory_space<vmem_shared>> -> memref<10240x128xf32, #tpu.memory_space<vmem_shared>>
        tpu.wait_indirect_dma semaphore(%arg11 : memref<!tpu.dma_semaphore, #tpu.memory_space<semaphore_mem>>) src(%arg7 : memref<128x128xf32, #tpu.memory_space<vmem>>) dst(%dma_wait3A_100 : memref<10240x128xf32, #tpu.memory_space<vmem_shared>>)
      } else {
      }
      %add3A_74 = arith.constant 1 : i32
      %add3A_75 = arith.addi %add3A_68, %add3A_74 : i32
      %lt3A_76 = arith.constant 20 : i32
      %lt3A_77 = arith.cmpi slt, %add3A_75, %lt3A_76 : i32
      %convert_element_type3A_78 = arith.extui %lt3A_77 : i1 to i32
      %cond3A_79 = arith.constant 0 : i32
      %cond3A_80 = arith.cmpi ne, %convert_element_type3A_78, %cond3A_79 : i32
      scf.if %cond3A_80 {
        %add3A_94 = arith.constant 1 : i32
        %add3A_95 = arith.addi %add3A_68, %add3A_94 : i32
        %mul3A_96 = arith.constant 128 : i32
        %mul3A_97 = arith.muli %add3A_95, %mul3A_96 : i32
        %add3A_98 = arith.addi %mul3A_2, %mul3A_97 : i32
        %dma_start3A_99 = arith.constant 0 : i32
        %dma_start3A_100 = tpu.memref_slice %arg2[%add3A_98, %dma_start3A_99] : memref<81920x128xf32, #tpu.memory_space<hbm>> -> memref<128x128xf32, #tpu.memory_space<hbm>>
        %dma_start3A_101 = arith.constant 0 : i32
        %dma_start3A_102 = tpu.memref_slice %arg2[%add3A_98, %dma_start3A_101] : memref<81920x128xf32, #tpu.memory_space<hbm>> -> memref<128x128xf32, #tpu.memory_space<hbm>>
        tpu.enqueue_dma source(%dma_start3A_102 : memref<128x128xf32, #tpu.memory_space<hbm>>) target(%arg7 : memref<128x128xf32, #tpu.memory_space<vmem>>) target_semaphore(%arg10 : memref<!tpu.dma_semaphore, #tpu.memory_space<semaphore_mem>>)
      } else {
      }
      %mul3A_81 = arith.constant 128 : i32
      %mul3A_82 = arith.muli %add3A_68, %mul3A_81 : i32
      %add3A_83 = arith.addi %mul3A_2, %mul3A_82 : i32
      %dma_wait3A_84 = arith.constant 0 : i32
      %dma_wait3A_85 = tpu.memref_slice %arg2[%add3A_83, %dma_wait3A_84] : memref<81920x128xf32, #tpu.memory_space<hbm>> -> memref<128x128xf32, #tpu.memory_space<hbm>>
      %dma_wait3A_86 = arith.constant 0 : i32
      %dma_wait3A_87 = tpu.memref_slice %arg2[%add3A_83, %dma_wait3A_86] : memref<81920x128xf32, #tpu.memory_space<hbm>> -> memref<128x128xf32, #tpu.memory_space<hbm>>
      tpu.wait_dma2 semaphore(%arg10 : memref<!tpu.dma_semaphore, #tpu.memory_space<semaphore_mem>>) src(%dma_wait3A_87 : memref<128x128xf32, #tpu.memory_space<hbm>>) dst(%arg8 : memref<128x128xf32, #tpu.memory_space<vmem>>)
      %dma_start3A_88 = arith.constant 0 : i32
      %dma_start3A_89 = tpu.memref_slice %arg6[%add3A_68, %dma_start3A_88] : memref<20x128xi32, #tpu.memory_space<vmem>> -> memref<1x128xi32, #tpu.memory_space<vmem>>
      %dma_start3A_90 = tpu.memref_squeeze %dma_start3A_89 : memref<1x128xi32, #tpu.memory_space<vmem>> -> memref<128xi32, #tpu.memory_space<vmem>>
      %dma_start3A_91 = arith.constant 0 : i32
      %dma_start3A_92 = arith.constant 0 : i32
      %dma_start3A_93 = tpu.memref_slice %arg9[%dma_start3A_91, %dma_start3A_92] : memref<10240x128xf32, #tpu.memory_space<vmem_shared>> -> memref<10240x128xf32, #tpu.memory_space<vmem_shared>>
      tpu.enqueue_indirect_dma source(%arg8 : memref<128x128xf32, #tpu.memory_space<vmem>>) target(%dma_start3A_93 : memref<10240x128xf32, #tpu.memory_space<vmem_shared>>) offsets(%dma_start3A_90 : memref<128xi32, #tpu.memory_space<vmem>>) semaphore(%arg11 : memref<!tpu.dma_semaphore, #tpu.memory_space<semaphore_mem>>) {add = true}
    }
    %scan3A_28 = arith.constant 10 : i32
    %dma_wait3A_29 = arith.constant 0 : i32
    %dma_wait3A_30 = arith.constant 0 : i32
    %dma_wait3A_31 = tpu.memref_slice %arg6[%dma_wait3A_29, %dma_wait3A_30] : memref<20x128xi32, #tpu.memory_space<vmem>> -> memref<1x128xi32, #tpu.memory_space<vmem>>
    %dma_wait3A_32 = tpu.memref_squeeze %dma_wait3A_31 : memref<1x128xi32, #tpu.memory_space<vmem>> -> memref<128xi32, #tpu.memory_space<vmem>>
    %dma_wait3A_33 = arith.constant 0 : i32
    %dma_wait3A_34 = arith.constant 0 : i32
    %dma_wait3A_35 = tpu.memref_slice %arg9[%dma_wait3A_33, %dma_wait3A_34] : memref<10240x128xf32, #tpu.memory_space<vmem_shared>> -> memref<10240x128xf32, #tpu.memory_space<vmem_shared>>
    tpu.wait_indirect_dma semaphore(%arg11 : memref<!tpu.dma_semaphore, #tpu.memory_space<semaphore_mem>>) src(%arg7 : memref<128x128xf32, #tpu.memory_space<vmem>>) dst(%dma_wait3A_35 : memref<10240x128xf32, #tpu.memory_space<vmem_shared>>)
    %barrier3A_36 = arith.constant 0 : index
    tpu.barrier barrier_id(%barrier3A_36)
    %mul3A_37 = arith.constant 640 : i32
    %mul3A_38 = arith.muli %arg1, %mul3A_37 : i32
    %mul3A_39 = arith.constant 640 : i32
    %mul3A_40 = arith.muli %arg1, %mul3A_39 : i32
    "tpu.region"() ({
      %run_scoped3A = tpu.sem_alloc : memref<!tpu.dma_semaphore, #tpu.memory_space<semaphore_mem>>
      %dma_start3A_41 = arith.constant 0 : i32
      %dma_start3A_42 = tpu.memref_slice %arg5[%arg0, %mul3A_40, %dma_start3A_41] : memref<2x10240x128xf32, #tpu.memory_space<hbm>> -> memref<1x640x128xf32, #tpu.memory_space<hbm>>
      %dma_start3A_43 = tpu.memref_squeeze %dma_start3A_42 : memref<1x640x128xf32, #tpu.memory_space<hbm>> -> memref<640x128xf32, #tpu.memory_space<hbm>>
      %dma_start3A_44 = arith.constant 0 : i32
      %dma_start3A_45 = tpu.memref_slice %arg9[%mul3A_38, %dma_start3A_44] : memref<10240x128xf32, #tpu.memory_space<vmem_shared>> -> memref<640x128xf32, #tpu.memory_space<vmem_shared>>
      tpu.enqueue_dma source(%dma_start3A_45 : memref<640x128xf32, #tpu.memory_space<vmem_shared>>) target(%dma_start3A_43 : memref<640x128xf32, #tpu.memory_space<hbm>>) target_semaphore(%run_scoped3A : memref<!tpu.dma_semaphore, #tpu.memory_space<semaphore_mem>>)
      %dma_wait3A_46 = arith.constant 0 : i32
      %dma_wait3A_47 = tpu.memref_slice %arg5[%arg0, %mul3A_40, %dma_wait3A_46] : memref<2x10240x128xf32, #tpu.memory_space<hbm>> -> memref<1x640x128xf32, #tpu.memory_space<hbm>>
      %dma_wait3A_48 = tpu.memref_squeeze %dma_wait3A_47 : memref<1x640x128xf32, #tpu.memory_space<hbm>> -> memref<640x128xf32, #tpu.memory_space<hbm>>
      %dma_wait3A_49 = arith.constant 0 : i32
      %dma_wait3A_50 = tpu.memref_slice %arg9[%mul3A_38, %dma_wait3A_49] : memref<10240x128xf32, #tpu.memory_space<vmem_shared>> -> memref<640x128xf32, #tpu.memory_space<vmem_shared>>
      tpu.wait_dma2 semaphore(%run_scoped3A : memref<!tpu.dma_semaphore, #tpu.memory_space<semaphore_mem>>) src(%dma_wait3A_50 : memref<640x128xf32, #tpu.memory_space<vmem_shared>>) dst(%dma_wait3A_48 : memref<640x128xf32, #tpu.memory_space<hbm>>)
      tpu.yield
    }) : () -> ()
    return
  }
}

#map = affine_map<(d0, d1) -> (0, 0)>
#map1 = affine_map<(d0, d1) -> (0, 0, 0)>
module attributes {stable_mosaic.version = 14 : i64} {
  func.func @k(%arg0: i32, %arg1: i32, %arg2: memref<81920x128xf32, #tpu.memory_space<hbm>>, %arg3: memref<32x20x128xi32, #tpu.memory_space<hbm>>, %arg4: memref<2x10240x128xf32, #tpu.memory_space<hbm>>, %arg5: memref<2x10240x128xf32, #tpu.memory_space<hbm>>, %arg6: memref<20x128xi32, #tpu.memory_space<vmem>>, %arg7: memref<128x128xf32, #tpu.memory_space<vmem>>, %arg8: memref<128x128xf32, #tpu.memory_space<vmem>>, %arg9: memref<10240x128xf32, #tpu.memory_space<vmem_shared>>, %arg10: memref<!tpu.dma_semaphore, #tpu.memory_space<semaphore_mem>>, %arg11: memref<!tpu.dma_semaphore, #tpu.memory_space<semaphore_mem>>) attributes {dimension_semantics = [#tpu.dimension_semantics<core_parallel>, #tpu.dimension_semantics<subcore_parallel>], iteration_bounds = array<i64: 2, 16>, scalar_prefetch = 0 : i64, scratch_operands = 6 : i64, tpu.core_type = #tpu.core_type<sc_vector_subcore>, window_params = [{transform_indices = #map}, {transform_indices = #map1}, {transform_indices = #map1}, {transform_indices = #map1}]} {
    %mul3A = arith.constant 16 : i32
    %mul3A_0 = arith.muli %arg0, %mul3A : i32
    %add3A = arith.addi %mul3A_0, %arg1 : i32
    %mul3A_1 = arith.constant 2560 : i32
    %mul3A_2 = arith.muli %add3A, %mul3A_1 : i32
    %mul3A_3 = arith.constant 640 : i32
    %mul3A_4 = arith.muli %arg1, %mul3A_3 : i32
    %mul3A_5 = arith.constant 640 : i32
    %mul3A_6 = arith.muli %arg1, %mul3A_5 : i32
    "tpu.region"() ({
      %run_scoped3A = tpu.sem_alloc : memref<!tpu.dma_semaphore, #tpu.memory_space<semaphore_mem>>
      %dma_start3A_41 = arith.constant 0 : i32
      %dma_start3A_42 = tpu.memref_slice %arg9[%mul3A_6, %dma_start3A_41] : memref<10240x128xf32, #tpu.memory_space<vmem_shared>> -> memref<640x128xf32, #tpu.memory_space<vmem_shared>>
      %dma_start3A_43 = arith.constant 0 : i32
      %dma_start3A_44 = tpu.memref_slice %arg4[%arg0, %mul3A_4, %dma_start3A_43] : memref<2x10240x128xf32, #tpu.memory_space<hbm>> -> memref<1x640x128xf32, #tpu.memory_space<hbm>>
      %dma_start3A_45 = tpu.memref_squeeze %dma_start3A_44 : memref<1x640x128xf32, #tpu.memory_space<hbm>> -> memref<640x128xf32, #tpu.memory_space<hbm>>
      tpu.enqueue_dma source(%dma_start3A_45 : memref<640x128xf32, #tpu.memory_space<hbm>>) target(%dma_start3A_42 : memref<640x128xf32, #tpu.memory_space<vmem_shared>>) target_semaphore(%run_scoped3A : memref<!tpu.dma_semaphore, #tpu.memory_space<semaphore_mem>>)
      %dma_wait3A_46 = arith.constant 0 : i32
      %dma_wait3A_47 = tpu.memref_slice %arg9[%mul3A_6, %dma_wait3A_46] : memref<10240x128xf32, #tpu.memory_space<vmem_shared>> -> memref<640x128xf32, #tpu.memory_space<vmem_shared>>
      %dma_wait3A_48 = arith.constant 0 : i32
      %dma_wait3A_49 = tpu.memref_slice %arg4[%arg0, %mul3A_4, %dma_wait3A_48] : memref<2x10240x128xf32, #tpu.memory_space<hbm>> -> memref<1x640x128xf32, #tpu.memory_space<hbm>>
      %dma_wait3A_50 = tpu.memref_squeeze %dma_wait3A_49 : memref<1x640x128xf32, #tpu.memory_space<hbm>> -> memref<640x128xf32, #tpu.memory_space<hbm>>
      tpu.wait_dma2 semaphore(%run_scoped3A : memref<!tpu.dma_semaphore, #tpu.memory_space<semaphore_mem>>) src(%dma_wait3A_50 : memref<640x128xf32, #tpu.memory_space<hbm>>) dst(%dma_wait3A_47 : memref<640x128xf32, #tpu.memory_space<vmem_shared>>)
      tpu.yield
    }) : () -> ()
    %dma_start3A = arith.constant 0 : i32
    %dma_start3A_7 = arith.constant 0 : i32
    %dma_start3A_8 = tpu.memref_slice %arg3[%add3A, %dma_start3A, %dma_start3A_7] : memref<32x20x128xi32, #tpu.memory_space<hbm>> -> memref<1x20x128xi32, #tpu.memory_space<hbm>>
    %dma_start3A_9 = tpu.memref_squeeze %dma_start3A_8 : memref<1x20x128xi32, #tpu.memory_space<hbm>> -> memref<20x128xi32, #tpu.memory_space<hbm>>
    %dma_start3A_10 = arith.constant 0 : i32
    %dma_start3A_11 = arith.constant 0 : i32
    %dma_start3A_12 = tpu.memref_slice %arg3[%add3A, %dma_start3A_10, %dma_start3A_11] : memref<32x20x128xi32, #tpu.memory_space<hbm>> -> memref<1x20x128xi32, #tpu.memory_space<hbm>>
    %dma_start3A_13 = tpu.memref_squeeze %dma_start3A_12 : memref<1x20x128xi32, #tpu.memory_space<hbm>> -> memref<20x128xi32, #tpu.memory_space<hbm>>
    tpu.enqueue_dma source(%dma_start3A_13 : memref<20x128xi32, #tpu.memory_space<hbm>>) target(%arg6 : memref<20x128xi32, #tpu.memory_space<vmem>>) target_semaphore(%arg10 : memref<!tpu.dma_semaphore, #tpu.memory_space<semaphore_mem>>)
    %dma_wait3A = arith.constant 0 : i32
    %dma_wait3A_14 = arith.constant 0 : i32
    %dma_wait3A_15 = tpu.memref_slice %arg3[%add3A, %dma_wait3A, %dma_wait3A_14] : memref<32x20x128xi32, #tpu.memory_space<hbm>> -> memref<1x20x128xi32, #tpu.memory_space<hbm>>
    %dma_wait3A_16 = tpu.memref_squeeze %dma_wait3A_15 : memref<1x20x128xi32, #tpu.memory_space<hbm>> -> memref<20x128xi32, #tpu.memory_space<hbm>>
    %dma_wait3A_17 = arith.constant 0 : i32
    %dma_wait3A_18 = arith.constant 0 : i32
    %dma_wait3A_19 = tpu.memref_slice %arg3[%add3A, %dma_wait3A_17, %dma_wait3A_18] : memref<32x20x128xi32, #tpu.memory_space<hbm>> -> memref<1x20x128xi32, #tpu.memory_space<hbm>>
    %dma_wait3A_20 = tpu.memref_squeeze %dma_wait3A_19 : memref<1x20x128xi32, #tpu.memory_space<hbm>> -> memref<20x128xi32, #tpu.memory_space<hbm>>
    tpu.wait_dma2 semaphore(%arg10 : memref<!tpu.dma_semaphore, #tpu.memory_space<semaphore_mem>>) src(%dma_wait3A_20 : memref<20x128xi32, #tpu.memory_space<hbm>>) dst(%arg6 : memref<20x128xi32, #tpu.memory_space<vmem>>)
    %barrier3A = arith.constant 0 : index
    tpu.barrier barrier_id(%barrier3A)
    %dma_start3A_21 = arith.constant 0 : i32
    %dma_start3A_22 = tpu.memref_slice %arg2[%mul3A_2, %dma_start3A_21] : memref<81920x128xf32, #tpu.memory_space<hbm>> -> memref<128x128xf32, #tpu.memory_space<hbm>>
    %dma_start3A_23 = arith.constant 0 : i32
    %dma_start3A_24 = tpu.memref_slice %arg2[%mul3A_2, %dma_start3A_23] : memref<81920x128xf32, #tpu.memory_space<hbm>> -> memref<128x128xf32, #tpu.memory_space<hbm>>
    tpu.enqueue_dma source(%dma_start3A_24 : memref<128x128xf32, #tpu.memory_space<hbm>>) target(%arg7 : memref<128x128xf32, #tpu.memory_space<vmem>>) target_semaphore(%arg10 : memref<!tpu.dma_semaphore, #tpu.memory_space<semaphore_mem>>)
    %scan3A = arith.constant 0 : i32
    %scan3A_25 = arith.constant 10 : i32
    %scan3A_26 = arith.addi %scan3A, %scan3A_25 : i32
    %scan3A_27 = arith.constant 1 : i32
    scf.for %scan3A_41 = %scan3A to %scan3A_26 step %scan3A_27  : i32 {
      %mul3A_42 = arith.constant 2 : i32
      %mul3A_43 = arith.muli %scan3A_41, %mul3A_42 : i32
      %add3A_44 = arith.constant 0 : i32
      %add3A_45 = arith.addi %add3A_44, %mul3A_43 : i32
      %ge3A = arith.constant 1 : i32
      %ge3A_46 = arith.cmpi sge, %add3A_45, %ge3A : i32
      %convert_element_type3A = arith.extui %ge3A_46 : i1 to i32
      %cond3A = arith.constant 0 : i32
      %cond3A_47 = arith.cmpi ne, %convert_element_type3A, %cond3A : i32
      scf.if %cond3A_47 {
        %dma_wait3A_94 = arith.constant 0 : i32
        %dma_wait3A_95 = arith.constant 0 : i32
        %dma_wait3A_96 = tpu.memref_slice %arg6[%dma_wait3A_94, %dma_wait3A_95] : memref<20x128xi32, #tpu.memory_space<vmem>> -> memref<1x128xi32, #tpu.memory_space<vmem>>
        %dma_wait3A_97 = tpu.memref_squeeze %dma_wait3A_96 : memref<1x128xi32, #tpu.memory_space<vmem>> -> memref<128xi32, #tpu.memory_space<vmem>>
        %dma_wait3A_98 = arith.constant 0 : i32
        %dma_wait3A_99 = arith.constant 0 : i32
        %dma_wait3A_100 = tpu.memref_slice %arg9[%dma_wait3A_98, %dma_wait3A_99] : memref<10240x128xf32, #tpu.memory_space<vmem_shared>> -> memref<10240x128xf32, #tpu.memory_space<vmem_shared>>
        tpu.wait_indirect_dma semaphore(%arg11 : memref<!tpu.dma_semaphore, #tpu.memory_space<semaphore_mem>>) src(%arg8 : memref<128x128xf32, #tpu.memory_space<vmem>>) dst(%dma_wait3A_100 : memref<10240x128xf32, #tpu.memory_space<vmem_shared>>)
      } else {
      }
      %add3A_48 = arith.constant 1 : i32
      %add3A_49 = arith.addi %add3A_45, %add3A_48 : i32
      %lt3A = arith.constant 20 : i32
      %lt3A_50 = arith.cmpi slt, %add3A_49, %lt3A : i32
      %convert_element_type3A_51 = arith.extui %lt3A_50 : i1 to i32
      %cond3A_52 = arith.constant 0 : i32
      %cond3A_53 = arith.cmpi ne, %convert_element_type3A_51, %cond3A_52 : i32
      scf.if %cond3A_53 {
        %add3A_94 = arith.constant 1 : i32
        %add3A_95 = arith.addi %add3A_45, %add3A_94 : i32
        %mul3A_96 = arith.constant 128 : i32
        %mul3A_97 = arith.muli %add3A_95, %mul3A_96 : i32
        %add3A_98 = arith.addi %mul3A_2, %mul3A_97 : i32
        %dma_start3A_99 = arith.constant 0 : i32
        %dma_start3A_100 = tpu.memref_slice %arg2[%add3A_98, %dma_start3A_99] : memref<81920x128xf32, #tpu.memory_space<hbm>> -> memref<128x128xf32, #tpu.memory_space<hbm>>
        %dma_start3A_101 = arith.constant 0 : i32
        %dma_start3A_102 = tpu.memref_slice %arg2[%add3A_98, %dma_start3A_101] : memref<81920x128xf32, #tpu.memory_space<hbm>> -> memref<128x128xf32, #tpu.memory_space<hbm>>
        tpu.enqueue_dma source(%dma_start3A_102 : memref<128x128xf32, #tpu.memory_space<hbm>>) target(%arg8 : memref<128x128xf32, #tpu.memory_space<vmem>>) target_semaphore(%arg10 : memref<!tpu.dma_semaphore, #tpu.memory_space<semaphore_mem>>)
      } else {
      }
      %mul3A_54 = arith.constant 128 : i32
      %mul3A_55 = arith.muli %add3A_45, %mul3A_54 : i32
      %add3A_56 = arith.addi %mul3A_2, %mul3A_55 : i32
      %dma_wait3A_57 = arith.constant 0 : i32
      %dma_wait3A_58 = tpu.memref_slice %arg2[%add3A_56, %dma_wait3A_57] : memref<81920x128xf32, #tpu.memory_space<hbm>> -> memref<128x128xf32, #tpu.memory_space<hbm>>
      %dma_wait3A_59 = arith.constant 0 : i32
      %dma_wait3A_60 = tpu.memref_slice %arg2[%add3A_56, %dma_wait3A_59] : memref<81920x128xf32, #tpu.memory_space<hbm>> -> memref<128x128xf32, #tpu.memory_space<hbm>>
      tpu.wait_dma2 semaphore(%arg10 : memref<!tpu.dma_semaphore, #tpu.memory_space<semaphore_mem>>) src(%dma_wait3A_60 : memref<128x128xf32, #tpu.memory_space<hbm>>) dst(%arg7 : memref<128x128xf32, #tpu.memory_space<vmem>>)
      %dma_start3A_61 = arith.constant 0 : i32
      %dma_start3A_62 = tpu.memref_slice %arg6[%add3A_45, %dma_start3A_61] : memref<20x128xi32, #tpu.memory_space<vmem>> -> memref<1x128xi32, #tpu.memory_space<vmem>>
      %dma_start3A_63 = tpu.memref_squeeze %dma_start3A_62 : memref<1x128xi32, #tpu.memory_space<vmem>> -> memref<128xi32, #tpu.memory_space<vmem>>
      %dma_start3A_64 = arith.constant 0 : i32
      %dma_start3A_65 = arith.constant 0 : i32
      %dma_start3A_66 = tpu.memref_slice %arg9[%dma_start3A_64, %dma_start3A_65] : memref<10240x128xf32, #tpu.memory_space<vmem_shared>> -> memref<10240x128xf32, #tpu.memory_space<vmem_shared>>
      tpu.enqueue_indirect_dma source(%arg7 : memref<128x128xf32, #tpu.memory_space<vmem>>) target(%dma_start3A_66 : memref<10240x128xf32, #tpu.memory_space<vmem_shared>>) offsets(%dma_start3A_63 : memref<128xi32, #tpu.memory_space<vmem>>) semaphore(%arg11 : memref<!tpu.dma_semaphore, #tpu.memory_space<semaphore_mem>>) {add = true}
      %add3A_67 = arith.constant 1 : i32
      %add3A_68 = arith.addi %add3A_45, %add3A_67 : i32
      %ge3A_69 = arith.constant 1 : i32
      %ge3A_70 = arith.cmpi sge, %add3A_68, %ge3A_69 : i32
      %convert_element_type3A_71 = arith.extui %ge3A_70 : i1 to i32
      %cond3A_72 = arith.constant 0 : i32
      %cond3A_73 = arith.cmpi ne, %convert_element_type3A_71, %cond3A_72 : i32
      scf.if %cond3A_73 {
        %dma_wait3A_94 = arith.constant 0 : i32
        %dma_wait3A_95 = arith.constant 0 : i32
        %dma_wait3A_96 = tpu.memref_slice %arg6[%dma_wait3A_94, %dma_wait3A_95] : memref<20x128xi32, #tpu.memory_space<vmem>> -> memref<1x128xi32, #tpu.memory_space<vmem>>
        %dma_wait3A_97 = tpu.memref_squeeze %dma_wait3A_96 : memref<1x128xi32, #tpu.memory_space<vmem>> -> memref<128xi32, #tpu.memory_space<vmem>>
        %dma_wait3A_98 = arith.constant 0 : i32
        %dma_wait3A_99 = arith.constant 0 : i32
        %dma_wait3A_100 = tpu.memref_slice %arg9[%dma_wait3A_98, %dma_wait3A_99] : memref<10240x128xf32, #tpu.memory_space<vmem_shared>> -> memref<10240x128xf32, #tpu.memory_space<vmem_shared>>
        tpu.wait_indirect_dma semaphore(%arg11 : memref<!tpu.dma_semaphore, #tpu.memory_space<semaphore_mem>>) src(%arg7 : memref<128x128xf32, #tpu.memory_space<vmem>>) dst(%dma_wait3A_100 : memref<10240x128xf32, #tpu.memory_space<vmem_shared>>)
      } else {
      }
      %add3A_74 = arith.constant 1 : i32
      %add3A_75 = arith.addi %add3A_68, %add3A_74 : i32
      %lt3A_76 = arith.constant 20 : i32
      %lt3A_77 = arith.cmpi slt, %add3A_75, %lt3A_76 : i32
      %convert_element_type3A_78 = arith.extui %lt3A_77 : i1 to i32
      %cond3A_79 = arith.constant 0 : i32
      %cond3A_80 = arith.cmpi ne, %convert_element_type3A_78, %cond3A_79 : i32
      scf.if %cond3A_80 {
        %add3A_94 = arith.constant 1 : i32
        %add3A_95 = arith.addi %add3A_68, %add3A_94 : i32
        %mul3A_96 = arith.constant 128 : i32
        %mul3A_97 = arith.muli %add3A_95, %mul3A_96 : i32
        %add3A_98 = arith.addi %mul3A_2, %mul3A_97 : i32
        %dma_start3A_99 = arith.constant 0 : i32
        %dma_start3A_100 = tpu.memref_slice %arg2[%add3A_98, %dma_start3A_99] : memref<81920x128xf32, #tpu.memory_space<hbm>> -> memref<128x128xf32, #tpu.memory_space<hbm>>
        %dma_start3A_101 = arith.constant 0 : i32
        %dma_start3A_102 = tpu.memref_slice %arg2[%add3A_98, %dma_start3A_101] : memref<81920x128xf32, #tpu.memory_space<hbm>> -> memref<128x128xf32, #tpu.memory_space<hbm>>
        tpu.enqueue_dma source(%dma_start3A_102 : memref<128x128xf32, #tpu.memory_space<hbm>>) target(%arg7 : memref<128x128xf32, #tpu.memory_space<vmem>>) target_semaphore(%arg10 : memref<!tpu.dma_semaphore, #tpu.memory_space<semaphore_mem>>)
      } else {
      }
      %mul3A_81 = arith.constant 128 : i32
      %mul3A_82 = arith.muli %add3A_68, %mul3A_81 : i32
      %add3A_83 = arith.addi %mul3A_2, %mul3A_82 : i32
      %dma_wait3A_84 = arith.constant 0 : i32
      %dma_wait3A_85 = tpu.memref_slice %arg2[%add3A_83, %dma_wait3A_84] : memref<81920x128xf32, #tpu.memory_space<hbm>> -> memref<128x128xf32, #tpu.memory_space<hbm>>
      %dma_wait3A_86 = arith.constant 0 : i32
      %dma_wait3A_87 = tpu.memref_slice %arg2[%add3A_83, %dma_wait3A_86] : memref<81920x128xf32, #tpu.memory_space<hbm>> -> memref<128x128xf32, #tpu.memory_space<hbm>>
      tpu.wait_dma2 semaphore(%arg10 : memref<!tpu.dma_semaphore, #tpu.memory_space<semaphore_mem>>) src(%dma_wait3A_87 : memref<128x128xf32, #tpu.memory_space<hbm>>) dst(%arg8 : memref<128x128xf32, #tpu.memory_space<vmem>>)
      %dma_start3A_88 = arith.constant 0 : i32
      %dma_start3A_89 = tpu.memref_slice %arg6[%add3A_68, %dma_start3A_88] : memref<20x128xi32, #tpu.memory_space<vmem>> -> memref<1x128xi32, #tpu.memory_space<vmem>>
      %dma_start3A_90 = tpu.memref_squeeze %dma_start3A_89 : memref<1x128xi32, #tpu.memory_space<vmem>> -> memref<128xi32, #tpu.memory_space<vmem>>
      %dma_start3A_91 = arith.constant 0 : i32
      %dma_start3A_92 = arith.constant 0 : i32
      %dma_start3A_93 = tpu.memref_slice %arg9[%dma_start3A_91, %dma_start3A_92] : memref<10240x128xf32, #tpu.memory_space<vmem_shared>> -> memref<10240x128xf32, #tpu.memory_space<vmem_shared>>
      tpu.enqueue_indirect_dma source(%arg8 : memref<128x128xf32, #tpu.memory_space<vmem>>) target(%dma_start3A_93 : memref<10240x128xf32, #tpu.memory_space<vmem_shared>>) offsets(%dma_start3A_90 : memref<128xi32, #tpu.memory_space<vmem>>) semaphore(%arg11 : memref<!tpu.dma_semaphore, #tpu.memory_space<semaphore_mem>>) {add = true}
    }
    %scan3A_28 = arith.constant 10 : i32
    %dma_wait3A_29 = arith.constant 0 : i32
    %dma_wait3A_30 = arith.constant 0 : i32
    %dma_wait3A_31 = tpu.memref_slice %arg6[%dma_wait3A_29, %dma_wait3A_30] : memref<20x128xi32, #tpu.memory_space<vmem>> -> memref<1x128xi32, #tpu.memory_space<vmem>>
    %dma_wait3A_32 = tpu.memref_squeeze %dma_wait3A_31 : memref<1x128xi32, #tpu.memory_space<vmem>> -> memref<128xi32, #tpu.memory_space<vmem>>
    %dma_wait3A_33 = arith.constant 0 : i32
    %dma_wait3A_34 = arith.constant 0 : i32
    %dma_wait3A_35 = tpu.memref_slice %arg9[%dma_wait3A_33, %dma_wait3A_34] : memref<10240x128xf32, #tpu.memory_space<vmem_shared>> -> memref<10240x128xf32, #tpu.memory_space<vmem_shared>>
    tpu.wait_indirect_dma semaphore(%arg11 : memref<!tpu.dma_semaphore, #tpu.memory_space<semaphore_mem>>) src(%arg7 : memref<128x128xf32, #tpu.memory_space<vmem>>) dst(%dma_wait3A_35 : memref<10240x128xf32, #tpu.memory_space<vmem_shared>>)
    %barrier3A_36 = arith.constant 0 : index
    tpu.barrier barrier_id(%barrier3A_36)
    %mul3A_37 = arith.constant 640 : i32
    %mul3A_38 = arith.muli %arg1, %mul3A_37 : i32
    %mul3A_39 = arith.constant 640 : i32
    %mul3A_40 = arith.muli %arg1, %mul3A_39 : i32
    "tpu.region"() ({
      %run_scoped3A = tpu.sem_alloc : memref<!tpu.dma_semaphore, #tpu.memory_space<semaphore_mem>>
      %dma_start3A_41 = arith.constant 0 : i32
      %dma_start3A_42 = tpu.memref_slice %arg5[%arg0, %mul3A_40, %dma_start3A_41] : memref<2x10240x128xf32, #tpu.memory_space<hbm>> -> memref<1x640x128xf32, #tpu.memory_space<hbm>>
      %dma_start3A_43 = tpu.memref_squeeze %dma_start3A_42 : memref<1x640x128xf32, #tpu.memory_space<hbm>> -> memref<640x128xf32, #tpu.memory_space<hbm>>
      %dma_start3A_44 = arith.constant 0 : i32
      %dma_start3A_45 = tpu.memref_slice %arg9[%mul3A_38, %dma_start3A_44] : memref<10240x128xf32, #tpu.memory_space<vmem_shared>> -> memref<640x128xf32, #tpu.memory_space<vmem_shared>>
      tpu.enqueue_dma source(%dma_start3A_45 : memref<640x128xf32, #tpu.memory_space<vmem_shared>>) target(%dma_start3A_43 : memref<640x128xf32, #tpu.memory_space<hbm>>) target_semaphore(%run_scoped3A : memref<!tpu.dma_semaphore, #tpu.memory_space<semaphore_mem>>)
      %dma_wait3A_46 = arith.constant 0 : i32
      %dma_wait3A_47 = tpu.memref_slice %arg5[%arg0, %mul3A_40, %dma_wait3A_46] : memref<2x10240x128xf32, #tpu.memory_space<hbm>> -> memref<1x640x128xf32, #tpu.memory_space<hbm>>
      %dma_wait3A_48 = tpu.memref_squeeze %dma_wait3A_47 : memref<1x640x128xf32, #tpu.memory_space<hbm>> -> memref<640x128xf32, #tpu.memory_space<hbm>>
      %dma_wait3A_49 = arith.constant 0 : i32
      %dma_wait3A_50 = tpu.memref_slice %arg9[%mul3A_38, %dma_wait3A_49] : memref<10240x128xf32, #tpu.memory_space<vmem_shared>> -> memref<640x128xf32, #tpu.memory_space<vmem_shared>>
      tpu.wait_dma2 semaphore(%run_scoped3A : memref<!tpu.dma_semaphore, #tpu.memory_space<semaphore_mem>>) src(%dma_wait3A_50 : memref<640x128xf32, #tpu.memory_space<vmem_shared>>) dst(%dma_wait3A_48 : memref<640x128xf32, #tpu.memory_space<hbm>>)
      tpu.yield
    }) : () -> ()
    return
  }
}

#map = affine_map<(d0, d1) -> (0, 0)>
#map1 = affine_map<(d0, d1) -> (0, 0, 0)>
module attributes {stable_mosaic.version = 14 : i64} {
  func.func @k(%arg0: i32, %arg1: i32, %arg2: memref<10240x128xf32, #tpu.memory_space<hbm>>, %arg3: memref<32x20x128xi32, #tpu.memory_space<hbm>>, %arg4: memref<81920x128xf32, #tpu.memory_space<hbm>>, %arg5: memref<20x128xi32, #tpu.memory_space<vmem>>, %arg6: memref<128x128xf32, #tpu.memory_space<vmem>>, %arg7: memref<128x128xf32, #tpu.memory_space<vmem>>, %arg8: memref<10240x128xf32, #tpu.memory_space<vmem_shared>>, %arg9: memref<!tpu.dma_semaphore, #tpu.memory_space<semaphore_mem>>, %arg10: memref<!tpu.dma_semaphore, #tpu.memory_space<semaphore_mem>>, %arg11: memref<!tpu.dma_semaphore, #tpu.memory_space<semaphore_mem>>) attributes {dimension_semantics = [#tpu.dimension_semantics<core_parallel>, #tpu.dimension_semantics<subcore_parallel>], iteration_bounds = array<i64: 2, 16>, scalar_prefetch = 0 : i64, scratch_operands = 7 : i64, tpu.core_type = #tpu.core_type<sc_vector_subcore>, window_params = [{transform_indices = #map}, {transform_indices = #map1}, {transform_indices = #map}]} {
    %mul3A = arith.constant 16 : i32
    %mul3A_0 = arith.muli %arg0, %mul3A : i32
    %add3A = arith.addi %mul3A_0, %arg1 : i32
    %mul3A_1 = arith.constant 2560 : i32
    %mul3A_2 = arith.muli %add3A, %mul3A_1 : i32
    %mul3A_3 = arith.constant 640 : i32
    %mul3A_4 = arith.muli %arg1, %mul3A_3 : i32
    %mul3A_5 = arith.constant 640 : i32
    %mul3A_6 = arith.muli %arg1, %mul3A_5 : i32
    %dma_start3A = arith.constant 0 : i32
    %dma_start3A_7 = tpu.memref_slice %arg8[%mul3A_6, %dma_start3A] : memref<10240x128xf32, #tpu.memory_space<vmem_shared>> -> memref<640x128xf32, #tpu.memory_space<vmem_shared>>
    %dma_start3A_8 = arith.constant 0 : i32
    %dma_start3A_9 = tpu.memref_slice %arg2[%mul3A_4, %dma_start3A_8] : memref<10240x128xf32, #tpu.memory_space<hbm>> -> memref<640x128xf32, #tpu.memory_space<hbm>>
    tpu.enqueue_dma source(%dma_start3A_9 : memref<640x128xf32, #tpu.memory_space<hbm>>) target(%dma_start3A_7 : memref<640x128xf32, #tpu.memory_space<vmem_shared>>) target_semaphore(%arg10 : memref<!tpu.dma_semaphore, #tpu.memory_space<semaphore_mem>>)
    %dma_start3A_10 = arith.constant 0 : i32
    %dma_start3A_11 = arith.constant 0 : i32
    %dma_start3A_12 = tpu.memref_slice %arg3[%add3A, %dma_start3A_10, %dma_start3A_11] : memref<32x20x128xi32, #tpu.memory_space<hbm>> -> memref<1x20x128xi32, #tpu.memory_space<hbm>>
    %dma_start3A_13 = tpu.memref_squeeze %dma_start3A_12 : memref<1x20x128xi32, #tpu.memory_space<hbm>> -> memref<20x128xi32, #tpu.memory_space<hbm>>
    %dma_start3A_14 = arith.constant 0 : i32
    %dma_start3A_15 = arith.constant 0 : i32
    %dma_start3A_16 = tpu.memref_slice %arg3[%add3A, %dma_start3A_14, %dma_start3A_15] : memref<32x20x128xi32, #tpu.memory_space<hbm>> -> memref<1x20x128xi32, #tpu.memory_space<hbm>>
    %dma_start3A_17 = tpu.memref_squeeze %dma_start3A_16 : memref<1x20x128xi32, #tpu.memory_space<hbm>> -> memref<20x128xi32, #tpu.memory_space<hbm>>
    tpu.enqueue_dma source(%dma_start3A_17 : memref<20x128xi32, #tpu.memory_space<hbm>>) target(%arg5 : memref<20x128xi32, #tpu.memory_space<vmem>>) target_semaphore(%arg9 : memref<!tpu.dma_semaphore, #tpu.memory_space<semaphore_mem>>)
    %dma_wait3A = arith.constant 0 : i32
    %dma_wait3A_18 = arith.constant 0 : i32
    %dma_wait3A_19 = tpu.memref_slice %arg3[%add3A, %dma_wait3A, %dma_wait3A_18] : memref<32x20x128xi32, #tpu.memory_space<hbm>> -> memref<1x20x128xi32, #tpu.memory_space<hbm>>
    %dma_wait3A_20 = tpu.memref_squeeze %dma_wait3A_19 : memref<1x20x128xi32, #tpu.memory_space<hbm>> -> memref<20x128xi32, #tpu.memory_space<hbm>>
    %dma_wait3A_21 = arith.constant 0 : i32
    %dma_wait3A_22 = arith.constant 0 : i32
    %dma_wait3A_23 = tpu.memref_slice %arg3[%add3A, %dma_wait3A_21, %dma_wait3A_22] : memref<32x20x128xi32, #tpu.memory_space<hbm>> -> memref<1x20x128xi32, #tpu.memory_space<hbm>>
    %dma_wait3A_24 = tpu.memref_squeeze %dma_wait3A_23 : memref<1x20x128xi32, #tpu.memory_space<hbm>> -> memref<20x128xi32, #tpu.memory_space<hbm>>
    tpu.wait_dma2 semaphore(%arg9 : memref<!tpu.dma_semaphore, #tpu.memory_space<semaphore_mem>>) src(%dma_wait3A_24 : memref<20x128xi32, #tpu.memory_space<hbm>>) dst(%arg5 : memref<20x128xi32, #tpu.memory_space<vmem>>)
    %dma_wait3A_25 = arith.constant 0 : i32
    %dma_wait3A_26 = tpu.memref_slice %arg8[%mul3A_6, %dma_wait3A_25] : memref<10240x128xf32, #tpu.memory_space<vmem_shared>> -> memref<640x128xf32, #tpu.memory_space<vmem_shared>>
    %dma_wait3A_27 = arith.constant 0 : i32
    %dma_wait3A_28 = tpu.memref_slice %arg2[%mul3A_4, %dma_wait3A_27] : memref<10240x128xf32, #tpu.memory_space<hbm>> -> memref<640x128xf32, #tpu.memory_space<hbm>>
    tpu.wait_dma2 semaphore(%arg10 : memref<!tpu.dma_semaphore, #tpu.memory_space<semaphore_mem>>) src(%dma_wait3A_28 : memref<640x128xf32, #tpu.memory_space<hbm>>) dst(%dma_wait3A_26 : memref<640x128xf32, #tpu.memory_space<vmem_shared>>)
    %barrier3A = arith.constant 0 : index
    tpu.barrier barrier_id(%barrier3A)
    %dma_start3A_29 = arith.constant 0 : i32
    %dma_start3A_30 = arith.constant 0 : i32
    %dma_start3A_31 = tpu.memref_slice %arg5[%dma_start3A_29, %dma_start3A_30] : memref<20x128xi32, #tpu.memory_space<vmem>> -> memref<1x128xi32, #tpu.memory_space<vmem>>
    %dma_start3A_32 = tpu.memref_squeeze %dma_start3A_31 : memref<1x128xi32, #tpu.memory_space<vmem>> -> memref<128xi32, #tpu.memory_space<vmem>>
    %dma_start3A_33 = arith.constant 0 : i32
    %dma_start3A_34 = arith.constant 0 : i32
    %dma_start3A_35 = tpu.memref_slice %arg8[%dma_start3A_33, %dma_start3A_34] : memref<10240x128xf32, #tpu.memory_space<vmem_shared>> -> memref<10240x128xf32, #tpu.memory_space<vmem_shared>>
    tpu.enqueue_indirect_dma source(%dma_start3A_35 : memref<10240x128xf32, #tpu.memory_space<vmem_shared>>) target(%arg6 : memref<128x128xf32, #tpu.memory_space<vmem>>) offsets(%dma_start3A_32 : memref<128xi32, #tpu.memory_space<vmem>>) semaphore(%arg9 : memref<!tpu.dma_semaphore, #tpu.memory_space<semaphore_mem>>)
    %scan3A = arith.constant 0 : i32
    %scan3A_36 = arith.constant 10 : i32
    %scan3A_37 = arith.addi %scan3A, %scan3A_36 : i32
    %scan3A_38 = arith.constant 1 : i32
    scf.for %scan3A_44 = %scan3A to %scan3A_37 step %scan3A_38  : i32 {
      %mul3A_45 = arith.constant 2 : i32
      %mul3A_46 = arith.muli %scan3A_44, %mul3A_45 : i32
      %add3A_47 = arith.constant 0 : i32
      %add3A_48 = arith.addi %add3A_47, %mul3A_46 : i32
      %ge3A = arith.constant 1 : i32
      %ge3A_49 = arith.cmpi sge, %add3A_48, %ge3A : i32
      %convert_element_type3A = arith.extui %ge3A_49 : i1 to i32
      %cond3A = arith.constant 0 : i32
      %cond3A_50 = arith.cmpi ne, %convert_element_type3A, %cond3A : i32
      scf.if %cond3A_50 {
        %dma_wait3A_97 = arith.constant 0 : i32
        %dma_wait3A_98 = tpu.memref_slice %arg4[%mul3A_2, %dma_wait3A_97] : memref<81920x128xf32, #tpu.memory_space<hbm>> -> memref<128x128xf32, #tpu.memory_space<hbm>>
        %dma_wait3A_99 = arith.constant 0 : i32
        %dma_wait3A_100 = tpu.memref_slice %arg4[%mul3A_2, %dma_wait3A_99] : memref<81920x128xf32, #tpu.memory_space<hbm>> -> memref<128x128xf32, #tpu.memory_space<hbm>>
        tpu.wait_dma2 semaphore(%arg11 : memref<!tpu.dma_semaphore, #tpu.memory_space<semaphore_mem>>) src(%arg7 : memref<128x128xf32, #tpu.memory_space<vmem>>) dst(%dma_wait3A_100 : memref<128x128xf32, #tpu.memory_space<hbm>>)
      } else {
      }
      %add3A_51 = arith.constant 1 : i32
      %add3A_52 = arith.addi %add3A_48, %add3A_51 : i32
      %lt3A = arith.constant 20 : i32
      %lt3A_53 = arith.cmpi slt, %add3A_52, %lt3A : i32
      %convert_element_type3A_54 = arith.extui %lt3A_53 : i1 to i32
      %cond3A_55 = arith.constant 0 : i32
      %cond3A_56 = arith.cmpi ne, %convert_element_type3A_54, %cond3A_55 : i32
      scf.if %cond3A_56 {
        %add3A_97 = arith.constant 1 : i32
        %add3A_98 = arith.addi %add3A_48, %add3A_97 : i32
        %dma_start3A_99 = arith.constant 0 : i32
        %dma_start3A_100 = tpu.memref_slice %arg5[%add3A_98, %dma_start3A_99] : memref<20x128xi32, #tpu.memory_space<vmem>> -> memref<1x128xi32, #tpu.memory_space<vmem>>
        %dma_start3A_101 = tpu.memref_squeeze %dma_start3A_100 : memref<1x128xi32, #tpu.memory_space<vmem>> -> memref<128xi32, #tpu.memory_space<vmem>>
        %dma_start3A_102 = arith.constant 0 : i32
        %dma_start3A_103 = arith.constant 0 : i32
        %dma_start3A_104 = tpu.memref_slice %arg8[%dma_start3A_102, %dma_start3A_103] : memref<10240x128xf32, #tpu.memory_space<vmem_shared>> -> memref<10240x128xf32, #tpu.memory_space<vmem_shared>>
        tpu.enqueue_indirect_dma source(%dma_start3A_104 : memref<10240x128xf32, #tpu.memory_space<vmem_shared>>) target(%arg7 : memref<128x128xf32, #tpu.memory_space<vmem>>) offsets(%dma_start3A_101 : memref<128xi32, #tpu.memory_space<vmem>>) semaphore(%arg9 : memref<!tpu.dma_semaphore, #tpu.memory_space<semaphore_mem>>)
      } else {
      }
      %dma_wait3A_57 = arith.constant 0 : i32
      %dma_wait3A_58 = tpu.memref_slice %arg5[%add3A_48, %dma_wait3A_57] : memref<20x128xi32, #tpu.memory_space<vmem>> -> memref<1x128xi32, #tpu.memory_space<vmem>>
      %dma_wait3A_59 = tpu.memref_squeeze %dma_wait3A_58 : memref<1x128xi32, #tpu.memory_space<vmem>> -> memref<128xi32, #tpu.memory_space<vmem>>
      %dma_wait3A_60 = arith.constant 0 : i32
      %dma_wait3A_61 = arith.constant 0 : i32
      %dma_wait3A_62 = tpu.memref_slice %arg8[%dma_wait3A_60, %dma_wait3A_61] : memref<10240x128xf32, #tpu.memory_space<vmem_shared>> -> memref<10240x128xf32, #tpu.memory_space<vmem_shared>>
      tpu.wait_indirect_dma semaphore(%arg9 : memref<!tpu.dma_semaphore, #tpu.memory_space<semaphore_mem>>) src(%dma_wait3A_62 : memref<10240x128xf32, #tpu.memory_space<vmem_shared>>) dst(%arg6 : memref<128x128xf32, #tpu.memory_space<vmem>>)
      %mul3A_63 = arith.constant 128 : i32
      %mul3A_64 = arith.muli %add3A_48, %mul3A_63 : i32
      %add3A_65 = arith.addi %mul3A_2, %mul3A_64 : i32
      %dma_start3A_66 = arith.constant 0 : i32
      %dma_start3A_67 = tpu.memref_slice %arg4[%add3A_65, %dma_start3A_66] : memref<81920x128xf32, #tpu.memory_space<hbm>> -> memref<128x128xf32, #tpu.memory_space<hbm>>
      %dma_start3A_68 = arith.constant 0 : i32
      %dma_start3A_69 = tpu.memref_slice %arg4[%add3A_65, %dma_start3A_68] : memref<81920x128xf32, #tpu.memory_space<hbm>> -> memref<128x128xf32, #tpu.memory_space<hbm>>
      tpu.enqueue_dma source(%arg6 : memref<128x128xf32, #tpu.memory_space<vmem>>) target(%dma_start3A_69 : memref<128x128xf32, #tpu.memory_space<hbm>>) target_semaphore(%arg11 : memref<!tpu.dma_semaphore, #tpu.memory_space<semaphore_mem>>)
      %add3A_70 = arith.constant 1 : i32
      %add3A_71 = arith.addi %add3A_48, %add3A_70 : i32
      %ge3A_72 = arith.constant 1 : i32
      %ge3A_73 = arith.cmpi sge, %add3A_71, %ge3A_72 : i32
      %convert_element_type3A_74 = arith.extui %ge3A_73 : i1 to i32
      %cond3A_75 = arith.constant 0 : i32
      %cond3A_76 = arith.cmpi ne, %convert_element_type3A_74, %cond3A_75 : i32
      scf.if %cond3A_76 {
        %dma_wait3A_97 = arith.constant 0 : i32
        %dma_wait3A_98 = tpu.memref_slice %arg4[%mul3A_2, %dma_wait3A_97] : memref<81920x128xf32, #tpu.memory_space<hbm>> -> memref<128x128xf32, #tpu.memory_space<hbm>>
        %dma_wait3A_99 = arith.constant 0 : i32
        %dma_wait3A_100 = tpu.memref_slice %arg4[%mul3A_2, %dma_wait3A_99] : memref<81920x128xf32, #tpu.memory_space<hbm>> -> memref<128x128xf32, #tpu.memory_space<hbm>>
        tpu.wait_dma2 semaphore(%arg11 : memref<!tpu.dma_semaphore, #tpu.memory_space<semaphore_mem>>) src(%arg6 : memref<128x128xf32, #tpu.memory_space<vmem>>) dst(%dma_wait3A_100 : memref<128x128xf32, #tpu.memory_space<hbm>>)
      } else {
      }
      %add3A_77 = arith.constant 1 : i32
      %add3A_78 = arith.addi %add3A_71, %add3A_77 : i32
      %lt3A_79 = arith.constant 20 : i32
      %lt3A_80 = arith.cmpi slt, %add3A_78, %lt3A_79 : i32
      %convert_element_type3A_81 = arith.extui %lt3A_80 : i1 to i32
      %cond3A_82 = arith.constant 0 : i32
      %cond3A_83 = arith.cmpi ne, %convert_element_type3A_81, %cond3A_82 : i32
      scf.if %cond3A_83 {
        %add3A_97 = arith.constant 1 : i32
        %add3A_98 = arith.addi %add3A_71, %add3A_97 : i32
        %dma_start3A_99 = arith.constant 0 : i32
        %dma_start3A_100 = tpu.memref_slice %arg5[%add3A_98, %dma_start3A_99] : memref<20x128xi32, #tpu.memory_space<vmem>> -> memref<1x128xi32, #tpu.memory_space<vmem>>
        %dma_start3A_101 = tpu.memref_squeeze %dma_start3A_100 : memref<1x128xi32, #tpu.memory_space<vmem>> -> memref<128xi32, #tpu.memory_space<vmem>>
        %dma_start3A_102 = arith.constant 0 : i32
        %dma_start3A_103 = arith.constant 0 : i32
        %dma_start3A_104 = tpu.memref_slice %arg8[%dma_start3A_102, %dma_start3A_103] : memref<10240x128xf32, #tpu.memory_space<vmem_shared>> -> memref<10240x128xf32, #tpu.memory_space<vmem_shared>>
        tpu.enqueue_indirect_dma source(%dma_start3A_104 : memref<10240x128xf32, #tpu.memory_space<vmem_shared>>) target(%arg6 : memref<128x128xf32, #tpu.memory_space<vmem>>) offsets(%dma_start3A_101 : memref<128xi32, #tpu.memory_space<vmem>>) semaphore(%arg9 : memref<!tpu.dma_semaphore, #tpu.memory_space<semaphore_mem>>)
      } else {
      }
      %dma_wait3A_84 = arith.constant 0 : i32
      %dma_wait3A_85 = tpu.memref_slice %arg5[%add3A_71, %dma_wait3A_84] : memref<20x128xi32, #tpu.memory_space<vmem>> -> memref<1x128xi32, #tpu.memory_space<vmem>>
      %dma_wait3A_86 = tpu.memref_squeeze %dma_wait3A_85 : memref<1x128xi32, #tpu.memory_space<vmem>> -> memref<128xi32, #tpu.memory_space<vmem>>
      %dma_wait3A_87 = arith.constant 0 : i32
      %dma_wait3A_88 = arith.constant 0 : i32
      %dma_wait3A_89 = tpu.memref_slice %arg8[%dma_wait3A_87, %dma_wait3A_88] : memref<10240x128xf32, #tpu.memory_space<vmem_shared>> -> memref<10240x128xf32, #tpu.memory_space<vmem_shared>>
      tpu.wait_indirect_dma semaphore(%arg9 : memref<!tpu.dma_semaphore, #tpu.memory_space<semaphore_mem>>) src(%dma_wait3A_89 : memref<10240x128xf32, #tpu.memory_space<vmem_shared>>) dst(%arg7 : memref<128x128xf32, #tpu.memory_space<vmem>>)
      %mul3A_90 = arith.constant 128 : i32
      %mul3A_91 = arith.muli %add3A_71, %mul3A_90 : i32
      %add3A_92 = arith.addi %mul3A_2, %mul3A_91 : i32
      %dma_start3A_93 = arith.constant 0 : i32
      %dma_start3A_94 = tpu.memref_slice %arg4[%add3A_92, %dma_start3A_93] : memref<81920x128xf32, #tpu.memory_space<hbm>> -> memref<128x128xf32, #tpu.memory_space<hbm>>
      %dma_start3A_95 = arith.constant 0 : i32
      %dma_start3A_96 = tpu.memref_slice %arg4[%add3A_92, %dma_start3A_95] : memref<81920x128xf32, #tpu.memory_space<hbm>> -> memref<128x128xf32, #tpu.memory_space<hbm>>
      tpu.enqueue_dma source(%arg7 : memref<128x128xf32, #tpu.memory_space<vmem>>) target(%dma_start3A_96 : memref<128x128xf32, #tpu.memory_space<hbm>>) target_semaphore(%arg11 : memref<!tpu.dma_semaphore, #tpu.memory_space<semaphore_mem>>)
    }
    %scan3A_39 = arith.constant 10 : i32
    %dma_wait3A_40 = arith.constant 0 : i32
    %dma_wait3A_41 = tpu.memref_slice %arg4[%mul3A_2, %dma_wait3A_40] : memref<81920x128xf32, #tpu.memory_space<hbm>> -> memref<128x128xf32, #tpu.memory_space<hbm>>
    %dma_wait3A_42 = arith.constant 0 : i32
    %dma_wait3A_43 = tpu.memref_slice %arg4[%mul3A_2, %dma_wait3A_42] : memref<81920x128xf32, #tpu.memory_space<hbm>> -> memref<128x128xf32, #tpu.memory_space<hbm>>
    tpu.wait_dma2 semaphore(%arg11 : memref<!tpu.dma_semaphore, #tpu.memory_space<semaphore_mem>>) src(%arg6 : memref<128x128xf32, #tpu.memory_space<vmem>>) dst(%dma_wait3A_43 : memref<128x128xf32, #tpu.memory_space<hbm>>)
    return
  }
}

#map = affine_map<(d0, d1) -> (0, 0)>
#map1 = affine_map<(d0, d1) -> (0, 0, 0)>
module attributes {stable_mosaic.version = 14 : i64} {
  func.func @k(%arg0: i32, %arg1: i32, %arg2: memref<10240x128xf32, #tpu.memory_space<hbm>>, %arg3: memref<32x20x128xi32, #tpu.memory_space<hbm>>, %arg4: memref<81920x128xf32, #tpu.memory_space<hbm>>, %arg5: memref<20x128xi32, #tpu.memory_space<vmem>>, %arg6: memref<128x128xf32, #tpu.memory_space<vmem>>, %arg7: memref<128x128xf32, #tpu.memory_space<vmem>>, %arg8: memref<10240x128xf32, #tpu.memory_space<vmem_shared>>, %arg9: memref<!tpu.dma_semaphore, #tpu.memory_space<semaphore_mem>>, %arg10: memref<!tpu.dma_semaphore, #tpu.memory_space<semaphore_mem>>, %arg11: memref<!tpu.dma_semaphore, #tpu.memory_space<semaphore_mem>>) attributes {dimension_semantics = [#tpu.dimension_semantics<core_parallel>, #tpu.dimension_semantics<subcore_parallel>], iteration_bounds = array<i64: 2, 16>, scalar_prefetch = 0 : i64, scratch_operands = 7 : i64, tpu.core_type = #tpu.core_type<sc_vector_subcore>, window_params = [{transform_indices = #map}, {transform_indices = #map1}, {transform_indices = #map}]} {
    %mul3A = arith.constant 16 : i32
    %mul3A_0 = arith.muli %arg0, %mul3A : i32
    %add3A = arith.addi %mul3A_0, %arg1 : i32
    %mul3A_1 = arith.constant 2560 : i32
    %mul3A_2 = arith.muli %add3A, %mul3A_1 : i32
    %mul3A_3 = arith.constant 640 : i32
    %mul3A_4 = arith.muli %arg1, %mul3A_3 : i32
    %mul3A_5 = arith.constant 640 : i32
    %mul3A_6 = arith.muli %arg1, %mul3A_5 : i32
    %dma_start3A = arith.constant 0 : i32
    %dma_start3A_7 = tpu.memref_slice %arg8[%mul3A_6, %dma_start3A] : memref<10240x128xf32, #tpu.memory_space<vmem_shared>> -> memref<640x128xf32, #tpu.memory_space<vmem_shared>>
    %dma_start3A_8 = arith.constant 0 : i32
    %dma_start3A_9 = tpu.memref_slice %arg2[%mul3A_4, %dma_start3A_8] : memref<10240x128xf32, #tpu.memory_space<hbm>> -> memref<640x128xf32, #tpu.memory_space<hbm>>
    tpu.enqueue_dma source(%dma_start3A_9 : memref<640x128xf32, #tpu.memory_space<hbm>>) target(%dma_start3A_7 : memref<640x128xf32, #tpu.memory_space<vmem_shared>>) target_semaphore(%arg10 : memref<!tpu.dma_semaphore, #tpu.memory_space<semaphore_mem>>)
    %dma_start3A_10 = arith.constant 0 : i32
    %dma_start3A_11 = arith.constant 0 : i32
    %dma_start3A_12 = tpu.memref_slice %arg3[%add3A, %dma_start3A_10, %dma_start3A_11] : memref<32x20x128xi32, #tpu.memory_space<hbm>> -> memref<1x20x128xi32, #tpu.memory_space<hbm>>
    %dma_start3A_13 = tpu.memref_squeeze %dma_start3A_12 : memref<1x20x128xi32, #tpu.memory_space<hbm>> -> memref<20x128xi32, #tpu.memory_space<hbm>>
    %dma_start3A_14 = arith.constant 0 : i32
    %dma_start3A_15 = arith.constant 0 : i32
    %dma_start3A_16 = tpu.memref_slice %arg3[%add3A, %dma_start3A_14, %dma_start3A_15] : memref<32x20x128xi32, #tpu.memory_space<hbm>> -> memref<1x20x128xi32, #tpu.memory_space<hbm>>
    %dma_start3A_17 = tpu.memref_squeeze %dma_start3A_16 : memref<1x20x128xi32, #tpu.memory_space<hbm>> -> memref<20x128xi32, #tpu.memory_space<hbm>>
    tpu.enqueue_dma source(%dma_start3A_17 : memref<20x128xi32, #tpu.memory_space<hbm>>) target(%arg5 : memref<20x128xi32, #tpu.memory_space<vmem>>) target_semaphore(%arg9 : memref<!tpu.dma_semaphore, #tpu.memory_space<semaphore_mem>>)
    %dma_wait3A = arith.constant 0 : i32
    %dma_wait3A_18 = arith.constant 0 : i32
    %dma_wait3A_19 = tpu.memref_slice %arg3[%add3A, %dma_wait3A, %dma_wait3A_18] : memref<32x20x128xi32, #tpu.memory_space<hbm>> -> memref<1x20x128xi32, #tpu.memory_space<hbm>>
    %dma_wait3A_20 = tpu.memref_squeeze %dma_wait3A_19 : memref<1x20x128xi32, #tpu.memory_space<hbm>> -> memref<20x128xi32, #tpu.memory_space<hbm>>
    %dma_wait3A_21 = arith.constant 0 : i32
    %dma_wait3A_22 = arith.constant 0 : i32
    %dma_wait3A_23 = tpu.memref_slice %arg3[%add3A, %dma_wait3A_21, %dma_wait3A_22] : memref<32x20x128xi32, #tpu.memory_space<hbm>> -> memref<1x20x128xi32, #tpu.memory_space<hbm>>
    %dma_wait3A_24 = tpu.memref_squeeze %dma_wait3A_23 : memref<1x20x128xi32, #tpu.memory_space<hbm>> -> memref<20x128xi32, #tpu.memory_space<hbm>>
    tpu.wait_dma2 semaphore(%arg9 : memref<!tpu.dma_semaphore, #tpu.memory_space<semaphore_mem>>) src(%dma_wait3A_24 : memref<20x128xi32, #tpu.memory_space<hbm>>) dst(%arg5 : memref<20x128xi32, #tpu.memory_space<vmem>>)
    %dma_wait3A_25 = arith.constant 0 : i32
    %dma_wait3A_26 = tpu.memref_slice %arg8[%mul3A_6, %dma_wait3A_25] : memref<10240x128xf32, #tpu.memory_space<vmem_shared>> -> memref<640x128xf32, #tpu.memory_space<vmem_shared>>
    %dma_wait3A_27 = arith.constant 0 : i32
    %dma_wait3A_28 = tpu.memref_slice %arg2[%mul3A_4, %dma_wait3A_27] : memref<10240x128xf32, #tpu.memory_space<hbm>> -> memref<640x128xf32, #tpu.memory_space<hbm>>
    tpu.wait_dma2 semaphore(%arg10 : memref<!tpu.dma_semaphore, #tpu.memory_space<semaphore_mem>>) src(%dma_wait3A_28 : memref<640x128xf32, #tpu.memory_space<hbm>>) dst(%dma_wait3A_26 : memref<640x128xf32, #tpu.memory_space<vmem_shared>>)
    %barrier3A = arith.constant 0 : index
    tpu.barrier barrier_id(%barrier3A)
    %dma_start3A_29 = arith.constant 0 : i32
    %dma_start3A_30 = arith.constant 0 : i32
    %dma_start3A_31 = tpu.memref_slice %arg5[%dma_start3A_29, %dma_start3A_30] : memref<20x128xi32, #tpu.memory_space<vmem>> -> memref<1x128xi32, #tpu.memory_space<vmem>>
    %dma_start3A_32 = tpu.memref_squeeze %dma_start3A_31 : memref<1x128xi32, #tpu.memory_space<vmem>> -> memref<128xi32, #tpu.memory_space<vmem>>
    %dma_start3A_33 = arith.constant 0 : i32
    %dma_start3A_34 = arith.constant 0 : i32
    %dma_start3A_35 = tpu.memref_slice %arg8[%dma_start3A_33, %dma_start3A_34] : memref<10240x128xf32, #tpu.memory_space<vmem_shared>> -> memref<10240x128xf32, #tpu.memory_space<vmem_shared>>
    tpu.enqueue_indirect_dma source(%dma_start3A_35 : memref<10240x128xf32, #tpu.memory_space<vmem_shared>>) target(%arg6 : memref<128x128xf32, #tpu.memory_space<vmem>>) offsets(%dma_start3A_32 : memref<128xi32, #tpu.memory_space<vmem>>) semaphore(%arg9 : memref<!tpu.dma_semaphore, #tpu.memory_space<semaphore_mem>>)
    %scan3A = arith.constant 0 : i32
    %scan3A_36 = arith.constant 10 : i32
    %scan3A_37 = arith.addi %scan3A, %scan3A_36 : i32
    %scan3A_38 = arith.constant 1 : i32
    scf.for %scan3A_44 = %scan3A to %scan3A_37 step %scan3A_38  : i32 {
      %mul3A_45 = arith.constant 2 : i32
      %mul3A_46 = arith.muli %scan3A_44, %mul3A_45 : i32
      %add3A_47 = arith.constant 0 : i32
      %add3A_48 = arith.addi %add3A_47, %mul3A_46 : i32
      %ge3A = arith.constant 1 : i32
      %ge3A_49 = arith.cmpi sge, %add3A_48, %ge3A : i32
      %convert_element_type3A = arith.extui %ge3A_49 : i1 to i32
      %cond3A = arith.constant 0 : i32
      %cond3A_50 = arith.cmpi ne, %convert_element_type3A, %cond3A : i32
      scf.if %cond3A_50 {
        %dma_wait3A_97 = arith.constant 0 : i32
        %dma_wait3A_98 = tpu.memref_slice %arg4[%mul3A_2, %dma_wait3A_97] : memref<81920x128xf32, #tpu.memory_space<hbm>> -> memref<128x128xf32, #tpu.memory_space<hbm>>
        %dma_wait3A_99 = arith.constant 0 : i32
        %dma_wait3A_100 = tpu.memref_slice %arg4[%mul3A_2, %dma_wait3A_99] : memref<81920x128xf32, #tpu.memory_space<hbm>> -> memref<128x128xf32, #tpu.memory_space<hbm>>
        tpu.wait_dma2 semaphore(%arg11 : memref<!tpu.dma_semaphore, #tpu.memory_space<semaphore_mem>>) src(%arg7 : memref<128x128xf32, #tpu.memory_space<vmem>>) dst(%dma_wait3A_100 : memref<128x128xf32, #tpu.memory_space<hbm>>)
      } else {
      }
      %add3A_51 = arith.constant 1 : i32
      %add3A_52 = arith.addi %add3A_48, %add3A_51 : i32
      %lt3A = arith.constant 20 : i32
      %lt3A_53 = arith.cmpi slt, %add3A_52, %lt3A : i32
      %convert_element_type3A_54 = arith.extui %lt3A_53 : i1 to i32
      %cond3A_55 = arith.constant 0 : i32
      %cond3A_56 = arith.cmpi ne, %convert_element_type3A_54, %cond3A_55 : i32
      scf.if %cond3A_56 {
        %add3A_97 = arith.constant 1 : i32
        %add3A_98 = arith.addi %add3A_48, %add3A_97 : i32
        %dma_start3A_99 = arith.constant 0 : i32
        %dma_start3A_100 = tpu.memref_slice %arg5[%add3A_98, %dma_start3A_99] : memref<20x128xi32, #tpu.memory_space<vmem>> -> memref<1x128xi32, #tpu.memory_space<vmem>>
        %dma_start3A_101 = tpu.memref_squeeze %dma_start3A_100 : memref<1x128xi32, #tpu.memory_space<vmem>> -> memref<128xi32, #tpu.memory_space<vmem>>
        %dma_start3A_102 = arith.constant 0 : i32
        %dma_start3A_103 = arith.constant 0 : i32
        %dma_start3A_104 = tpu.memref_slice %arg8[%dma_start3A_102, %dma_start3A_103] : memref<10240x128xf32, #tpu.memory_space<vmem_shared>> -> memref<10240x128xf32, #tpu.memory_space<vmem_shared>>
        tpu.enqueue_indirect_dma source(%dma_start3A_104 : memref<10240x128xf32, #tpu.memory_space<vmem_shared>>) target(%arg7 : memref<128x128xf32, #tpu.memory_space<vmem>>) offsets(%dma_start3A_101 : memref<128xi32, #tpu.memory_space<vmem>>) semaphore(%arg9 : memref<!tpu.dma_semaphore, #tpu.memory_space<semaphore_mem>>)
      } else {
      }
      %dma_wait3A_57 = arith.constant 0 : i32
      %dma_wait3A_58 = tpu.memref_slice %arg5[%add3A_48, %dma_wait3A_57] : memref<20x128xi32, #tpu.memory_space<vmem>> -> memref<1x128xi32, #tpu.memory_space<vmem>>
      %dma_wait3A_59 = tpu.memref_squeeze %dma_wait3A_58 : memref<1x128xi32, #tpu.memory_space<vmem>> -> memref<128xi32, #tpu.memory_space<vmem>>
      %dma_wait3A_60 = arith.constant 0 : i32
      %dma_wait3A_61 = arith.constant 0 : i32
      %dma_wait3A_62 = tpu.memref_slice %arg8[%dma_wait3A_60, %dma_wait3A_61] : memref<10240x128xf32, #tpu.memory_space<vmem_shared>> -> memref<10240x128xf32, #tpu.memory_space<vmem_shared>>
      tpu.wait_indirect_dma semaphore(%arg9 : memref<!tpu.dma_semaphore, #tpu.memory_space<semaphore_mem>>) src(%dma_wait3A_62 : memref<10240x128xf32, #tpu.memory_space<vmem_shared>>) dst(%arg6 : memref<128x128xf32, #tpu.memory_space<vmem>>)
      %mul3A_63 = arith.constant 128 : i32
      %mul3A_64 = arith.muli %add3A_48, %mul3A_63 : i32
      %add3A_65 = arith.addi %mul3A_2, %mul3A_64 : i32
      %dma_start3A_66 = arith.constant 0 : i32
      %dma_start3A_67 = tpu.memref_slice %arg4[%add3A_65, %dma_start3A_66] : memref<81920x128xf32, #tpu.memory_space<hbm>> -> memref<128x128xf32, #tpu.memory_space<hbm>>
      %dma_start3A_68 = arith.constant 0 : i32
      %dma_start3A_69 = tpu.memref_slice %arg4[%add3A_65, %dma_start3A_68] : memref<81920x128xf32, #tpu.memory_space<hbm>> -> memref<128x128xf32, #tpu.memory_space<hbm>>
      tpu.enqueue_dma source(%arg6 : memref<128x128xf32, #tpu.memory_space<vmem>>) target(%dma_start3A_69 : memref<128x128xf32, #tpu.memory_space<hbm>>) target_semaphore(%arg11 : memref<!tpu.dma_semaphore, #tpu.memory_space<semaphore_mem>>)
      %add3A_70 = arith.constant 1 : i32
      %add3A_71 = arith.addi %add3A_48, %add3A_70 : i32
      %ge3A_72 = arith.constant 1 : i32
      %ge3A_73 = arith.cmpi sge, %add3A_71, %ge3A_72 : i32
      %convert_element_type3A_74 = arith.extui %ge3A_73 : i1 to i32
      %cond3A_75 = arith.constant 0 : i32
      %cond3A_76 = arith.cmpi ne, %convert_element_type3A_74, %cond3A_75 : i32
      scf.if %cond3A_76 {
        %dma_wait3A_97 = arith.constant 0 : i32
        %dma_wait3A_98 = tpu.memref_slice %arg4[%mul3A_2, %dma_wait3A_97] : memref<81920x128xf32, #tpu.memory_space<hbm>> -> memref<128x128xf32, #tpu.memory_space<hbm>>
        %dma_wait3A_99 = arith.constant 0 : i32
        %dma_wait3A_100 = tpu.memref_slice %arg4[%mul3A_2, %dma_wait3A_99] : memref<81920x128xf32, #tpu.memory_space<hbm>> -> memref<128x128xf32, #tpu.memory_space<hbm>>
        tpu.wait_dma2 semaphore(%arg11 : memref<!tpu.dma_semaphore, #tpu.memory_space<semaphore_mem>>) src(%arg6 : memref<128x128xf32, #tpu.memory_space<vmem>>) dst(%dma_wait3A_100 : memref<128x128xf32, #tpu.memory_space<hbm>>)
      } else {
      }
      %add3A_77 = arith.constant 1 : i32
      %add3A_78 = arith.addi %add3A_71, %add3A_77 : i32
      %lt3A_79 = arith.constant 20 : i32
      %lt3A_80 = arith.cmpi slt, %add3A_78, %lt3A_79 : i32
      %convert_element_type3A_81 = arith.extui %lt3A_80 : i1 to i32
      %cond3A_82 = arith.constant 0 : i32
      %cond3A_83 = arith.cmpi ne, %convert_element_type3A_81, %cond3A_82 : i32
      scf.if %cond3A_83 {
        %add3A_97 = arith.constant 1 : i32
        %add3A_98 = arith.addi %add3A_71, %add3A_97 : i32
        %dma_start3A_99 = arith.constant 0 : i32
        %dma_start3A_100 = tpu.memref_slice %arg5[%add3A_98, %dma_start3A_99] : memref<20x128xi32, #tpu.memory_space<vmem>> -> memref<1x128xi32, #tpu.memory_space<vmem>>
        %dma_start3A_101 = tpu.memref_squeeze %dma_start3A_100 : memref<1x128xi32, #tpu.memory_space<vmem>> -> memref<128xi32, #tpu.memory_space<vmem>>
        %dma_start3A_102 = arith.constant 0 : i32
        %dma_start3A_103 = arith.constant 0 : i32
        %dma_start3A_104 = tpu.memref_slice %arg8[%dma_start3A_102, %dma_start3A_103] : memref<10240x128xf32, #tpu.memory_space<vmem_shared>> -> memref<10240x128xf32, #tpu.memory_space<vmem_shared>>
        tpu.enqueue_indirect_dma source(%dma_start3A_104 : memref<10240x128xf32, #tpu.memory_space<vmem_shared>>) target(%arg6 : memref<128x128xf32, #tpu.memory_space<vmem>>) offsets(%dma_start3A_101 : memref<128xi32, #tpu.memory_space<vmem>>) semaphore(%arg9 : memref<!tpu.dma_semaphore, #tpu.memory_space<semaphore_mem>>)
      } else {
      }
      %dma_wait3A_84 = arith.constant 0 : i32
      %dma_wait3A_85 = tpu.memref_slice %arg5[%add3A_71, %dma_wait3A_84] : memref<20x128xi32, #tpu.memory_space<vmem>> -> memref<1x128xi32, #tpu.memory_space<vmem>>
      %dma_wait3A_86 = tpu.memref_squeeze %dma_wait3A_85 : memref<1x128xi32, #tpu.memory_space<vmem>> -> memref<128xi32, #tpu.memory_space<vmem>>
      %dma_wait3A_87 = arith.constant 0 : i32
      %dma_wait3A_88 = arith.constant 0 : i32
      %dma_wait3A_89 = tpu.memref_slice %arg8[%dma_wait3A_87, %dma_wait3A_88] : memref<10240x128xf32, #tpu.memory_space<vmem_shared>> -> memref<10240x128xf32, #tpu.memory_space<vmem_shared>>
      tpu.wait_indirect_dma semaphore(%arg9 : memref<!tpu.dma_semaphore, #tpu.memory_space<semaphore_mem>>) src(%dma_wait3A_89 : memref<10240x128xf32, #tpu.memory_space<vmem_shared>>) dst(%arg7 : memref<128x128xf32, #tpu.memory_space<vmem>>)
      %mul3A_90 = arith.constant 128 : i32
      %mul3A_91 = arith.muli %add3A_71, %mul3A_90 : i32
      %add3A_92 = arith.addi %mul3A_2, %mul3A_91 : i32
      %dma_start3A_93 = arith.constant 0 : i32
      %dma_start3A_94 = tpu.memref_slice %arg4[%add3A_92, %dma_start3A_93] : memref<81920x128xf32, #tpu.memory_space<hbm>> -> memref<128x128xf32, #tpu.memory_space<hbm>>
      %dma_start3A_95 = arith.constant 0 : i32
      %dma_start3A_96 = tpu.memref_slice %arg4[%add3A_92, %dma_start3A_95] : memref<81920x128xf32, #tpu.memory_space<hbm>> -> memref<128x128xf32, #tpu.memory_space<hbm>>
      tpu.enqueue_dma source(%arg7 : memref<128x128xf32, #tpu.memory_space<vmem>>) target(%dma_start3A_96 : memref<128x128xf32, #tpu.memory_space<hbm>>) target_semaphore(%arg11 : memref<!tpu.dma_semaphore, #tpu.memory_space<semaphore_mem>>)
    }
    %scan3A_39 = arith.constant 10 : i32
    %dma_wait3A_40 = arith.constant 0 : i32
    %dma_wait3A_41 = tpu.memref_slice %arg4[%mul3A_2, %dma_wait3A_40] : memref<81920x128xf32, #tpu.memory_space<hbm>> -> memref<128x128xf32, #tpu.memory_space<hbm>>
    %dma_wait3A_42 = arith.constant 0 : i32
    %dma_wait3A_43 = tpu.memref_slice %arg4[%mul3A_2, %dma_wait3A_42] : memref<81920x128xf32, #tpu.memory_space<hbm>> -> memref<128x128xf32, #tpu.memory_space<hbm>>
    tpu.wait_dma2 semaphore(%arg11 : memref<!tpu.dma_semaphore, #tpu.memory_space<semaphore_mem>>) src(%arg6 : memref<128x128xf32, #tpu.memory_space<vmem>>) dst(%dma_wait3A_43 : memref<128x128xf32, #tpu.memory_space<hbm>>)
    return
  }
}

#map = affine_map<(d0, d1) -> (0, 0)>
#map1 = affine_map<(d0, d1) -> (0, 0, 0)>
module attributes {stable_mosaic.version = 14 : i64} {
  func.func @k(%arg0: i32, %arg1: i32, %arg2: memref<10240x128xf32, #tpu.memory_space<hbm>>, %arg3: memref<32x20x128xi32, #tpu.memory_space<hbm>>, %arg4: memref<81920x128xf32, #tpu.memory_space<hbm>>, %arg5: memref<20x128xi32, #tpu.memory_space<vmem>>, %arg6: memref<128x128xf32, #tpu.memory_space<vmem>>, %arg7: memref<128x128xf32, #tpu.memory_space<vmem>>, %arg8: memref<10240x128xf32, #tpu.memory_space<vmem_shared>>, %arg9: memref<!tpu.dma_semaphore, #tpu.memory_space<semaphore_mem>>, %arg10: memref<!tpu.dma_semaphore, #tpu.memory_space<semaphore_mem>>, %arg11: memref<!tpu.dma_semaphore, #tpu.memory_space<semaphore_mem>>) attributes {dimension_semantics = [#tpu.dimension_semantics<core_parallel>, #tpu.dimension_semantics<subcore_parallel>], iteration_bounds = array<i64: 2, 16>, scalar_prefetch = 0 : i64, scratch_operands = 7 : i64, tpu.core_type = #tpu.core_type<sc_vector_subcore>, window_params = [{transform_indices = #map}, {transform_indices = #map1}, {transform_indices = #map}]} {
    %mul3A = arith.constant 16 : i32
    %mul3A_0 = arith.muli %arg0, %mul3A : i32
    %add3A = arith.addi %mul3A_0, %arg1 : i32
    %mul3A_1 = arith.constant 2560 : i32
    %mul3A_2 = arith.muli %add3A, %mul3A_1 : i32
    %mul3A_3 = arith.constant 640 : i32
    %mul3A_4 = arith.muli %arg1, %mul3A_3 : i32
    %mul3A_5 = arith.constant 640 : i32
    %mul3A_6 = arith.muli %arg1, %mul3A_5 : i32
    %dma_start3A = arith.constant 0 : i32
    %dma_start3A_7 = tpu.memref_slice %arg8[%mul3A_6, %dma_start3A] : memref<10240x128xf32, #tpu.memory_space<vmem_shared>> -> memref<640x128xf32, #tpu.memory_space<vmem_shared>>
    %dma_start3A_8 = arith.constant 0 : i32
    %dma_start3A_9 = tpu.memref_slice %arg2[%mul3A_4, %dma_start3A_8] : memref<10240x128xf32, #tpu.memory_space<hbm>> -> memref<640x128xf32, #tpu.memory_space<hbm>>
    tpu.enqueue_dma source(%dma_start3A_9 : memref<640x128xf32, #tpu.memory_space<hbm>>) target(%dma_start3A_7 : memref<640x128xf32, #tpu.memory_space<vmem_shared>>) target_semaphore(%arg10 : memref<!tpu.dma_semaphore, #tpu.memory_space<semaphore_mem>>)
    %dma_start3A_10 = arith.constant 0 : i32
    %dma_start3A_11 = arith.constant 0 : i32
    %dma_start3A_12 = tpu.memref_slice %arg3[%add3A, %dma_start3A_10, %dma_start3A_11] : memref<32x20x128xi32, #tpu.memory_space<hbm>> -> memref<1x20x128xi32, #tpu.memory_space<hbm>>
    %dma_start3A_13 = tpu.memref_squeeze %dma_start3A_12 : memref<1x20x128xi32, #tpu.memory_space<hbm>> -> memref<20x128xi32, #tpu.memory_space<hbm>>
    %dma_start3A_14 = arith.constant 0 : i32
    %dma_start3A_15 = arith.constant 0 : i32
    %dma_start3A_16 = tpu.memref_slice %arg3[%add3A, %dma_start3A_14, %dma_start3A_15] : memref<32x20x128xi32, #tpu.memory_space<hbm>> -> memref<1x20x128xi32, #tpu.memory_space<hbm>>
    %dma_start3A_17 = tpu.memref_squeeze %dma_start3A_16 : memref<1x20x128xi32, #tpu.memory_space<hbm>> -> memref<20x128xi32, #tpu.memory_space<hbm>>
    tpu.enqueue_dma source(%dma_start3A_17 : memref<20x128xi32, #tpu.memory_space<hbm>>) target(%arg5 : memref<20x128xi32, #tpu.memory_space<vmem>>) target_semaphore(%arg9 : memref<!tpu.dma_semaphore, #tpu.memory_space<semaphore_mem>>)
    %dma_wait3A = arith.constant 0 : i32
    %dma_wait3A_18 = arith.constant 0 : i32
    %dma_wait3A_19 = tpu.memref_slice %arg3[%add3A, %dma_wait3A, %dma_wait3A_18] : memref<32x20x128xi32, #tpu.memory_space<hbm>> -> memref<1x20x128xi32, #tpu.memory_space<hbm>>
    %dma_wait3A_20 = tpu.memref_squeeze %dma_wait3A_19 : memref<1x20x128xi32, #tpu.memory_space<hbm>> -> memref<20x128xi32, #tpu.memory_space<hbm>>
    %dma_wait3A_21 = arith.constant 0 : i32
    %dma_wait3A_22 = arith.constant 0 : i32
    %dma_wait3A_23 = tpu.memref_slice %arg3[%add3A, %dma_wait3A_21, %dma_wait3A_22] : memref<32x20x128xi32, #tpu.memory_space<hbm>> -> memref<1x20x128xi32, #tpu.memory_space<hbm>>
    %dma_wait3A_24 = tpu.memref_squeeze %dma_wait3A_23 : memref<1x20x128xi32, #tpu.memory_space<hbm>> -> memref<20x128xi32, #tpu.memory_space<hbm>>
    tpu.wait_dma2 semaphore(%arg9 : memref<!tpu.dma_semaphore, #tpu.memory_space<semaphore_mem>>) src(%dma_wait3A_24 : memref<20x128xi32, #tpu.memory_space<hbm>>) dst(%arg5 : memref<20x128xi32, #tpu.memory_space<vmem>>)
    %dma_wait3A_25 = arith.constant 0 : i32
    %dma_wait3A_26 = tpu.memref_slice %arg8[%mul3A_6, %dma_wait3A_25] : memref<10240x128xf32, #tpu.memory_space<vmem_shared>> -> memref<640x128xf32, #tpu.memory_space<vmem_shared>>
    %dma_wait3A_27 = arith.constant 0 : i32
    %dma_wait3A_28 = tpu.memref_slice %arg2[%mul3A_4, %dma_wait3A_27] : memref<10240x128xf32, #tpu.memory_space<hbm>> -> memref<640x128xf32, #tpu.memory_space<hbm>>
    tpu.wait_dma2 semaphore(%arg10 : memref<!tpu.dma_semaphore, #tpu.memory_space<semaphore_mem>>) src(%dma_wait3A_28 : memref<640x128xf32, #tpu.memory_space<hbm>>) dst(%dma_wait3A_26 : memref<640x128xf32, #tpu.memory_space<vmem_shared>>)
    %barrier3A = arith.constant 0 : index
    tpu.barrier barrier_id(%barrier3A)
    %dma_start3A_29 = arith.constant 0 : i32
    %dma_start3A_30 = arith.constant 0 : i32
    %dma_start3A_31 = tpu.memref_slice %arg5[%dma_start3A_29, %dma_start3A_30] : memref<20x128xi32, #tpu.memory_space<vmem>> -> memref<1x128xi32, #tpu.memory_space<vmem>>
    %dma_start3A_32 = tpu.memref_squeeze %dma_start3A_31 : memref<1x128xi32, #tpu.memory_space<vmem>> -> memref<128xi32, #tpu.memory_space<vmem>>
    %dma_start3A_33 = arith.constant 0 : i32
    %dma_start3A_34 = arith.constant 0 : i32
    %dma_start3A_35 = tpu.memref_slice %arg8[%dma_start3A_33, %dma_start3A_34] : memref<10240x128xf32, #tpu.memory_space<vmem_shared>> -> memref<10240x128xf32, #tpu.memory_space<vmem_shared>>
    tpu.enqueue_indirect_dma source(%dma_start3A_35 : memref<10240x128xf32, #tpu.memory_space<vmem_shared>>) target(%arg6 : memref<128x128xf32, #tpu.memory_space<vmem>>) offsets(%dma_start3A_32 : memref<128xi32, #tpu.memory_space<vmem>>) semaphore(%arg9 : memref<!tpu.dma_semaphore, #tpu.memory_space<semaphore_mem>>)
    %scan3A = arith.constant 0 : i32
    %scan3A_36 = arith.constant 10 : i32
    %scan3A_37 = arith.addi %scan3A, %scan3A_36 : i32
    %scan3A_38 = arith.constant 1 : i32
    scf.for %scan3A_44 = %scan3A to %scan3A_37 step %scan3A_38  : i32 {
      %mul3A_45 = arith.constant 2 : i32
      %mul3A_46 = arith.muli %scan3A_44, %mul3A_45 : i32
      %add3A_47 = arith.constant 0 : i32
      %add3A_48 = arith.addi %add3A_47, %mul3A_46 : i32
      %ge3A = arith.constant 1 : i32
      %ge3A_49 = arith.cmpi sge, %add3A_48, %ge3A : i32
      %convert_element_type3A = arith.extui %ge3A_49 : i1 to i32
      %cond3A = arith.constant 0 : i32
      %cond3A_50 = arith.cmpi ne, %convert_element_type3A, %cond3A : i32
      scf.if %cond3A_50 {
        %dma_wait3A_97 = arith.constant 0 : i32
        %dma_wait3A_98 = tpu.memref_slice %arg4[%mul3A_2, %dma_wait3A_97] : memref<81920x128xf32, #tpu.memory_space<hbm>> -> memref<128x128xf32, #tpu.memory_space<hbm>>
        %dma_wait3A_99 = arith.constant 0 : i32
        %dma_wait3A_100 = tpu.memref_slice %arg4[%mul3A_2, %dma_wait3A_99] : memref<81920x128xf32, #tpu.memory_space<hbm>> -> memref<128x128xf32, #tpu.memory_space<hbm>>
        tpu.wait_dma2 semaphore(%arg11 : memref<!tpu.dma_semaphore, #tpu.memory_space<semaphore_mem>>) src(%arg7 : memref<128x128xf32, #tpu.memory_space<vmem>>) dst(%dma_wait3A_100 : memref<128x128xf32, #tpu.memory_space<hbm>>)
      } else {
      }
      %add3A_51 = arith.constant 1 : i32
      %add3A_52 = arith.addi %add3A_48, %add3A_51 : i32
      %lt3A = arith.constant 20 : i32
      %lt3A_53 = arith.cmpi slt, %add3A_52, %lt3A : i32
      %convert_element_type3A_54 = arith.extui %lt3A_53 : i1 to i32
      %cond3A_55 = arith.constant 0 : i32
      %cond3A_56 = arith.cmpi ne, %convert_element_type3A_54, %cond3A_55 : i32
      scf.if %cond3A_56 {
        %add3A_97 = arith.constant 1 : i32
        %add3A_98 = arith.addi %add3A_48, %add3A_97 : i32
        %dma_start3A_99 = arith.constant 0 : i32
        %dma_start3A_100 = tpu.memref_slice %arg5[%add3A_98, %dma_start3A_99] : memref<20x128xi32, #tpu.memory_space<vmem>> -> memref<1x128xi32, #tpu.memory_space<vmem>>
        %dma_start3A_101 = tpu.memref_squeeze %dma_start3A_100 : memref<1x128xi32, #tpu.memory_space<vmem>> -> memref<128xi32, #tpu.memory_space<vmem>>
        %dma_start3A_102 = arith.constant 0 : i32
        %dma_start3A_103 = arith.constant 0 : i32
        %dma_start3A_104 = tpu.memref_slice %arg8[%dma_start3A_102, %dma_start3A_103] : memref<10240x128xf32, #tpu.memory_space<vmem_shared>> -> memref<10240x128xf32, #tpu.memory_space<vmem_shared>>
        tpu.enqueue_indirect_dma source(%dma_start3A_104 : memref<10240x128xf32, #tpu.memory_space<vmem_shared>>) target(%arg7 : memref<128x128xf32, #tpu.memory_space<vmem>>) offsets(%dma_start3A_101 : memref<128xi32, #tpu.memory_space<vmem>>) semaphore(%arg9 : memref<!tpu.dma_semaphore, #tpu.memory_space<semaphore_mem>>)
      } else {
      }
      %dma_wait3A_57 = arith.constant 0 : i32
      %dma_wait3A_58 = tpu.memref_slice %arg5[%add3A_48, %dma_wait3A_57] : memref<20x128xi32, #tpu.memory_space<vmem>> -> memref<1x128xi32, #tpu.memory_space<vmem>>
      %dma_wait3A_59 = tpu.memref_squeeze %dma_wait3A_58 : memref<1x128xi32, #tpu.memory_space<vmem>> -> memref<128xi32, #tpu.memory_space<vmem>>
      %dma_wait3A_60 = arith.constant 0 : i32
      %dma_wait3A_61 = arith.constant 0 : i32
      %dma_wait3A_62 = tpu.memref_slice %arg8[%dma_wait3A_60, %dma_wait3A_61] : memref<10240x128xf32, #tpu.memory_space<vmem_shared>> -> memref<10240x128xf32, #tpu.memory_space<vmem_shared>>
      tpu.wait_indirect_dma semaphore(%arg9 : memref<!tpu.dma_semaphore, #tpu.memory_space<semaphore_mem>>) src(%dma_wait3A_62 : memref<10240x128xf32, #tpu.memory_space<vmem_shared>>) dst(%arg6 : memref<128x128xf32, #tpu.memory_space<vmem>>)
      %mul3A_63 = arith.constant 128 : i32
      %mul3A_64 = arith.muli %add3A_48, %mul3A_63 : i32
      %add3A_65 = arith.addi %mul3A_2, %mul3A_64 : i32
      %dma_start3A_66 = arith.constant 0 : i32
      %dma_start3A_67 = tpu.memref_slice %arg4[%add3A_65, %dma_start3A_66] : memref<81920x128xf32, #tpu.memory_space<hbm>> -> memref<128x128xf32, #tpu.memory_space<hbm>>
      %dma_start3A_68 = arith.constant 0 : i32
      %dma_start3A_69 = tpu.memref_slice %arg4[%add3A_65, %dma_start3A_68] : memref<81920x128xf32, #tpu.memory_space<hbm>> -> memref<128x128xf32, #tpu.memory_space<hbm>>
      tpu.enqueue_dma source(%arg6 : memref<128x128xf32, #tpu.memory_space<vmem>>) target(%dma_start3A_69 : memref<128x128xf32, #tpu.memory_space<hbm>>) target_semaphore(%arg11 : memref<!tpu.dma_semaphore, #tpu.memory_space<semaphore_mem>>)
      %add3A_70 = arith.constant 1 : i32
      %add3A_71 = arith.addi %add3A_48, %add3A_70 : i32
      %ge3A_72 = arith.constant 1 : i32
      %ge3A_73 = arith.cmpi sge, %add3A_71, %ge3A_72 : i32
      %convert_element_type3A_74 = arith.extui %ge3A_73 : i1 to i32
      %cond3A_75 = arith.constant 0 : i32
      %cond3A_76 = arith.cmpi ne, %convert_element_type3A_74, %cond3A_75 : i32
      scf.if %cond3A_76 {
        %dma_wait3A_97 = arith.constant 0 : i32
        %dma_wait3A_98 = tpu.memref_slice %arg4[%mul3A_2, %dma_wait3A_97] : memref<81920x128xf32, #tpu.memory_space<hbm>> -> memref<128x128xf32, #tpu.memory_space<hbm>>
        %dma_wait3A_99 = arith.constant 0 : i32
        %dma_wait3A_100 = tpu.memref_slice %arg4[%mul3A_2, %dma_wait3A_99] : memref<81920x128xf32, #tpu.memory_space<hbm>> -> memref<128x128xf32, #tpu.memory_space<hbm>>
        tpu.wait_dma2 semaphore(%arg11 : memref<!tpu.dma_semaphore, #tpu.memory_space<semaphore_mem>>) src(%arg6 : memref<128x128xf32, #tpu.memory_space<vmem>>) dst(%dma_wait3A_100 : memref<128x128xf32, #tpu.memory_space<hbm>>)
      } else {
      }
      %add3A_77 = arith.constant 1 : i32
      %add3A_78 = arith.addi %add3A_71, %add3A_77 : i32
      %lt3A_79 = arith.constant 20 : i32
      %lt3A_80 = arith.cmpi slt, %add3A_78, %lt3A_79 : i32
      %convert_element_type3A_81 = arith.extui %lt3A_80 : i1 to i32
      %cond3A_82 = arith.constant 0 : i32
      %cond3A_83 = arith.cmpi ne, %convert_element_type3A_81, %cond3A_82 : i32
      scf.if %cond3A_83 {
        %add3A_97 = arith.constant 1 : i32
        %add3A_98 = arith.addi %add3A_71, %add3A_97 : i32
        %dma_start3A_99 = arith.constant 0 : i32
        %dma_start3A_100 = tpu.memref_slice %arg5[%add3A_98, %dma_start3A_99] : memref<20x128xi32, #tpu.memory_space<vmem>> -> memref<1x128xi32, #tpu.memory_space<vmem>>
        %dma_start3A_101 = tpu.memref_squeeze %dma_start3A_100 : memref<1x128xi32, #tpu.memory_space<vmem>> -> memref<128xi32, #tpu.memory_space<vmem>>
        %dma_start3A_102 = arith.constant 0 : i32
        %dma_start3A_103 = arith.constant 0 : i32
        %dma_start3A_104 = tpu.memref_slice %arg8[%dma_start3A_102, %dma_start3A_103] : memref<10240x128xf32, #tpu.memory_space<vmem_shared>> -> memref<10240x128xf32, #tpu.memory_space<vmem_shared>>
        tpu.enqueue_indirect_dma source(%dma_start3A_104 : memref<10240x128xf32, #tpu.memory_space<vmem_shared>>) target(%arg6 : memref<128x128xf32, #tpu.memory_space<vmem>>) offsets(%dma_start3A_101 : memref<128xi32, #tpu.memory_space<vmem>>) semaphore(%arg9 : memref<!tpu.dma_semaphore, #tpu.memory_space<semaphore_mem>>)
      } else {
      }
      %dma_wait3A_84 = arith.constant 0 : i32
      %dma_wait3A_85 = tpu.memref_slice %arg5[%add3A_71, %dma_wait3A_84] : memref<20x128xi32, #tpu.memory_space<vmem>> -> memref<1x128xi32, #tpu.memory_space<vmem>>
      %dma_wait3A_86 = tpu.memref_squeeze %dma_wait3A_85 : memref<1x128xi32, #tpu.memory_space<vmem>> -> memref<128xi32, #tpu.memory_space<vmem>>
      %dma_wait3A_87 = arith.constant 0 : i32
      %dma_wait3A_88 = arith.constant 0 : i32
      %dma_wait3A_89 = tpu.memref_slice %arg8[%dma_wait3A_87, %dma_wait3A_88] : memref<10240x128xf32, #tpu.memory_space<vmem_shared>> -> memref<10240x128xf32, #tpu.memory_space<vmem_shared>>
      tpu.wait_indirect_dma semaphore(%arg9 : memref<!tpu.dma_semaphore, #tpu.memory_space<semaphore_mem>>) src(%dma_wait3A_89 : memref<10240x128xf32, #tpu.memory_space<vmem_shared>>) dst(%arg7 : memref<128x128xf32, #tpu.memory_space<vmem>>)
      %mul3A_90 = arith.constant 128 : i32
      %mul3A_91 = arith.muli %add3A_71, %mul3A_90 : i32
      %add3A_92 = arith.addi %mul3A_2, %mul3A_91 : i32
      %dma_start3A_93 = arith.constant 0 : i32
      %dma_start3A_94 = tpu.memref_slice %arg4[%add3A_92, %dma_start3A_93] : memref<81920x128xf32, #tpu.memory_space<hbm>> -> memref<128x128xf32, #tpu.memory_space<hbm>>
      %dma_start3A_95 = arith.constant 0 : i32
      %dma_start3A_96 = tpu.memref_slice %arg4[%add3A_92, %dma_start3A_95] : memref<81920x128xf32, #tpu.memory_space<hbm>> -> memref<128x128xf32, #tpu.memory_space<hbm>>
      tpu.enqueue_dma source(%arg7 : memref<128x128xf32, #tpu.memory_space<vmem>>) target(%dma_start3A_96 : memref<128x128xf32, #tpu.memory_space<hbm>>) target_semaphore(%arg11 : memref<!tpu.dma_semaphore, #tpu.memory_space<semaphore_mem>>)
    }
    %scan3A_39 = arith.constant 10 : i32
    %dma_wait3A_40 = arith.constant 0 : i32
    %dma_wait3A_41 = tpu.memref_slice %arg4[%mul3A_2, %dma_wait3A_40] : memref<81920x128xf32, #tpu.memory_space<hbm>> -> memref<128x128xf32, #tpu.memory_space<hbm>>
    %dma_wait3A_42 = arith.constant 0 : i32
    %dma_wait3A_43 = tpu.memref_slice %arg4[%mul3A_2, %dma_wait3A_42] : memref<81920x128xf32, #tpu.memory_space<hbm>> -> memref<128x128xf32, #tpu.memory_space<hbm>>
    tpu.wait_dma2 semaphore(%arg11 : memref<!tpu.dma_semaphore, #tpu.memory_space<semaphore_mem>>) src(%arg6 : memref<128x128xf32, #tpu.memory_space<vmem>>) dst(%dma_wait3A_43 : memref<128x128xf32, #tpu.memory_space<hbm>>)
    return
  }
}

#map = affine_map<(d0, d1) -> (0, 0)>
#map1 = affine_map<(d0, d1) -> (0, 0, 0)>
module attributes {stable_mosaic.version = 14 : i64} {
  func.func @k(%arg0: i32, %arg1: i32, %arg2: memref<10240x128xf32, #tpu.memory_space<hbm>>, %arg3: memref<32x20x128xi32, #tpu.memory_space<hbm>>, %arg4: memref<81920x128xf32, #tpu.memory_space<hbm>>, %arg5: memref<20x128xi32, #tpu.memory_space<vmem>>, %arg6: memref<128x128xf32, #tpu.memory_space<vmem>>, %arg7: memref<128x128xf32, #tpu.memory_space<vmem>>, %arg8: memref<10240x128xf32, #tpu.memory_space<vmem_shared>>, %arg9: memref<!tpu.dma_semaphore, #tpu.memory_space<semaphore_mem>>, %arg10: memref<!tpu.dma_semaphore, #tpu.memory_space<semaphore_mem>>, %arg11: memref<!tpu.dma_semaphore, #tpu.memory_space<semaphore_mem>>) attributes {dimension_semantics = [#tpu.dimension_semantics<core_parallel>, #tpu.dimension_semantics<subcore_parallel>], iteration_bounds = array<i64: 2, 16>, scalar_prefetch = 0 : i64, scratch_operands = 7 : i64, tpu.core_type = #tpu.core_type<sc_vector_subcore>, window_params = [{transform_indices = #map}, {transform_indices = #map1}, {transform_indices = #map}]} {
    %mul3A = arith.constant 16 : i32
    %mul3A_0 = arith.muli %arg0, %mul3A : i32
    %add3A = arith.addi %mul3A_0, %arg1 : i32
    %mul3A_1 = arith.constant 2560 : i32
    %mul3A_2 = arith.muli %add3A, %mul3A_1 : i32
    %mul3A_3 = arith.constant 640 : i32
    %mul3A_4 = arith.muli %arg1, %mul3A_3 : i32
    %mul3A_5 = arith.constant 640 : i32
    %mul3A_6 = arith.muli %arg1, %mul3A_5 : i32
    %dma_start3A = arith.constant 0 : i32
    %dma_start3A_7 = tpu.memref_slice %arg8[%mul3A_6, %dma_start3A] : memref<10240x128xf32, #tpu.memory_space<vmem_shared>> -> memref<640x128xf32, #tpu.memory_space<vmem_shared>>
    %dma_start3A_8 = arith.constant 0 : i32
    %dma_start3A_9 = tpu.memref_slice %arg2[%mul3A_4, %dma_start3A_8] : memref<10240x128xf32, #tpu.memory_space<hbm>> -> memref<640x128xf32, #tpu.memory_space<hbm>>
    tpu.enqueue_dma source(%dma_start3A_9 : memref<640x128xf32, #tpu.memory_space<hbm>>) target(%dma_start3A_7 : memref<640x128xf32, #tpu.memory_space<vmem_shared>>) target_semaphore(%arg10 : memref<!tpu.dma_semaphore, #tpu.memory_space<semaphore_mem>>)
    %dma_start3A_10 = arith.constant 0 : i32
    %dma_start3A_11 = arith.constant 0 : i32
    %dma_start3A_12 = tpu.memref_slice %arg3[%add3A, %dma_start3A_10, %dma_start3A_11] : memref<32x20x128xi32, #tpu.memory_space<hbm>> -> memref<1x20x128xi32, #tpu.memory_space<hbm>>
    %dma_start3A_13 = tpu.memref_squeeze %dma_start3A_12 : memref<1x20x128xi32, #tpu.memory_space<hbm>> -> memref<20x128xi32, #tpu.memory_space<hbm>>
    %dma_start3A_14 = arith.constant 0 : i32
    %dma_start3A_15 = arith.constant 0 : i32
    %dma_start3A_16 = tpu.memref_slice %arg3[%add3A, %dma_start3A_14, %dma_start3A_15] : memref<32x20x128xi32, #tpu.memory_space<hbm>> -> memref<1x20x128xi32, #tpu.memory_space<hbm>>
    %dma_start3A_17 = tpu.memref_squeeze %dma_start3A_16 : memref<1x20x128xi32, #tpu.memory_space<hbm>> -> memref<20x128xi32, #tpu.memory_space<hbm>>
    tpu.enqueue_dma source(%dma_start3A_17 : memref<20x128xi32, #tpu.memory_space<hbm>>) target(%arg5 : memref<20x128xi32, #tpu.memory_space<vmem>>) target_semaphore(%arg9 : memref<!tpu.dma_semaphore, #tpu.memory_space<semaphore_mem>>)
    %dma_wait3A = arith.constant 0 : i32
    %dma_wait3A_18 = arith.constant 0 : i32
    %dma_wait3A_19 = tpu.memref_slice %arg3[%add3A, %dma_wait3A, %dma_wait3A_18] : memref<32x20x128xi32, #tpu.memory_space<hbm>> -> memref<1x20x128xi32, #tpu.memory_space<hbm>>
    %dma_wait3A_20 = tpu.memref_squeeze %dma_wait3A_19 : memref<1x20x128xi32, #tpu.memory_space<hbm>> -> memref<20x128xi32, #tpu.memory_space<hbm>>
    %dma_wait3A_21 = arith.constant 0 : i32
    %dma_wait3A_22 = arith.constant 0 : i32
    %dma_wait3A_23 = tpu.memref_slice %arg3[%add3A, %dma_wait3A_21, %dma_wait3A_22] : memref<32x20x128xi32, #tpu.memory_space<hbm>> -> memref<1x20x128xi32, #tpu.memory_space<hbm>>
    %dma_wait3A_24 = tpu.memref_squeeze %dma_wait3A_23 : memref<1x20x128xi32, #tpu.memory_space<hbm>> -> memref<20x128xi32, #tpu.memory_space<hbm>>
    tpu.wait_dma2 semaphore(%arg9 : memref<!tpu.dma_semaphore, #tpu.memory_space<semaphore_mem>>) src(%dma_wait3A_24 : memref<20x128xi32, #tpu.memory_space<hbm>>) dst(%arg5 : memref<20x128xi32, #tpu.memory_space<vmem>>)
    %dma_wait3A_25 = arith.constant 0 : i32
    %dma_wait3A_26 = tpu.memref_slice %arg8[%mul3A_6, %dma_wait3A_25] : memref<10240x128xf32, #tpu.memory_space<vmem_shared>> -> memref<640x128xf32, #tpu.memory_space<vmem_shared>>
    %dma_wait3A_27 = arith.constant 0 : i32
    %dma_wait3A_28 = tpu.memref_slice %arg2[%mul3A_4, %dma_wait3A_27] : memref<10240x128xf32, #tpu.memory_space<hbm>> -> memref<640x128xf32, #tpu.memory_space<hbm>>
    tpu.wait_dma2 semaphore(%arg10 : memref<!tpu.dma_semaphore, #tpu.memory_space<semaphore_mem>>) src(%dma_wait3A_28 : memref<640x128xf32, #tpu.memory_space<hbm>>) dst(%dma_wait3A_26 : memref<640x128xf32, #tpu.memory_space<vmem_shared>>)
    %barrier3A = arith.constant 0 : index
    tpu.barrier barrier_id(%barrier3A)
    %dma_start3A_29 = arith.constant 0 : i32
    %dma_start3A_30 = arith.constant 0 : i32
    %dma_start3A_31 = tpu.memref_slice %arg5[%dma_start3A_29, %dma_start3A_30] : memref<20x128xi32, #tpu.memory_space<vmem>> -> memref<1x128xi32, #tpu.memory_space<vmem>>
    %dma_start3A_32 = tpu.memref_squeeze %dma_start3A_31 : memref<1x128xi32, #tpu.memory_space<vmem>> -> memref<128xi32, #tpu.memory_space<vmem>>
    %dma_start3A_33 = arith.constant 0 : i32
    %dma_start3A_34 = arith.constant 0 : i32
    %dma_start3A_35 = tpu.memref_slice %arg8[%dma_start3A_33, %dma_start3A_34] : memref<10240x128xf32, #tpu.memory_space<vmem_shared>> -> memref<10240x128xf32, #tpu.memory_space<vmem_shared>>
    tpu.enqueue_indirect_dma source(%dma_start3A_35 : memref<10240x128xf32, #tpu.memory_space<vmem_shared>>) target(%arg6 : memref<128x128xf32, #tpu.memory_space<vmem>>) offsets(%dma_start3A_32 : memref<128xi32, #tpu.memory_space<vmem>>) semaphore(%arg9 : memref<!tpu.dma_semaphore, #tpu.memory_space<semaphore_mem>>)
    %scan3A = arith.constant 0 : i32
    %scan3A_36 = arith.constant 10 : i32
    %scan3A_37 = arith.addi %scan3A, %scan3A_36 : i32
    %scan3A_38 = arith.constant 1 : i32
    scf.for %scan3A_44 = %scan3A to %scan3A_37 step %scan3A_38  : i32 {
      %mul3A_45 = arith.constant 2 : i32
      %mul3A_46 = arith.muli %scan3A_44, %mul3A_45 : i32
      %add3A_47 = arith.constant 0 : i32
      %add3A_48 = arith.addi %add3A_47, %mul3A_46 : i32
      %ge3A = arith.constant 1 : i32
      %ge3A_49 = arith.cmpi sge, %add3A_48, %ge3A : i32
      %convert_element_type3A = arith.extui %ge3A_49 : i1 to i32
      %cond3A = arith.constant 0 : i32
      %cond3A_50 = arith.cmpi ne, %convert_element_type3A, %cond3A : i32
      scf.if %cond3A_50 {
        %dma_wait3A_97 = arith.constant 0 : i32
        %dma_wait3A_98 = tpu.memref_slice %arg4[%mul3A_2, %dma_wait3A_97] : memref<81920x128xf32, #tpu.memory_space<hbm>> -> memref<128x128xf32, #tpu.memory_space<hbm>>
        %dma_wait3A_99 = arith.constant 0 : i32
        %dma_wait3A_100 = tpu.memref_slice %arg4[%mul3A_2, %dma_wait3A_99] : memref<81920x128xf32, #tpu.memory_space<hbm>> -> memref<128x128xf32, #tpu.memory_space<hbm>>
        tpu.wait_dma2 semaphore(%arg11 : memref<!tpu.dma_semaphore, #tpu.memory_space<semaphore_mem>>) src(%arg7 : memref<128x128xf32, #tpu.memory_space<vmem>>) dst(%dma_wait3A_100 : memref<128x128xf32, #tpu.memory_space<hbm>>)
      } else {
      }
      %add3A_51 = arith.constant 1 : i32
      %add3A_52 = arith.addi %add3A_48, %add3A_51 : i32
      %lt3A = arith.constant 20 : i32
      %lt3A_53 = arith.cmpi slt, %add3A_52, %lt3A : i32
      %convert_element_type3A_54 = arith.extui %lt3A_53 : i1 to i32
      %cond3A_55 = arith.constant 0 : i32
      %cond3A_56 = arith.cmpi ne, %convert_element_type3A_54, %cond3A_55 : i32
      scf.if %cond3A_56 {
        %add3A_97 = arith.constant 1 : i32
        %add3A_98 = arith.addi %add3A_48, %add3A_97 : i32
        %dma_start3A_99 = arith.constant 0 : i32
        %dma_start3A_100 = tpu.memref_slice %arg5[%add3A_98, %dma_start3A_99] : memref<20x128xi32, #tpu.memory_space<vmem>> -> memref<1x128xi32, #tpu.memory_space<vmem>>
        %dma_start3A_101 = tpu.memref_squeeze %dma_start3A_100 : memref<1x128xi32, #tpu.memory_space<vmem>> -> memref<128xi32, #tpu.memory_space<vmem>>
        %dma_start3A_102 = arith.constant 0 : i32
        %dma_start3A_103 = arith.constant 0 : i32
        %dma_start3A_104 = tpu.memref_slice %arg8[%dma_start3A_102, %dma_start3A_103] : memref<10240x128xf32, #tpu.memory_space<vmem_shared>> -> memref<10240x128xf32, #tpu.memory_space<vmem_shared>>
        tpu.enqueue_indirect_dma source(%dma_start3A_104 : memref<10240x128xf32, #tpu.memory_space<vmem_shared>>) target(%arg7 : memref<128x128xf32, #tpu.memory_space<vmem>>) offsets(%dma_start3A_101 : memref<128xi32, #tpu.memory_space<vmem>>) semaphore(%arg9 : memref<!tpu.dma_semaphore, #tpu.memory_space<semaphore_mem>>)
      } else {
      }
      %dma_wait3A_57 = arith.constant 0 : i32
      %dma_wait3A_58 = tpu.memref_slice %arg5[%add3A_48, %dma_wait3A_57] : memref<20x128xi32, #tpu.memory_space<vmem>> -> memref<1x128xi32, #tpu.memory_space<vmem>>
      %dma_wait3A_59 = tpu.memref_squeeze %dma_wait3A_58 : memref<1x128xi32, #tpu.memory_space<vmem>> -> memref<128xi32, #tpu.memory_space<vmem>>
      %dma_wait3A_60 = arith.constant 0 : i32
      %dma_wait3A_61 = arith.constant 0 : i32
      %dma_wait3A_62 = tpu.memref_slice %arg8[%dma_wait3A_60, %dma_wait3A_61] : memref<10240x128xf32, #tpu.memory_space<vmem_shared>> -> memref<10240x128xf32, #tpu.memory_space<vmem_shared>>
      tpu.wait_indirect_dma semaphore(%arg9 : memref<!tpu.dma_semaphore, #tpu.memory_space<semaphore_mem>>) src(%dma_wait3A_62 : memref<10240x128xf32, #tpu.memory_space<vmem_shared>>) dst(%arg6 : memref<128x128xf32, #tpu.memory_space<vmem>>)
      %mul3A_63 = arith.constant 128 : i32
      %mul3A_64 = arith.muli %add3A_48, %mul3A_63 : i32
      %add3A_65 = arith.addi %mul3A_2, %mul3A_64 : i32
      %dma_start3A_66 = arith.constant 0 : i32
      %dma_start3A_67 = tpu.memref_slice %arg4[%add3A_65, %dma_start3A_66] : memref<81920x128xf32, #tpu.memory_space<hbm>> -> memref<128x128xf32, #tpu.memory_space<hbm>>
      %dma_start3A_68 = arith.constant 0 : i32
      %dma_start3A_69 = tpu.memref_slice %arg4[%add3A_65, %dma_start3A_68] : memref<81920x128xf32, #tpu.memory_space<hbm>> -> memref<128x128xf32, #tpu.memory_space<hbm>>
      tpu.enqueue_dma source(%arg6 : memref<128x128xf32, #tpu.memory_space<vmem>>) target(%dma_start3A_69 : memref<128x128xf32, #tpu.memory_space<hbm>>) target_semaphore(%arg11 : memref<!tpu.dma_semaphore, #tpu.memory_space<semaphore_mem>>)
      %add3A_70 = arith.constant 1 : i32
      %add3A_71 = arith.addi %add3A_48, %add3A_70 : i32
      %ge3A_72 = arith.constant 1 : i32
      %ge3A_73 = arith.cmpi sge, %add3A_71, %ge3A_72 : i32
      %convert_element_type3A_74 = arith.extui %ge3A_73 : i1 to i32
      %cond3A_75 = arith.constant 0 : i32
      %cond3A_76 = arith.cmpi ne, %convert_element_type3A_74, %cond3A_75 : i32
      scf.if %cond3A_76 {
        %dma_wait3A_97 = arith.constant 0 : i32
        %dma_wait3A_98 = tpu.memref_slice %arg4[%mul3A_2, %dma_wait3A_97] : memref<81920x128xf32, #tpu.memory_space<hbm>> -> memref<128x128xf32, #tpu.memory_space<hbm>>
        %dma_wait3A_99 = arith.constant 0 : i32
        %dma_wait3A_100 = tpu.memref_slice %arg4[%mul3A_2, %dma_wait3A_99] : memref<81920x128xf32, #tpu.memory_space<hbm>> -> memref<128x128xf32, #tpu.memory_space<hbm>>
        tpu.wait_dma2 semaphore(%arg11 : memref<!tpu.dma_semaphore, #tpu.memory_space<semaphore_mem>>) src(%arg6 : memref<128x128xf32, #tpu.memory_space<vmem>>) dst(%dma_wait3A_100 : memref<128x128xf32, #tpu.memory_space<hbm>>)
      } else {
      }
      %add3A_77 = arith.constant 1 : i32
      %add3A_78 = arith.addi %add3A_71, %add3A_77 : i32
      %lt3A_79 = arith.constant 20 : i32
      %lt3A_80 = arith.cmpi slt, %add3A_78, %lt3A_79 : i32
      %convert_element_type3A_81 = arith.extui %lt3A_80 : i1 to i32
      %cond3A_82 = arith.constant 0 : i32
      %cond3A_83 = arith.cmpi ne, %convert_element_type3A_81, %cond3A_82 : i32
      scf.if %cond3A_83 {
        %add3A_97 = arith.constant 1 : i32
        %add3A_98 = arith.addi %add3A_71, %add3A_97 : i32
        %dma_start3A_99 = arith.constant 0 : i32
        %dma_start3A_100 = tpu.memref_slice %arg5[%add3A_98, %dma_start3A_99] : memref<20x128xi32, #tpu.memory_space<vmem>> -> memref<1x128xi32, #tpu.memory_space<vmem>>
        %dma_start3A_101 = tpu.memref_squeeze %dma_start3A_100 : memref<1x128xi32, #tpu.memory_space<vmem>> -> memref<128xi32, #tpu.memory_space<vmem>>
        %dma_start3A_102 = arith.constant 0 : i32
        %dma_start3A_103 = arith.constant 0 : i32
        %dma_start3A_104 = tpu.memref_slice %arg8[%dma_start3A_102, %dma_start3A_103] : memref<10240x128xf32, #tpu.memory_space<vmem_shared>> -> memref<10240x128xf32, #tpu.memory_space<vmem_shared>>
        tpu.enqueue_indirect_dma source(%dma_start3A_104 : memref<10240x128xf32, #tpu.memory_space<vmem_shared>>) target(%arg6 : memref<128x128xf32, #tpu.memory_space<vmem>>) offsets(%dma_start3A_101 : memref<128xi32, #tpu.memory_space<vmem>>) semaphore(%arg9 : memref<!tpu.dma_semaphore, #tpu.memory_space<semaphore_mem>>)
      } else {
      }
      %dma_wait3A_84 = arith.constant 0 : i32
      %dma_wait3A_85 = tpu.memref_slice %arg5[%add3A_71, %dma_wait3A_84] : memref<20x128xi32, #tpu.memory_space<vmem>> -> memref<1x128xi32, #tpu.memory_space<vmem>>
      %dma_wait3A_86 = tpu.memref_squeeze %dma_wait3A_85 : memref<1x128xi32, #tpu.memory_space<vmem>> -> memref<128xi32, #tpu.memory_space<vmem>>
      %dma_wait3A_87 = arith.constant 0 : i32
      %dma_wait3A_88 = arith.constant 0 : i32
      %dma_wait3A_89 = tpu.memref_slice %arg8[%dma_wait3A_87, %dma_wait3A_88] : memref<10240x128xf32, #tpu.memory_space<vmem_shared>> -> memref<10240x128xf32, #tpu.memory_space<vmem_shared>>
      tpu.wait_indirect_dma semaphore(%arg9 : memref<!tpu.dma_semaphore, #tpu.memory_space<semaphore_mem>>) src(%dma_wait3A_89 : memref<10240x128xf32, #tpu.memory_space<vmem_shared>>) dst(%arg7 : memref<128x128xf32, #tpu.memory_space<vmem>>)
      %mul3A_90 = arith.constant 128 : i32
      %mul3A_91 = arith.muli %add3A_71, %mul3A_90 : i32
      %add3A_92 = arith.addi %mul3A_2, %mul3A_91 : i32
      %dma_start3A_93 = arith.constant 0 : i32
      %dma_start3A_94 = tpu.memref_slice %arg4[%add3A_92, %dma_start3A_93] : memref<81920x128xf32, #tpu.memory_space<hbm>> -> memref<128x128xf32, #tpu.memory_space<hbm>>
      %dma_start3A_95 = arith.constant 0 : i32
      %dma_start3A_96 = tpu.memref_slice %arg4[%add3A_92, %dma_start3A_95] : memref<81920x128xf32, #tpu.memory_space<hbm>> -> memref<128x128xf32, #tpu.memory_space<hbm>>
      tpu.enqueue_dma source(%arg7 : memref<128x128xf32, #tpu.memory_space<vmem>>) target(%dma_start3A_96 : memref<128x128xf32, #tpu.memory_space<hbm>>) target_semaphore(%arg11 : memref<!tpu.dma_semaphore, #tpu.memory_space<semaphore_mem>>)
    }
    %scan3A_39 = arith.constant 10 : i32
    %dma_wait3A_40 = arith.constant 0 : i32
    %dma_wait3A_41 = tpu.memref_slice %arg4[%mul3A_2, %dma_wait3A_40] : memref<81920x128xf32, #tpu.memory_space<hbm>> -> memref<128x128xf32, #tpu.memory_space<hbm>>
    %dma_wait3A_42 = arith.constant 0 : i32
    %dma_wait3A_43 = tpu.memref_slice %arg4[%mul3A_2, %dma_wait3A_42] : memref<81920x128xf32, #tpu.memory_space<hbm>> -> memref<128x128xf32, #tpu.memory_space<hbm>>
    tpu.wait_dma2 semaphore(%arg11 : memref<!tpu.dma_semaphore, #tpu.memory_space<semaphore_mem>>) src(%arg6 : memref<128x128xf32, #tpu.memory_space<vmem>>) dst(%dma_wait3A_43 : memref<128x128xf32, #tpu.memory_space<hbm>>)
    return
  }
}

#map = affine_map<(d0, d1) -> (0, 0)>
#map1 = affine_map<(d0, d1) -> (0, 0, 0)>
module attributes {stable_mosaic.version = 14 : i64} {
  func.func @k(%arg0: i32, %arg1: i32, %arg2: memref<81920x128xf32, #tpu.memory_space<hbm>>, %arg3: memref<32x20x128xi32, #tpu.memory_space<hbm>>, %arg4: memref<2x10240x128xf32, #tpu.memory_space<hbm>>, %arg5: memref<2x10240x128xf32, #tpu.memory_space<hbm>>, %arg6: memref<20x128xi32, #tpu.memory_space<vmem>>, %arg7: memref<128x128xf32, #tpu.memory_space<vmem>>, %arg8: memref<128x128xf32, #tpu.memory_space<vmem>>, %arg9: memref<10240x128xf32, #tpu.memory_space<vmem_shared>>, %arg10: memref<!tpu.dma_semaphore, #tpu.memory_space<semaphore_mem>>, %arg11: memref<!tpu.dma_semaphore, #tpu.memory_space<semaphore_mem>>) attributes {dimension_semantics = [#tpu.dimension_semantics<core_parallel>, #tpu.dimension_semantics<subcore_parallel>], iteration_bounds = array<i64: 2, 16>, scalar_prefetch = 0 : i64, scratch_operands = 6 : i64, tpu.core_type = #tpu.core_type<sc_vector_subcore>, window_params = [{transform_indices = #map}, {transform_indices = #map1}, {transform_indices = #map1}, {transform_indices = #map1}]} {
    %mul3A = arith.constant 16 : i32
    %mul3A_0 = arith.muli %arg0, %mul3A : i32
    %add3A = arith.addi %mul3A_0, %arg1 : i32
    %mul3A_1 = arith.constant 2560 : i32
    %mul3A_2 = arith.muli %add3A, %mul3A_1 : i32
    %mul3A_3 = arith.constant 640 : i32
    %mul3A_4 = arith.muli %arg1, %mul3A_3 : i32
    %mul3A_5 = arith.constant 640 : i32
    %mul3A_6 = arith.muli %arg1, %mul3A_5 : i32
    "tpu.region"() ({
      %run_scoped3A = tpu.sem_alloc : memref<!tpu.dma_semaphore, #tpu.memory_space<semaphore_mem>>
      %dma_start3A_41 = arith.constant 0 : i32
      %dma_start3A_42 = tpu.memref_slice %arg9[%mul3A_6, %dma_start3A_41] : memref<10240x128xf32, #tpu.memory_space<vmem_shared>> -> memref<640x128xf32, #tpu.memory_space<vmem_shared>>
      %dma_start3A_43 = arith.constant 0 : i32
      %dma_start3A_44 = tpu.memref_slice %arg4[%arg0, %mul3A_4, %dma_start3A_43] : memref<2x10240x128xf32, #tpu.memory_space<hbm>> -> memref<1x640x128xf32, #tpu.memory_space<hbm>>
      %dma_start3A_45 = tpu.memref_squeeze %dma_start3A_44 : memref<1x640x128xf32, #tpu.memory_space<hbm>> -> memref<640x128xf32, #tpu.memory_space<hbm>>
      tpu.enqueue_dma source(%dma_start3A_45 : memref<640x128xf32, #tpu.memory_space<hbm>>) target(%dma_start3A_42 : memref<640x128xf32, #tpu.memory_space<vmem_shared>>) target_semaphore(%run_scoped3A : memref<!tpu.dma_semaphore, #tpu.memory_space<semaphore_mem>>)
      %dma_wait3A_46 = arith.constant 0 : i32
      %dma_wait3A_47 = tpu.memref_slice %arg9[%mul3A_6, %dma_wait3A_46] : memref<10240x128xf32, #tpu.memory_space<vmem_shared>> -> memref<640x128xf32, #tpu.memory_space<vmem_shared>>
      %dma_wait3A_48 = arith.constant 0 : i32
      %dma_wait3A_49 = tpu.memref_slice %arg4[%arg0, %mul3A_4, %dma_wait3A_48] : memref<2x10240x128xf32, #tpu.memory_space<hbm>> -> memref<1x640x128xf32, #tpu.memory_space<hbm>>
      %dma_wait3A_50 = tpu.memref_squeeze %dma_wait3A_49 : memref<1x640x128xf32, #tpu.memory_space<hbm>> -> memref<640x128xf32, #tpu.memory_space<hbm>>
      tpu.wait_dma2 semaphore(%run_scoped3A : memref<!tpu.dma_semaphore, #tpu.memory_space<semaphore_mem>>) src(%dma_wait3A_50 : memref<640x128xf32, #tpu.memory_space<hbm>>) dst(%dma_wait3A_47 : memref<640x128xf32, #tpu.memory_space<vmem_shared>>)
      tpu.yield
    }) : () -> ()
    %dma_start3A = arith.constant 0 : i32
    %dma_start3A_7 = arith.constant 0 : i32
    %dma_start3A_8 = tpu.memref_slice %arg3[%add3A, %dma_start3A, %dma_start3A_7] : memref<32x20x128xi32, #tpu.memory_space<hbm>> -> memref<1x20x128xi32, #tpu.memory_space<hbm>>
    %dma_start3A_9 = tpu.memref_squeeze %dma_start3A_8 : memref<1x20x128xi32, #tpu.memory_space<hbm>> -> memref<20x128xi32, #tpu.memory_space<hbm>>
    %dma_start3A_10 = arith.constant 0 : i32
    %dma_start3A_11 = arith.constant 0 : i32
    %dma_start3A_12 = tpu.memref_slice %arg3[%add3A, %dma_start3A_10, %dma_start3A_11] : memref<32x20x128xi32, #tpu.memory_space<hbm>> -> memref<1x20x128xi32, #tpu.memory_space<hbm>>
    %dma_start3A_13 = tpu.memref_squeeze %dma_start3A_12 : memref<1x20x128xi32, #tpu.memory_space<hbm>> -> memref<20x128xi32, #tpu.memory_space<hbm>>
    tpu.enqueue_dma source(%dma_start3A_13 : memref<20x128xi32, #tpu.memory_space<hbm>>) target(%arg6 : memref<20x128xi32, #tpu.memory_space<vmem>>) target_semaphore(%arg10 : memref<!tpu.dma_semaphore, #tpu.memory_space<semaphore_mem>>)
    %dma_wait3A = arith.constant 0 : i32
    %dma_wait3A_14 = arith.constant 0 : i32
    %dma_wait3A_15 = tpu.memref_slice %arg3[%add3A, %dma_wait3A, %dma_wait3A_14] : memref<32x20x128xi32, #tpu.memory_space<hbm>> -> memref<1x20x128xi32, #tpu.memory_space<hbm>>
    %dma_wait3A_16 = tpu.memref_squeeze %dma_wait3A_15 : memref<1x20x128xi32, #tpu.memory_space<hbm>> -> memref<20x128xi32, #tpu.memory_space<hbm>>
    %dma_wait3A_17 = arith.constant 0 : i32
    %dma_wait3A_18 = arith.constant 0 : i32
    %dma_wait3A_19 = tpu.memref_slice %arg3[%add3A, %dma_wait3A_17, %dma_wait3A_18] : memref<32x20x128xi32, #tpu.memory_space<hbm>> -> memref<1x20x128xi32, #tpu.memory_space<hbm>>
    %dma_wait3A_20 = tpu.memref_squeeze %dma_wait3A_19 : memref<1x20x128xi32, #tpu.memory_space<hbm>> -> memref<20x128xi32, #tpu.memory_space<hbm>>
    tpu.wait_dma2 semaphore(%arg10 : memref<!tpu.dma_semaphore, #tpu.memory_space<semaphore_mem>>) src(%dma_wait3A_20 : memref<20x128xi32, #tpu.memory_space<hbm>>) dst(%arg6 : memref<20x128xi32, #tpu.memory_space<vmem>>)
    %barrier3A = arith.constant 0 : index
    tpu.barrier barrier_id(%barrier3A)
    %dma_start3A_21 = arith.constant 0 : i32
    %dma_start3A_22 = tpu.memref_slice %arg2[%mul3A_2, %dma_start3A_21] : memref<81920x128xf32, #tpu.memory_space<hbm>> -> memref<128x128xf32, #tpu.memory_space<hbm>>
    %dma_start3A_23 = arith.constant 0 : i32
    %dma_start3A_24 = tpu.memref_slice %arg2[%mul3A_2, %dma_start3A_23] : memref<81920x128xf32, #tpu.memory_space<hbm>> -> memref<128x128xf32, #tpu.memory_space<hbm>>
    tpu.enqueue_dma source(%dma_start3A_24 : memref<128x128xf32, #tpu.memory_space<hbm>>) target(%arg7 : memref<128x128xf32, #tpu.memory_space<vmem>>) target_semaphore(%arg10 : memref<!tpu.dma_semaphore, #tpu.memory_space<semaphore_mem>>)
    %scan3A = arith.constant 0 : i32
    %scan3A_25 = arith.constant 10 : i32
    %scan3A_26 = arith.addi %scan3A, %scan3A_25 : i32
    %scan3A_27 = arith.constant 1 : i32
    scf.for %scan3A_41 = %scan3A to %scan3A_26 step %scan3A_27  : i32 {
      %mul3A_42 = arith.constant 2 : i32
      %mul3A_43 = arith.muli %scan3A_41, %mul3A_42 : i32
      %add3A_44 = arith.constant 0 : i32
      %add3A_45 = arith.addi %add3A_44, %mul3A_43 : i32
      %ge3A = arith.constant 1 : i32
      %ge3A_46 = arith.cmpi sge, %add3A_45, %ge3A : i32
      %convert_element_type3A = arith.extui %ge3A_46 : i1 to i32
      %cond3A = arith.constant 0 : i32
      %cond3A_47 = arith.cmpi ne, %convert_element_type3A, %cond3A : i32
      scf.if %cond3A_47 {
        %dma_wait3A_94 = arith.constant 0 : i32
        %dma_wait3A_95 = arith.constant 0 : i32
        %dma_wait3A_96 = tpu.memref_slice %arg6[%dma_wait3A_94, %dma_wait3A_95] : memref<20x128xi32, #tpu.memory_space<vmem>> -> memref<1x128xi32, #tpu.memory_space<vmem>>
        %dma_wait3A_97 = tpu.memref_squeeze %dma_wait3A_96 : memref<1x128xi32, #tpu.memory_space<vmem>> -> memref<128xi32, #tpu.memory_space<vmem>>
        %dma_wait3A_98 = arith.constant 0 : i32
        %dma_wait3A_99 = arith.constant 0 : i32
        %dma_wait3A_100 = tpu.memref_slice %arg9[%dma_wait3A_98, %dma_wait3A_99] : memref<10240x128xf32, #tpu.memory_space<vmem_shared>> -> memref<10240x128xf32, #tpu.memory_space<vmem_shared>>
        tpu.wait_indirect_dma semaphore(%arg11 : memref<!tpu.dma_semaphore, #tpu.memory_space<semaphore_mem>>) src(%arg8 : memref<128x128xf32, #tpu.memory_space<vmem>>) dst(%dma_wait3A_100 : memref<10240x128xf32, #tpu.memory_space<vmem_shared>>)
      } else {
      }
      %add3A_48 = arith.constant 1 : i32
      %add3A_49 = arith.addi %add3A_45, %add3A_48 : i32
      %lt3A = arith.constant 20 : i32
      %lt3A_50 = arith.cmpi slt, %add3A_49, %lt3A : i32
      %convert_element_type3A_51 = arith.extui %lt3A_50 : i1 to i32
      %cond3A_52 = arith.constant 0 : i32
      %cond3A_53 = arith.cmpi ne, %convert_element_type3A_51, %cond3A_52 : i32
      scf.if %cond3A_53 {
        %add3A_94 = arith.constant 1 : i32
        %add3A_95 = arith.addi %add3A_45, %add3A_94 : i32
        %mul3A_96 = arith.constant 128 : i32
        %mul3A_97 = arith.muli %add3A_95, %mul3A_96 : i32
        %add3A_98 = arith.addi %mul3A_2, %mul3A_97 : i32
        %dma_start3A_99 = arith.constant 0 : i32
        %dma_start3A_100 = tpu.memref_slice %arg2[%add3A_98, %dma_start3A_99] : memref<81920x128xf32, #tpu.memory_space<hbm>> -> memref<128x128xf32, #tpu.memory_space<hbm>>
        %dma_start3A_101 = arith.constant 0 : i32
        %dma_start3A_102 = tpu.memref_slice %arg2[%add3A_98, %dma_start3A_101] : memref<81920x128xf32, #tpu.memory_space<hbm>> -> memref<128x128xf32, #tpu.memory_space<hbm>>
        tpu.enqueue_dma source(%dma_start3A_102 : memref<128x128xf32, #tpu.memory_space<hbm>>) target(%arg8 : memref<128x128xf32, #tpu.memory_space<vmem>>) target_semaphore(%arg10 : memref<!tpu.dma_semaphore, #tpu.memory_space<semaphore_mem>>)
      } else {
      }
      %mul3A_54 = arith.constant 128 : i32
      %mul3A_55 = arith.muli %add3A_45, %mul3A_54 : i32
      %add3A_56 = arith.addi %mul3A_2, %mul3A_55 : i32
      %dma_wait3A_57 = arith.constant 0 : i32
      %dma_wait3A_58 = tpu.memref_slice %arg2[%add3A_56, %dma_wait3A_57] : memref<81920x128xf32, #tpu.memory_space<hbm>> -> memref<128x128xf32, #tpu.memory_space<hbm>>
      %dma_wait3A_59 = arith.constant 0 : i32
      %dma_wait3A_60 = tpu.memref_slice %arg2[%add3A_56, %dma_wait3A_59] : memref<81920x128xf32, #tpu.memory_space<hbm>> -> memref<128x128xf32, #tpu.memory_space<hbm>>
      tpu.wait_dma2 semaphore(%arg10 : memref<!tpu.dma_semaphore, #tpu.memory_space<semaphore_mem>>) src(%dma_wait3A_60 : memref<128x128xf32, #tpu.memory_space<hbm>>) dst(%arg7 : memref<128x128xf32, #tpu.memory_space<vmem>>)
      %dma_start3A_61 = arith.constant 0 : i32
      %dma_start3A_62 = tpu.memref_slice %arg6[%add3A_45, %dma_start3A_61] : memref<20x128xi32, #tpu.memory_space<vmem>> -> memref<1x128xi32, #tpu.memory_space<vmem>>
      %dma_start3A_63 = tpu.memref_squeeze %dma_start3A_62 : memref<1x128xi32, #tpu.memory_space<vmem>> -> memref<128xi32, #tpu.memory_space<vmem>>
      %dma_start3A_64 = arith.constant 0 : i32
      %dma_start3A_65 = arith.constant 0 : i32
      %dma_start3A_66 = tpu.memref_slice %arg9[%dma_start3A_64, %dma_start3A_65] : memref<10240x128xf32, #tpu.memory_space<vmem_shared>> -> memref<10240x128xf32, #tpu.memory_space<vmem_shared>>
      tpu.enqueue_indirect_dma source(%arg7 : memref<128x128xf32, #tpu.memory_space<vmem>>) target(%dma_start3A_66 : memref<10240x128xf32, #tpu.memory_space<vmem_shared>>) offsets(%dma_start3A_63 : memref<128xi32, #tpu.memory_space<vmem>>) semaphore(%arg11 : memref<!tpu.dma_semaphore, #tpu.memory_space<semaphore_mem>>) {add = true}
      %add3A_67 = arith.constant 1 : i32
      %add3A_68 = arith.addi %add3A_45, %add3A_67 : i32
      %ge3A_69 = arith.constant 1 : i32
      %ge3A_70 = arith.cmpi sge, %add3A_68, %ge3A_69 : i32
      %convert_element_type3A_71 = arith.extui %ge3A_70 : i1 to i32
      %cond3A_72 = arith.constant 0 : i32
      %cond3A_73 = arith.cmpi ne, %convert_element_type3A_71, %cond3A_72 : i32
      scf.if %cond3A_73 {
        %dma_wait3A_94 = arith.constant 0 : i32
        %dma_wait3A_95 = arith.constant 0 : i32
        %dma_wait3A_96 = tpu.memref_slice %arg6[%dma_wait3A_94, %dma_wait3A_95] : memref<20x128xi32, #tpu.memory_space<vmem>> -> memref<1x128xi32, #tpu.memory_space<vmem>>
        %dma_wait3A_97 = tpu.memref_squeeze %dma_wait3A_96 : memref<1x128xi32, #tpu.memory_space<vmem>> -> memref<128xi32, #tpu.memory_space<vmem>>
        %dma_wait3A_98 = arith.constant 0 : i32
        %dma_wait3A_99 = arith.constant 0 : i32
        %dma_wait3A_100 = tpu.memref_slice %arg9[%dma_wait3A_98, %dma_wait3A_99] : memref<10240x128xf32, #tpu.memory_space<vmem_shared>> -> memref<10240x128xf32, #tpu.memory_space<vmem_shared>>
        tpu.wait_indirect_dma semaphore(%arg11 : memref<!tpu.dma_semaphore, #tpu.memory_space<semaphore_mem>>) src(%arg7 : memref<128x128xf32, #tpu.memory_space<vmem>>) dst(%dma_wait3A_100 : memref<10240x128xf32, #tpu.memory_space<vmem_shared>>)
      } else {
      }
      %add3A_74 = arith.constant 1 : i32
      %add3A_75 = arith.addi %add3A_68, %add3A_74 : i32
      %lt3A_76 = arith.constant 20 : i32
      %lt3A_77 = arith.cmpi slt, %add3A_75, %lt3A_76 : i32
      %convert_element_type3A_78 = arith.extui %lt3A_77 : i1 to i32
      %cond3A_79 = arith.constant 0 : i32
      %cond3A_80 = arith.cmpi ne, %convert_element_type3A_78, %cond3A_79 : i32
      scf.if %cond3A_80 {
        %add3A_94 = arith.constant 1 : i32
        %add3A_95 = arith.addi %add3A_68, %add3A_94 : i32
        %mul3A_96 = arith.constant 128 : i32
        %mul3A_97 = arith.muli %add3A_95, %mul3A_96 : i32
        %add3A_98 = arith.addi %mul3A_2, %mul3A_97 : i32
        %dma_start3A_99 = arith.constant 0 : i32
        %dma_start3A_100 = tpu.memref_slice %arg2[%add3A_98, %dma_start3A_99] : memref<81920x128xf32, #tpu.memory_space<hbm>> -> memref<128x128xf32, #tpu.memory_space<hbm>>
        %dma_start3A_101 = arith.constant 0 : i32
        %dma_start3A_102 = tpu.memref_slice %arg2[%add3A_98, %dma_start3A_101] : memref<81920x128xf32, #tpu.memory_space<hbm>> -> memref<128x128xf32, #tpu.memory_space<hbm>>
        tpu.enqueue_dma source(%dma_start3A_102 : memref<128x128xf32, #tpu.memory_space<hbm>>) target(%arg7 : memref<128x128xf32, #tpu.memory_space<vmem>>) target_semaphore(%arg10 : memref<!tpu.dma_semaphore, #tpu.memory_space<semaphore_mem>>)
      } else {
      }
      %mul3A_81 = arith.constant 128 : i32
      %mul3A_82 = arith.muli %add3A_68, %mul3A_81 : i32
      %add3A_83 = arith.addi %mul3A_2, %mul3A_82 : i32
      %dma_wait3A_84 = arith.constant 0 : i32
      %dma_wait3A_85 = tpu.memref_slice %arg2[%add3A_83, %dma_wait3A_84] : memref<81920x128xf32, #tpu.memory_space<hbm>> -> memref<128x128xf32, #tpu.memory_space<hbm>>
      %dma_wait3A_86 = arith.constant 0 : i32
      %dma_wait3A_87 = tpu.memref_slice %arg2[%add3A_83, %dma_wait3A_86] : memref<81920x128xf32, #tpu.memory_space<hbm>> -> memref<128x128xf32, #tpu.memory_space<hbm>>
      tpu.wait_dma2 semaphore(%arg10 : memref<!tpu.dma_semaphore, #tpu.memory_space<semaphore_mem>>) src(%dma_wait3A_87 : memref<128x128xf32, #tpu.memory_space<hbm>>) dst(%arg8 : memref<128x128xf32, #tpu.memory_space<vmem>>)
      %dma_start3A_88 = arith.constant 0 : i32
      %dma_start3A_89 = tpu.memref_slice %arg6[%add3A_68, %dma_start3A_88] : memref<20x128xi32, #tpu.memory_space<vmem>> -> memref<1x128xi32, #tpu.memory_space<vmem>>
      %dma_start3A_90 = tpu.memref_squeeze %dma_start3A_89 : memref<1x128xi32, #tpu.memory_space<vmem>> -> memref<128xi32, #tpu.memory_space<vmem>>
      %dma_start3A_91 = arith.constant 0 : i32
      %dma_start3A_92 = arith.constant 0 : i32
      %dma_start3A_93 = tpu.memref_slice %arg9[%dma_start3A_91, %dma_start3A_92] : memref<10240x128xf32, #tpu.memory_space<vmem_shared>> -> memref<10240x128xf32, #tpu.memory_space<vmem_shared>>
      tpu.enqueue_indirect_dma source(%arg8 : memref<128x128xf32, #tpu.memory_space<vmem>>) target(%dma_start3A_93 : memref<10240x128xf32, #tpu.memory_space<vmem_shared>>) offsets(%dma_start3A_90 : memref<128xi32, #tpu.memory_space<vmem>>) semaphore(%arg11 : memref<!tpu.dma_semaphore, #tpu.memory_space<semaphore_mem>>) {add = true}
    }
    %scan3A_28 = arith.constant 10 : i32
    %dma_wait3A_29 = arith.constant 0 : i32
    %dma_wait3A_30 = arith.constant 0 : i32
    %dma_wait3A_31 = tpu.memref_slice %arg6[%dma_wait3A_29, %dma_wait3A_30] : memref<20x128xi32, #tpu.memory_space<vmem>> -> memref<1x128xi32, #tpu.memory_space<vmem>>
    %dma_wait3A_32 = tpu.memref_squeeze %dma_wait3A_31 : memref<1x128xi32, #tpu.memory_space<vmem>> -> memref<128xi32, #tpu.memory_space<vmem>>
    %dma_wait3A_33 = arith.constant 0 : i32
    %dma_wait3A_34 = arith.constant 0 : i32
    %dma_wait3A_35 = tpu.memref_slice %arg9[%dma_wait3A_33, %dma_wait3A_34] : memref<10240x128xf32, #tpu.memory_space<vmem_shared>> -> memref<10240x128xf32, #tpu.memory_space<vmem_shared>>
    tpu.wait_indirect_dma semaphore(%arg11 : memref<!tpu.dma_semaphore, #tpu.memory_space<semaphore_mem>>) src(%arg7 : memref<128x128xf32, #tpu.memory_space<vmem>>) dst(%dma_wait3A_35 : memref<10240x128xf32, #tpu.memory_space<vmem_shared>>)
    %barrier3A_36 = arith.constant 0 : index
    tpu.barrier barrier_id(%barrier3A_36)
    %mul3A_37 = arith.constant 640 : i32
    %mul3A_38 = arith.muli %arg1, %mul3A_37 : i32
    %mul3A_39 = arith.constant 640 : i32
    %mul3A_40 = arith.muli %arg1, %mul3A_39 : i32
    "tpu.region"() ({
      %run_scoped3A = tpu.sem_alloc : memref<!tpu.dma_semaphore, #tpu.memory_space<semaphore_mem>>
      %dma_start3A_41 = arith.constant 0 : i32
      %dma_start3A_42 = tpu.memref_slice %arg5[%arg0, %mul3A_40, %dma_start3A_41] : memref<2x10240x128xf32, #tpu.memory_space<hbm>> -> memref<1x640x128xf32, #tpu.memory_space<hbm>>
      %dma_start3A_43 = tpu.memref_squeeze %dma_start3A_42 : memref<1x640x128xf32, #tpu.memory_space<hbm>> -> memref<640x128xf32, #tpu.memory_space<hbm>>
      %dma_start3A_44 = arith.constant 0 : i32
      %dma_start3A_45 = tpu.memref_slice %arg9[%mul3A_38, %dma_start3A_44] : memref<10240x128xf32, #tpu.memory_space<vmem_shared>> -> memref<640x128xf32, #tpu.memory_space<vmem_shared>>
      tpu.enqueue_dma source(%dma_start3A_45 : memref<640x128xf32, #tpu.memory_space<vmem_shared>>) target(%dma_start3A_43 : memref<640x128xf32, #tpu.memory_space<hbm>>) target_semaphore(%run_scoped3A : memref<!tpu.dma_semaphore, #tpu.memory_space<semaphore_mem>>)
      %dma_wait3A_46 = arith.constant 0 : i32
      %dma_wait3A_47 = tpu.memref_slice %arg5[%arg0, %mul3A_40, %dma_wait3A_46] : memref<2x10240x128xf32, #tpu.memory_space<hbm>> -> memref<1x640x128xf32, #tpu.memory_space<hbm>>
      %dma_wait3A_48 = tpu.memref_squeeze %dma_wait3A_47 : memref<1x640x128xf32, #tpu.memory_space<hbm>> -> memref<640x128xf32, #tpu.memory_space<hbm>>
      %dma_wait3A_49 = arith.constant 0 : i32
      %dma_wait3A_50 = tpu.memref_slice %arg9[%mul3A_38, %dma_wait3A_49] : memref<10240x128xf32, #tpu.memory_space<vmem_shared>> -> memref<640x128xf32, #tpu.memory_space<vmem_shared>>
      tpu.wait_dma2 semaphore(%run_scoped3A : memref<!tpu.dma_semaphore, #tpu.memory_space<semaphore_mem>>) src(%dma_wait3A_50 : memref<640x128xf32, #tpu.memory_space<vmem_shared>>) dst(%dma_wait3A_48 : memref<640x128xf32, #tpu.memory_space<hbm>>)
      tpu.yield
    }) : () -> ()
    return
  }
}

#map = affine_map<(d0, d1) -> (0, 0)>
#map1 = affine_map<(d0, d1) -> (0, 0, 0)>
module attributes {stable_mosaic.version = 14 : i64} {
  func.func @k(%arg0: i32, %arg1: i32, %arg2: memref<81920x128xf32, #tpu.memory_space<hbm>>, %arg3: memref<32x20x128xi32, #tpu.memory_space<hbm>>, %arg4: memref<2x10240x128xf32, #tpu.memory_space<hbm>>, %arg5: memref<2x10240x128xf32, #tpu.memory_space<hbm>>, %arg6: memref<20x128xi32, #tpu.memory_space<vmem>>, %arg7: memref<128x128xf32, #tpu.memory_space<vmem>>, %arg8: memref<128x128xf32, #tpu.memory_space<vmem>>, %arg9: memref<10240x128xf32, #tpu.memory_space<vmem_shared>>, %arg10: memref<!tpu.dma_semaphore, #tpu.memory_space<semaphore_mem>>, %arg11: memref<!tpu.dma_semaphore, #tpu.memory_space<semaphore_mem>>) attributes {dimension_semantics = [#tpu.dimension_semantics<core_parallel>, #tpu.dimension_semantics<subcore_parallel>], iteration_bounds = array<i64: 2, 16>, scalar_prefetch = 0 : i64, scratch_operands = 6 : i64, tpu.core_type = #tpu.core_type<sc_vector_subcore>, window_params = [{transform_indices = #map}, {transform_indices = #map1}, {transform_indices = #map1}, {transform_indices = #map1}]} {
    %mul3A = arith.constant 16 : i32
    %mul3A_0 = arith.muli %arg0, %mul3A : i32
    %add3A = arith.addi %mul3A_0, %arg1 : i32
    %mul3A_1 = arith.constant 2560 : i32
    %mul3A_2 = arith.muli %add3A, %mul3A_1 : i32
    %mul3A_3 = arith.constant 640 : i32
    %mul3A_4 = arith.muli %arg1, %mul3A_3 : i32
    %mul3A_5 = arith.constant 640 : i32
    %mul3A_6 = arith.muli %arg1, %mul3A_5 : i32
    "tpu.region"() ({
      %run_scoped3A = tpu.sem_alloc : memref<!tpu.dma_semaphore, #tpu.memory_space<semaphore_mem>>
      %dma_start3A_41 = arith.constant 0 : i32
      %dma_start3A_42 = tpu.memref_slice %arg9[%mul3A_6, %dma_start3A_41] : memref<10240x128xf32, #tpu.memory_space<vmem_shared>> -> memref<640x128xf32, #tpu.memory_space<vmem_shared>>
      %dma_start3A_43 = arith.constant 0 : i32
      %dma_start3A_44 = tpu.memref_slice %arg4[%arg0, %mul3A_4, %dma_start3A_43] : memref<2x10240x128xf32, #tpu.memory_space<hbm>> -> memref<1x640x128xf32, #tpu.memory_space<hbm>>
      %dma_start3A_45 = tpu.memref_squeeze %dma_start3A_44 : memref<1x640x128xf32, #tpu.memory_space<hbm>> -> memref<640x128xf32, #tpu.memory_space<hbm>>
      tpu.enqueue_dma source(%dma_start3A_45 : memref<640x128xf32, #tpu.memory_space<hbm>>) target(%dma_start3A_42 : memref<640x128xf32, #tpu.memory_space<vmem_shared>>) target_semaphore(%run_scoped3A : memref<!tpu.dma_semaphore, #tpu.memory_space<semaphore_mem>>)
      %dma_wait3A_46 = arith.constant 0 : i32
      %dma_wait3A_47 = tpu.memref_slice %arg9[%mul3A_6, %dma_wait3A_46] : memref<10240x128xf32, #tpu.memory_space<vmem_shared>> -> memref<640x128xf32, #tpu.memory_space<vmem_shared>>
      %dma_wait3A_48 = arith.constant 0 : i32
      %dma_wait3A_49 = tpu.memref_slice %arg4[%arg0, %mul3A_4, %dma_wait3A_48] : memref<2x10240x128xf32, #tpu.memory_space<hbm>> -> memref<1x640x128xf32, #tpu.memory_space<hbm>>
      %dma_wait3A_50 = tpu.memref_squeeze %dma_wait3A_49 : memref<1x640x128xf32, #tpu.memory_space<hbm>> -> memref<640x128xf32, #tpu.memory_space<hbm>>
      tpu.wait_dma2 semaphore(%run_scoped3A : memref<!tpu.dma_semaphore, #tpu.memory_space<semaphore_mem>>) src(%dma_wait3A_50 : memref<640x128xf32, #tpu.memory_space<hbm>>) dst(%dma_wait3A_47 : memref<640x128xf32, #tpu.memory_space<vmem_shared>>)
      tpu.yield
    }) : () -> ()
    %dma_start3A = arith.constant 0 : i32
    %dma_start3A_7 = arith.constant 0 : i32
    %dma_start3A_8 = tpu.memref_slice %arg3[%add3A, %dma_start3A, %dma_start3A_7] : memref<32x20x128xi32, #tpu.memory_space<hbm>> -> memref<1x20x128xi32, #tpu.memory_space<hbm>>
    %dma_start3A_9 = tpu.memref_squeeze %dma_start3A_8 : memref<1x20x128xi32, #tpu.memory_space<hbm>> -> memref<20x128xi32, #tpu.memory_space<hbm>>
    %dma_start3A_10 = arith.constant 0 : i32
    %dma_start3A_11 = arith.constant 0 : i32
    %dma_start3A_12 = tpu.memref_slice %arg3[%add3A, %dma_start3A_10, %dma_start3A_11] : memref<32x20x128xi32, #tpu.memory_space<hbm>> -> memref<1x20x128xi32, #tpu.memory_space<hbm>>
    %dma_start3A_13 = tpu.memref_squeeze %dma_start3A_12 : memref<1x20x128xi32, #tpu.memory_space<hbm>> -> memref<20x128xi32, #tpu.memory_space<hbm>>
    tpu.enqueue_dma source(%dma_start3A_13 : memref<20x128xi32, #tpu.memory_space<hbm>>) target(%arg6 : memref<20x128xi32, #tpu.memory_space<vmem>>) target_semaphore(%arg10 : memref<!tpu.dma_semaphore, #tpu.memory_space<semaphore_mem>>)
    %dma_wait3A = arith.constant 0 : i32
    %dma_wait3A_14 = arith.constant 0 : i32
    %dma_wait3A_15 = tpu.memref_slice %arg3[%add3A, %dma_wait3A, %dma_wait3A_14] : memref<32x20x128xi32, #tpu.memory_space<hbm>> -> memref<1x20x128xi32, #tpu.memory_space<hbm>>
    %dma_wait3A_16 = tpu.memref_squeeze %dma_wait3A_15 : memref<1x20x128xi32, #tpu.memory_space<hbm>> -> memref<20x128xi32, #tpu.memory_space<hbm>>
    %dma_wait3A_17 = arith.constant 0 : i32
    %dma_wait3A_18 = arith.constant 0 : i32
    %dma_wait3A_19 = tpu.memref_slice %arg3[%add3A, %dma_wait3A_17, %dma_wait3A_18] : memref<32x20x128xi32, #tpu.memory_space<hbm>> -> memref<1x20x128xi32, #tpu.memory_space<hbm>>
    %dma_wait3A_20 = tpu.memref_squeeze %dma_wait3A_19 : memref<1x20x128xi32, #tpu.memory_space<hbm>> -> memref<20x128xi32, #tpu.memory_space<hbm>>
    tpu.wait_dma2 semaphore(%arg10 : memref<!tpu.dma_semaphore, #tpu.memory_space<semaphore_mem>>) src(%dma_wait3A_20 : memref<20x128xi32, #tpu.memory_space<hbm>>) dst(%arg6 : memref<20x128xi32, #tpu.memory_space<vmem>>)
    %barrier3A = arith.constant 0 : index
    tpu.barrier barrier_id(%barrier3A)
    %dma_start3A_21 = arith.constant 0 : i32
    %dma_start3A_22 = tpu.memref_slice %arg2[%mul3A_2, %dma_start3A_21] : memref<81920x128xf32, #tpu.memory_space<hbm>> -> memref<128x128xf32, #tpu.memory_space<hbm>>
    %dma_start3A_23 = arith.constant 0 : i32
    %dma_start3A_24 = tpu.memref_slice %arg2[%mul3A_2, %dma_start3A_23] : memref<81920x128xf32, #tpu.memory_space<hbm>> -> memref<128x128xf32, #tpu.memory_space<hbm>>
    tpu.enqueue_dma source(%dma_start3A_24 : memref<128x128xf32, #tpu.memory_space<hbm>>) target(%arg7 : memref<128x128xf32, #tpu.memory_space<vmem>>) target_semaphore(%arg10 : memref<!tpu.dma_semaphore, #tpu.memory_space<semaphore_mem>>)
    %scan3A = arith.constant 0 : i32
    %scan3A_25 = arith.constant 10 : i32
    %scan3A_26 = arith.addi %scan3A, %scan3A_25 : i32
    %scan3A_27 = arith.constant 1 : i32
    scf.for %scan3A_41 = %scan3A to %scan3A_26 step %scan3A_27  : i32 {
      %mul3A_42 = arith.constant 2 : i32
      %mul3A_43 = arith.muli %scan3A_41, %mul3A_42 : i32
      %add3A_44 = arith.constant 0 : i32
      %add3A_45 = arith.addi %add3A_44, %mul3A_43 : i32
      %ge3A = arith.constant 1 : i32
      %ge3A_46 = arith.cmpi sge, %add3A_45, %ge3A : i32
      %convert_element_type3A = arith.extui %ge3A_46 : i1 to i32
      %cond3A = arith.constant 0 : i32
      %cond3A_47 = arith.cmpi ne, %convert_element_type3A, %cond3A : i32
      scf.if %cond3A_47 {
        %dma_wait3A_94 = arith.constant 0 : i32
        %dma_wait3A_95 = arith.constant 0 : i32
        %dma_wait3A_96 = tpu.memref_slice %arg6[%dma_wait3A_94, %dma_wait3A_95] : memref<20x128xi32, #tpu.memory_space<vmem>> -> memref<1x128xi32, #tpu.memory_space<vmem>>
        %dma_wait3A_97 = tpu.memref_squeeze %dma_wait3A_96 : memref<1x128xi32, #tpu.memory_space<vmem>> -> memref<128xi32, #tpu.memory_space<vmem>>
        %dma_wait3A_98 = arith.constant 0 : i32
        %dma_wait3A_99 = arith.constant 0 : i32
        %dma_wait3A_100 = tpu.memref_slice %arg9[%dma_wait3A_98, %dma_wait3A_99] : memref<10240x128xf32, #tpu.memory_space<vmem_shared>> -> memref<10240x128xf32, #tpu.memory_space<vmem_shared>>
        tpu.wait_indirect_dma semaphore(%arg11 : memref<!tpu.dma_semaphore, #tpu.memory_space<semaphore_mem>>) src(%arg8 : memref<128x128xf32, #tpu.memory_space<vmem>>) dst(%dma_wait3A_100 : memref<10240x128xf32, #tpu.memory_space<vmem_shared>>)
      } else {
      }
      %add3A_48 = arith.constant 1 : i32
      %add3A_49 = arith.addi %add3A_45, %add3A_48 : i32
      %lt3A = arith.constant 20 : i32
      %lt3A_50 = arith.cmpi slt, %add3A_49, %lt3A : i32
      %convert_element_type3A_51 = arith.extui %lt3A_50 : i1 to i32
      %cond3A_52 = arith.constant 0 : i32
      %cond3A_53 = arith.cmpi ne, %convert_element_type3A_51, %cond3A_52 : i32
      scf.if %cond3A_53 {
        %add3A_94 = arith.constant 1 : i32
        %add3A_95 = arith.addi %add3A_45, %add3A_94 : i32
        %mul3A_96 = arith.constant 128 : i32
        %mul3A_97 = arith.muli %add3A_95, %mul3A_96 : i32
        %add3A_98 = arith.addi %mul3A_2, %mul3A_97 : i32
        %dma_start3A_99 = arith.constant 0 : i32
        %dma_start3A_100 = tpu.memref_slice %arg2[%add3A_98, %dma_start3A_99] : memref<81920x128xf32, #tpu.memory_space<hbm>> -> memref<128x128xf32, #tpu.memory_space<hbm>>
        %dma_start3A_101 = arith.constant 0 : i32
        %dma_start3A_102 = tpu.memref_slice %arg2[%add3A_98, %dma_start3A_101] : memref<81920x128xf32, #tpu.memory_space<hbm>> -> memref<128x128xf32, #tpu.memory_space<hbm>>
        tpu.enqueue_dma source(%dma_start3A_102 : memref<128x128xf32, #tpu.memory_space<hbm>>) target(%arg8 : memref<128x128xf32, #tpu.memory_space<vmem>>) target_semaphore(%arg10 : memref<!tpu.dma_semaphore, #tpu.memory_space<semaphore_mem>>)
      } else {
      }
      %mul3A_54 = arith.constant 128 : i32
      %mul3A_55 = arith.muli %add3A_45, %mul3A_54 : i32
      %add3A_56 = arith.addi %mul3A_2, %mul3A_55 : i32
      %dma_wait3A_57 = arith.constant 0 : i32
      %dma_wait3A_58 = tpu.memref_slice %arg2[%add3A_56, %dma_wait3A_57] : memref<81920x128xf32, #tpu.memory_space<hbm>> -> memref<128x128xf32, #tpu.memory_space<hbm>>
      %dma_wait3A_59 = arith.constant 0 : i32
      %dma_wait3A_60 = tpu.memref_slice %arg2[%add3A_56, %dma_wait3A_59] : memref<81920x128xf32, #tpu.memory_space<hbm>> -> memref<128x128xf32, #tpu.memory_space<hbm>>
      tpu.wait_dma2 semaphore(%arg10 : memref<!tpu.dma_semaphore, #tpu.memory_space<semaphore_mem>>) src(%dma_wait3A_60 : memref<128x128xf32, #tpu.memory_space<hbm>>) dst(%arg7 : memref<128x128xf32, #tpu.memory_space<vmem>>)
      %dma_start3A_61 = arith.constant 0 : i32
      %dma_start3A_62 = tpu.memref_slice %arg6[%add3A_45, %dma_start3A_61] : memref<20x128xi32, #tpu.memory_space<vmem>> -> memref<1x128xi32, #tpu.memory_space<vmem>>
      %dma_start3A_63 = tpu.memref_squeeze %dma_start3A_62 : memref<1x128xi32, #tpu.memory_space<vmem>> -> memref<128xi32, #tpu.memory_space<vmem>>
      %dma_start3A_64 = arith.constant 0 : i32
      %dma_start3A_65 = arith.constant 0 : i32
      %dma_start3A_66 = tpu.memref_slice %arg9[%dma_start3A_64, %dma_start3A_65] : memref<10240x128xf32, #tpu.memory_space<vmem_shared>> -> memref<10240x128xf32, #tpu.memory_space<vmem_shared>>
      tpu.enqueue_indirect_dma source(%arg7 : memref<128x128xf32, #tpu.memory_space<vmem>>) target(%dma_start3A_66 : memref<10240x128xf32, #tpu.memory_space<vmem_shared>>) offsets(%dma_start3A_63 : memref<128xi32, #tpu.memory_space<vmem>>) semaphore(%arg11 : memref<!tpu.dma_semaphore, #tpu.memory_space<semaphore_mem>>) {add = true}
      %add3A_67 = arith.constant 1 : i32
      %add3A_68 = arith.addi %add3A_45, %add3A_67 : i32
      %ge3A_69 = arith.constant 1 : i32
      %ge3A_70 = arith.cmpi sge, %add3A_68, %ge3A_69 : i32
      %convert_element_type3A_71 = arith.extui %ge3A_70 : i1 to i32
      %cond3A_72 = arith.constant 0 : i32
      %cond3A_73 = arith.cmpi ne, %convert_element_type3A_71, %cond3A_72 : i32
      scf.if %cond3A_73 {
        %dma_wait3A_94 = arith.constant 0 : i32
        %dma_wait3A_95 = arith.constant 0 : i32
        %dma_wait3A_96 = tpu.memref_slice %arg6[%dma_wait3A_94, %dma_wait3A_95] : memref<20x128xi32, #tpu.memory_space<vmem>> -> memref<1x128xi32, #tpu.memory_space<vmem>>
        %dma_wait3A_97 = tpu.memref_squeeze %dma_wait3A_96 : memref<1x128xi32, #tpu.memory_space<vmem>> -> memref<128xi32, #tpu.memory_space<vmem>>
        %dma_wait3A_98 = arith.constant 0 : i32
        %dma_wait3A_99 = arith.constant 0 : i32
        %dma_wait3A_100 = tpu.memref_slice %arg9[%dma_wait3A_98, %dma_wait3A_99] : memref<10240x128xf32, #tpu.memory_space<vmem_shared>> -> memref<10240x128xf32, #tpu.memory_space<vmem_shared>>
        tpu.wait_indirect_dma semaphore(%arg11 : memref<!tpu.dma_semaphore, #tpu.memory_space<semaphore_mem>>) src(%arg7 : memref<128x128xf32, #tpu.memory_space<vmem>>) dst(%dma_wait3A_100 : memref<10240x128xf32, #tpu.memory_space<vmem_shared>>)
      } else {
      }
      %add3A_74 = arith.constant 1 : i32
      %add3A_75 = arith.addi %add3A_68, %add3A_74 : i32
      %lt3A_76 = arith.constant 20 : i32
      %lt3A_77 = arith.cmpi slt, %add3A_75, %lt3A_76 : i32
      %convert_element_type3A_78 = arith.extui %lt3A_77 : i1 to i32
      %cond3A_79 = arith.constant 0 : i32
      %cond3A_80 = arith.cmpi ne, %convert_element_type3A_78, %cond3A_79 : i32
      scf.if %cond3A_80 {
        %add3A_94 = arith.constant 1 : i32
        %add3A_95 = arith.addi %add3A_68, %add3A_94 : i32
        %mul3A_96 = arith.constant 128 : i32
        %mul3A_97 = arith.muli %add3A_95, %mul3A_96 : i32
        %add3A_98 = arith.addi %mul3A_2, %mul3A_97 : i32
        %dma_start3A_99 = arith.constant 0 : i32
        %dma_start3A_100 = tpu.memref_slice %arg2[%add3A_98, %dma_start3A_99] : memref<81920x128xf32, #tpu.memory_space<hbm>> -> memref<128x128xf32, #tpu.memory_space<hbm>>
        %dma_start3A_101 = arith.constant 0 : i32
        %dma_start3A_102 = tpu.memref_slice %arg2[%add3A_98, %dma_start3A_101] : memref<81920x128xf32, #tpu.memory_space<hbm>> -> memref<128x128xf32, #tpu.memory_space<hbm>>
        tpu.enqueue_dma source(%dma_start3A_102 : memref<128x128xf32, #tpu.memory_space<hbm>>) target(%arg7 : memref<128x128xf32, #tpu.memory_space<vmem>>) target_semaphore(%arg10 : memref<!tpu.dma_semaphore, #tpu.memory_space<semaphore_mem>>)
      } else {
      }
      %mul3A_81 = arith.constant 128 : i32
      %mul3A_82 = arith.muli %add3A_68, %mul3A_81 : i32
      %add3A_83 = arith.addi %mul3A_2, %mul3A_82 : i32
      %dma_wait3A_84 = arith.constant 0 : i32
      %dma_wait3A_85 = tpu.memref_slice %arg2[%add3A_83, %dma_wait3A_84] : memref<81920x128xf32, #tpu.memory_space<hbm>> -> memref<128x128xf32, #tpu.memory_space<hbm>>
      %dma_wait3A_86 = arith.constant 0 : i32
      %dma_wait3A_87 = tpu.memref_slice %arg2[%add3A_83, %dma_wait3A_86] : memref<81920x128xf32, #tpu.memory_space<hbm>> -> memref<128x128xf32, #tpu.memory_space<hbm>>
      tpu.wait_dma2 semaphore(%arg10 : memref<!tpu.dma_semaphore, #tpu.memory_space<semaphore_mem>>) src(%dma_wait3A_87 : memref<128x128xf32, #tpu.memory_space<hbm>>) dst(%arg8 : memref<128x128xf32, #tpu.memory_space<vmem>>)
      %dma_start3A_88 = arith.constant 0 : i32
      %dma_start3A_89 = tpu.memref_slice %arg6[%add3A_68, %dma_start3A_88] : memref<20x128xi32, #tpu.memory_space<vmem>> -> memref<1x128xi32, #tpu.memory_space<vmem>>
      %dma_start3A_90 = tpu.memref_squeeze %dma_start3A_89 : memref<1x128xi32, #tpu.memory_space<vmem>> -> memref<128xi32, #tpu.memory_space<vmem>>
      %dma_start3A_91 = arith.constant 0 : i32
      %dma_start3A_92 = arith.constant 0 : i32
      %dma_start3A_93 = tpu.memref_slice %arg9[%dma_start3A_91, %dma_start3A_92] : memref<10240x128xf32, #tpu.memory_space<vmem_shared>> -> memref<10240x128xf32, #tpu.memory_space<vmem_shared>>
      tpu.enqueue_indirect_dma source(%arg8 : memref<128x128xf32, #tpu.memory_space<vmem>>) target(%dma_start3A_93 : memref<10240x128xf32, #tpu.memory_space<vmem_shared>>) offsets(%dma_start3A_90 : memref<128xi32, #tpu.memory_space<vmem>>) semaphore(%arg11 : memref<!tpu.dma_semaphore, #tpu.memory_space<semaphore_mem>>) {add = true}
    }
    %scan3A_28 = arith.constant 10 : i32
    %dma_wait3A_29 = arith.constant 0 : i32
    %dma_wait3A_30 = arith.constant 0 : i32
    %dma_wait3A_31 = tpu.memref_slice %arg6[%dma_wait3A_29, %dma_wait3A_30] : memref<20x128xi32, #tpu.memory_space<vmem>> -> memref<1x128xi32, #tpu.memory_space<vmem>>
    %dma_wait3A_32 = tpu.memref_squeeze %dma_wait3A_31 : memref<1x128xi32, #tpu.memory_space<vmem>> -> memref<128xi32, #tpu.memory_space<vmem>>
    %dma_wait3A_33 = arith.constant 0 : i32
    %dma_wait3A_34 = arith.constant 0 : i32
    %dma_wait3A_35 = tpu.memref_slice %arg9[%dma_wait3A_33, %dma_wait3A_34] : memref<10240x128xf32, #tpu.memory_space<vmem_shared>> -> memref<10240x128xf32, #tpu.memory_space<vmem_shared>>
    tpu.wait_indirect_dma semaphore(%arg11 : memref<!tpu.dma_semaphore, #tpu.memory_space<semaphore_mem>>) src(%arg7 : memref<128x128xf32, #tpu.memory_space<vmem>>) dst(%dma_wait3A_35 : memref<10240x128xf32, #tpu.memory_space<vmem_shared>>)
    %barrier3A_36 = arith.constant 0 : index
    tpu.barrier barrier_id(%barrier3A_36)
    %mul3A_37 = arith.constant 640 : i32
    %mul3A_38 = arith.muli %arg1, %mul3A_37 : i32
    %mul3A_39 = arith.constant 640 : i32
    %mul3A_40 = arith.muli %arg1, %mul3A_39 : i32
    "tpu.region"() ({
      %run_scoped3A = tpu.sem_alloc : memref<!tpu.dma_semaphore, #tpu.memory_space<semaphore_mem>>
      %dma_start3A_41 = arith.constant 0 : i32
      %dma_start3A_42 = tpu.memref_slice %arg5[%arg0, %mul3A_40, %dma_start3A_41] : memref<2x10240x128xf32, #tpu.memory_space<hbm>> -> memref<1x640x128xf32, #tpu.memory_space<hbm>>
      %dma_start3A_43 = tpu.memref_squeeze %dma_start3A_42 : memref<1x640x128xf32, #tpu.memory_space<hbm>> -> memref<640x128xf32, #tpu.memory_space<hbm>>
      %dma_start3A_44 = arith.constant 0 : i32
      %dma_start3A_45 = tpu.memref_slice %arg9[%mul3A_38, %dma_start3A_44] : memref<10240x128xf32, #tpu.memory_space<vmem_shared>> -> memref<640x128xf32, #tpu.memory_space<vmem_shared>>
      tpu.enqueue_dma source(%dma_start3A_45 : memref<640x128xf32, #tpu.memory_space<vmem_shared>>) target(%dma_start3A_43 : memref<640x128xf32, #tpu.memory_space<hbm>>) target_semaphore(%run_scoped3A : memref<!tpu.dma_semaphore, #tpu.memory_space<semaphore_mem>>)
      %dma_wait3A_46 = arith.constant 0 : i32
      %dma_wait3A_47 = tpu.memref_slice %arg5[%arg0, %mul3A_40, %dma_wait3A_46] : memref<2x10240x128xf32, #tpu.memory_space<hbm>> -> memref<1x640x128xf32, #tpu.memory_space<hbm>>
      %dma_wait3A_48 = tpu.memref_squeeze %dma_wait3A_47 : memref<1x640x128xf32, #tpu.memory_space<hbm>> -> memref<640x128xf32, #tpu.memory_space<hbm>>
      %dma_wait3A_49 = arith.constant 0 : i32
      %dma_wait3A_50 = tpu.memref_slice %arg9[%mul3A_38, %dma_wait3A_49] : memref<10240x128xf32, #tpu.memory_space<vmem_shared>> -> memref<640x128xf32, #tpu.memory_space<vmem_shared>>
      tpu.wait_dma2 semaphore(%run_scoped3A : memref<!tpu.dma_semaphore, #tpu.memory_space<semaphore_mem>>) src(%dma_wait3A_50 : memref<640x128xf32, #tpu.memory_space<vmem_shared>>) dst(%dma_wait3A_48 : memref<640x128xf32, #tpu.memory_space<hbm>>)
      tpu.yield
    }) : () -> ()
    return
  }
}

module attributes {stable_mosaic.version = 14 : i64} {
  func.func @_enc_nodes_tab_body(%arg0: i32, %arg1: memref<512x128xf32, #tpu.memory_space<vmem>>, %arg2: memref<128x128xf32, #tpu.memory_space<vmem>>, %arg3: memref<1x128xf32, #tpu.memory_space<vmem>>, %arg4: memref<128x128xf32, #tpu.memory_space<vmem>>, %arg5: memref<1x128xf32, #tpu.memory_space<vmem>>, %arg6: memref<128x128xf32, #tpu.memory_space<vmem>>, %arg7: memref<128x128xf32, #tpu.memory_space<vmem>>, %arg8: memref<512x128xf32, #tpu.memory_space<vmem>>, %arg9: memref<512x128xf32, #tpu.memory_space<vmem>>, %arg10: memref<512x128xf32, #tpu.memory_space<vmem>>) attributes {dimension_semantics = [#tpu.dimension_semantics<parallel>], iteration_bounds = array<i64: 20>, scalar_prefetch = 0 : i64, scratch_operands = 0 : i64, tpu.core_type = #tpu.core_type<tc>, window_params = [{transform_indices = @transform_0, window_bounds = array<i64: 512, 128>}, {pipeline_mode = #tpu.pipeline_mode<synchronous>, transform_indices = @transform_1, window_bounds = array<i64: 128, 128>}, {pipeline_mode = #tpu.pipeline_mode<synchronous>, transform_indices = @transform_2, window_bounds = array<i64: 1, 128>}, {pipeline_mode = #tpu.pipeline_mode<synchronous>, transform_indices = @transform_3, window_bounds = array<i64: 128, 128>}, {pipeline_mode = #tpu.pipeline_mode<synchronous>, transform_indices = @transform_4, window_bounds = array<i64: 1, 128>}, {pipeline_mode = #tpu.pipeline_mode<synchronous>, transform_indices = @transform_5, window_bounds = array<i64: 128, 128>}, {pipeline_mode = #tpu.pipeline_mode<synchronous>, transform_indices = @transform_6, window_bounds = array<i64: 128, 128>}, {transform_indices = @transform_7, window_bounds = array<i64: 512, 128>}, {transform_indices = @transform_8, window_bounds = array<i64: 512, 128>}, {transform_indices = @transform_9, window_bounds = array<i64: 512, 128>}]} {
    %get3A = arith.constant 0 : index
    %get3A_0 = arith.constant 0 : index
    %get3A_1 = vector.load %arg1[%get3A, %get3A_0] : memref<512x128xf32, #tpu.memory_space<vmem>>, vector<512x128xf32>
    %get3A_2 = arith.constant 0 : index
    %get3A_3 = arith.constant 0 : index
    %get3A_4 = vector.load %arg2[%get3A_2, %get3A_3] : memref<128x128xf32, #tpu.memory_space<vmem>>, vector<128x128xf32>
    %dot_general3A = arith.constant dense<0.000000e+00> : vector<512x128xf32>
    %dot_general3A_5 = tpu.matmul %get3A_1, %get3A_4, %dot_general3A {dimension_numbers = #tpu.dot_dimension_numbers<[1], [0], [0], [1], [0, 0, 1, 1], [], []>, transpose_lhs_hint = false} : vector<512x128xf32>, vector<128x128xf32>, vector<512x128xf32> -> vector<512x128xf32>
    %get3A_6 = arith.constant 0 : index
    %get3A_7 = arith.constant 0 : index
    %get3A_8 = vector.load %arg3[%get3A_6, %get3A_7] : memref<1x128xf32, #tpu.memory_space<vmem>>, vector<1x128xf32>
    %add3A = vector.broadcast %get3A_8 : vector<1x128xf32> to vector<512x128xf32>
    %add3A_9 = arith.addf %dot_general3A_5, %add3A : vector<512x128xf32>
    %max3A = arith.constant 0.000000e+00 : f32
    %max3A_10 = vector.broadcast %max3A : f32 to vector<512x128xf32>
    %max3A_11 = arith.maximumf %add3A_9, %max3A_10 : vector<512x128xf32>
    %get3A_12 = arith.constant 0 : index
    %get3A_13 = arith.constant 0 : index
    %get3A_14 = vector.load %arg4[%get3A_12, %get3A_13] : memref<128x128xf32, #tpu.memory_space<vmem>>, vector<128x128xf32>
    %dot_general3A_15 = arith.constant dense<0.000000e+00> : vector<512x128xf32>
    %dot_general3A_16 = tpu.matmul %max3A_11, %get3A_14, %dot_general3A_15 {dimension_numbers = #tpu.dot_dimension_numbers<[1], [0], [0], [1], [0, 0, 1, 1], [], []>, transpose_lhs_hint = false} : vector<512x128xf32>, vector<128x128xf32>, vector<512x128xf32> -> vector<512x128xf32>
    %get3A_17 = arith.constant 0 : index
    %get3A_18 = arith.constant 0 : index
    %get3A_19 = vector.load %arg5[%get3A_17, %get3A_18] : memref<1x128xf32, #tpu.memory_space<vmem>>, vector<1x128xf32>
    %add3A_20 = vector.broadcast %get3A_19 : vector<1x128xf32> to vector<512x128xf32>
    %add3A_21 = arith.addf %dot_general3A_16, %add3A_20 : vector<512x128xf32>
    %swap3A = arith.constant 0 : index
    %swap3A_22 = arith.constant 0 : index
    %swap3A_23 = vector.load %arg8[%swap3A, %swap3A_22] : memref<512x128xf32, #tpu.memory_space<vmem>>, vector<512x128xf32>
    tpu.vector_store %arg8[%swap3A, %swap3A_22], %add3A_21 {strides = array<i32>} : memref<512x128xf32, #tpu.memory_space<vmem>>, vector<512x128xf32>,
    %get3A_24 = arith.constant 0 : index
    %get3A_25 = arith.constant 0 : index
    %get3A_26 = vector.load %arg6[%get3A_24, %get3A_25] : memref<128x128xf32, #tpu.memory_space<vmem>>, vector<128x128xf32>
    %dot_general3A_27 = arith.constant dense<0.000000e+00> : vector<512x128xf32>
    %dot_general3A_28 = tpu.matmul %add3A_21, %get3A_26, %dot_general3A_27 {dimension_numbers = #tpu.dot_dimension_numbers<[1], [0], [0], [1], [0, 0, 1, 1], [], []>, transpose_lhs_hint = false} : vector<512x128xf32>, vector<128x128xf32>, vector<512x128xf32> -> vector<512x128xf32>
    %swap3A_29 = arith.constant 0 : index
    %swap3A_30 = arith.constant 0 : index
    %swap3A_31 = vector.load %arg9[%swap3A_29, %swap3A_30] : memref<512x128xf32, #tpu.memory_space<vmem>>, vector<512x128xf32>
    tpu.vector_store %arg9[%swap3A_29, %swap3A_30], %dot_general3A_28 {strides = array<i32>} : memref<512x128xf32, #tpu.memory_space<vmem>>, vector<512x128xf32>,
    %get3A_32 = arith.constant 0 : index
    %get3A_33 = arith.constant 0 : index
    %get3A_34 = vector.load %arg7[%get3A_32, %get3A_33] : memref<128x128xf32, #tpu.memory_space<vmem>>, vector<128x128xf32>
    %dot_general3A_35 = arith.constant dense<0.000000e+00> : vector<512x128xf32>
    %dot_general3A_36 = tpu.matmul %add3A_21, %get3A_34, %dot_general3A_35 {dimension_numbers = #tpu.dot_dimension_numbers<[1], [0], [0], [1], [0, 0, 1, 1], [], []>, transpose_lhs_hint = false} : vector<512x128xf32>, vector<128x128xf32>, vector<512x128xf32> -> vector<512x128xf32>
    %swap3A_37 = arith.constant 0 : index
    %swap3A_38 = arith.constant 0 : index
    %swap3A_39 = vector.load %arg10[%swap3A_37, %swap3A_38] : memref<512x128xf32, #tpu.memory_space<vmem>>, vector<512x128xf32>
    tpu.vector_store %arg10[%swap3A_37, %swap3A_38], %dot_general3A_36 {strides = array<i32>} : memref<512x128xf32, #tpu.memory_space<vmem>>, vector<512x128xf32>,
    return
  }
  func.func @transform_0(%arg0: i32) -> (i32, i32) {
    %c0_i32 = arith.constant 0 : i32
    %c0_i32_0 = arith.constant 0 : i32
    return %arg0, %c0_i32 : i32, i32
  }
  func.func @transform_1(%arg0: i32) -> (i32, i32) {
    %c0_i32 = arith.constant 0 : i32
    %c0_i32_0 = arith.constant 0 : i32
    %c0_i32_1 = arith.constant 0 : i32
    return %c0_i32, %c0_i32_0 : i32, i32
  }
  func.func @transform_2(%arg0: i32) -> (i32, i32) {
    %c0_i32 = arith.constant 0 : i32
    %c0_i32_0 = arith.constant 0 : i32
    %c0_i32_1 = arith.constant 0 : i32
    return %c0_i32, %c0_i32_0 : i32, i32
  }
  func.func @transform_3(%arg0: i32) -> (i32, i32) {
    %c0_i32 = arith.constant 0 : i32
    %c0_i32_0 = arith.constant 0 : i32
    %c0_i32_1 = arith.constant 0 : i32
    return %c0_i32, %c0_i32_0 : i32, i32
  }
  func.func @transform_4(%arg0: i32) -> (i32, i32) {
    %c0_i32 = arith.constant 0 : i32
    %c0_i32_0 = arith.constant 0 : i32
    %c0_i32_1 = arith.constant 0 : i32
    return %c0_i32, %c0_i32_0 : i32, i32
  }
  func.func @transform_5(%arg0: i32) -> (i32, i32) {
    %c0_i32 = arith.constant 0 : i32
    %c0_i32_0 = arith.constant 0 : i32
    %c0_i32_1 = arith.constant 0 : i32
    return %c0_i32, %c0_i32_0 : i32, i32
  }
  func.func @transform_6(%arg0: i32) -> (i32, i32) {
    %c0_i32 = arith.constant 0 : i32
    %c0_i32_0 = arith.constant 0 : i32
    %c0_i32_1 = arith.constant 0 : i32
    return %c0_i32, %c0_i32_0 : i32, i32
  }
  func.func @transform_7(%arg0: i32) -> (i32, i32) {
    %c0_i32 = arith.constant 0 : i32
    %c0_i32_0 = arith.constant 0 : i32
    return %arg0, %c0_i32 : i32, i32
  }
  func.func @transform_8(%arg0: i32) -> (i32, i32) {
    %c0_i32 = arith.constant 0 : i32
    %c0_i32_0 = arith.constant 0 : i32
    return %arg0, %c0_i32 : i32, i32
  }
  func.func @transform_9(%arg0: i32) -> (i32, i32) {
    %c0_i32 = arith.constant 0 : i32
    %c0_i32_0 = arith.constant 0 : i32
    return %arg0, %c0_i32 : i32, i32
  }
}

module attributes {stable_mosaic.version = 14 : i64} {
  func.func @_mlp2_body(%arg0: i32, %arg1: memref<512x16xf32, #tpu.memory_space<vmem>>, %arg2: memref<16x128xf32, #tpu.memory_space<vmem>>, %arg3: memref<1x128xf32, #tpu.memory_space<vmem>>, %arg4: memref<128x128xf32, #tpu.memory_space<vmem>>, %arg5: memref<1x128xf32, #tpu.memory_space<vmem>>, %arg6: memref<512x128xf32, #tpu.memory_space<vmem>>) attributes {dimension_semantics = [#tpu.dimension_semantics<parallel>], iteration_bounds = array<i64: 320>, scalar_prefetch = 0 : i64, scratch_operands = 0 : i64, tpu.core_type = #tpu.core_type<tc>, window_params = [{transform_indices = @transform_0, window_bounds = array<i64: 512, 16>}, {pipeline_mode = #tpu.pipeline_mode<synchronous>, transform_indices = @transform_1, window_bounds = array<i64: 16, 128>}, {pipeline_mode = #tpu.pipeline_mode<synchronous>, transform_indices = @transform_2, window_bounds = array<i64: 1, 128>}, {pipeline_mode = #tpu.pipeline_mode<synchronous>, transform_indices = @transform_3, window_bounds = array<i64: 128, 128>}, {pipeline_mode = #tpu.pipeline_mode<synchronous>, transform_indices = @transform_4, window_bounds = array<i64: 1, 128>}, {transform_indices = @transform_5, window_bounds = array<i64: 512, 128>}]} {
    %get3A = arith.constant 0 : index
    %get3A_0 = arith.constant 0 : index
    %get3A_1 = vector.load %arg1[%get3A, %get3A_0] : memref<512x16xf32, #tpu.memory_space<vmem>>, vector<512x16xf32>
    %get3A_2 = arith.constant 0 : index
    %get3A_3 = arith.constant 0 : index
    %get3A_4 = vector.load %arg2[%get3A_2, %get3A_3] : memref<16x128xf32, #tpu.memory_space<vmem>>, vector<16x128xf32>
    %dot_general3A = arith.constant dense<0.000000e+00> : vector<512x128xf32>
    %dot_general3A_5 = tpu.matmul %get3A_1, %get3A_4, %dot_general3A {dimension_numbers = #tpu.dot_dimension_numbers<[1], [0], [0], [1], [0, 0, 1, 1], [], []>, transpose_lhs_hint = false} : vector<512x16xf32>, vector<16x128xf32>, vector<512x128xf32> -> vector<512x128xf32>
    %get3A_6 = arith.constant 0 : index
    %get3A_7 = arith.constant 0 : index
    %get3A_8 = vector.load %arg3[%get3A_6, %get3A_7] : memref<1x128xf32, #tpu.memory_space<vmem>>, vector<1x128xf32>
    %add3A = vector.broadcast %get3A_8 : vector<1x128xf32> to vector<512x128xf32>
    %add3A_9 = arith.addf %dot_general3A_5, %add3A : vector<512x128xf32>
    %max3A = arith.constant 0.000000e+00 : f32
    %max3A_10 = vector.broadcast %max3A : f32 to vector<512x128xf32>
    %max3A_11 = arith.maximumf %add3A_9, %max3A_10 : vector<512x128xf32>
    %get3A_12 = arith.constant 0 : index
    %get3A_13 = arith.constant 0 : index
    %get3A_14 = vector.load %arg4[%get3A_12, %get3A_13] : memref<128x128xf32, #tpu.memory_space<vmem>>, vector<128x128xf32>
    %dot_general3A_15 = arith.constant dense<0.000000e+00> : vector<512x128xf32>
    %dot_general3A_16 = tpu.matmul %max3A_11, %get3A_14, %dot_general3A_15 {dimension_numbers = #tpu.dot_dimension_numbers<[1], [0], [0], [1], [0, 0, 1, 1], [], []>, transpose_lhs_hint = false} : vector<512x128xf32>, vector<128x128xf32>, vector<512x128xf32> -> vector<512x128xf32>
    %get3A_17 = arith.constant 0 : index
    %get3A_18 = arith.constant 0 : index
    %get3A_19 = vector.load %arg5[%get3A_17, %get3A_18] : memref<1x128xf32, #tpu.memory_space<vmem>>, vector<1x128xf32>
    %add3A_20 = vector.broadcast %get3A_19 : vector<1x128xf32> to vector<512x128xf32>
    %add3A_21 = arith.addf %dot_general3A_16, %add3A_20 : vector<512x128xf32>
    %swap3A = arith.constant 0 : index
    %swap3A_22 = arith.constant 0 : index
    %swap3A_23 = vector.load %arg6[%swap3A, %swap3A_22] : memref<512x128xf32, #tpu.memory_space<vmem>>, vector<512x128xf32>
    tpu.vector_store %arg6[%swap3A, %swap3A_22], %add3A_21 {strides = array<i32>} : memref<512x128xf32, #tpu.memory_space<vmem>>, vector<512x128xf32>,
    return
  }
  func.func @transform_0(%arg0: i32) -> (i32, i32) {
    %c0_i32 = arith.constant 0 : i32
    %c0_i32_0 = arith.constant 0 : i32
    return %arg0, %c0_i32 : i32, i32
  }
  func.func @transform_1(%arg0: i32) -> (i32, i32) {
    %c0_i32 = arith.constant 0 : i32
    %c0_i32_0 = arith.constant 0 : i32
    %c0_i32_1 = arith.constant 0 : i32
    return %c0_i32, %c0_i32_0 : i32, i32
  }
  func.func @transform_2(%arg0: i32) -> (i32, i32) {
    %c0_i32 = arith.constant 0 : i32
    %c0_i32_0 = arith.constant 0 : i32
    %c0_i32_1 = arith.constant 0 : i32
    return %c0_i32, %c0_i32_0 : i32, i32
  }
  func.func @transform_3(%arg0: i32) -> (i32, i32) {
    %c0_i32 = arith.constant 0 : i32
    %c0_i32_0 = arith.constant 0 : i32
    %c0_i32_1 = arith.constant 0 : i32
    return %c0_i32, %c0_i32_0 : i32, i32
  }
  func.func @transform_4(%arg0: i32) -> (i32, i32) {
    %c0_i32 = arith.constant 0 : i32
    %c0_i32_0 = arith.constant 0 : i32
    %c0_i32_1 = arith.constant 0 : i32
    return %c0_i32, %c0_i32_0 : i32, i32
  }
  func.func @transform_5(%arg0: i32) -> (i32, i32) {
    %c0_i32 = arith.constant 0 : i32
    %c0_i32_0 = arith.constant 0 : i32
    return %arg0, %c0_i32 : i32, i32
  }
}

module attributes {stable_mosaic.version = 14 : i64} {
  func.func @_edge_post_body(%arg0: i32, %arg1: memref<512x128xf32, #tpu.memory_space<vmem>>, %arg2: memref<512x128xf32, #tpu.memory_space<vmem>>, %arg3: memref<512x128xf32, #tpu.memory_space<vmem>>, %arg4: memref<128x128xf32, #tpu.memory_space<vmem>>, %arg5: memref<1x128xf32, #tpu.memory_space<vmem>>, %arg6: memref<128x128xf32, #tpu.memory_space<vmem>>, %arg7: memref<1x128xf32, #tpu.memory_space<vmem>>, %arg8: memref<512x128xf32, #tpu.memory_space<vmem>>, %arg9: memref<512x128xf32, #tpu.memory_space<vmem>>) attributes {dimension_semantics = [#tpu.dimension_semantics<parallel>], iteration_bounds = array<i64: 160>, scalar_prefetch = 0 : i64, scratch_operands = 0 : i64, tpu.core_type = #tpu.core_type<tc>, window_params = [{transform_indices = @transform_0, window_bounds = array<i64: 512, 128>}, {transform_indices = @transform_1, window_bounds = array<i64: 512, 128>}, {transform_indices = @transform_2, window_bounds = array<i64: 512, 128>}, {pipeline_mode = #tpu.pipeline_mode<synchronous>, transform_indices = @transform_3, window_bounds = array<i64: 128, 128>}, {pipeline_mode = #tpu.pipeline_mode<synchronous>, transform_indices = @transform_4, window_bounds = array<i64: 1, 128>}, {pipeline_mode = #tpu.pipeline_mode<synchronous>, transform_indices = @transform_5, window_bounds = array<i64: 128, 128>}, {pipeline_mode = #tpu.pipeline_mode<synchronous>, transform_indices = @transform_6, window_bounds = array<i64: 1, 128>}, {transform_indices = @transform_7, window_bounds = array<i64: 512, 128>}, {transform_indices = @transform_8, window_bounds = array<i64: 512, 128>}]} {
    %get3A = arith.constant 0 : index
    %get3A_0 = arith.constant 0 : index
    %get3A_1 = vector.load %arg3[%get3A, %get3A_0] : memref<512x128xf32, #tpu.memory_space<vmem>>, vector<512x128xf32>
    %get3A_2 = arith.constant 0 : index
    %get3A_3 = arith.constant 0 : index
    %get3A_4 = vector.load %arg1[%get3A_2, %get3A_3] : memref<512x128xf32, #tpu.memory_space<vmem>>, vector<512x128xf32>
    %get3A_5 = arith.constant 0 : index
    %get3A_6 = arith.constant 0 : index
    %get3A_7 = vector.load %arg2[%get3A_5, %get3A_6] : memref<512x128xf32, #tpu.memory_space<vmem>>, vector<512x128xf32>
    %add3A = arith.addf %get3A_4, %get3A_7 : vector<512x128xf32>
    %get3A_8 = arith.constant 0 : index
    %get3A_9 = arith.constant 0 : index
    %get3A_10 = vector.load %arg4[%get3A_8, %get3A_9] : memref<128x128xf32, #tpu.memory_space<vmem>>, vector<128x128xf32>
    %dot_general3A = arith.constant dense<0.000000e+00> : vector<512x128xf32>
    %dot_general3A_11 = tpu.matmul %get3A_1, %get3A_10, %dot_general3A {dimension_numbers = #tpu.dot_dimension_numbers<[1], [0], [0], [1], [0, 0, 1, 1], [], []>, transpose_lhs_hint = false} : vector<512x128xf32>, vector<128x128xf32>, vector<512x128xf32> -> vector<512x128xf32>
    %add3A_12 = arith.addf %add3A, %dot_general3A_11 : vector<512x128xf32>
    %get3A_13 = arith.constant 0 : index
    %get3A_14 = arith.constant 0 : index
    %get3A_15 = vector.load %arg5[%get3A_13, %get3A_14] : memref<1x128xf32, #tpu.memory_space<vmem>>, vector<1x128xf32>
    %add3A_16 = vector.broadcast %get3A_15 : vector<1x128xf32> to vector<512x128xf32>
    %add3A_17 = arith.addf %add3A_12, %add3A_16 : vector<512x128xf32>
    %max3A = arith.constant 0.000000e+00 : f32
    %max3A_18 = vector.broadcast %max3A : f32 to vector<512x128xf32>
    %max3A_19 = arith.maximumf %add3A_17, %max3A_18 : vector<512x128xf32>
    %get3A_20 = arith.constant 0 : index
    %get3A_21 = arith.constant 0 : index
    %get3A_22 = vector.load %arg6[%get3A_20, %get3A_21] : memref<128x128xf32, #tpu.memory_space<vmem>>, vector<128x128xf32>
    %dot_general3A_23 = arith.constant dense<0.000000e+00> : vector<512x128xf32>
    %dot_general3A_24 = tpu.matmul %max3A_19, %get3A_22, %dot_general3A_23 {dimension_numbers = #tpu.dot_dimension_numbers<[1], [0], [0], [1], [0, 0, 1, 1], [], []>, transpose_lhs_hint = false} : vector<512x128xf32>, vector<128x128xf32>, vector<512x128xf32> -> vector<512x128xf32>
    %get3A_25 = arith.constant 0 : index
    %get3A_26 = arith.constant 0 : index
    %get3A_27 = vector.load %arg7[%get3A_25, %get3A_26] : memref<1x128xf32, #tpu.memory_space<vmem>>, vector<1x128xf32>
    %add3A_28 = vector.broadcast %get3A_27 : vector<1x128xf32> to vector<512x128xf32>
    %add3A_29 = arith.addf %dot_general3A_24, %add3A_28 : vector<512x128xf32>
    %swap3A = arith.constant 0 : index
    %swap3A_30 = arith.constant 0 : index
    %swap3A_31 = vector.load %arg8[%swap3A, %swap3A_30] : memref<512x128xf32, #tpu.memory_space<vmem>>, vector<512x128xf32>
    tpu.vector_store %arg8[%swap3A, %swap3A_30], %add3A_29 {strides = array<i32>} : memref<512x128xf32, #tpu.memory_space<vmem>>, vector<512x128xf32>,
    %add3A_32 = arith.addf %get3A_1, %add3A_29 : vector<512x128xf32>
    %swap3A_33 = arith.constant 0 : index
    %swap3A_34 = arith.constant 0 : index
    %swap3A_35 = vector.load %arg9[%swap3A_33, %swap3A_34] : memref<512x128xf32, #tpu.memory_space<vmem>>, vector<512x128xf32>
    tpu.vector_store %arg9[%swap3A_33, %swap3A_34], %add3A_32 {strides = array<i32>} : memref<512x128xf32, #tpu.memory_space<vmem>>, vector<512x128xf32>,
    return
  }
  func.func @transform_0(%arg0: i32) -> (i32, i32) {
    %c0_i32 = arith.constant 0 : i32
    %c0_i32_0 = arith.constant 0 : i32
    return %arg0, %c0_i32 : i32, i32
  }
  func.func @transform_1(%arg0: i32) -> (i32, i32) {
    %c0_i32 = arith.constant 0 : i32
    %c0_i32_0 = arith.constant 0 : i32
    return %arg0, %c0_i32 : i32, i32
  }
  func.func @transform_2(%arg0: i32) -> (i32, i32) {
    %add3A = arith.constant 0 : i32
    %add3A_0 = arith.addi %arg0, %add3A : i32
    %c0_i32 = arith.constant 0 : i32
    %c0_i32_1 = arith.constant 0 : i32
    return %add3A_0, %c0_i32 : i32, i32
  }
  func.func @transform_3(%arg0: i32) -> (i32, i32) {
    %c0_i32 = arith.constant 0 : i32
    %c0_i32_0 = arith.constant 0 : i32
    %c0_i32_1 = arith.constant 0 : i32
    return %c0_i32, %c0_i32_0 : i32, i32
  }
  func.func @transform_4(%arg0: i32) -> (i32, i32) {
    %c0_i32 = arith.constant 0 : i32
    %c0_i32_0 = arith.constant 0 : i32
    %c0_i32_1 = arith.constant 0 : i32
    return %c0_i32, %c0_i32_0 : i32, i32
  }
  func.func @transform_5(%arg0: i32) -> (i32, i32) {
    %c0_i32 = arith.constant 0 : i32
    %c0_i32_0 = arith.constant 0 : i32
    %c0_i32_1 = arith.constant 0 : i32
    return %c0_i32, %c0_i32_0 : i32, i32
  }
  func.func @transform_6(%arg0: i32) -> (i32, i32) {
    %c0_i32 = arith.constant 0 : i32
    %c0_i32_0 = arith.constant 0 : i32
    %c0_i32_1 = arith.constant 0 : i32
    return %c0_i32, %c0_i32_0 : i32, i32
  }
  func.func @transform_7(%arg0: i32) -> (i32, i32) {
    %c0_i32 = arith.constant 0 : i32
    %c0_i32_0 = arith.constant 0 : i32
    return %arg0, %c0_i32 : i32, i32
  }
  func.func @transform_8(%arg0: i32) -> (i32, i32) {
    %c0_i32 = arith.constant 0 : i32
    %c0_i32_0 = arith.constant 0 : i32
    return %arg0, %c0_i32 : i32, i32
  }
}

module attributes {stable_mosaic.version = 14 : i64} {
  func.func @_edge_post_body(%arg0: i32, %arg1: memref<512x128xf32, #tpu.memory_space<vmem>>, %arg2: memref<512x128xf32, #tpu.memory_space<vmem>>, %arg3: memref<512x128xf32, #tpu.memory_space<vmem>>, %arg4: memref<128x128xf32, #tpu.memory_space<vmem>>, %arg5: memref<1x128xf32, #tpu.memory_space<vmem>>, %arg6: memref<128x128xf32, #tpu.memory_space<vmem>>, %arg7: memref<1x128xf32, #tpu.memory_space<vmem>>, %arg8: memref<512x128xf32, #tpu.memory_space<vmem>>, %arg9: memref<512x128xf32, #tpu.memory_space<vmem>>) attributes {dimension_semantics = [#tpu.dimension_semantics<parallel>], iteration_bounds = array<i64: 160>, scalar_prefetch = 0 : i64, scratch_operands = 0 : i64, tpu.core_type = #tpu.core_type<tc>, window_params = [{transform_indices = @transform_0, window_bounds = array<i64: 512, 128>}, {transform_indices = @transform_1, window_bounds = array<i64: 512, 128>}, {transform_indices = @transform_2, window_bounds = array<i64: 512, 128>}, {pipeline_mode = #tpu.pipeline_mode<synchronous>, transform_indices = @transform_3, window_bounds = array<i64: 128, 128>}, {pipeline_mode = #tpu.pipeline_mode<synchronous>, transform_indices = @transform_4, window_bounds = array<i64: 1, 128>}, {pipeline_mode = #tpu.pipeline_mode<synchronous>, transform_indices = @transform_5, window_bounds = array<i64: 128, 128>}, {pipeline_mode = #tpu.pipeline_mode<synchronous>, transform_indices = @transform_6, window_bounds = array<i64: 1, 128>}, {transform_indices = @transform_7, window_bounds = array<i64: 512, 128>}, {transform_indices = @transform_8, window_bounds = array<i64: 512, 128>}]} {
    %get3A = arith.constant 0 : index
    %get3A_0 = arith.constant 0 : index
    %get3A_1 = vector.load %arg3[%get3A, %get3A_0] : memref<512x128xf32, #tpu.memory_space<vmem>>, vector<512x128xf32>
    %get3A_2 = arith.constant 0 : index
    %get3A_3 = arith.constant 0 : index
    %get3A_4 = vector.load %arg1[%get3A_2, %get3A_3] : memref<512x128xf32, #tpu.memory_space<vmem>>, vector<512x128xf32>
    %get3A_5 = arith.constant 0 : index
    %get3A_6 = arith.constant 0 : index
    %get3A_7 = vector.load %arg2[%get3A_5, %get3A_6] : memref<512x128xf32, #tpu.memory_space<vmem>>, vector<512x128xf32>
    %add3A = arith.addf %get3A_4, %get3A_7 : vector<512x128xf32>
    %get3A_8 = arith.constant 0 : index
    %get3A_9 = arith.constant 0 : index
    %get3A_10 = vector.load %arg4[%get3A_8, %get3A_9] : memref<128x128xf32, #tpu.memory_space<vmem>>, vector<128x128xf32>
    %dot_general3A = arith.constant dense<0.000000e+00> : vector<512x128xf32>
    %dot_general3A_11 = tpu.matmul %get3A_1, %get3A_10, %dot_general3A {dimension_numbers = #tpu.dot_dimension_numbers<[1], [0], [0], [1], [0, 0, 1, 1], [], []>, transpose_lhs_hint = false} : vector<512x128xf32>, vector<128x128xf32>, vector<512x128xf32> -> vector<512x128xf32>
    %add3A_12 = arith.addf %add3A, %dot_general3A_11 : vector<512x128xf32>
    %get3A_13 = arith.constant 0 : index
    %get3A_14 = arith.constant 0 : index
    %get3A_15 = vector.load %arg5[%get3A_13, %get3A_14] : memref<1x128xf32, #tpu.memory_space<vmem>>, vector<1x128xf32>
    %add3A_16 = vector.broadcast %get3A_15 : vector<1x128xf32> to vector<512x128xf32>
    %add3A_17 = arith.addf %add3A_12, %add3A_16 : vector<512x128xf32>
    %max3A = arith.constant 0.000000e+00 : f32
    %max3A_18 = vector.broadcast %max3A : f32 to vector<512x128xf32>
    %max3A_19 = arith.maximumf %add3A_17, %max3A_18 : vector<512x128xf32>
    %get3A_20 = arith.constant 0 : index
    %get3A_21 = arith.constant 0 : index
    %get3A_22 = vector.load %arg6[%get3A_20, %get3A_21] : memref<128x128xf32, #tpu.memory_space<vmem>>, vector<128x128xf32>
    %dot_general3A_23 = arith.constant dense<0.000000e+00> : vector<512x128xf32>
    %dot_general3A_24 = tpu.matmul %max3A_19, %get3A_22, %dot_general3A_23 {dimension_numbers = #tpu.dot_dimension_numbers<[1], [0], [0], [1], [0, 0, 1, 1], [], []>, transpose_lhs_hint = false} : vector<512x128xf32>, vector<128x128xf32>, vector<512x128xf32> -> vector<512x128xf32>
    %get3A_25 = arith.constant 0 : index
    %get3A_26 = arith.constant 0 : index
    %get3A_27 = vector.load %arg7[%get3A_25, %get3A_26] : memref<1x128xf32, #tpu.memory_space<vmem>>, vector<1x128xf32>
    %add3A_28 = vector.broadcast %get3A_27 : vector<1x128xf32> to vector<512x128xf32>
    %add3A_29 = arith.addf %dot_general3A_24, %add3A_28 : vector<512x128xf32>
    %swap3A = arith.constant 0 : index
    %swap3A_30 = arith.constant 0 : index
    %swap3A_31 = vector.load %arg8[%swap3A, %swap3A_30] : memref<512x128xf32, #tpu.memory_space<vmem>>, vector<512x128xf32>
    tpu.vector_store %arg8[%swap3A, %swap3A_30], %add3A_29 {strides = array<i32>} : memref<512x128xf32, #tpu.memory_space<vmem>>, vector<512x128xf32>,
    %add3A_32 = arith.addf %get3A_1, %add3A_29 : vector<512x128xf32>
    %swap3A_33 = arith.constant 0 : index
    %swap3A_34 = arith.constant 0 : index
    %swap3A_35 = vector.load %arg9[%swap3A_33, %swap3A_34] : memref<512x128xf32, #tpu.memory_space<vmem>>, vector<512x128xf32>
    tpu.vector_store %arg9[%swap3A_33, %swap3A_34], %add3A_32 {strides = array<i32>} : memref<512x128xf32, #tpu.memory_space<vmem>>, vector<512x128xf32>,
    return
  }
  func.func @transform_0(%arg0: i32) -> (i32, i32) {
    %c0_i32 = arith.constant 0 : i32
    %c0_i32_0 = arith.constant 0 : i32
    return %arg0, %c0_i32 : i32, i32
  }
  func.func @transform_1(%arg0: i32) -> (i32, i32) {
    %c0_i32 = arith.constant 0 : i32
    %c0_i32_0 = arith.constant 0 : i32
    return %arg0, %c0_i32 : i32, i32
  }
  func.func @transform_2(%arg0: i32) -> (i32, i32) {
    %add3A = arith.constant 160 : i32
    %add3A_0 = arith.addi %arg0, %add3A : i32
    %c0_i32 = arith.constant 0 : i32
    %c0_i32_1 = arith.constant 0 : i32
    return %add3A_0, %c0_i32 : i32, i32
  }
  func.func @transform_3(%arg0: i32) -> (i32, i32) {
    %c0_i32 = arith.constant 0 : i32
    %c0_i32_0 = arith.constant 0 : i32
    %c0_i32_1 = arith.constant 0 : i32
    return %c0_i32, %c0_i32_0 : i32, i32
  }
  func.func @transform_4(%arg0: i32) -> (i32, i32) {
    %c0_i32 = arith.constant 0 : i32
    %c0_i32_0 = arith.constant 0 : i32
    %c0_i32_1 = arith.constant 0 : i32
    return %c0_i32, %c0_i32_0 : i32, i32
  }
  func.func @transform_5(%arg0: i32) -> (i32, i32) {
    %c0_i32 = arith.constant 0 : i32
    %c0_i32_0 = arith.constant 0 : i32
    %c0_i32_1 = arith.constant 0 : i32
    return %c0_i32, %c0_i32_0 : i32, i32
  }
  func.func @transform_6(%arg0: i32) -> (i32, i32) {
    %c0_i32 = arith.constant 0 : i32
    %c0_i32_0 = arith.constant 0 : i32
    %c0_i32_1 = arith.constant 0 : i32
    return %c0_i32, %c0_i32_0 : i32, i32
  }
  func.func @transform_7(%arg0: i32) -> (i32, i32) {
    %c0_i32 = arith.constant 0 : i32
    %c0_i32_0 = arith.constant 0 : i32
    return %arg0, %c0_i32 : i32, i32
  }
  func.func @transform_8(%arg0: i32) -> (i32, i32) {
    %c0_i32 = arith.constant 0 : i32
    %c0_i32_0 = arith.constant 0 : i32
    return %arg0, %c0_i32 : i32, i32
  }
}

module attributes {stable_mosaic.version = 14 : i64} {
  func.func @_node_post_tab_body(%arg0: i32, %arg1: memref<512x128xf32, #tpu.memory_space<vmem>>, %arg2: memref<512x128xf32, #tpu.memory_space<vmem>>, %arg3: memref<512x128xf32, #tpu.memory_space<vmem>>, %arg4: memref<128x128xf32, #tpu.memory_space<vmem>>, %arg5: memref<128x128xf32, #tpu.memory_space<vmem>>, %arg6: memref<1x128xf32, #tpu.memory_space<vmem>>, %arg7: memref<128x128xf32, #tpu.memory_space<vmem>>, %arg8: memref<1x128xf32, #tpu.memory_space<vmem>>, %arg9: memref<128x128xf32, #tpu.memory_space<vmem>>, %arg10: memref<128x128xf32, #tpu.memory_space<vmem>>, %arg11: memref<512x128xf32, #tpu.memory_space<vmem>>, %arg12: memref<512x128xf32, #tpu.memory_space<vmem>>, %arg13: memref<512x128xf32, #tpu.memory_space<vmem>>) attributes {dimension_semantics = [#tpu.dimension_semantics<parallel>], iteration_bounds = array<i64: 20>, scalar_prefetch = 0 : i64, scratch_operands = 0 : i64, tpu.core_type = #tpu.core_type<tc>, window_params = [{transform_indices = @transform_0, window_bounds = array<i64: 512, 128>}, {transform_indices = @transform_1, window_bounds = array<i64: 512, 128>}, {transform_indices = @transform_2, window_bounds = array<i64: 512, 128>}, {pipeline_mode = #tpu.pipeline_mode<synchronous>, transform_indices = @transform_3, window_bounds = array<i64: 128, 128>}, {pipeline_mode = #tpu.pipeline_mode<synchronous>, transform_indices = @transform_4, window_bounds = array<i64: 128, 128>}, {pipeline_mode = #tpu.pipeline_mode<synchronous>, transform_indices = @transform_5, window_bounds = array<i64: 1, 128>}, {pipeline_mode = #tpu.pipeline_mode<synchronous>, transform_indices = @transform_6, window_bounds = array<i64: 128, 128>}, {pipeline_mode = #tpu.pipeline_mode<synchronous>, transform_indices = @transform_7, window_bounds = array<i64: 1, 128>}, {pipeline_mode = #tpu.pipeline_mode<synchronous>, transform_indices = @transform_8, window_bounds = array<i64: 128, 128>}, {pipeline_mode = #tpu.pipeline_mode<synchronous>, transform_indices = @transform_9, window_bounds = array<i64: 128, 128>}, {transform_indices = @transform_10, window_bounds = array<i64: 512, 128>}, {transform_indices = @transform_11, window_bounds = array<i64: 512, 128>}, {transform_indices = @transform_12, window_bounds = array<i64: 512, 128>}]} {
    %get3A = arith.constant 0 : index
    %get3A_0 = arith.constant 0 : index
    %get3A_1 = vector.load %arg1[%get3A, %get3A_0] : memref<512x128xf32, #tpu.memory_space<vmem>>, vector<512x128xf32>
    %get3A_2 = arith.constant 0 : index
    %get3A_3 = arith.constant 0 : index
    %get3A_4 = vector.load %arg2[%get3A_2, %get3A_3] : memref<512x128xf32, #tpu.memory_space<vmem>>, vector<512x128xf32>
    %get3A_5 = arith.constant 0 : index
    %get3A_6 = arith.constant 0 : index
    %get3A_7 = vector.load %arg3[%get3A_5, %get3A_6] : memref<512x128xf32, #tpu.memory_space<vmem>>, vector<512x128xf32>
    %add3A = arith.addf %get3A_4, %get3A_7 : vector<512x128xf32>
    %get3A_8 = arith.constant 0 : index
    %get3A_9 = arith.constant 0 : index
    %get3A_10 = vector.load %arg4[%get3A_8, %get3A_9] : memref<128x128xf32, #tpu.memory_space<vmem>>, vector<128x128xf32>
    %dot_general3A = arith.constant dense<0.000000e+00> : vector<512x128xf32>
    %dot_general3A_11 = tpu.matmul %get3A_1, %get3A_10, %dot_general3A {dimension_numbers = #tpu.dot_dimension_numbers<[1], [0], [0], [1], [0, 0, 1, 1], [], []>, transpose_lhs_hint = false} : vector<512x128xf32>, vector<128x128xf32>, vector<512x128xf32> -> vector<512x128xf32>
    %get3A_12 = arith.constant 0 : index
    %get3A_13 = arith.constant 0 : index
    %get3A_14 = vector.load %arg5[%get3A_12, %get3A_13] : memref<128x128xf32, #tpu.memory_space<vmem>>, vector<128x128xf32>
    %dot_general3A_15 = arith.constant dense<0.000000e+00> : vector<512x128xf32>
    %dot_general3A_16 = tpu.matmul %add3A, %get3A_14, %dot_general3A_15 {dimension_numbers = #tpu.dot_dimension_numbers<[1], [0], [0], [1], [0, 0, 1, 1], [], []>, transpose_lhs_hint = false} : vector<512x128xf32>, vector<128x128xf32>, vector<512x128xf32> -> vector<512x128xf32>
    %add3A_17 = arith.addf %dot_general3A_11, %dot_general3A_16 : vector<512x128xf32>
    %get3A_18 = arith.constant 0 : index
    %get3A_19 = arith.constant 0 : index
    %get3A_20 = vector.load %arg6[%get3A_18, %get3A_19] : memref<1x128xf32, #tpu.memory_space<vmem>>, vector<1x128xf32>
    %add3A_21 = vector.broadcast %get3A_20 : vector<1x128xf32> to vector<512x128xf32>
    %add3A_22 = arith.addf %add3A_17, %add3A_21 : vector<512x128xf32>
    %max3A = arith.constant 0.000000e+00 : f32
    %max3A_23 = vector.broadcast %max3A : f32 to vector<512x128xf32>
    %max3A_24 = arith.maximumf %add3A_22, %max3A_23 : vector<512x128xf32>
    %get3A_25 = arith.constant 0 : index
    %get3A_26 = arith.constant 0 : index
    %get3A_27 = vector.load %arg7[%get3A_25, %get3A_26] : memref<128x128xf32, #tpu.memory_space<vmem>>, vector<128x128xf32>
    %dot_general3A_28 = arith.constant dense<0.000000e+00> : vector<512x128xf32>
    %dot_general3A_29 = tpu.matmul %max3A_24, %get3A_27, %dot_general3A_28 {dimension_numbers = #tpu.dot_dimension_numbers<[1], [0], [0], [1], [0, 0, 1, 1], [], []>, transpose_lhs_hint = false} : vector<512x128xf32>, vector<128x128xf32>, vector<512x128xf32> -> vector<512x128xf32>
    %add3A_30 = arith.addf %get3A_1, %dot_general3A_29 : vector<512x128xf32>
    %get3A_31 = arith.constant 0 : index
    %get3A_32 = arith.constant 0 : index
    %get3A_33 = vector.load %arg8[%get3A_31, %get3A_32] : memref<1x128xf32, #tpu.memory_space<vmem>>, vector<1x128xf32>
    %add3A_34 = vector.broadcast %get3A_33 : vector<1x128xf32> to vector<512x128xf32>
    %add3A_35 = arith.addf %add3A_30, %add3A_34 : vector<512x128xf32>
    %swap3A = arith.constant 0 : index
    %swap3A_36 = arith.constant 0 : index
    %swap3A_37 = vector.load %arg11[%swap3A, %swap3A_36] : memref<512x128xf32, #tpu.memory_space<vmem>>, vector<512x128xf32>
    tpu.vector_store %arg11[%swap3A, %swap3A_36], %add3A_35 {strides = array<i32>} : memref<512x128xf32, #tpu.memory_space<vmem>>, vector<512x128xf32>,
    %get3A_38 = arith.constant 0 : index
    %get3A_39 = arith.constant 0 : index
    %get3A_40 = vector.load %arg9[%get3A_38, %get3A_39] : memref<128x128xf32, #tpu.memory_space<vmem>>, vector<128x128xf32>
    %dot_general3A_41 = arith.constant dense<0.000000e+00> : vector<512x128xf32>
    %dot_general3A_42 = tpu.matmul %add3A_35, %get3A_40, %dot_general3A_41 {dimension_numbers = #tpu.dot_dimension_numbers<[1], [0], [0], [1], [0, 0, 1, 1], [], []>, transpose_lhs_hint = false} : vector<512x128xf32>, vector<128x128xf32>, vector<512x128xf32> -> vector<512x128xf32>
    %swap3A_43 = arith.constant 0 : index
    %swap3A_44 = arith.constant 0 : index
    %swap3A_45 = vector.load %arg12[%swap3A_43, %swap3A_44] : memref<512x128xf32, #tpu.memory_space<vmem>>, vector<512x128xf32>
    tpu.vector_store %arg12[%swap3A_43, %swap3A_44], %dot_general3A_42 {strides = array<i32>} : memref<512x128xf32, #tpu.memory_space<vmem>>, vector<512x128xf32>,
    %get3A_46 = arith.constant 0 : index
    %get3A_47 = arith.constant 0 : index
    %get3A_48 = vector.load %arg10[%get3A_46, %get3A_47] : memref<128x128xf32, #tpu.memory_space<vmem>>, vector<128x128xf32>
    %dot_general3A_49 = arith.constant dense<0.000000e+00> : vector<512x128xf32>
    %dot_general3A_50 = tpu.matmul %add3A_35, %get3A_48, %dot_general3A_49 {dimension_numbers = #tpu.dot_dimension_numbers<[1], [0], [0], [1], [0, 0, 1, 1], [], []>, transpose_lhs_hint = false} : vector<512x128xf32>, vector<128x128xf32>, vector<512x128xf32> -> vector<512x128xf32>
    %swap3A_51 = arith.constant 0 : index
    %swap3A_52 = arith.constant 0 : index
    %swap3A_53 = vector.load %arg13[%swap3A_51, %swap3A_52] : memref<512x128xf32, #tpu.memory_space<vmem>>, vector<512x128xf32>
    tpu.vector_store %arg13[%swap3A_51, %swap3A_52], %dot_general3A_50 {strides = array<i32>} : memref<512x128xf32, #tpu.memory_space<vmem>>, vector<512x128xf32>,
    return
  }
  func.func @transform_0(%arg0: i32) -> (i32, i32) {
    %c0_i32 = arith.constant 0 : i32
    %c0_i32_0 = arith.constant 0 : i32
    return %arg0, %c0_i32 : i32, i32
  }
  func.func @transform_1(%arg0: i32) -> (i32, i32) {
    %c0_i32 = arith.constant 0 : i32
    %c0_i32_0 = arith.constant 0 : i32
    return %arg0, %c0_i32 : i32, i32
  }
  func.func @transform_2(%arg0: i32) -> (i32, i32) {
    %c0_i32 = arith.constant 0 : i32
    %c0_i32_0 = arith.constant 0 : i32
    return %arg0, %c0_i32 : i32, i32
  }
  func.func @transform_3(%arg0: i32) -> (i32, i32) {
    %c0_i32 = arith.constant 0 : i32
    %c0_i32_0 = arith.constant 0 : i32
    %c0_i32_1 = arith.constant 0 : i32
    return %c0_i32, %c0_i32_0 : i32, i32
  }
  func.func @transform_4(%arg0: i32) -> (i32, i32) {
    %c0_i32 = arith.constant 0 : i32
    %c0_i32_0 = arith.constant 0 : i32
    %c0_i32_1 = arith.constant 0 : i32
    return %c0_i32, %c0_i32_0 : i32, i32
  }
  func.func @transform_5(%arg0: i32) -> (i32, i32) {
    %c0_i32 = arith.constant 0 : i32
    %c0_i32_0 = arith.constant 0 : i32
    %c0_i32_1 = arith.constant 0 : i32
    return %c0_i32, %c0_i32_0 : i32, i32
  }
  func.func @transform_6(%arg0: i32) -> (i32, i32) {
    %c0_i32 = arith.constant 0 : i32
    %c0_i32_0 = arith.constant 0 : i32
    %c0_i32_1 = arith.constant 0 : i32
    return %c0_i32, %c0_i32_0 : i32, i32
  }
  func.func @transform_7(%arg0: i32) -> (i32, i32) {
    %c0_i32 = arith.constant 0 : i32
    %c0_i32_0 = arith.constant 0 : i32
    %c0_i32_1 = arith.constant 0 : i32
    return %c0_i32, %c0_i32_0 : i32, i32
  }
  func.func @transform_8(%arg0: i32) -> (i32, i32) {
    %c0_i32 = arith.constant 0 : i32
    %c0_i32_0 = arith.constant 0 : i32
    %c0_i32_1 = arith.constant 0 : i32
    return %c0_i32, %c0_i32_0 : i32, i32
  }
  func.func @transform_9(%arg0: i32) -> (i32, i32) {
    %c0_i32 = arith.constant 0 : i32
    %c0_i32_0 = arith.constant 0 : i32
    %c0_i32_1 = arith.constant 0 : i32
    return %c0_i32, %c0_i32_0 : i32, i32
  }
  func.func @transform_10(%arg0: i32) -> (i32, i32) {
    %c0_i32 = arith.constant 0 : i32
    %c0_i32_0 = arith.constant 0 : i32
    return %arg0, %c0_i32 : i32, i32
  }
  func.func @transform_11(%arg0: i32) -> (i32, i32) {
    %c0_i32 = arith.constant 0 : i32
    %c0_i32_0 = arith.constant 0 : i32
    return %arg0, %c0_i32 : i32, i32
  }
  func.func @transform_12(%arg0: i32) -> (i32, i32) {
    %c0_i32 = arith.constant 0 : i32
    %c0_i32_0 = arith.constant 0 : i32
    return %arg0, %c0_i32 : i32, i32
  }
}

module attributes {stable_mosaic.version = 14 : i64} {
  func.func @_edge_post_body(%arg0: i32, %arg1: memref<512x128xf32, #tpu.memory_space<vmem>>, %arg2: memref<512x128xf32, #tpu.memory_space<vmem>>, %arg3: memref<512x128xf32, #tpu.memory_space<vmem>>, %arg4: memref<128x128xf32, #tpu.memory_space<vmem>>, %arg5: memref<1x128xf32, #tpu.memory_space<vmem>>, %arg6: memref<128x128xf32, #tpu.memory_space<vmem>>, %arg7: memref<1x128xf32, #tpu.memory_space<vmem>>, %arg8: memref<512x128xf32, #tpu.memory_space<vmem>>, %arg9: memref<512x128xf32, #tpu.memory_space<vmem>>) attributes {dimension_semantics = [#tpu.dimension_semantics<parallel>], iteration_bounds = array<i64: 160>, scalar_prefetch = 0 : i64, scratch_operands = 0 : i64, tpu.core_type = #tpu.core_type<tc>, window_params = [{transform_indices = @transform_0, window_bounds = array<i64: 512, 128>}, {transform_indices = @transform_1, window_bounds = array<i64: 512, 128>}, {transform_indices = @transform_2, window_bounds = array<i64: 512, 128>}, {pipeline_mode = #tpu.pipeline_mode<synchronous>, transform_indices = @transform_3, window_bounds = array<i64: 128, 128>}, {pipeline_mode = #tpu.pipeline_mode<synchronous>, transform_indices = @transform_4, window_bounds = array<i64: 1, 128>}, {pipeline_mode = #tpu.pipeline_mode<synchronous>, transform_indices = @transform_5, window_bounds = array<i64: 128, 128>}, {pipeline_mode = #tpu.pipeline_mode<synchronous>, transform_indices = @transform_6, window_bounds = array<i64: 1, 128>}, {transform_indices = @transform_7, window_bounds = array<i64: 512, 128>}, {transform_indices = @transform_8, window_bounds = array<i64: 512, 128>}]} {
    %get3A = arith.constant 0 : index
    %get3A_0 = arith.constant 0 : index
    %get3A_1 = vector.load %arg3[%get3A, %get3A_0] : memref<512x128xf32, #tpu.memory_space<vmem>>, vector<512x128xf32>
    %get3A_2 = arith.constant 0 : index
    %get3A_3 = arith.constant 0 : index
    %get3A_4 = vector.load %arg1[%get3A_2, %get3A_3] : memref<512x128xf32, #tpu.memory_space<vmem>>, vector<512x128xf32>
    %get3A_5 = arith.constant 0 : index
    %get3A_6 = arith.constant 0 : index
    %get3A_7 = vector.load %arg2[%get3A_5, %get3A_6] : memref<512x128xf32, #tpu.memory_space<vmem>>, vector<512x128xf32>
    %add3A = arith.addf %get3A_4, %get3A_7 : vector<512x128xf32>
    %get3A_8 = arith.constant 0 : index
    %get3A_9 = arith.constant 0 : index
    %get3A_10 = vector.load %arg4[%get3A_8, %get3A_9] : memref<128x128xf32, #tpu.memory_space<vmem>>, vector<128x128xf32>
    %dot_general3A = arith.constant dense<0.000000e+00> : vector<512x128xf32>
    %dot_general3A_11 = tpu.matmul %get3A_1, %get3A_10, %dot_general3A {dimension_numbers = #tpu.dot_dimension_numbers<[1], [0], [0], [1], [0, 0, 1, 1], [], []>, transpose_lhs_hint = false} : vector<512x128xf32>, vector<128x128xf32>, vector<512x128xf32> -> vector<512x128xf32>
    %add3A_12 = arith.addf %add3A, %dot_general3A_11 : vector<512x128xf32>
    %get3A_13 = arith.constant 0 : index
    %get3A_14 = arith.constant 0 : index
    %get3A_15 = vector.load %arg5[%get3A_13, %get3A_14] : memref<1x128xf32, #tpu.memory_space<vmem>>, vector<1x128xf32>
    %add3A_16 = vector.broadcast %get3A_15 : vector<1x128xf32> to vector<512x128xf32>
    %add3A_17 = arith.addf %add3A_12, %add3A_16 : vector<512x128xf32>
    %max3A = arith.constant 0.000000e+00 : f32
    %max3A_18 = vector.broadcast %max3A : f32 to vector<512x128xf32>
    %max3A_19 = arith.maximumf %add3A_17, %max3A_18 : vector<512x128xf32>
    %get3A_20 = arith.constant 0 : index
    %get3A_21 = arith.constant 0 : index
    %get3A_22 = vector.load %arg6[%get3A_20, %get3A_21] : memref<128x128xf32, #tpu.memory_space<vmem>>, vector<128x128xf32>
    %dot_general3A_23 = arith.constant dense<0.000000e+00> : vector<512x128xf32>
    %dot_general3A_24 = tpu.matmul %max3A_19, %get3A_22, %dot_general3A_23 {dimension_numbers = #tpu.dot_dimension_numbers<[1], [0], [0], [1], [0, 0, 1, 1], [], []>, transpose_lhs_hint = false} : vector<512x128xf32>, vector<128x128xf32>, vector<512x128xf32> -> vector<512x128xf32>
    %get3A_25 = arith.constant 0 : index
    %get3A_26 = arith.constant 0 : index
    %get3A_27 = vector.load %arg7[%get3A_25, %get3A_26] : memref<1x128xf32, #tpu.memory_space<vmem>>, vector<1x128xf32>
    %add3A_28 = vector.broadcast %get3A_27 : vector<1x128xf32> to vector<512x128xf32>
    %add3A_29 = arith.addf %dot_general3A_24, %add3A_28 : vector<512x128xf32>
    %swap3A = arith.constant 0 : index
    %swap3A_30 = arith.constant 0 : index
    %swap3A_31 = vector.load %arg8[%swap3A, %swap3A_30] : memref<512x128xf32, #tpu.memory_space<vmem>>, vector<512x128xf32>
    tpu.vector_store %arg8[%swap3A, %swap3A_30], %add3A_29 {strides = array<i32>} : memref<512x128xf32, #tpu.memory_space<vmem>>, vector<512x128xf32>,
    %add3A_32 = arith.addf %get3A_1, %add3A_29 : vector<512x128xf32>
    %swap3A_33 = arith.constant 0 : index
    %swap3A_34 = arith.constant 0 : index
    %swap3A_35 = vector.load %arg9[%swap3A_33, %swap3A_34] : memref<512x128xf32, #tpu.memory_space<vmem>>, vector<512x128xf32>
    tpu.vector_store %arg9[%swap3A_33, %swap3A_34], %add3A_32 {strides = array<i32>} : memref<512x128xf32, #tpu.memory_space<vmem>>, vector<512x128xf32>,
    return
  }
  func.func @transform_0(%arg0: i32) -> (i32, i32) {
    %c0_i32 = arith.constant 0 : i32
    %c0_i32_0 = arith.constant 0 : i32
    return %arg0, %c0_i32 : i32, i32
  }
  func.func @transform_1(%arg0: i32) -> (i32, i32) {
    %c0_i32 = arith.constant 0 : i32
    %c0_i32_0 = arith.constant 0 : i32
    return %arg0, %c0_i32 : i32, i32
  }
  func.func @transform_2(%arg0: i32) -> (i32, i32) {
    %add3A = arith.constant 0 : i32
    %add3A_0 = arith.addi %arg0, %add3A : i32
    %c0_i32 = arith.constant 0 : i32
    %c0_i32_1 = arith.constant 0 : i32
    return %add3A_0, %c0_i32 : i32, i32
  }
  func.func @transform_3(%arg0: i32) -> (i32, i32) {
    %c0_i32 = arith.constant 0 : i32
    %c0_i32_0 = arith.constant 0 : i32
    %c0_i32_1 = arith.constant 0 : i32
    return %c0_i32, %c0_i32_0 : i32, i32
  }
  func.func @transform_4(%arg0: i32) -> (i32, i32) {
    %c0_i32 = arith.constant 0 : i32
    %c0_i32_0 = arith.constant 0 : i32
    %c0_i32_1 = arith.constant 0 : i32
    return %c0_i32, %c0_i32_0 : i32, i32
  }
  func.func @transform_5(%arg0: i32) -> (i32, i32) {
    %c0_i32 = arith.constant 0 : i32
    %c0_i32_0 = arith.constant 0 : i32
    %c0_i32_1 = arith.constant 0 : i32
    return %c0_i32, %c0_i32_0 : i32, i32
  }
  func.func @transform_6(%arg0: i32) -> (i32, i32) {
    %c0_i32 = arith.constant 0 : i32
    %c0_i32_0 = arith.constant 0 : i32
    %c0_i32_1 = arith.constant 0 : i32
    return %c0_i32, %c0_i32_0 : i32, i32
  }
  func.func @transform_7(%arg0: i32) -> (i32, i32) {
    %c0_i32 = arith.constant 0 : i32
    %c0_i32_0 = arith.constant 0 : i32
    return %arg0, %c0_i32 : i32, i32
  }
  func.func @transform_8(%arg0: i32) -> (i32, i32) {
    %c0_i32 = arith.constant 0 : i32
    %c0_i32_0 = arith.constant 0 : i32
    return %arg0, %c0_i32 : i32, i32
  }
}

module attributes {stable_mosaic.version = 14 : i64} {
  func.func @_node_post_body(%arg0: i32, %arg1: memref<512x128xf32, #tpu.memory_space<vmem>>, %arg2: memref<512x128xf32, #tpu.memory_space<vmem>>, %arg3: memref<512x128xf32, #tpu.memory_space<vmem>>, %arg4: memref<128x128xf32, #tpu.memory_space<vmem>>, %arg5: memref<128x128xf32, #tpu.memory_space<vmem>>, %arg6: memref<1x128xf32, #tpu.memory_space<vmem>>, %arg7: memref<128x128xf32, #tpu.memory_space<vmem>>, %arg8: memref<1x128xf32, #tpu.memory_space<vmem>>, %arg9: memref<512x128xf32, #tpu.memory_space<vmem>>) attributes {dimension_semantics = [#tpu.dimension_semantics<parallel>], iteration_bounds = array<i64: 20>, scalar_prefetch = 0 : i64, scratch_operands = 0 : i64, tpu.core_type = #tpu.core_type<tc>, window_params = [{transform_indices = @transform_0, window_bounds = array<i64: 512, 128>}, {transform_indices = @transform_1, window_bounds = array<i64: 512, 128>}, {transform_indices = @transform_2, window_bounds = array<i64: 512, 128>}, {pipeline_mode = #tpu.pipeline_mode<synchronous>, transform_indices = @transform_3, window_bounds = array<i64: 128, 128>}, {pipeline_mode = #tpu.pipeline_mode<synchronous>, transform_indices = @transform_4, window_bounds = array<i64: 128, 128>}, {pipeline_mode = #tpu.pipeline_mode<synchronous>, transform_indices = @transform_5, window_bounds = array<i64: 1, 128>}, {pipeline_mode = #tpu.pipeline_mode<synchronous>, transform_indices = @transform_6, window_bounds = array<i64: 128, 128>}, {pipeline_mode = #tpu.pipeline_mode<synchronous>, transform_indices = @transform_7, window_bounds = array<i64: 1, 128>}, {transform_indices = @transform_8, window_bounds = array<i64: 512, 128>}]} {
    %get3A = arith.constant 0 : index
    %get3A_0 = arith.constant 0 : index
    %get3A_1 = vector.load %arg1[%get3A, %get3A_0] : memref<512x128xf32, #tpu.memory_space<vmem>>, vector<512x128xf32>
    %get3A_2 = arith.constant 0 : index
    %get3A_3 = arith.constant 0 : index
    %get3A_4 = vector.load %arg2[%get3A_2, %get3A_3] : memref<512x128xf32, #tpu.memory_space<vmem>>, vector<512x128xf32>
    %get3A_5 = arith.constant 0 : index
    %get3A_6 = arith.constant 0 : index
    %get3A_7 = vector.load %arg3[%get3A_5, %get3A_6] : memref<512x128xf32, #tpu.memory_space<vmem>>, vector<512x128xf32>
    %add3A = arith.addf %get3A_4, %get3A_7 : vector<512x128xf32>
    %get3A_8 = arith.constant 0 : index
    %get3A_9 = arith.constant 0 : index
    %get3A_10 = vector.load %arg4[%get3A_8, %get3A_9] : memref<128x128xf32, #tpu.memory_space<vmem>>, vector<128x128xf32>
    %dot_general3A = arith.constant dense<0.000000e+00> : vector<512x128xf32>
    %dot_general3A_11 = tpu.matmul %get3A_1, %get3A_10, %dot_general3A {dimension_numbers = #tpu.dot_dimension_numbers<[1], [0], [0], [1], [0, 0, 1, 1], [], []>, transpose_lhs_hint = false} : vector<512x128xf32>, vector<128x128xf32>, vector<512x128xf32> -> vector<512x128xf32>
    %get3A_12 = arith.constant 0 : index
    %get3A_13 = arith.constant 0 : index
    %get3A_14 = vector.load %arg5[%get3A_12, %get3A_13] : memref<128x128xf32, #tpu.memory_space<vmem>>, vector<128x128xf32>
    %dot_general3A_15 = arith.constant dense<0.000000e+00> : vector<512x128xf32>
    %dot_general3A_16 = tpu.matmul %add3A, %get3A_14, %dot_general3A_15 {dimension_numbers = #tpu.dot_dimension_numbers<[1], [0], [0], [1], [0, 0, 1, 1], [], []>, transpose_lhs_hint = false} : vector<512x128xf32>, vector<128x128xf32>, vector<512x128xf32> -> vector<512x128xf32>
    %add3A_17 = arith.addf %dot_general3A_11, %dot_general3A_16 : vector<512x128xf32>
    %get3A_18 = arith.constant 0 : index
    %get3A_19 = arith.constant 0 : index
    %get3A_20 = vector.load %arg6[%get3A_18, %get3A_19] : memref<1x128xf32, #tpu.memory_space<vmem>>, vector<1x128xf32>
    %add3A_21 = vector.broadcast %get3A_20 : vector<1x128xf32> to vector<512x128xf32>
    %add3A_22 = arith.addf %add3A_17, %add3A_21 : vector<512x128xf32>
    %max3A = arith.constant 0.000000e+00 : f32
    %max3A_23 = vector.broadcast %max3A : f32 to vector<512x128xf32>
    %max3A_24 = arith.maximumf %add3A_22, %max3A_23 : vector<512x128xf32>
    %get3A_25 = arith.constant 0 : index
    %get3A_26 = arith.constant 0 : index
    %get3A_27 = vector.load %arg7[%get3A_25, %get3A_26] : memref<128x128xf32, #tpu.memory_space<vmem>>, vector<128x128xf32>
    %dot_general3A_28 = arith.constant dense<0.000000e+00> : vector<512x128xf32>
    %dot_general3A_29 = tpu.matmul %max3A_24, %get3A_27, %dot_general3A_28 {dimension_numbers = #tpu.dot_dimension_numbers<[1], [0], [0], [1], [0, 0, 1, 1], [], []>, transpose_lhs_hint = false} : vector<512x128xf32>, vector<128x128xf32>, vector<512x128xf32> -> vector<512x128xf32>
    %add3A_30 = arith.addf %get3A_1, %dot_general3A_29 : vector<512x128xf32>
    %get3A_31 = arith.constant 0 : index
    %get3A_32 = arith.constant 0 : index
    %get3A_33 = vector.load %arg8[%get3A_31, %get3A_32] : memref<1x128xf32, #tpu.memory_space<vmem>>, vector<1x128xf32>
    %add3A_34 = vector.broadcast %get3A_33 : vector<1x128xf32> to vector<512x128xf32>
    %add3A_35 = arith.addf %add3A_30, %add3A_34 : vector<512x128xf32>
    %swap3A = arith.constant 0 : index
    %swap3A_36 = arith.constant 0 : index
    %swap3A_37 = vector.load %arg9[%swap3A, %swap3A_36] : memref<512x128xf32, #tpu.memory_space<vmem>>, vector<512x128xf32>
    tpu.vector_store %arg9[%swap3A, %swap3A_36], %add3A_35 {strides = array<i32>} : memref<512x128xf32, #tpu.memory_space<vmem>>, vector<512x128xf32>,
    return
  }
  func.func @transform_0(%arg0: i32) -> (i32, i32) {
    %c0_i32 = arith.constant 0 : i32
    %c0_i32_0 = arith.constant 0 : i32
    return %arg0, %c0_i32 : i32, i32
  }
  func.func @transform_1(%arg0: i32) -> (i32, i32) {
    %c0_i32 = arith.constant 0 : i32
    %c0_i32_0 = arith.constant 0 : i32
    return %arg0, %c0_i32 : i32, i32
  }
  func.func @transform_2(%arg0: i32) -> (i32, i32) {
    %c0_i32 = arith.constant 0 : i32
    %c0_i32_0 = arith.constant 0 : i32
    return %arg0, %c0_i32 : i32, i32
  }
  func.func @transform_3(%arg0: i32) -> (i32, i32) {
    %c0_i32 = arith.constant 0 : i32
    %c0_i32_0 = arith.constant 0 : i32
    %c0_i32_1 = arith.constant 0 : i32
    return %c0_i32, %c0_i32_0 : i32, i32
  }
  func.func @transform_4(%arg0: i32) -> (i32, i32) {
    %c0_i32 = arith.constant 0 : i32
    %c0_i32_0 = arith.constant 0 : i32
    %c0_i32_1 = arith.constant 0 : i32
    return %c0_i32, %c0_i32_0 : i32, i32
  }
  func.func @transform_5(%arg0: i32) -> (i32, i32) {
    %c0_i32 = arith.constant 0 : i32
    %c0_i32_0 = arith.constant 0 : i32
    %c0_i32_1 = arith.constant 0 : i32
    return %c0_i32, %c0_i32_0 : i32, i32
  }
  func.func @transform_6(%arg0: i32) -> (i32, i32) {
    %c0_i32 = arith.constant 0 : i32
    %c0_i32_0 = arith.constant 0 : i32
    %c0_i32_1 = arith.constant 0 : i32
    return %c0_i32, %c0_i32_0 : i32, i32
  }
  func.func @transform_7(%arg0: i32) -> (i32, i32) {
    %c0_i32 = arith.constant 0 : i32
    %c0_i32_0 = arith.constant 0 : i32
    %c0_i32_1 = arith.constant 0 : i32
    return %c0_i32, %c0_i32_0 : i32, i32
  }
  func.func @transform_8(%arg0: i32) -> (i32, i32) {
    %c0_i32 = arith.constant 0 : i32
    %c0_i32_0 = arith.constant 0 : i32
    return %arg0, %c0_i32 : i32, i32
  }
}

module attributes {stable_mosaic.version = 14 : i64} {
  func.func @_mlp2_body(%arg0: i32, %arg1: memref<512x128xf32, #tpu.memory_space<vmem>>, %arg2: memref<128x128xf32, #tpu.memory_space<vmem>>, %arg3: memref<1x128xf32, #tpu.memory_space<vmem>>, %arg4: memref<128x128xf32, #tpu.memory_space<vmem>>, %arg5: memref<1x128xf32, #tpu.memory_space<vmem>>, %arg6: memref<512x128xf32, #tpu.memory_space<vmem>>) attributes {dimension_semantics = [#tpu.dimension_semantics<parallel>], iteration_bounds = array<i64: 20>, scalar_prefetch = 0 : i64, scratch_operands = 0 : i64, tpu.core_type = #tpu.core_type<tc>, window_params = [{transform_indices = @transform_0, window_bounds = array<i64: 512, 128>}, {pipeline_mode = #tpu.pipeline_mode<synchronous>, transform_indices = @transform_1, window_bounds = array<i64: 128, 128>}, {pipeline_mode = #tpu.pipeline_mode<synchronous>, transform_indices = @transform_2, window_bounds = array<i64: 1, 128>}, {pipeline_mode = #tpu.pipeline_mode<synchronous>, transform_indices = @transform_3, window_bounds = array<i64: 128, 128>}, {pipeline_mode = #tpu.pipeline_mode<synchronous>, transform_indices = @transform_4, window_bounds = array<i64: 1, 128>}, {transform_indices = @transform_5, window_bounds = array<i64: 512, 128>}]} {
    %get3A = arith.constant 0 : index
    %get3A_0 = arith.constant 0 : index
    %get3A_1 = vector.load %arg1[%get3A, %get3A_0] : memref<512x128xf32, #tpu.memory_space<vmem>>, vector<512x128xf32>
    %get3A_2 = arith.constant 0 : index
    %get3A_3 = arith.constant 0 : index
    %get3A_4 = vector.load %arg2[%get3A_2, %get3A_3] : memref<128x128xf32, #tpu.memory_space<vmem>>, vector<128x128xf32>
    %dot_general3A = arith.constant dense<0.000000e+00> : vector<512x128xf32>
    %dot_general3A_5 = tpu.matmul %get3A_1, %get3A_4, %dot_general3A {dimension_numbers = #tpu.dot_dimension_numbers<[1], [0], [0], [1], [0, 0, 1, 1], [], []>, transpose_lhs_hint = false} : vector<512x128xf32>, vector<128x128xf32>, vector<512x128xf32> -> vector<512x128xf32>
    %get3A_6 = arith.constant 0 : index
    %get3A_7 = arith.constant 0 : index
    %get3A_8 = vector.load %arg3[%get3A_6, %get3A_7] : memref<1x128xf32, #tpu.memory_space<vmem>>, vector<1x128xf32>
    %add3A = vector.broadcast %get3A_8 : vector<1x128xf32> to vector<512x128xf32>
    %add3A_9 = arith.addf %dot_general3A_5, %add3A : vector<512x128xf32>
    %max3A = arith.constant 0.000000e+00 : f32
    %max3A_10 = vector.broadcast %max3A : f32 to vector<512x128xf32>
    %max3A_11 = arith.maximumf %add3A_9, %max3A_10 : vector<512x128xf32>
    %get3A_12 = arith.constant 0 : index
    %get3A_13 = arith.constant 0 : index
    %get3A_14 = vector.load %arg4[%get3A_12, %get3A_13] : memref<128x128xf32, #tpu.memory_space<vmem>>, vector<128x128xf32>
    %dot_general3A_15 = arith.constant dense<0.000000e+00> : vector<512x128xf32>
    %dot_general3A_16 = tpu.matmul %max3A_11, %get3A_14, %dot_general3A_15 {dimension_numbers = #tpu.dot_dimension_numbers<[1], [0], [0], [1], [0, 0, 1, 1], [], []>, transpose_lhs_hint = false} : vector<512x128xf32>, vector<128x128xf32>, vector<512x128xf32> -> vector<512x128xf32>
    %get3A_17 = arith.constant 0 : index
    %get3A_18 = arith.constant 0 : index
    %get3A_19 = vector.load %arg5[%get3A_17, %get3A_18] : memref<1x128xf32, #tpu.memory_space<vmem>>, vector<1x128xf32>
    %add3A_20 = vector.broadcast %get3A_19 : vector<1x128xf32> to vector<512x128xf32>
    %add3A_21 = arith.addf %dot_general3A_16, %add3A_20 : vector<512x128xf32>
    %swap3A = arith.constant 0 : index
    %swap3A_22 = arith.constant 0 : index
    %swap3A_23 = vector.load %arg6[%swap3A, %swap3A_22] : memref<512x128xf32, #tpu.memory_space<vmem>>, vector<512x128xf32>
    tpu.vector_store %arg6[%swap3A, %swap3A_22], %add3A_21 {strides = array<i32>} : memref<512x128xf32, #tpu.memory_space<vmem>>, vector<512x128xf32>,
    return
  }
  func.func @transform_0(%arg0: i32) -> (i32, i32) {
    %c0_i32 = arith.constant 0 : i32
    %c0_i32_0 = arith.constant 0 : i32
    return %arg0, %c0_i32 : i32, i32
  }
  func.func @transform_1(%arg0: i32) -> (i32, i32) {
    %c0_i32 = arith.constant 0 : i32
    %c0_i32_0 = arith.constant 0 : i32
    %c0_i32_1 = arith.constant 0 : i32
    return %c0_i32, %c0_i32_0 : i32, i32
  }
  func.func @transform_2(%arg0: i32) -> (i32, i32) {
    %c0_i32 = arith.constant 0 : i32
    %c0_i32_0 = arith.constant 0 : i32
    %c0_i32_1 = arith.constant 0 : i32
    return %c0_i32, %c0_i32_0 : i32, i32
  }
  func.func @transform_3(%arg0: i32) -> (i32, i32) {
    %c0_i32 = arith.constant 0 : i32
    %c0_i32_0 = arith.constant 0 : i32
    %c0_i32_1 = arith.constant 0 : i32
    return %c0_i32, %c0_i32_0 : i32, i32
  }
  func.func @transform_4(%arg0: i32) -> (i32, i32) {
    %c0_i32 = arith.constant 0 : i32
    %c0_i32_0 = arith.constant 0 : i32
    %c0_i32_1 = arith.constant 0 : i32
    return %c0_i32, %c0_i32_0 : i32, i32
  }
  func.func @transform_5(%arg0: i32) -> (i32, i32) {
    %c0_i32 = arith.constant 0 : i32
    %c0_i32_0 = arith.constant 0 : i32
    return %arg0, %c0_i32 : i32, i32
  }
}

</mosaic_0001>

<sc_bundles>
// kernel: kernel.23.cloned.1.call-start
scs
__scs_entry_jumppad:
0x0: {  	(pc) =	sbr.rel $0x88, $3  }
0x1: {  	(tag) =	ssettag $0x0;
	lr =	simm.s32 $0x1  }
0x2: {  	[smem:$0x3F82] =	sst lr;
	_ =	strace $0xD0000000  }
0x3: {  	_ = 	snop  }
0x4: {  	_ = 	snop  }
0x5: {  	_ = 	snop  }
0x6: {  	_ = 	snop  }
0x7: {  	_ = 	snop  }
__scs_overlays_trampoline_lowered:
0x8: {  	[smem:$0x3F91] =	sst s0  }
0x9: {  	[smem:$0x3F92] =	sst s1  }
0xa: {  	[smem:$0x3F93] =	sst s2  }
0xb: {  	[smem:$0x3F94] =	sst s3  }
0xc: {  	[smem:$0x3F95] =	sst s4  }
0xd: {  	[smem:$0x3F96] =	sst s5  }
0xe: {  	[smem:$0x3F97] =	sst s6  }
0xf: {  	[smem:$0x3F98] =	sst s7  }
0x10: {  	[smem:$0x3F99] =	sst s8  }
0x11: {  	[smem:$0x3F9A] =	sst s9;
	s0 =	simm.s32 @!p0 $0x0  }
0x12: {  	s1 =	sld [smem:$0x3F80];
	s0 =	simm.s32 @p0 $0x1  }
0x13: {  	[smem:$0x3F9B] =	sst s0;
	s0 =	simm.s32 @!p1 $0x0  }
0x14: {  	s2 =	sld [smem:$0x3F7F];
	s0 =	simm.s32 @p1 $0x1  }
0x15: {  	[smem:$0x3F9C] =	sst s0;
	s0 =	simm.s32 @!p2 $0x0  }
0x16: {  	s3 =	sld [smem:$0x3FDB];
	s0 =	simm.s32 @p2 $0x1  }
0x17: {  	s4 =	simm.s32 $0x1BF5;
	[smem:$0x3F9E] =	sst s0  }
0x18: {  	s0 =	sld [smem:$0x3F81];
	_ =	swait.ge [sflag:s4], $0x0  }
0x19: {  	s7 =	sld [smem:$0x3F82]  }
0x1a: {  	s8 =	sadd.s32 $0xFFFFE003, lr  }
0x1b: {  	s9 =	sadd.s32 $0xFFFFFEF7, lr;
	s5 =	simm.s32 $0xFFFFFFFF;
	p2 =	slt.u32 s8, $0xFFFFF086  }
0x1c: {  	p1 =	slt.u32 s9, $0xF7A;
	s5 =	simm.s32 @!p2 $0x0  }
0x1d: {  	s5 =	simm.s32 @p1 $0x1;
	p0 =	seq.s32 s7, s2  }
0x1e: {  	s7 =	smul.u32 @!p0 $0xF7A, s2;
	p2 =	seq.s32 @!p0 s5, $0x0  }
0x1f: {  	s9 =	smul.u32 $0xF7A, s1;
	s8 =	simm.s32 @!p0 $0x1BF5;
	p2 =	por !p2, p0  }
0x20: {  	[sflag:s8] =	ssyncset.s32 @!p0 $0xFFFFF086;
	s6 =	sadd.s32 @!p0 s3, s7;
	s7 =	simm.s32 @!p0 $0x108  }
0x21: {  	s3 =	sadd.s32 s3, s9;
	s6 =	sadd.s32 @!p0 $0x88, s6;
	s7 =	simm.s32 @p2 $0x1082  }
0x22: {  	[simem:s7], [sflag:s8] =	dma.local @!p0 [hbm:s6], $0xF7A  }
0x23: {  	s9 =	sor.u32 $0xD0000000, s2;
	s6 =	simm.s32 $0x108;
	_ =	swait.ge @!p0 [sflag:s8], $0x0  }
0x24: {  	s3 =	sadd.s32 $0x88, s3;
	s6 =	simm.s32 @!p1 $0x1082;
	[sflag:s4] =	ssyncset.s32 $0xFFFFF086  }
0x25: {  	[simem:s6], [sflag:s4] =	dma.local [hbm:s3], $0xF7A  }
0x26: {  	[smem:$0x3F82] =	sst s1;
	(tag) =	ssettag s2;
	_ =	strace s9  }
0x27: {  	s1 =	sld [smem:$0x3F92]  }
0x28: {  	s2 =	sld [smem:$0x3F93]  }
0x29: {  	s4 =	sld [smem:$0x3F95]  }
0x2a: {  	p0 =	seq.s32 s5, $0x0;
	s5 =	sld [smem:$0x3F96]  }
0x2b: {  	s6 =	sld [smem:$0x3F97]  }
0x2c: {  	s7 =	sld [smem:$0x3F98]  }
0x2d: {  	s3 =	simm.s32 $0x108;
	s8 =	sld [smem:$0x3F99]  }
0x2e: {  	s3 =	simm.s32 @!p0 $0x1082;
	s9 =	sld [smem:$0x3F9A]  }
0x2f: {  	lr =	sadd.s32 s0, s3;
	s0 =	sld [smem:$0x3F91]  }
0x30: {  	s3 =	sld [smem:$0x3F94]  }
0x31: {  	[smem:$0x3F9D] =	sst s10  }
0x32: {  	s10 =	sld [smem:$0x3F9B];
	_ =	sdelay $0x3  }
0x33: {  	p0 =	seq.s32 s10, $0x1;
	s10 =	sld [smem:$0x3F9D];
	_ =	sdelay $0x3  }
0x34: {  	[smem:$0x3F9D] =	sst s10  }
0x35: {  	s10 =	sld [smem:$0x3F9C];
	_ =	sdelay $0x3  }
0x36: {  	p1 =	seq.s32 s10, $0x1;
	s10 =	sld [smem:$0x3F9D];
	_ =	sdelay $0x3  }
0x37: {  	[smem:$0x3F9D] =	sst s10  }
0x38: {  	s10 =	sld [smem:$0x3F9E]  }
0x39: {  	_ = 	snop;
	(pc) =	sbr.ind lr, $3  }
0x3a: {  	_ = 	snop  }
0x3b: {  	_ = 	snop  }
0x3c: {  	p2 =	seq.s32 s10, $0x1;
	s10 =	sld [smem:$0x3F9D]  }
0x3d: {  	_ =	shalt  }
0x3e: {  	_ =	shalt  }
0x3f: {  	_ =	shalt  }
0x40: {  	_ =	shalt  }
0x41: {  	_ =	shalt  }
0x42: {  	_ =	shalt  }
0x43: {  	_ =	shalt  }
0x44: {  	_ =	shalt  }
0x45: {  	_ =	shalt  }
0x46: {  	_ =	shalt  }
0x47: {  	_ =	shalt  }
0x48: {  	_ =	shalt  }
0x49: {  	_ =	shalt  }
0x4a: {  	_ =	shalt  }
0x4b: {  	_ =	shalt  }
0x4c: {  	_ =	shalt  }
0x4d: {  	_ =	shalt  }
0x4e: {  	_ =	shalt  }
0x4f: {  	_ =	shalt  }
0x50: {  	_ =	shalt  }
0x51: {  	_ =	shalt  }
0x52: {  	_ =	shalt  }
0x53: {  	_ =	shalt  }
0x54: {  	_ =	shalt  }
0x55: {  	_ =	shalt  }
0x56: {  	_ =	shalt  }
0x57: {  	_ =	shalt  }
0x58: {  	_ =	shalt  }
0x59: {  	_ =	shalt  }
0x5a: {  	_ =	shalt  }
0x5b: {  	_ =	shalt  }
0x5c: {  	_ =	shalt  }
0x5d: {  	_ =	shalt  }
0x5e: {  	_ =	shalt  }
0x5f: {  	_ =	shalt  }
0x60: {  	_ =	shalt  }
0x61: {  	_ =	shalt  }
0x62: {  	_ =	shalt  }
0x63: {  	_ =	shalt  }
0x64: {  	_ =	shalt  }
0x65: {  	_ =	shalt  }
0x66: {  	_ =	shalt  }
0x67: {  	_ =	shalt  }
0x68: {  	_ =	shalt  }
0x69: {  	_ =	shalt  }
0x6a: {  	_ =	shalt  }
0x6b: {  	_ =	shalt  }
0x6c: {  	_ =	shalt  }
0x6d: {  	_ =	shalt  }
0x6e: {  	_ =	shalt  }
0x6f: {  	_ =	shalt  }
0x70: {  	_ =	shalt  }
0x71: {  	_ =	shalt  }
0x72: {  	_ =	shalt  }
0x73: {  	_ =	shalt  }
0x74: {  	_ =	shalt  }
0x75: {  	_ =	shalt  }
0x76: {  	_ =	shalt  }
0x77: {  	_ =	shalt  }
0x78: {  	_ =	shalt  }
0x79: {  	_ =	shalt  }
0x7a: {  	_ =	shalt  }
0x7b: {  	_ =	shalt  }
0x7c: {  	_ =	shalt  }
0x7d: {  	_ =	shalt  }
0x7e: {  	_ =	shalt  }
0x7f: {  	_ =	shalt  }
0x80: {  	_ =	shalt  }
0x81: {  	_ =	shalt  }
0x82: {  	_ =	shalt  }
0x83: {  	_ =	shalt  }
0x84: {  	_ =	shalt  }
0x85: {  	_ =	shalt  }
0x86: {  	_ =	shalt  }
0x87: {  	_ =	shalt  }
.Lfunc_end0:
.L_simem_size_0:
called_computation_lowered:
.L_overlay_start_0:
0x88: {  	s2 =	sld [smem:$0x3FD9]  }
0x89: {  	s3 =	sld [smem:$0x3FFE];
	_ =	sdelay $0x1  }
0x8a: {  	s1 =	srdreg.scid  }
0x8b: {  	s0 =	sand.u32 $0x1, s1  }
0x8c: {  	s17 =	sshll.u32 s0, $0xA;
	s2 =	sadd.s32 s3, s2  }
0x8d: {  	s2 =	sadd.s32 s2, s17  }
0x8e: {  	[smem:$0x3FA9] =	sst s2  }
0x8f: {  	_ = 	snop  }
0x90: {  	(tm) =	ssettm $0x1  }
0x91: {  	s18 =	sld [smem:$0x3FFB];
	_ =	sdelay $0x3  }
0x92: {  	_ =	strace s18  }
0x93: {  	s2 =	sld [smem:$0x3FFC];
	_ =	sdelay $0x3  }
0x94: {  	_ =	strace s2  }
0x95: {  	s2 =	sld [smem:$0x3FFD];
	_ =	sdelay $0x3  }
0x96: {  	_ =	strace s2  }
0x97: {  	_ =	strace $0x8FFFFFFF  }
0x98: {  	s19 =	sld [smem:$0x3FDB];
	_ =	sdelay $0x1  }
0x99: {  	s20 =	simm.s32 $_scs_section_size  }
0x9a: {  	s4 =	simm.s32 $_size__tile_overlayer_lowered;
	s5 =	simm.s32 $_tile_overlayer_lowered  }
0x9b: {  	s6 =	simm.s32 $0x1BFF;
	s21 =	sshll.u32 s5, $0x1;
	s3 =	sadd.s32 s20, s19  }
0x9c: {  	s22 =	simm.s32 $0x0;
	s4 =	sshll.u32 s4, $0x1;
	s5 =	sadd.s32 s21, s3  }
0x9d: {  	[timem:s22], [sflag:s6] =	dma.local [hbm:s5], s4  }
0x9e: {  	_ =	swait.ge [sflag:s6], s4  }
0x9f: {  	s4 =	ssub.s32 $0x0, s4;
	[sflag:s6] =	ssyncset.done $0x0  }
0xa0: {  	[sflag:s6] =	ssyncadd.s32 s4;
	_ =	sdelay $0x1  }
0xa1: {  	s23 =	simm.s32 $0x1B8B  }
0xa2: {  	_ =	swait.ge [sflag:s23], $0x1  }
0xa3: {  	[sflag:s23] =	ssyncset.done $0x0  }
0xa4: {  	[sflag:s23] =	ssyncadd.s32 $0xFFFFFFFF  }
0xa5: {  	s4 =	sld [smem:$0x0]  }
0xa6: {  	s5 =	sand.u32 $0xFFFFFFFE, s1  }
0xa7: {  	p0 =	sne.s32 s1, s5  }
0xa8: {  	s5 =	sshll.u32 @p0 s5, $0xE  }
0xa9: {  	s5 =	sadd.s32 @p0 $0x11B8D, s5;
	s6 =	sshll.u32 @p0 s4, $0x11  }
0xaa: {  	s5 =	sor.u32 @p0 s6, s5  }
0xab: {  	[sflag:s5] =	ssyncadd.remote.s32 @p0 $0x1;
	_ =	sdelay $0x1  }
0xac: {  	s5 =	simm.s32 @p0 $0x1B8D  }
0xad: {  	_ =	swait.eq @p0 [sflag:s5], $0x1  }
0xae: {  	[sflag:s5] =	ssyncadd.s32 @p0 $0xFFFFFFFF  }
0xaf: {  	s6 =	sshll.u32 @!p0 s1, $0xE  }
0xb0: {  	s6 =	sor.u32 @!p0 $0x4000, s6;
	s5 =	simm.s32 @!p0 $0x1B8D  }
0xb1: {  	s4 =	sshll.u32 @!p0 s4, $0x11;
	s6 =	sadd.s32 @!p0 $0x11B8D, s6;
	_ =	swait.eq @!p0 [sflag:s5], $0x1  }
0xb2: {  	s4 =	sor.u32 @!p0 s4, s6;
	[sflag:s5] =	ssyncadd.s32 @!p0 $0xFFFFFFFF  }
0xb3: {  	s25 =	simm.s32 $0x1B8E;
	s24 =	sld [smem:$0x3FFE];
	[sflag:s4] =	ssyncadd.remote.s32 @!p0 $0x1  }
0xb4: {  	s26 =	simm.s32 $execute0_lowered;
	[smem:$0x3FD2] =	sst s25  }
0xb5: {  	s5 =	sshll.u32 s26, $0x1;
	_ =	strace $0x80000049;
	[dreg:$0x1] =	wrdreg $0xFFFFFFFF  }
0xb6: {  	s28 =	simm.s32 $_size_execute0_lowered;
	s3 =	sadd.s32 s3, s5;
	[dreg:$0x0] =	wrdreg $0x0  }
0xb7: {  	s5 =	sshll.u32 s28, $0x1;
	[dreg:$0x2] =	wrdreg s3  }
0xb8: {  	[dreg:$0x3] =	wrdreg s5  }
0xb9: {  	[dreg:$0x4] =	wrdreg $0xC0  }
0xba: {  	_ =	task [dreg:s22], $0x5FFFF  }
0xbb: {  	[dreg:$0x1] =	wrdreg $0xFFFFFFFF  }
0xbc: {  	[dreg:$0x0] =	wrdreg $0x60  }
0xbd: {  	[dreg:$0x2] =	wrdreg s24  }
0xbe: {  	[dreg:$0x3] =	wrdreg $0x8C000  }
0xbf: {  	[dreg:$0x4] =	wrdreg $0xB  }
0xc0: {  	_ =	task.clear_ibuf [dreg:s22], $0x5FFFF;
	_ =	strace $0x90000049  }
0xc1: {  	s29 =	simm.s32 $0xB;
	_ =	strace $0x8000004B  }
0xc2: {  	_ =	swait.ge [sflag:s29], $0x1  }
0xc3: {  	[sflag:s29] =	ssyncadd.s32 $0xFFFFFFFF  }
0xc4: {  	_ =	strace $0x9000004B  }
0xc5: {  	_ =	sfence  }
0xc6: {  	s30 =	sld [smem:$0x0];
	_ =	sdelay $0x2  }
0xc7: {  	s31 =	sshll.u32 s1, $0xD;
	s1 =	sshrl.u32 s1, $0x2  }
0xc8: {  	s4 =	sand.u32 $0x4000, s31;
	s1 =	sadd.s32 s1, s30  }
0xc9: {  	s0 =	sor.u32 s4, s0;
	s1 =	sshll.u32 s1, $0x11  }
0xca: {  	s0 =	sor.u32 s1, s0  }
0xcb: {  	s0 =	sadd.s32 $0x8F2B, s0  }
0xcc: {  	[sflag:s0] =	ssyncadd.remote.s32 $0x1  }
0xcd: {  	_ =	sfence.sel $0xFFFF  }
0xce: {  	[dreg:$0x0] =	wrdreg $0xFFFFFFFF;
	(pc) =	sbr.abs _section_cstart, $3  }
0xcf: {  	[dreg:$0x1] =	wrdreg $0xFFFFFFFF  }
0xd0: {  	_ =	task.clear_ibuf [dreg:s22], $0x2FFFF;
	_ =	strace $0x9FFFFFFF  }
0xd1: {  	(tm) =	ssettm $0x7FFFFFFF  }
tec
execute0_lowered:
.L_overlay_start_1:
0x0: {  	(tag) =	ssettag $0x1  }
0x1: {  	s4 =	rddreg [dreg:$0x0]  }
0x2: {  	s0 =	srdreg.scid;
	s2 =	rddreg [dreg:$0x1]  }
0x3: {  	s1 =	stileid.u32;
	s3 =	simm.s32 $0x0;
	s16 =	simm.s32 $0x2  }
0x4: {  	s17 =	simm.s32 $0x80;
	s18 =	simm.s32 $0xC00;
	s19 =	simm.s32 $0x4C00  }
0x5: {  	s20 =	simm.s32 $0x3;
	s21 =	simm.s32 $0x100;
	s22 =	simm.s32 $0x980  }
0x6: {  	s5 =	sand.u32 $0x1, s0;
	s0 =	rddreg [dreg:$0x2];
	s7 =	smul.u32 $0x2800, s1  }
0x7: {  	s23 =	simm.s32 $0x0;
	[smem:$0x7FF] =	sst s3;
	s10 =	smul.u32 $0x50000, s1  }
0x8: {  	s13 =	sadd.s32 $0x1C8400, s4;
	s29 =	sshll.u32 s1, $0x6;
	s6 =	sshll.u32 s5, $0x4  }
0x9: {  	_ =	strace $0x8000004A;
	s28 =	ssub.s32 $0x2, s5;
	s12 =	smul.u32 $0x500000, s5  }
0xa: {  	s5 =	sor.u32 $0x1C02, s29;
	s6 =	sor.u32 s1, s6;
	s7 =	sadd.s32 s7, s4  }
0xb: {  	s9 =	sshrl.u32 s28, $0x1;
	s11 =	sshrl.u32 s10, $0x2;
	s8 =	smul.u32 $0x180, s6  }
0xc: {  	s6 =	smul.u32 $0x50000, s6;
	s9 =	ssub.s32 s28, s9;
	s31 =	sadd.s32 s10, s12  }
0xd: {  	s14 =	sadd.s32 s11, s2;
	s12 =	sor.u32 $0x8000, s31;
	s15 =	sor.u32 $0xC000, s31  }
0xe: {  	s14 =	sshrl.u32 s14, $0x3;
	s8 =	sadd.s32 s8, s4;
	s4 =	sadd.s32 $0x35400, s7  }
0xf: {  	s30 =	sshrl.u32 s6, $0x3;
	s12 =	sshrl.u32 s12, $0x3;
	s15 =	sshrl.u32 s15, $0x3  }
0x10: {  	s6 =	sadd.s32 $0x1C5400, s8;
	s7 =	sadd.s32 s13, s30;
	s8 =	smax.u32 s9, $0x1  }
0x11: {  	s12 =	sadd.s32 s12, s13;
	s13 =	sadd.s32 s15, s13;
	s15 =	simm.s32 $0x1  }
0x12: {  	s9 =	sadd.s32 $0x800, s7;
	s10 =	sadd.s32 $0x9000, s7;
	s11 =	sadd.s32 $0x9800, s7  }
.LBB2_1:
0x13: {  	[spmem:s14], [sflag:s5] =	dma.local [hbm:s4], $0x2800  }
0x14: {  	[tilespmem:s3], [sflag:$0x1] =	stream.linear.gather [hbm4b:s6+s3], $0xA00, $0x38;
	[tilespmem:$0x1CC00] =	vst v63  }
0x15: {  	_ =	swait.ge [sflag:s15], $0xA00  }
0x16: {  	[sflag:s15] =	ssyncset.done $0x0  }
0x17: {  	[sflag:s15] =	ssyncadd.s32 $0xFFFFF600  }
0x18: {  	_ =	swait.ge [sflag:s16], $0x2800  }
0x19: {  	[sflag:s16] =	ssyncset.done $0x0  }
0x1a: {  	[sflag:s16] =	ssyncadd.s32 $0xFFFFD800  }
0x1b: {  	[bflag:$0x0] =	sbarrier.arrive $0xFFFF  }
0x1c: {  	[tilespmem:s18], [sflag:$0x1] =	stream.indirect.gather [spmem:s2], $0x80, s3, s17, $0xb8;
	[tilespmem:$0x1CC00] =	vst v63  }
0x1d: {  	_ = 	snop  }
0x1e: {  	[tilespmem:s19], [sflag:$0x1] =	stream.indirect.gather [spmem:s2], $0x80, s17, s17, $0xb8;
	[tilespmem:$0x1CC00] =	vst v63  }
0x1f: {  	_ =	swait.ge [sflag:s15], $0x4000  }
0x20: {  	[sflag:s15] =	ssyncset.done $0x0  }
0x21: {  	[sflag:s15] =	ssyncadd.s32 $0xFFFFC000  }
0x22: {  	[hbm4b:s7+s3] =	stream.linear.scatter [tilespmem:s18], [sflag:$0x3], $0x4000, $0x38;
	[tilespmem:$0x1CC00] =	vst v63  }
0x23: {  	_ =	swait.ge [sflag:s20], $0x4000  }
0x24: {  	[sflag:s20] =	ssyncset.done $0x0  }
0x25: {  	[sflag:s20] =	ssyncadd.s32 $0xFFFFC000  }
0x26: {  	[tilespmem:s18], [sflag:$0x1] =	stream.indirect.gather [spmem:s2], $0x80, s21, s17, $0xb8;
	[tilespmem:$0x1CC00] =	vst v63  }
0x27: {  	_ =	swait.ge [sflag:s15], $0x4000  }
0x28: {  	[sflag:s15] =	ssyncset.done $0x0  }
0x29: {  	[sflag:s15] =	ssyncadd.s32 $0xFFFFC000  }
0x2a: {  	[hbm4b:s9+s3] =	stream.linear.scatter [tilespmem:s19], [sflag:$0x3], $0x4000, $0x38;
	[tilespmem:$0x1CC00] =	vst v63  }
0x2b: {  	_ =	swait.ge [sflag:s20], $0x4000  }
0x2c: {  	[sflag:s20] =	ssyncset.done $0x0  }
0x2d: {  	s24 =	simm.s32 $0x180;
	[sflag:s20] =	ssyncadd.s32 $0xFFFFC000  }
0x2e: {  	[tilespmem:s19], [sflag:$0x1] =	stream.indirect.gather [spmem:s2], $0x80, s24, s17, $0xb8;
	[tilespmem:$0x1CC00] =	vst v63  }
0x2f: {  	_ =	swait.ge [sflag:s15], $0x4000  }
0x30: {  	[sflag:s15] =	ssyncset.done $0x0  }
0x31: {  	s30 =	sadd.s32 $0x0, s12;
	[sflag:s15] =	ssyncadd.s32 $0xFFFFC000  }
0x32: {  	[hbm4b:s30+s3] =	stream.linear.scatter [tilespmem:s18], [sflag:$0x3], $0x4000, $0x38;
	[tilespmem:$0x1CC00] =	vst v63  }
0x33: {  	_ =	swait.ge [sflag:s20], $0x4000  }
0x34: {  	[sflag:s20] =	ssyncset.done $0x0  }
0x35: {  	s31 =	simm.s32 $0x200;
	[sflag:s20] =	ssyncadd.s32 $0xFFFFC000  }
0x36: {  	[tilespmem:s18], [sflag:$0x1] =	stream.indirect.gather [spmem:s2], $0x80, s31, s17, $0xb8;
	[tilespmem:$0x1CC00] =	vst v63  }
0x37: {  	_ =	swait.ge [sflag:s15], $0x4000  }
0x38: {  	s26 =	sadd.s32 $0x0, s13;
	[sflag:s15] =	ssyncset.done $0x0  }
0x39: {  	s25 =	simm.s32 $0x300;
	s24 =	simm.s32 $0x1000;
	[sflag:s15] =	ssyncadd.s32 $0xFFFFC000  }
.LBB2_2:
0x3a: {  	[hbm4b:s26+s3] =	stream.linear.scatter [tilespmem:s19], [sflag:$0x3], $0x4000, $0x38;
	[tilespmem:$0x1CC00] =	vst v63  }
0x3b: {  	s26 =	smov.u32 s24  }
0x3c: {  	p0 =	sne.s32 s24, $0x7000;
	s24 =	sadd.s32 $0x1000, s24;
	_ =	swait.ge [sflag:s20], $0x4000  }
0x3d: {  	[sflag:s20] =	ssyncset.done $0x0  }
0x3e: {  	s28 =	sadd.s32 $0xFFFFFF80, s25;
	[sflag:s20] =	ssyncadd.s32 $0xFFFFC000  }
0x3f: {  	[tilespmem:s19], [sflag:$0x1] =	stream.indirect.gather [spmem:s2], $0x80, s28, s17, $0xb8;
	[tilespmem:$0x1CC00] =	vst v63  }
0x40: {  	_ =	swait.ge [sflag:s15], $0x4000  }
0x41: {  	[sflag:s15] =	ssyncset.done $0x0  }
0x42: {  	s28 =	sadd.s32 s26, s12;
	[sflag:s15] =	ssyncadd.s32 $0xFFFFC000  }
0x43: {  	[hbm4b:s28+s3] =	stream.linear.scatter [tilespmem:s18], [sflag:$0x3], $0x4000, $0x38;
	[tilespmem:$0x1CC00] =	vst v63  }
0x44: {  	_ =	swait.ge [sflag:s20], $0x4000  }
0x45: {  	[sflag:s20] =	ssyncset.done $0x0  }
.Ltmp0:
0x46: {  	[sflag:s20] =	ssyncadd.s32 $0xFFFFC000;
	(pc) =	sbr.rel @p0 .LBB2_2-.Ltmp0, $4  }
0x47: {  	[tilespmem:s18], [sflag:$0x1] =	stream.indirect.gather [spmem:s2], $0x80, s25, s17, $0xb8;
	[tilespmem:$0x1CC00] =	vst v63  }
0x48: {  	_ =	swait.ge [sflag:s15], $0x4000  }
0x49: {  	[sflag:s15] =	ssyncset.done $0x0  }
0x4a: {  	s26 =	sadd.s32 s26, s13;
	s25 =	sadd.s32 $0x100, s25;
	[sflag:s15] =	ssyncadd.s32 $0xFFFFC000  }
0x4b: {  	[hbm4b:s26+s3] =	stream.linear.scatter [tilespmem:s19], [sflag:$0x3], $0x4000, $0x38;
	[tilespmem:$0x1CC00] =	vst v63  }
0x4c: {  	_ =	swait.ge [sflag:s20], $0x4000  }
0x4d: {  	[sflag:s20] =	ssyncset.done $0x0  }
0x4e: {  	[sflag:s20] =	ssyncadd.s32 $0xFFFFC000  }
0x4f: {  	[tilespmem:s19], [sflag:$0x1] =	stream.indirect.gather [spmem:s2], $0x80, s22, s17, $0xb8;
	[tilespmem:$0x1CC00] =	vst v63  }
0x50: {  	_ =	swait.ge [sflag:s15], $0x4000  }
0x51: {  	[sflag:s15] =	ssyncset.done $0x0  }
0x52: {  	[sflag:s15] =	ssyncadd.s32 $0xFFFFC000  }
0x53: {  	[hbm4b:s10+s3] =	stream.linear.scatter [tilespmem:s18], [sflag:$0x3], $0x4000, $0x38;
	[tilespmem:$0x1CC00] =	vst v63  }
0x54: {  	_ =	swait.ge [sflag:s20], $0x4000  }
0x55: {  	[sflag:s20] =	ssyncset.done $0x0  }
0x56: {  	[sflag:s20] =	ssyncadd.s32 $0xFFFFC000  }
0x57: {  	s23 =	sadd.s32 $0x1, s23;
	_ =	swait.ge [sflag:s15], $0x4000  }
0x58: {  	p0 =	sne.s32 s23, s8;
	[sflag:s15] =	ssyncset.done $0x0  }
.Ltmp1:
0x59: {  	[sflag:s15] =	ssyncadd.s32 $0xFFFFC000;
	(pc) =	sbr.rel @p0 .LBB2_1-.Ltmp1, $4  }
0x5a: {  	[hbm4b:s11+s3] =	stream.linear.scatter [tilespmem:s19], [sflag:$0x3], $0x4000, $0x38;
	[tilespmem:$0x1CC00] =	vst v63  }
0x5b: {  	_ =	swait.ge [sflag:s20], $0x4000  }
0x5c: {  	[sflag:s20] =	ssyncset.done $0x0  }
0x5d: {  	[sflag:s20] =	ssyncadd.s32 $0xFFFFC000  }
0x5e: {  	_ =	sfence.sel $0x180000  }
0x5f: {  	[bflag:$0x0] =	sbarrier.arrive $0xFFFF  }
0x60: {  	p0 =	sne.s32 s1, $0x0;
	_ =	strace $0x9000004A  }
0x61: {  	s0 =	sadd.s32 @!p0 $0x100000, s0;
	[bflag:$0x2] =	sbarrier.arrive $0xFFFF  }
0x62: {  	[sflag:s0] =	ssyncadd.tile.s32 @!p0 $0x1;
	_ =	shalt  }
.Lfunc_end2:
_tile_overlayer_lowered:
.L_overlay_start_2:
0x63: {  	(tag) =	ssettag $0x2  }
0x64: {  	s0 =	rddreg [dreg:$0x0];
	s2 =	stileid.u32  }
0x65: {  	s1 =	rddreg [dreg:$0x1];
	p0 =	sne.s32 s2, $0x0  }
0x66: {  	s3 =	rddreg [dreg:$0x2];
	[bflag:$0x3] =	sbarrier.arrive $0xFFFF;
	s2 =	simm.s32 @!p0 $0x1C04  }
0x67: {  	[timem:s3], [sflag:s2] =	dma.local @!p0 [hbm:s0], s1  }
0x68: {  	s0 =	simm.s32 @!p0 $0x4  }
0x69: {  	_ =	swait.ge @!p0 [sflag:s0], s1  }
0x6a: {  	s1 =	ssub.s32 @!p0 $0x0, s1;
	[sflag:s0] =	ssyncset.done @!p0 $0x0  }
0x6b: {  	[sflag:s0] =	ssyncadd.s32 @!p0 s1  }
0x6c: {  	[bflag:$0x3] =	sbarrier.arrive $0xFFFF  }
0x6d: {  	_ =	shalt  }

// kernel: kernel.26.cloned.1.call-start
scs
__scs_entry_jumppad:
0x0: {  	(pc) =	sbr.rel $0x88, $3  }
0x1: {  	(tag) =	ssettag $0x0;
	lr =	simm.s32 $0x1  }
0x2: {  	[smem:$0x3F82] =	sst lr;
	_ =	strace $0xD0000000  }
0x3: {  	_ = 	snop  }
0x4: {  	_ = 	snop  }
0x5: {  	_ = 	snop  }
0x6: {  	_ = 	snop  }
0x7: {  	_ = 	snop  }
__scs_overlays_trampoline_lowered:
0x8: {  	[smem:$0x3F91] =	sst s0  }
0x9: {  	[smem:$0x3F92] =	sst s1  }
0xa: {  	[smem:$0x3F93] =	sst s2  }
0xb: {  	[smem:$0x3F94] =	sst s3  }
0xc: {  	[smem:$0x3F95] =	sst s4  }
0xd: {  	[smem:$0x3F96] =	sst s5  }
0xe: {  	[smem:$0x3F97] =	sst s6  }
0xf: {  	[smem:$0x3F98] =	sst s7  }
0x10: {  	[smem:$0x3F99] =	sst s8  }
0x11: {  	[smem:$0x3F9A] =	sst s9;
	s0 =	simm.s32 @!p0 $0x0  }
0x12: {  	s1 =	sld [smem:$0x3F80];
	s0 =	simm.s32 @p0 $0x1  }
0x13: {  	[smem:$0x3F9B] =	sst s0;
	s0 =	simm.s32 @!p1 $0x0  }
0x14: {  	s2 =	sld [smem:$0x3F7F];
	s0 =	simm.s32 @p1 $0x1  }
0x15: {  	[smem:$0x3F9C] =	sst s0;
	s0 =	simm.s32 @!p2 $0x0  }
0x16: {  	s3 =	sld [smem:$0x3FDB];
	s0 =	simm.s32 @p2 $0x1  }
0x17: {  	s4 =	simm.s32 $0x1BF5;
	[smem:$0x3F9E] =	sst s0  }
0x18: {  	s0 =	sld [smem:$0x3F81];
	_ =	swait.ge [sflag:s4], $0x0  }
0x19: {  	s7 =	sld [smem:$0x3F82]  }
0x1a: {  	s8 =	sadd.s32 $0xFFFFE003, lr  }
0x1b: {  	s9 =	sadd.s32 $0xFFFFFEF7, lr;
	s5 =	simm.s32 $0xFFFFFFFF;
	p2 =	slt.u32 s8, $0xFFFFF086  }
0x1c: {  	p1 =	slt.u32 s9, $0xF7A;
	s5 =	simm.s32 @!p2 $0x0  }
0x1d: {  	s5 =	simm.s32 @p1 $0x1;
	p0 =	seq.s32 s7, s2  }
0x1e: {  	s7 =	smul.u32 @!p0 $0xF7A, s2;
	p2 =	seq.s32 @!p0 s5, $0x0  }
0x1f: {  	s9 =	smul.u32 $0xF7A, s1;
	s8 =	simm.s32 @!p0 $0x1BF5;
	p2 =	por !p2, p0  }
0x20: {  	[sflag:s8] =	ssyncset.s32 @!p0 $0xFFFFF086;
	s6 =	sadd.s32 @!p0 s3, s7;
	s7 =	simm.s32 @!p0 $0x108  }
0x21: {  	s3 =	sadd.s32 s3, s9;
	s6 =	sadd.s32 @!p0 $0x88, s6;
	s7 =	simm.s32 @p2 $0x1082  }
0x22: {  	[simem:s7], [sflag:s8] =	dma.local @!p0 [hbm:s6], $0xF7A  }
0x23: {  	s9 =	sor.u32 $0xD0000000, s2;
	s6 =	simm.s32 $0x108;
	_ =	swait.ge @!p0 [sflag:s8], $0x0  }
0x24: {  	s3 =	sadd.s32 $0x88, s3;
	s6 =	simm.s32 @!p1 $0x1082;
	[sflag:s4] =	ssyncset.s32 $0xFFFFF086  }
0x25: {  	[simem:s6], [sflag:s4] =	dma.local [hbm:s3], $0xF7A  }
0x26: {  	[smem:$0x3F82] =	sst s1;
	(tag) =	ssettag s2;
	_ =	strace s9  }
0x27: {  	s1 =	sld [smem:$0x3F92]  }
0x28: {  	s2 =	sld [smem:$0x3F93]  }
0x29: {  	s4 =	sld [smem:$0x3F95]  }
0x2a: {  	p0 =	seq.s32 s5, $0x0;
	s5 =	sld [smem:$0x3F96]  }
0x2b: {  	s6 =	sld [smem:$0x3F97]  }
0x2c: {  	s7 =	sld [smem:$0x3F98]  }
0x2d: {  	s3 =	simm.s32 $0x108;
	s8 =	sld [smem:$0x3F99]  }
0x2e: {  	s3 =	simm.s32 @!p0 $0x1082;
	s9 =	sld [smem:$0x3F9A]  }
0x2f: {  	lr =	sadd.s32 s0, s3;
	s0 =	sld [smem:$0x3F91]  }
0x30: {  	s3 =	sld [smem:$0x3F94]  }
0x31: {  	[smem:$0x3F9D] =	sst s10  }
0x32: {  	s10 =	sld [smem:$0x3F9B];
	_ =	sdelay $0x3  }
0x33: {  	p0 =	seq.s32 s10, $0x1;
	s10 =	sld [smem:$0x3F9D];
	_ =	sdelay $0x3  }
0x34: {  	[smem:$0x3F9D] =	sst s10  }
0x35: {  	s10 =	sld [smem:$0x3F9C];
	_ =	sdelay $0x3  }
0x36: {  	p1 =	seq.s32 s10, $0x1;
	s10 =	sld [smem:$0x3F9D];
	_ =	sdelay $0x3  }
0x37: {  	[smem:$0x3F9D] =	sst s10  }
0x38: {  	s10 =	sld [smem:$0x3F9E]  }
0x39: {  	_ = 	snop;
	(pc) =	sbr.ind lr, $3  }
0x3a: {  	_ = 	snop  }
0x3b: {  	_ = 	snop  }
0x3c: {  	p2 =	seq.s32 s10, $0x1;
	s10 =	sld [smem:$0x3F9D]  }
0x3d: {  	_ =	shalt  }
0x3e: {  	_ =	shalt  }
0x3f: {  	_ =	shalt  }
0x40: {  	_ =	shalt  }
0x41: {  	_ =	shalt  }
0x42: {  	_ =	shalt  }
0x43: {  	_ =	shalt  }
0x44: {  	_ =	shalt  }
0x45: {  	_ =	shalt  }
0x46: {  	_ =	shalt  }
0x47: {  	_ =	shalt  }
0x48: {  	_ =	shalt  }
0x49: {  	_ =	shalt  }
0x4a: {  	_ =	shalt  }
0x4b: {  	_ =	shalt  }
0x4c: {  	_ =	shalt  }
0x4d: {  	_ =	shalt  }
0x4e: {  	_ =	shalt  }
0x4f: {  	_ =	shalt  }
0x50: {  	_ =	shalt  }
0x51: {  	_ =	shalt  }
0x52: {  	_ =	shalt  }
0x53: {  	_ =	shalt  }
0x54: {  	_ =	shalt  }
0x55: {  	_ =	shalt  }
0x56: {  	_ =	shalt  }
0x57: {  	_ =	shalt  }
0x58: {  	_ =	shalt  }
0x59: {  	_ =	shalt  }
0x5a: {  	_ =	shalt  }
0x5b: {  	_ =	shalt  }
0x5c: {  	_ =	shalt  }
0x5d: {  	_ =	shalt  }
0x5e: {  	_ =	shalt  }
0x5f: {  	_ =	shalt  }
0x60: {  	_ =	shalt  }
0x61: {  	_ =	shalt  }
0x62: {  	_ =	shalt  }
0x63: {  	_ =	shalt  }
0x64: {  	_ =	shalt  }
0x65: {  	_ =	shalt  }
0x66: {  	_ =	shalt  }
0x67: {  	_ =	shalt  }
0x68: {  	_ =	shalt  }
0x69: {  	_ =	shalt  }
0x6a: {  	_ =	shalt  }
0x6b: {  	_ =	shalt  }
0x6c: {  	_ =	shalt  }
0x6d: {  	_ =	shalt  }
0x6e: {  	_ =	shalt  }
0x6f: {  	_ =	shalt  }
0x70: {  	_ =	shalt  }
0x71: {  	_ =	shalt  }
0x72: {  	_ =	shalt  }
0x73: {  	_ =	shalt  }
0x74: {  	_ =	shalt  }
0x75: {  	_ =	shalt  }
0x76: {  	_ =	shalt  }
0x77: {  	_ =	shalt  }
0x78: {  	_ =	shalt  }
0x79: {  	_ =	shalt  }
0x7a: {  	_ =	shalt  }
0x7b: {  	_ =	shalt  }
0x7c: {  	_ =	shalt  }
0x7d: {  	_ =	shalt  }
0x7e: {  	_ =	shalt  }
0x7f: {  	_ =	shalt  }
0x80: {  	_ =	shalt  }
0x81: {  	_ =	shalt  }
0x82: {  	_ =	shalt  }
0x83: {  	_ =	shalt  }
0x84: {  	_ =	shalt  }
0x85: {  	_ =	shalt  }
0x86: {  	_ =	shalt  }
0x87: {  	_ =	shalt  }
.Lfunc_end0:
.L_simem_size_0:
called_computation.1_lowered:
.L_overlay_start_0:
0x88: {  	s2 =	sld [smem:$0x3FD9]  }
0x89: {  	s3 =	sld [smem:$0x3FFE];
	_ =	sdelay $0x1  }
0x8a: {  	s1 =	srdreg.scid  }
0x8b: {  	s0 =	sand.u32 $0x1, s1  }
0x8c: {  	s16 =	sshll.u32 s0, $0xA;
	s2 =	sadd.s32 s3, s2  }
0x8d: {  	s2 =	sadd.s32 s2, s16  }
0x8e: {  	[smem:$0x3FA9] =	sst s2  }
0x8f: {  	_ = 	snop  }
0x90: {  	(tm) =	ssettm $0x1  }
0x91: {  	s17 =	sld [smem:$0x3FFB];
	_ =	sdelay $0x3  }
0x92: {  	_ =	strace s17  }
0x93: {  	s2 =	sld [smem:$0x3FFC];
	_ =	sdelay $0x3  }
0x94: {  	_ =	strace s2  }
0x95: {  	s2 =	sld [smem:$0x3FFD];
	_ =	sdelay $0x3  }
0x96: {  	_ =	strace s2  }
0x97: {  	_ =	strace $0x8FFFFFFF  }
0x98: {  	s18 =	sld [smem:$0x3FDB];
	_ =	sdelay $0x1  }
0x99: {  	s19 =	simm.s32 $_scs_section_size  }
0x9a: {  	s4 =	simm.s32 $_size__tile_overlayer_lowered;
	s5 =	simm.s32 $_tile_overlayer_lowered  }
0x9b: {  	s22 =	simm.s32 $0x1BFF;
	s21 =	sshll.u32 s5, $0x1;
	s2 =	sadd.s32 s19, s18  }
0x9c: {  	s6 =	simm.s32 $0x0;
	s20 =	sshll.u32 s4, $0x1;
	s4 =	sadd.s32 s21, s2  }
0x9d: {  	[timem:s6], [sflag:s22] =	dma.local [hbm:s4], s20  }
0x9e: {  	_ =	swait.ge [sflag:s22], s20  }
0x9f: {  	s3 =	ssub.s32 $0x0, s20;
	[sflag:s22] =	ssyncset.done $0x0  }
0xa0: {  	[sflag:s22] =	ssyncadd.s32 s3;
	_ =	sdelay $0x1  }
0xa1: {  	s23 =	simm.s32 $0x1B8B  }
0xa2: {  	_ =	swait.ge [sflag:s23], $0x1  }
0xa3: {  	[sflag:s23] =	ssyncset.done $0x0  }
0xa4: {  	s25 =	simm.s32 $0x1B8E;
	s24 =	sld [smem:$0x3FFE];
	[sflag:s23] =	ssyncadd.s32 $0xFFFFFFFF  }
0xa5: {  	s26 =	simm.s32 $execute0_lowered;
	[smem:$0x3FD2] =	sst s25  }
0xa6: {  	s4 =	sshll.u32 s26, $0x1;
	_ =	strace $0x80000046;
	[dreg:$0x1] =	wrdreg $0xFFFFFFFF  }
0xa7: {  	s28 =	simm.s32 $_size_execute0_lowered;
	s2 =	sadd.s32 s2, s4;
	[dreg:$0x0] =	wrdreg $0x0  }
0xa8: {  	s4 =	sshll.u32 s28, $0x1;
	[dreg:$0x2] =	wrdreg s2  }
0xa9: {  	[dreg:$0x3] =	wrdreg s4  }
0xaa: {  	[dreg:$0x4] =	wrdreg $0xC0  }
0xab: {  	_ =	task [dreg:s6], $0x5FFFF  }
0xac: {  	[dreg:$0x1] =	wrdreg $0xFFFFFFFF  }
0xad: {  	[dreg:$0x0] =	wrdreg $0x60  }
0xae: {  	[dreg:$0x2] =	wrdreg s24  }
0xaf: {  	[dreg:$0x3] =	wrdreg $0x8C000  }
0xb0: {  	[dreg:$0x4] =	wrdreg $0xC  }
0xb1: {  	_ =	task.clear_ibuf [dreg:s6], $0x5FFFF;
	_ =	strace $0x90000046  }
0xb2: {  	s29 =	simm.s32 $0xC;
	_ =	strace $0x80000048  }
0xb3: {  	_ =	swait.ge [sflag:s29], $0x1  }
0xb4: {  	[sflag:s29] =	ssyncadd.s32 $0xFFFFFFFF  }
0xb5: {  	_ =	strace $0x90000048  }
0xb6: {  	_ =	sfence  }
0xb7: {  	s30 =	sld [smem:$0x0];
	_ =	sdelay $0x2  }
0xb8: {  	s31 =	sshll.u32 s1, $0xD;
	s1 =	sshrl.u32 s1, $0x2  }
0xb9: {  	s3 =	sand.u32 $0x4000, s31;
	s1 =	sadd.s32 s1, s30  }
0xba: {  	s0 =	sor.u32 s3, s0;
	s1 =	sshll.u32 s1, $0x11  }
0xbb: {  	s0 =	sor.u32 s1, s0  }
0xbc: {  	s0 =	sadd.s32 $0x8F2B, s0  }
0xbd: {  	[sflag:s0] =	ssyncadd.remote.s32 $0x1  }
0xbe: {  	_ =	sfence.sel $0xFFFF  }
0xbf: {  	[dreg:$0x0] =	wrdreg $0xFFFFFFFF;
	(pc) =	sbr.abs _section_cstart, $3  }
0xc0: {  	[dreg:$0x1] =	wrdreg $0xFFFFFFFF  }
0xc1: {  	_ =	task.clear_ibuf [dreg:s6], $0x2FFFF;
	_ =	strace $0x9FFFFFFF  }
0xc2: {  	(tm) =	ssettm $0x7FFFFFFF  }
0xc3: {  	_ =	shalt  }
tec
execute0_lowered:
.L_overlay_start_1:
0x0: {  	(tag) =	ssettag $0x1  }
0x1: {  	s4 =	rddreg [dreg:$0x0]  }
0x2: {  	s0 =	srdreg.scid;
	s2 =	rddreg [dreg:$0x1]  }
0x3: {  	s1 =	stileid.u32;
	s3 =	simm.s32 $0x0;
	s16 =	simm.s32 $0x2  }
0x4: {  	s17 =	simm.s32 $0x80;
	s18 =	simm.s32 $0xC00;
	s19 =	simm.s32 $0x4C00  }
0x5: {  	s20 =	simm.s32 $0x3;
	s21 =	simm.s32 $0x100;
	s22 =	simm.s32 $0x980  }
0x6: {  	s5 =	sand.u32 $0x1, s0;
	s0 =	rddreg [dreg:$0x2];
	s7 =	smul.u32 $0x2800, s1  }
0x7: {  	s23 =	simm.s32 $0x0;
	[smem:$0x7FF] =	sst s3;
	s10 =	smul.u32 $0x50000, s1  }
0x8: {  	s13 =	sadd.s32 $0x85400, s4;
	s29 =	sshll.u32 s1, $0x6;
	s6 =	sshll.u32 s5, $0x4  }
0x9: {  	_ =	strace $0x80000047;
	s28 =	ssub.s32 $0x2, s5;
	s12 =	smul.u32 $0x500000, s5  }
0xa: {  	s5 =	sor.u32 $0x1C02, s29;
	s6 =	sor.u32 s1, s6;
	s7 =	sadd.s32 s7, s4  }
0xb: {  	s9 =	sshrl.u32 s28, $0x1;
	s11 =	sshrl.u32 s10, $0x2;
	s8 =	smul.u32 $0x180, s6  }
0xc: {  	s6 =	smul.u32 $0x50000, s6;
	s9 =	ssub.s32 s28, s9;
	s31 =	sadd.s32 s10, s12  }
0xd: {  	s14 =	sadd.s32 s11, s2;
	s12 =	sor.u32 $0x8000, s31;
	s15 =	sor.u32 $0xC000, s31  }
0xe: {  	s14 =	sshrl.u32 s14, $0x3;
	s8 =	sadd.s32 s8, s4;
	s4 =	sadd.s32 $0xD400, s7  }
0xf: {  	s30 =	sshrl.u32 s6, $0x3;
	s12 =	sshrl.u32 s12, $0x3;
	s15 =	sshrl.u32 s15, $0x3  }
0x10: {  	s6 =	sadd.s32 $0xA400, s8;
	s7 =	sadd.s32 s13, s30;
	s8 =	smax.u32 s9, $0x1  }
0x11: {  	s12 =	sadd.s32 s12, s13;
	s13 =	sadd.s32 s15, s13;
	s15 =	simm.s32 $0x1  }
0x12: {  	s9 =	sadd.s32 $0x800, s7;
	s10 =	sadd.s32 $0x9000, s7;
	s11 =	sadd.s32 $0x9800, s7  }
.LBB2_1:
0x13: {  	[spmem:s14], [sflag:s5] =	dma.local [hbm:s4], $0x2800  }
0x14: {  	[tilespmem:s3], [sflag:$0x1] =	stream.linear.gather [hbm4b:s6+s3], $0xA00, $0x38;
	[tilespmem:$0x1CC00] =	vst v63  }
0x15: {  	_ =	swait.ge [sflag:s15], $0xA00  }
0x16: {  	[sflag:s15] =	ssyncset.done $0x0  }
0x17: {  	[sflag:s15] =	ssyncadd.s32 $0xFFFFF600  }
0x18: {  	_ =	swait.ge [sflag:s16], $0x2800  }
0x19: {  	[sflag:s16] =	ssyncset.done $0x0  }
0x1a: {  	[sflag:s16] =	ssyncadd.s32 $0xFFFFD800  }
0x1b: {  	[bflag:$0x0] =	sbarrier.arrive $0xFFFF  }
0x1c: {  	[tilespmem:s18], [sflag:$0x1] =	stream.indirect.gather [spmem:s2], $0x80, s3, s17, $0xb8;
	[tilespmem:$0x1CC00] =	vst v63  }
0x1d: {  	_ = 	snop  }
0x1e: {  	[tilespmem:s19], [sflag:$0x1] =	stream.indirect.gather [spmem:s2], $0x80, s17, s17, $0xb8;
	[tilespmem:$0x1CC00] =	vst v63  }
0x1f: {  	_ =	swait.ge [sflag:s15], $0x4000  }
0x20: {  	[sflag:s15] =	ssyncset.done $0x0  }
0x21: {  	[sflag:s15] =	ssyncadd.s32 $0xFFFFC000  }
0x22: {  	[hbm4b:s7+s3] =	stream.linear.scatter [tilespmem:s18], [sflag:$0x3], $0x4000, $0x38;
	[tilespmem:$0x1CC00] =	vst v63  }
0x23: {  	_ =	swait.ge [sflag:s20], $0x4000  }
0x24: {  	[sflag:s20] =	ssyncset.done $0x0  }
0x25: {  	[sflag:s20] =	ssyncadd.s32 $0xFFFFC000  }
0x26: {  	[tilespmem:s18], [sflag:$0x1] =	stream.indirect.gather [spmem:s2], $0x80, s21, s17, $0xb8;
	[tilespmem:$0x1CC00] =	vst v63  }
0x27: {  	_ =	swait.ge [sflag:s15], $0x4000  }
0x28: {  	[sflag:s15] =	ssyncset.done $0x0  }
0x29: {  	[sflag:s15] =	ssyncadd.s32 $0xFFFFC000  }
0x2a: {  	[hbm4b:s9+s3] =	stream.linear.scatter [tilespmem:s19], [sflag:$0x3], $0x4000, $0x38;
	[tilespmem:$0x1CC00] =	vst v63  }
0x2b: {  	_ =	swait.ge [sflag:s20], $0x4000  }
0x2c: {  	[sflag:s20] =	ssyncset.done $0x0  }
0x2d: {  	s24 =	simm.s32 $0x180;
	[sflag:s20] =	ssyncadd.s32 $0xFFFFC000  }
0x2e: {  	[tilespmem:s19], [sflag:$0x1] =	stream.indirect.gather [spmem:s2], $0x80, s24, s17, $0xb8;
	[tilespmem:$0x1CC00] =	vst v63  }
0x2f: {  	_ =	swait.ge [sflag:s15], $0x4000  }
0x30: {  	[sflag:s15] =	ssyncset.done $0x0  }
0x31: {  	s30 =	sadd.s32 $0x0, s12;
	[sflag:s15] =	ssyncadd.s32 $0xFFFFC000  }
0x32: {  	[hbm4b:s30+s3] =	stream.linear.scatter [tilespmem:s18], [sflag:$0x3], $0x4000, $0x38;
	[tilespmem:$0x1CC00] =	vst v63  }
0x33: {  	_ =	swait.ge [sflag:s20], $0x4000  }
0x34: {  	[sflag:s20] =	ssyncset.done $0x0  }
0x35: {  	s31 =	simm.s32 $0x200;
	[sflag:s20] =	ssyncadd.s32 $0xFFFFC000  }
0x36: {  	[tilespmem:s18], [sflag:$0x1] =	stream.indirect.gather [spmem:s2], $0x80, s31, s17, $0xb8;
	[tilespmem:$0x1CC00] =	vst v63  }
0x37: {  	_ =	swait.ge [sflag:s15], $0x4000  }
0x38: {  	s26 =	sadd.s32 $0x0, s13;
	[sflag:s15] =	ssyncset.done $0x0  }
0x39: {  	s25 =	simm.s32 $0x300;
	s24 =	simm.s32 $0x1000;
	[sflag:s15] =	ssyncadd.s32 $0xFFFFC000  }
.LBB2_2:
0x3a: {  	[hbm4b:s26+s3] =	stream.linear.scatter [tilespmem:s19], [sflag:$0x3], $0x4000, $0x38;
	[tilespmem:$0x1CC00] =	vst v63  }
0x3b: {  	s26 =	smov.u32 s24  }
0x3c: {  	p0 =	sne.s32 s24, $0x7000;
	s24 =	sadd.s32 $0x1000, s24;
	_ =	swait.ge [sflag:s20], $0x4000  }
0x3d: {  	[sflag:s20] =	ssyncset.done $0x0  }
0x3e: {  	s28 =	sadd.s32 $0xFFFFFF80, s25;
	[sflag:s20] =	ssyncadd.s32 $0xFFFFC000  }
0x3f: {  	[tilespmem:s19], [sflag:$0x1] =	stream.indirect.gather [spmem:s2], $0x80, s28, s17, $0xb8;
	[tilespmem:$0x1CC00] =	vst v63  }
0x40: {  	_ =	swait.ge [sflag:s15], $0x4000  }
0x41: {  	[sflag:s15] =	ssyncset.done $0x0  }
0x42: {  	s28 =	sadd.s32 s26, s12;
	[sflag:s15] =	ssyncadd.s32 $0xFFFFC000  }
0x43: {  	[hbm4b:s28+s3] =	stream.linear.scatter [tilespmem:s18], [sflag:$0x3], $0x4000, $0x38;
	[tilespmem:$0x1CC00] =	vst v63  }
0x44: {  	_ =	swait.ge [sflag:s20], $0x4000  }
0x45: {  	[sflag:s20] =	ssyncset.done $0x0  }
.Ltmp0:
0x46: {  	[sflag:s20] =	ssyncadd.s32 $0xFFFFC000;
	(pc) =	sbr.rel @p0 .LBB2_2-.Ltmp0, $4  }
0x47: {  	[tilespmem:s18], [sflag:$0x1] =	stream.indirect.gather [spmem:s2], $0x80, s25, s17, $0xb8;
	[tilespmem:$0x1CC00] =	vst v63  }
0x48: {  	_ =	swait.ge [sflag:s15], $0x4000  }
0x49: {  	[sflag:s15] =	ssyncset.done $0x0  }
0x4a: {  	s26 =	sadd.s32 s26, s13;
	s25 =	sadd.s32 $0x100, s25;
	[sflag:s15] =	ssyncadd.s32 $0xFFFFC000  }
0x4b: {  	[hbm4b:s26+s3] =	stream.linear.scatter [tilespmem:s19], [sflag:$0x3], $0x4000, $0x38;
	[tilespmem:$0x1CC00] =	vst v63  }
0x4c: {  	_ =	swait.ge [sflag:s20], $0x4000  }
0x4d: {  	[sflag:s20] =	ssyncset.done $0x0  }
0x4e: {  	[sflag:s20] =	ssyncadd.s32 $0xFFFFC000  }
0x4f: {  	[tilespmem:s19], [sflag:$0x1] =	stream.indirect.gather [spmem:s2], $0x80, s22, s17, $0xb8;
	[tilespmem:$0x1CC00] =	vst v63  }
0x50: {  	_ =	swait.ge [sflag:s15], $0x4000  }
0x51: {  	[sflag:s15] =	ssyncset.done $0x0  }
0x52: {  	[sflag:s15] =	ssyncadd.s32 $0xFFFFC000  }
0x53: {  	[hbm4b:s10+s3] =	stream.linear.scatter [tilespmem:s18], [sflag:$0x3], $0x4000, $0x38;
	[tilespmem:$0x1CC00] =	vst v63  }
0x54: {  	_ =	swait.ge [sflag:s20], $0x4000  }
0x55: {  	[sflag:s20] =	ssyncset.done $0x0  }
0x56: {  	[sflag:s20] =	ssyncadd.s32 $0xFFFFC000  }
0x57: {  	s23 =	sadd.s32 $0x1, s23;
	_ =	swait.ge [sflag:s15], $0x4000  }
0x58: {  	p0 =	sne.s32 s23, s8;
	[sflag:s15] =	ssyncset.done $0x0  }
.Ltmp1:
0x59: {  	[sflag:s15] =	ssyncadd.s32 $0xFFFFC000;
	(pc) =	sbr.rel @p0 .LBB2_1-.Ltmp1, $4  }
0x5a: {  	[hbm4b:s11+s3] =	stream.linear.scatter [tilespmem:s19], [sflag:$0x3], $0x4000, $0x38;
	[tilespmem:$0x1CC00] =	vst v63  }
0x5b: {  	_ =	swait.ge [sflag:s20], $0x4000  }
0x5c: {  	[sflag:s20] =	ssyncset.done $0x0  }
0x5d: {  	[sflag:s20] =	ssyncadd.s32 $0xFFFFC000  }
0x5e: {  	_ =	sfence.sel $0x180000  }
0x5f: {  	[bflag:$0x0] =	sbarrier.arrive $0xFFFF  }
0x60: {  	p0 =	sne.s32 s1, $0x0;
	_ =	strace $0x90000047  }
0x61: {  	s0 =	sadd.s32 @!p0 $0x100000, s0;
	[bflag:$0x2] =	sbarrier.arrive $0xFFFF  }
0x62: {  	[sflag:s0] =	ssyncadd.tile.s32 @!p0 $0x1;
	_ =	shalt  }
.Lfunc_end2:
_tile_overlayer_lowered:
.L_overlay_start_2:
0x63: {  	(tag) =	ssettag $0x2  }
0x64: {  	s0 =	rddreg [dreg:$0x0];
	s2 =	stileid.u32  }
0x65: {  	s1 =	rddreg [dreg:$0x1];
	p0 =	sne.s32 s2, $0x0  }
0x66: {  	s3 =	rddreg [dreg:$0x2];
	[bflag:$0x3] =	sbarrier.arrive $0xFFFF;
	s2 =	simm.s32 @!p0 $0x1C04  }
0x67: {  	[timem:s3], [sflag:s2] =	dma.local @!p0 [hbm:s0], s1  }
0x68: {  	s0 =	simm.s32 @!p0 $0x4  }
0x69: {  	_ =	swait.ge @!p0 [sflag:s0], s1  }
0x6a: {  	s1 =	ssub.s32 @!p0 $0x0, s1;
	[sflag:s0] =	ssyncset.done @!p0 $0x0  }
0x6b: {  	[sflag:s0] =	ssyncadd.s32 @!p0 s1  }
0x6c: {  	[bflag:$0x3] =	sbarrier.arrive $0xFFFF  }
0x6d: {  	_ =	shalt  }

// kernel: kernel.29.cloned.1.call-start
scs
__scs_entry_jumppad:
0x0: {  	(pc) =	sbr.rel $0x88, $3  }
0x1: {  	(tag) =	ssettag $0x0;
	lr =	simm.s32 $0x1  }
0x2: {  	[smem:$0x3F82] =	sst lr;
	_ =	strace $0xD0000000  }
0x3: {  	_ = 	snop  }
0x4: {  	_ = 	snop  }
0x5: {  	_ = 	snop  }
0x6: {  	_ = 	snop  }
0x7: {  	_ = 	snop  }
__scs_overlays_trampoline_lowered:
0x8: {  	[smem:$0x3F91] =	sst s0  }
0x9: {  	[smem:$0x3F92] =	sst s1  }
0xa: {  	[smem:$0x3F93] =	sst s2  }
0xb: {  	[smem:$0x3F94] =	sst s3  }
0xc: {  	[smem:$0x3F95] =	sst s4  }
0xd: {  	[smem:$0x3F96] =	sst s5  }
0xe: {  	[smem:$0x3F97] =	sst s6  }
0xf: {  	[smem:$0x3F98] =	sst s7  }
0x10: {  	[smem:$0x3F99] =	sst s8  }
0x11: {  	[smem:$0x3F9A] =	sst s9;
	s0 =	simm.s32 @!p0 $0x0  }
0x12: {  	s1 =	sld [smem:$0x3F80];
	s0 =	simm.s32 @p0 $0x1  }
0x13: {  	[smem:$0x3F9B] =	sst s0;
	s0 =	simm.s32 @!p1 $0x0  }
0x14: {  	s2 =	sld [smem:$0x3F7F];
	s0 =	simm.s32 @p1 $0x1  }
0x15: {  	[smem:$0x3F9C] =	sst s0;
	s0 =	simm.s32 @!p2 $0x0  }
0x16: {  	s3 =	sld [smem:$0x3FDB];
	s0 =	simm.s32 @p2 $0x1  }
0x17: {  	s4 =	simm.s32 $0x1BF5;
	[smem:$0x3F9E] =	sst s0  }
0x18: {  	s0 =	sld [smem:$0x3F81];
	_ =	swait.ge [sflag:s4], $0x0  }
0x19: {  	s7 =	sld [smem:$0x3F82]  }
0x1a: {  	s8 =	sadd.s32 $0xFFFFE003, lr  }
0x1b: {  	s9 =	sadd.s32 $0xFFFFFEF7, lr;
	s5 =	simm.s32 $0xFFFFFFFF;
	p2 =	slt.u32 s8, $0xFFFFF086  }
0x1c: {  	p1 =	slt.u32 s9, $0xF7A;
	s5 =	simm.s32 @!p2 $0x0  }
0x1d: {  	s5 =	simm.s32 @p1 $0x1;
	p0 =	seq.s32 s7, s2  }
0x1e: {  	s7 =	smul.u32 @!p0 $0xF7A, s2;
	p2 =	seq.s32 @!p0 s5, $0x0  }
0x1f: {  	s9 =	smul.u32 $0xF7A, s1;
	s8 =	simm.s32 @!p0 $0x1BF5;
	p2 =	por !p2, p0  }
0x20: {  	[sflag:s8] =	ssyncset.s32 @!p0 $0xFFFFF086;
	s6 =	sadd.s32 @!p0 s3, s7;
	s7 =	simm.s32 @!p0 $0x108  }
0x21: {  	s3 =	sadd.s32 s3, s9;
	s6 =	sadd.s32 @!p0 $0x88, s6;
	s7 =	simm.s32 @p2 $0x1082  }
0x22: {  	[simem:s7], [sflag:s8] =	dma.local @!p0 [hbm:s6], $0xF7A  }
0x23: {  	s9 =	sor.u32 $0xD0000000, s2;
	s6 =	simm.s32 $0x108;
	_ =	swait.ge @!p0 [sflag:s8], $0x0  }
0x24: {  	s3 =	sadd.s32 $0x88, s3;
	s6 =	simm.s32 @!p1 $0x1082;
	[sflag:s4] =	ssyncset.s32 $0xFFFFF086  }
0x25: {  	[simem:s6], [sflag:s4] =	dma.local [hbm:s3], $0xF7A  }
0x26: {  	[smem:$0x3F82] =	sst s1;
	(tag) =	ssettag s2;
	_ =	strace s9  }
0x27: {  	s1 =	sld [smem:$0x3F92]  }
0x28: {  	s2 =	sld [smem:$0x3F93]  }
0x29: {  	s4 =	sld [smem:$0x3F95]  }
0x2a: {  	p0 =	seq.s32 s5, $0x0;
	s5 =	sld [smem:$0x3F96]  }
0x2b: {  	s6 =	sld [smem:$0x3F97]  }
0x2c: {  	s7 =	sld [smem:$0x3F98]  }
0x2d: {  	s3 =	simm.s32 $0x108;
	s8 =	sld [smem:$0x3F99]  }
0x2e: {  	s3 =	simm.s32 @!p0 $0x1082;
	s9 =	sld [smem:$0x3F9A]  }
0x2f: {  	lr =	sadd.s32 s0, s3;
	s0 =	sld [smem:$0x3F91]  }
0x30: {  	s3 =	sld [smem:$0x3F94]  }
0x31: {  	[smem:$0x3F9D] =	sst s10  }
0x32: {  	s10 =	sld [smem:$0x3F9B];
	_ =	sdelay $0x3  }
0x33: {  	p0 =	seq.s32 s10, $0x1;
	s10 =	sld [smem:$0x3F9D];
	_ =	sdelay $0x3  }
0x34: {  	[smem:$0x3F9D] =	sst s10  }
0x35: {  	s10 =	sld [smem:$0x3F9C];
	_ =	sdelay $0x3  }
0x36: {  	p1 =	seq.s32 s10, $0x1;
	s10 =	sld [smem:$0x3F9D];
	_ =	sdelay $0x3  }
0x37: {  	[smem:$0x3F9D] =	sst s10  }
0x38: {  	s10 =	sld [smem:$0x3F9E]  }
0x39: {  	_ = 	snop;
	(pc) =	sbr.ind lr, $3  }
0x3a: {  	_ = 	snop  }
0x3b: {  	_ = 	snop  }
0x3c: {  	p2 =	seq.s32 s10, $0x1;
	s10 =	sld [smem:$0x3F9D]  }
0x3d: {  	_ =	shalt  }
0x3e: {  	_ =	shalt  }
0x3f: {  	_ =	shalt  }
0x40: {  	_ =	shalt  }
0x41: {  	_ =	shalt  }
0x42: {  	_ =	shalt  }
0x43: {  	_ =	shalt  }
0x44: {  	_ =	shalt  }
0x45: {  	_ =	shalt  }
0x46: {  	_ =	shalt  }
0x47: {  	_ =	shalt  }
0x48: {  	_ =	shalt  }
0x49: {  	_ =	shalt  }
0x4a: {  	_ =	shalt  }
0x4b: {  	_ =	shalt  }
0x4c: {  	_ =	shalt  }
0x4d: {  	_ =	shalt  }
0x4e: {  	_ =	shalt  }
0x4f: {  	_ =	shalt  }
0x50: {  	_ =	shalt  }
0x51: {  	_ =	shalt  }
0x52: {  	_ =	shalt  }
0x53: {  	_ =	shalt  }
0x54: {  	_ =	shalt  }
0x55: {  	_ =	shalt  }
0x56: {  	_ =	shalt  }
0x57: {  	_ =	shalt  }
0x58: {  	_ =	shalt  }
0x59: {  	_ =	shalt  }
0x5a: {  	_ =	shalt  }
0x5b: {  	_ =	shalt  }
0x5c: {  	_ =	shalt  }
0x5d: {  	_ =	shalt  }
0x5e: {  	_ =	shalt  }
0x5f: {  	_ =	shalt  }
0x60: {  	_ =	shalt  }
0x61: {  	_ =	shalt  }
0x62: {  	_ =	shalt  }
0x63: {  	_ =	shalt  }
0x64: {  	_ =	shalt  }
0x65: {  	_ =	shalt  }
0x66: {  	_ =	shalt  }
0x67: {  	_ =	shalt  }
0x68: {  	_ =	shalt  }
0x69: {  	_ =	shalt  }
0x6a: {  	_ =	shalt  }
0x6b: {  	_ =	shalt  }
0x6c: {  	_ =	shalt  }
0x6d: {  	_ =	shalt  }
0x6e: {  	_ =	shalt  }
0x6f: {  	_ =	shalt  }
0x70: {  	_ =	shalt  }
0x71: {  	_ =	shalt  }
0x72: {  	_ =	shalt  }
0x73: {  	_ =	shalt  }
0x74: {  	_ =	shalt  }
0x75: {  	_ =	shalt  }
0x76: {  	_ =	shalt  }
0x77: {  	_ =	shalt  }
0x78: {  	_ =	shalt  }
0x79: {  	_ =	shalt  }
0x7a: {  	_ =	shalt  }
0x7b: {  	_ =	shalt  }
0x7c: {  	_ =	shalt  }
0x7d: {  	_ =	shalt  }
0x7e: {  	_ =	shalt  }
0x7f: {  	_ =	shalt  }
0x80: {  	_ =	shalt  }
0x81: {  	_ =	shalt  }
0x82: {  	_ =	shalt  }
0x83: {  	_ =	shalt  }
0x84: {  	_ =	shalt  }
0x85: {  	_ =	shalt  }
0x86: {  	_ =	shalt  }
0x87: {  	_ =	shalt  }
.Lfunc_end0:
.L_simem_size_0:
called_computation.2_lowered:
.L_overlay_start_0:
0x88: {  	s2 =	sld [smem:$0x3FD9]  }
0x89: {  	s3 =	sld [smem:$0x3FFE];
	_ =	sdelay $0x1  }
0x8a: {  	s1 =	srdreg.scid  }
0x8b: {  	s0 =	sand.u32 $0x1, s1  }
0x8c: {  	s17 =	sshll.u32 s0, $0xA;
	s2 =	sadd.s32 s3, s2  }
0x8d: {  	s2 =	sadd.s32 s2, s17  }
0x8e: {  	[smem:$0x3FA9] =	sst s2  }
0x8f: {  	_ = 	snop  }
0x90: {  	(tm) =	ssettm $0x1  }
0x91: {  	s18 =	sld [smem:$0x3FFB];
	_ =	sdelay $0x3  }
0x92: {  	_ =	strace s18  }
0x93: {  	s2 =	sld [smem:$0x3FFC];
	_ =	sdelay $0x3  }
0x94: {  	_ =	strace s2  }
0x95: {  	s2 =	sld [smem:$0x3FFD];
	_ =	sdelay $0x3  }
0x96: {  	_ =	strace s2  }
0x97: {  	_ =	strace $0x8FFFFFFF  }
0x98: {  	s19 =	sld [smem:$0x3FDB];
	_ =	sdelay $0x1  }
0x99: {  	s20 =	simm.s32 $_scs_section_size  }
0x9a: {  	s4 =	simm.s32 $_size__tile_overlayer_lowered;
	s5 =	simm.s32 $_tile_overlayer_lowered  }
0x9b: {  	s6 =	simm.s32 $0x1BFF;
	s21 =	sshll.u32 s5, $0x1;
	s3 =	sadd.s32 s20, s19  }
0x9c: {  	s22 =	simm.s32 $0x0;
	s4 =	sshll.u32 s4, $0x1;
	s5 =	sadd.s32 s21, s3  }
0x9d: {  	[timem:s22], [sflag:s6] =	dma.local [hbm:s5], s4  }
0x9e: {  	_ =	swait.ge [sflag:s6], s4  }
0x9f: {  	s4 =	ssub.s32 $0x0, s4;
	[sflag:s6] =	ssyncset.done $0x0  }
0xa0: {  	[sflag:s6] =	ssyncadd.s32 s4;
	_ =	sdelay $0x1  }
0xa1: {  	s23 =	simm.s32 $0x1B8B  }
0xa2: {  	_ =	swait.ge [sflag:s23], $0x1  }
0xa3: {  	[sflag:s23] =	ssyncset.done $0x0  }
0xa4: {  	[sflag:s23] =	ssyncadd.s32 $0xFFFFFFFF  }
0xa5: {  	s4 =	sld [smem:$0x0]  }
0xa6: {  	s5 =	sand.u32 $0xFFFFFFFE, s1  }
0xa7: {  	p0 =	sne.s32 s1, s5  }
0xa8: {  	s5 =	sshll.u32 @p0 s5, $0xE  }
0xa9: {  	s5 =	sadd.s32 @p0 $0x11B8D, s5;
	s6 =	sshll.u32 @p0 s4, $0x11  }
0xaa: {  	s5 =	sor.u32 @p0 s6, s5  }
0xab: {  	[sflag:s5] =	ssyncadd.remote.s32 @p0 $0x1;
	_ =	sdelay $0x1  }
0xac: {  	s5 =	simm.s32 @p0 $0x1B8D  }
0xad: {  	_ =	swait.eq @p0 [sflag:s5], $0x1  }
0xae: {  	[sflag:s5] =	ssyncadd.s32 @p0 $0xFFFFFFFF  }
0xaf: {  	s6 =	sshll.u32 @!p0 s1, $0xE  }
0xb0: {  	s6 =	sor.u32 @!p0 $0x4000, s6;
	s5 =	simm.s32 @!p0 $0x1B8D  }
0xb1: {  	s4 =	sshll.u32 @!p0 s4, $0x11;
	s6 =	sadd.s32 @!p0 $0x11B8D, s6;
	_ =	swait.eq @!p0 [sflag:s5], $0x1  }
0xb2: {  	s4 =	sor.u32 @!p0 s4, s6;
	[sflag:s5] =	ssyncadd.s32 @!p0 $0xFFFFFFFF  }
0xb3: {  	s25 =	simm.s32 $0x1B8E;
	s24 =	sld [smem:$0x3FFE];
	[sflag:s4] =	ssyncadd.remote.s32 @!p0 $0x1  }
0xb4: {  	s26 =	simm.s32 $execute0_lowered;
	[smem:$0x3FD2] =	sst s25  }
0xb5: {  	s5 =	sshll.u32 s26, $0x1;
	_ =	strace $0x8000004F;
	[dreg:$0x1] =	wrdreg $0xFFFFFFFF  }
0xb6: {  	s28 =	simm.s32 $_size_execute0_lowered;
	s3 =	sadd.s32 s3, s5;
	[dreg:$0x0] =	wrdreg $0x0  }
0xb7: {  	s5 =	sshll.u32 s28, $0x1;
	[dreg:$0x2] =	wrdreg s3  }
0xb8: {  	[dreg:$0x3] =	wrdreg s5  }
0xb9: {  	[dreg:$0x4] =	wrdreg $0xC0  }
0xba: {  	_ =	task [dreg:s22], $0x5FFFF  }
0xbb: {  	[dreg:$0x1] =	wrdreg $0xFFFFFFFF  }
0xbc: {  	[dreg:$0x0] =	wrdreg $0x60  }
0xbd: {  	[dreg:$0x2] =	wrdreg s24  }
0xbe: {  	[dreg:$0x3] =	wrdreg $0x8C000  }
0xbf: {  	[dreg:$0x4] =	wrdreg $0x9  }
0xc0: {  	_ =	task.clear_ibuf [dreg:s22], $0x5FFFF;
	_ =	strace $0x9000004F  }
0xc1: {  	s29 =	simm.s32 $0x9;
	_ =	strace $0x80000051  }
0xc2: {  	_ =	swait.ge [sflag:s29], $0x1  }
0xc3: {  	[sflag:s29] =	ssyncadd.s32 $0xFFFFFFFF  }
0xc4: {  	_ =	strace $0x90000051  }
0xc5: {  	_ =	sfence  }
0xc6: {  	s30 =	sld [smem:$0x0];
	_ =	sdelay $0x2  }
0xc7: {  	s31 =	sshll.u32 s1, $0xD;
	s1 =	sshrl.u32 s1, $0x2  }
0xc8: {  	s4 =	sand.u32 $0x4000, s31;
	s1 =	sadd.s32 s1, s30  }
0xc9: {  	s0 =	sor.u32 s4, s0;
	s1 =	sshll.u32 s1, $0x11  }
0xca: {  	s0 =	sor.u32 s1, s0  }
0xcb: {  	s0 =	sadd.s32 $0x8F2B, s0  }
0xcc: {  	[sflag:s0] =	ssyncadd.remote.s32 $0x1  }
0xcd: {  	_ =	sfence.sel $0xFFFF  }
0xce: {  	[dreg:$0x0] =	wrdreg $0xFFFFFFFF;
	(pc) =	sbr.abs _section_cstart, $3  }
0xcf: {  	[dreg:$0x1] =	wrdreg $0xFFFFFFFF  }
0xd0: {  	_ =	task.clear_ibuf [dreg:s22], $0x2FFFF;
	_ =	strace $0x9FFFFFFF  }
0xd1: {  	(tm) =	ssettm $0x7FFFFFFF  }
tec
execute0_lowered:
.L_overlay_start_1:
0x0: {  	(tag) =	ssettag $0x1  }
0x1: {  	s4 =	rddreg [dreg:$0x0]  }
0x2: {  	s0 =	srdreg.scid;
	s2 =	rddreg [dreg:$0x1]  }
0x3: {  	s1 =	stileid.u32;
	s3 =	simm.s32 $0x0;
	s16 =	simm.s32 $0x2  }
0x4: {  	s17 =	simm.s32 $0x80;
	s18 =	simm.s32 $0xC00;
	s19 =	simm.s32 $0x4C00  }
0x5: {  	s20 =	simm.s32 $0x3;
	s21 =	simm.s32 $0x100;
	s22 =	simm.s32 $0x980  }
0x6: {  	s5 =	sand.u32 $0x1, s0;
	s0 =	rddreg [dreg:$0x2];
	s7 =	smul.u32 $0x2800, s1  }
0x7: {  	s23 =	simm.s32 $0x0;
	[smem:$0x7FF] =	sst s3;
	s10 =	smul.u32 $0x50000, s1  }
0x8: {  	s13 =	sadd.s32 $0x44E400, s4;
	s29 =	sshll.u32 s1, $0x6;
	s6 =	sshll.u32 s5, $0x4  }
0x9: {  	_ =	strace $0x80000050;
	s28 =	ssub.s32 $0x2, s5;
	s12 =	smul.u32 $0x500000, s5  }
0xa: {  	s5 =	sor.u32 $0x1C02, s29;
	s6 =	sor.u32 s1, s6;
	s7 =	sadd.s32 s7, s4  }
0xb: {  	s9 =	sshrl.u32 s28, $0x1;
	s11 =	sshrl.u32 s10, $0x2;
	s8 =	smul.u32 $0x180, s6  }
0xc: {  	s6 =	smul.u32 $0x50000, s6;
	s9 =	ssub.s32 s28, s9;
	s31 =	sadd.s32 s10, s12  }
0xd: {  	s14 =	sadd.s32 s11, s2;
	s12 =	sor.u32 $0x8000, s31;
	s15 =	sor.u32 $0xC000, s31  }
0xe: {  	s14 =	sshrl.u32 s14, $0x3;
	s8 =	sadd.s32 s8, s4;
	s4 =	sadd.s32 $0x35400, s7  }
0xf: {  	s30 =	sshrl.u32 s6, $0x3;
	s12 =	sshrl.u32 s12, $0x3;
	s15 =	sshrl.u32 s15, $0x3  }
0x10: {  	s6 =	sadd.s32 $0x44B400, s8;
	s7 =	sadd.s32 s13, s30;
	s8 =	smax.u32 s9, $0x1  }
0x11: {  	s12 =	sadd.s32 s12, s13;
	s13 =	sadd.s32 s15, s13;
	s15 =	simm.s32 $0x1  }
0x12: {  	s9 =	sadd.s32 $0x800, s7;
	s10 =	sadd.s32 $0x9000, s7;
	s11 =	sadd.s32 $0x9800, s7  }
.LBB2_1:
0x13: {  	[spmem:s14], [sflag:s5] =	dma.local [hbm:s4], $0x2800  }
0x14: {  	[tilespmem:s3], [sflag:$0x1] =	stream.linear.gather [hbm4b:s6+s3], $0xA00, $0x38;
	[tilespmem:$0x1CC00] =	vst v63  }
0x15: {  	_ =	swait.ge [sflag:s15], $0xA00  }
0x16: {  	[sflag:s15] =	ssyncset.done $0x0  }
0x17: {  	[sflag:s15] =	ssyncadd.s32 $0xFFFFF600  }
0x18: {  	_ =	swait.ge [sflag:s16], $0x2800  }
0x19: {  	[sflag:s16] =	ssyncset.done $0x0  }
0x1a: {  	[sflag:s16] =	ssyncadd.s32 $0xFFFFD800  }
0x1b: {  	[bflag:$0x0] =	sbarrier.arrive $0xFFFF  }
0x1c: {  	[tilespmem:s18], [sflag:$0x1] =	stream.indirect.gather [spmem:s2], $0x80, s3, s17, $0xb8;
	[tilespmem:$0x1CC00] =	vst v63  }
0x1d: {  	_ = 	snop  }
0x1e: {  	[tilespmem:s19], [sflag:$0x1] =	stream.indirect.gather [spmem:s2], $0x80, s17, s17, $0xb8;
	[tilespmem:$0x1CC00] =	vst v63  }
0x1f: {  	_ =	swait.ge [sflag:s15], $0x4000  }
0x20: {  	[sflag:s15] =	ssyncset.done $0x0  }
0x21: {  	[sflag:s15] =	ssyncadd.s32 $0xFFFFC000  }
0x22: {  	[hbm4b:s7+s3] =	stream.linear.scatter [tilespmem:s18], [sflag:$0x3], $0x4000, $0x38;
	[tilespmem:$0x1CC00] =	vst v63  }
0x23: {  	_ =	swait.ge [sflag:s20], $0x4000  }
0x24: {  	[sflag:s20] =	ssyncset.done $0x0  }
0x25: {  	[sflag:s20] =	ssyncadd.s32 $0xFFFFC000  }
0x26: {  	[tilespmem:s18], [sflag:$0x1] =	stream.indirect.gather [spmem:s2], $0x80, s21, s17, $0xb8;
	[tilespmem:$0x1CC00] =	vst v63  }
0x27: {  	_ =	swait.ge [sflag:s15], $0x4000  }
0x28: {  	[sflag:s15] =	ssyncset.done $0x0  }
0x29: {  	[sflag:s15] =	ssyncadd.s32 $0xFFFFC000  }
0x2a: {  	[hbm4b:s9+s3] =	stream.linear.scatter [tilespmem:s19], [sflag:$0x3], $0x4000, $0x38;
	[tilespmem:$0x1CC00] =	vst v63  }
0x2b: {  	_ =	swait.ge [sflag:s20], $0x4000  }
0x2c: {  	[sflag:s20] =	ssyncset.done $0x0  }
0x2d: {  	s24 =	simm.s32 $0x180;
	[sflag:s20] =	ssyncadd.s32 $0xFFFFC000  }
0x2e: {  	[tilespmem:s19], [sflag:$0x1] =	stream.indirect.gather [spmem:s2], $0x80, s24, s17, $0xb8;
	[tilespmem:$0x1CC00] =	vst v63  }
0x2f: {  	_ =	swait.ge [sflag:s15], $0x4000  }
0x30: {  	[sflag:s15] =	ssyncset.done $0x0  }
0x31: {  	s30 =	sadd.s32 $0x0, s12;
	[sflag:s15] =	ssyncadd.s32 $0xFFFFC000  }
0x32: {  	[hbm4b:s30+s3] =	stream.linear.scatter [tilespmem:s18], [sflag:$0x3], $0x4000, $0x38;
	[tilespmem:$0x1CC00] =	vst v63  }
0x33: {  	_ =	swait.ge [sflag:s20], $0x4000  }
0x34: {  	[sflag:s20] =	ssyncset.done $0x0  }
0x35: {  	s31 =	simm.s32 $0x200;
	[sflag:s20] =	ssyncadd.s32 $0xFFFFC000  }
0x36: {  	[tilespmem:s18], [sflag:$0x1] =	stream.indirect.gather [spmem:s2], $0x80, s31, s17, $0xb8;
	[tilespmem:$0x1CC00] =	vst v63  }
0x37: {  	_ =	swait.ge [sflag:s15], $0x4000  }
0x38: {  	s26 =	sadd.s32 $0x0, s13;
	[sflag:s15] =	ssyncset.done $0x0  }
0x39: {  	s25 =	simm.s32 $0x300;
	s24 =	simm.s32 $0x1000;
	[sflag:s15] =	ssyncadd.s32 $0xFFFFC000  }
.LBB2_2:
0x3a: {  	[hbm4b:s26+s3] =	stream.linear.scatter [tilespmem:s19], [sflag:$0x3], $0x4000, $0x38;
	[tilespmem:$0x1CC00] =	vst v63  }
0x3b: {  	s26 =	smov.u32 s24  }
0x3c: {  	p0 =	sne.s32 s24, $0x7000;
	s24 =	sadd.s32 $0x1000, s24;
	_ =	swait.ge [sflag:s20], $0x4000  }
0x3d: {  	[sflag:s20] =	ssyncset.done $0x0  }
0x3e: {  	s28 =	sadd.s32 $0xFFFFFF80, s25;
	[sflag:s20] =	ssyncadd.s32 $0xFFFFC000  }
0x3f: {  	[tilespmem:s19], [sflag:$0x1] =	stream.indirect.gather [spmem:s2], $0x80, s28, s17, $0xb8;
	[tilespmem:$0x1CC00] =	vst v63  }
0x40: {  	_ =	swait.ge [sflag:s15], $0x4000  }
0x41: {  	[sflag:s15] =	ssyncset.done $0x0  }
0x42: {  	s28 =	sadd.s32 s26, s12;
	[sflag:s15] =	ssyncadd.s32 $0xFFFFC000  }
0x43: {  	[hbm4b:s28+s3] =	stream.linear.scatter [tilespmem:s18], [sflag:$0x3], $0x4000, $0x38;
	[tilespmem:$0x1CC00] =	vst v63  }
0x44: {  	_ =	swait.ge [sflag:s20], $0x4000  }
0x45: {  	[sflag:s20] =	ssyncset.done $0x0  }
.Ltmp0:
0x46: {  	[sflag:s20] =	ssyncadd.s32 $0xFFFFC000;
	(pc) =	sbr.rel @p0 .LBB2_2-.Ltmp0, $4  }
0x47: {  	[tilespmem:s18], [sflag:$0x1] =	stream.indirect.gather [spmem:s2], $0x80, s25, s17, $0xb8;
	[tilespmem:$0x1CC00] =	vst v63  }
0x48: {  	_ =	swait.ge [sflag:s15], $0x4000  }
0x49: {  	[sflag:s15] =	ssyncset.done $0x0  }
0x4a: {  	s26 =	sadd.s32 s26, s13;
	s25 =	sadd.s32 $0x100, s25;
	[sflag:s15] =	ssyncadd.s32 $0xFFFFC000  }
0x4b: {  	[hbm4b:s26+s3] =	stream.linear.scatter [tilespmem:s19], [sflag:$0x3], $0x4000, $0x38;
	[tilespmem:$0x1CC00] =	vst v63  }
0x4c: {  	_ =	swait.ge [sflag:s20], $0x4000  }
0x4d: {  	[sflag:s20] =	ssyncset.done $0x0  }
0x4e: {  	[sflag:s20] =	ssyncadd.s32 $0xFFFFC000  }
0x4f: {  	[tilespmem:s19], [sflag:$0x1] =	stream.indirect.gather [spmem:s2], $0x80, s22, s17, $0xb8;
	[tilespmem:$0x1CC00] =	vst v63  }
0x50: {  	_ =	swait.ge [sflag:s15], $0x4000  }
0x51: {  	[sflag:s15] =	ssyncset.done $0x0  }
0x52: {  	[sflag:s15] =	ssyncadd.s32 $0xFFFFC000  }
0x53: {  	[hbm4b:s10+s3] =	stream.linear.scatter [tilespmem:s18], [sflag:$0x3], $0x4000, $0x38;
	[tilespmem:$0x1CC00] =	vst v63  }
0x54: {  	_ =	swait.ge [sflag:s20], $0x4000  }
0x55: {  	[sflag:s20] =	ssyncset.done $0x0  }
0x56: {  	[sflag:s20] =	ssyncadd.s32 $0xFFFFC000  }
0x57: {  	s23 =	sadd.s32 $0x1, s23;
	_ =	swait.ge [sflag:s15], $0x4000  }
0x58: {  	p0 =	sne.s32 s23, s8;
	[sflag:s15] =	ssyncset.done $0x0  }
.Ltmp1:
0x59: {  	[sflag:s15] =	ssyncadd.s32 $0xFFFFC000;
	(pc) =	sbr.rel @p0 .LBB2_1-.Ltmp1, $4  }
0x5a: {  	[hbm4b:s11+s3] =	stream.linear.scatter [tilespmem:s19], [sflag:$0x3], $0x4000, $0x38;
	[tilespmem:$0x1CC00] =	vst v63  }
0x5b: {  	_ =	swait.ge [sflag:s20], $0x4000  }
0x5c: {  	[sflag:s20] =	ssyncset.done $0x0  }
0x5d: {  	[sflag:s20] =	ssyncadd.s32 $0xFFFFC000  }
0x5e: {  	_ =	sfence.sel $0x180000  }
0x5f: {  	[bflag:$0x0] =	sbarrier.arrive $0xFFFF  }
0x60: {  	p0 =	sne.s32 s1, $0x0;
	_ =	strace $0x90000050  }
0x61: {  	s0 =	sadd.s32 @!p0 $0x100000, s0;
	[bflag:$0x2] =	sbarrier.arrive $0xFFFF  }
0x62: {  	[sflag:s0] =	ssyncadd.tile.s32 @!p0 $0x1;
	_ =	shalt  }
.Lfunc_end2:
_tile_overlayer_lowered:
.L_overlay_start_2:
0x63: {  	(tag) =	ssettag $0x2  }
0x64: {  	s0 =	rddreg [dreg:$0x0];
	s2 =	stileid.u32  }
0x65: {  	s1 =	rddreg [dreg:$0x1];
	p0 =	sne.s32 s2, $0x0  }
0x66: {  	s3 =	rddreg [dreg:$0x2];
	[bflag:$0x3] =	sbarrier.arrive $0xFFFF;
	s2 =	simm.s32 @!p0 $0x1C04  }
0x67: {  	[timem:s3], [sflag:s2] =	dma.local @!p0 [hbm:s0], s1  }
0x68: {  	s0 =	simm.s32 @!p0 $0x4  }
0x69: {  	_ =	swait.ge @!p0 [sflag:s0], s1  }
0x6a: {  	s1 =	ssub.s32 @!p0 $0x0, s1;
	[sflag:s0] =	ssyncset.done @!p0 $0x0  }
0x6b: {  	[sflag:s0] =	ssyncadd.s32 @!p0 s1  }
0x6c: {  	[bflag:$0x3] =	sbarrier.arrive $0xFFFF  }
0x6d: {  	_ =	shalt  }

// kernel: kernel.32.cloned.1.call-start
scs
__scs_entry_jumppad:
0x0: {  	(pc) =	sbr.rel $0x88, $3  }
0x1: {  	(tag) =	ssettag $0x0;
	lr =	simm.s32 $0x1  }
0x2: {  	[smem:$0x3F82] =	sst lr;
	_ =	strace $0xD0000000  }
0x3: {  	_ = 	snop  }
0x4: {  	_ = 	snop  }
0x5: {  	_ = 	snop  }
0x6: {  	_ = 	snop  }
0x7: {  	_ = 	snop  }
__scs_overlays_trampoline_lowered:
0x8: {  	[smem:$0x3F91] =	sst s0  }
0x9: {  	[smem:$0x3F92] =	sst s1  }
0xa: {  	[smem:$0x3F93] =	sst s2  }
0xb: {  	[smem:$0x3F94] =	sst s3  }
0xc: {  	[smem:$0x3F95] =	sst s4  }
0xd: {  	[smem:$0x3F96] =	sst s5  }
0xe: {  	[smem:$0x3F97] =	sst s6  }
0xf: {  	[smem:$0x3F98] =	sst s7  }
0x10: {  	[smem:$0x3F99] =	sst s8  }
0x11: {  	[smem:$0x3F9A] =	sst s9;
	s0 =	simm.s32 @!p0 $0x0  }
0x12: {  	s1 =	sld [smem:$0x3F80];
	s0 =	simm.s32 @p0 $0x1  }
0x13: {  	[smem:$0x3F9B] =	sst s0;
	s0 =	simm.s32 @!p1 $0x0  }
0x14: {  	s2 =	sld [smem:$0x3F7F];
	s0 =	simm.s32 @p1 $0x1  }
0x15: {  	[smem:$0x3F9C] =	sst s0;
	s0 =	simm.s32 @!p2 $0x0  }
0x16: {  	s3 =	sld [smem:$0x3FDB];
	s0 =	simm.s32 @p2 $0x1  }
0x17: {  	s4 =	simm.s32 $0x1BF5;
	[smem:$0x3F9E] =	sst s0  }
0x18: {  	s0 =	sld [smem:$0x3F81];
	_ =	swait.ge [sflag:s4], $0x0  }
0x19: {  	s7 =	sld [smem:$0x3F82]  }
0x1a: {  	s8 =	sadd.s32 $0xFFFFE003, lr  }
0x1b: {  	s9 =	sadd.s32 $0xFFFFFEF7, lr;
	s5 =	simm.s32 $0xFFFFFFFF;
	p2 =	slt.u32 s8, $0xFFFFF086  }
0x1c: {  	p1 =	slt.u32 s9, $0xF7A;
	s5 =	simm.s32 @!p2 $0x0  }
0x1d: {  	s5 =	simm.s32 @p1 $0x1;
	p0 =	seq.s32 s7, s2  }
0x1e: {  	s7 =	smul.u32 @!p0 $0xF7A, s2;
	p2 =	seq.s32 @!p0 s5, $0x0  }
0x1f: {  	s9 =	smul.u32 $0xF7A, s1;
	s8 =	simm.s32 @!p0 $0x1BF5;
	p2 =	por !p2, p0  }
0x20: {  	[sflag:s8] =	ssyncset.s32 @!p0 $0xFFFFF086;
	s6 =	sadd.s32 @!p0 s3, s7;
	s7 =	simm.s32 @!p0 $0x108  }
0x21: {  	s3 =	sadd.s32 s3, s9;
	s6 =	sadd.s32 @!p0 $0x88, s6;
	s7 =	simm.s32 @p2 $0x1082  }
0x22: {  	[simem:s7], [sflag:s8] =	dma.local @!p0 [hbm:s6], $0xF7A  }
0x23: {  	s9 =	sor.u32 $0xD0000000, s2;
	s6 =	simm.s32 $0x108;
	_ =	swait.ge @!p0 [sflag:s8], $0x0  }
0x24: {  	s3 =	sadd.s32 $0x88, s3;
	s6 =	simm.s32 @!p1 $0x1082;
	[sflag:s4] =	ssyncset.s32 $0xFFFFF086  }
0x25: {  	[simem:s6], [sflag:s4] =	dma.local [hbm:s3], $0xF7A  }
0x26: {  	[smem:$0x3F82] =	sst s1;
	(tag) =	ssettag s2;
	_ =	strace s9  }
0x27: {  	s1 =	sld [smem:$0x3F92]  }
0x28: {  	s2 =	sld [smem:$0x3F93]  }
0x29: {  	s4 =	sld [smem:$0x3F95]  }
0x2a: {  	p0 =	seq.s32 s5, $0x0;
	s5 =	sld [smem:$0x3F96]  }
0x2b: {  	s6 =	sld [smem:$0x3F97]  }
0x2c: {  	s7 =	sld [smem:$0x3F98]  }
0x2d: {  	s3 =	simm.s32 $0x108;
	s8 =	sld [smem:$0x3F99]  }
0x2e: {  	s3 =	simm.s32 @!p0 $0x1082;
	s9 =	sld [smem:$0x3F9A]  }
0x2f: {  	lr =	sadd.s32 s0, s3;
	s0 =	sld [smem:$0x3F91]  }
0x30: {  	s3 =	sld [smem:$0x3F94]  }
0x31: {  	[smem:$0x3F9D] =	sst s10  }
0x32: {  	s10 =	sld [smem:$0x3F9B];
	_ =	sdelay $0x3  }
0x33: {  	p0 =	seq.s32 s10, $0x1;
	s10 =	sld [smem:$0x3F9D];
	_ =	sdelay $0x3  }
0x34: {  	[smem:$0x3F9D] =	sst s10  }
0x35: {  	s10 =	sld [smem:$0x3F9C];
	_ =	sdelay $0x3  }
0x36: {  	p1 =	seq.s32 s10, $0x1;
	s10 =	sld [smem:$0x3F9D];
	_ =	sdelay $0x3  }
0x37: {  	[smem:$0x3F9D] =	sst s10  }
0x38: {  	s10 =	sld [smem:$0x3F9E]  }
0x39: {  	_ = 	snop;
	(pc) =	sbr.ind lr, $3  }
0x3a: {  	_ = 	snop  }
0x3b: {  	_ = 	snop  }
0x3c: {  	p2 =	seq.s32 s10, $0x1;
	s10 =	sld [smem:$0x3F9D]  }
0x3d: {  	_ =	shalt  }
0x3e: {  	_ =	shalt  }
0x3f: {  	_ =	shalt  }
0x40: {  	_ =	shalt  }
0x41: {  	_ =	shalt  }
0x42: {  	_ =	shalt  }
0x43: {  	_ =	shalt  }
0x44: {  	_ =	shalt  }
0x45: {  	_ =	shalt  }
0x46: {  	_ =	shalt  }
0x47: {  	_ =	shalt  }
0x48: {  	_ =	shalt  }
0x49: {  	_ =	shalt  }
0x4a: {  	_ =	shalt  }
0x4b: {  	_ =	shalt  }
0x4c: {  	_ =	shalt  }
0x4d: {  	_ =	shalt  }
0x4e: {  	_ =	shalt  }
0x4f: {  	_ =	shalt  }
0x50: {  	_ =	shalt  }
0x51: {  	_ =	shalt  }
0x52: {  	_ =	shalt  }
0x53: {  	_ =	shalt  }
0x54: {  	_ =	shalt  }
0x55: {  	_ =	shalt  }
0x56: {  	_ =	shalt  }
0x57: {  	_ =	shalt  }
0x58: {  	_ =	shalt  }
0x59: {  	_ =	shalt  }
0x5a: {  	_ =	shalt  }
0x5b: {  	_ =	shalt  }
0x5c: {  	_ =	shalt  }
0x5d: {  	_ =	shalt  }
0x5e: {  	_ =	shalt  }
0x5f: {  	_ =	shalt  }
0x60: {  	_ =	shalt  }
0x61: {  	_ =	shalt  }
0x62: {  	_ =	shalt  }
0x63: {  	_ =	shalt  }
0x64: {  	_ =	shalt  }
0x65: {  	_ =	shalt  }
0x66: {  	_ =	shalt  }
0x67: {  	_ =	shalt  }
0x68: {  	_ =	shalt  }
0x69: {  	_ =	shalt  }
0x6a: {  	_ =	shalt  }
0x6b: {  	_ =	shalt  }
0x6c: {  	_ =	shalt  }
0x6d: {  	_ =	shalt  }
0x6e: {  	_ =	shalt  }
0x6f: {  	_ =	shalt  }
0x70: {  	_ =	shalt  }
0x71: {  	_ =	shalt  }
0x72: {  	_ =	shalt  }
0x73: {  	_ =	shalt  }
0x74: {  	_ =	shalt  }
0x75: {  	_ =	shalt  }
0x76: {  	_ =	shalt  }
0x77: {  	_ =	shalt  }
0x78: {  	_ =	shalt  }
0x79: {  	_ =	shalt  }
0x7a: {  	_ =	shalt  }
0x7b: {  	_ =	shalt  }
0x7c: {  	_ =	shalt  }
0x7d: {  	_ =	shalt  }
0x7e: {  	_ =	shalt  }
0x7f: {  	_ =	shalt  }
0x80: {  	_ =	shalt  }
0x81: {  	_ =	shalt  }
0x82: {  	_ =	shalt  }
0x83: {  	_ =	shalt  }
0x84: {  	_ =	shalt  }
0x85: {  	_ =	shalt  }
0x86: {  	_ =	shalt  }
0x87: {  	_ =	shalt  }
.Lfunc_end0:
.L_simem_size_0:
called_computation.3_lowered:
.L_overlay_start_0:
0x88: {  	s2 =	sld [smem:$0x3FD9]  }
0x89: {  	s3 =	sld [smem:$0x3FFE];
	_ =	sdelay $0x1  }
0x8a: {  	s1 =	srdreg.scid  }
0x8b: {  	s0 =	sand.u32 $0x1, s1  }
0x8c: {  	s17 =	sshll.u32 s0, $0xA;
	s2 =	sadd.s32 s3, s2  }
0x8d: {  	s2 =	sadd.s32 s2, s17  }
0x8e: {  	[smem:$0x3FA9] =	sst s2  }
0x8f: {  	_ = 	snop  }
0x90: {  	(tm) =	ssettm $0x1  }
0x91: {  	s18 =	sld [smem:$0x3FFB];
	_ =	sdelay $0x3  }
0x92: {  	_ =	strace s18  }
0x93: {  	s2 =	sld [smem:$0x3FFC];
	_ =	sdelay $0x3  }
0x94: {  	_ =	strace s2  }
0x95: {  	s2 =	sld [smem:$0x3FFD];
	_ =	sdelay $0x3  }
0x96: {  	_ =	strace s2  }
0x97: {  	_ =	strace $0x8FFFFFFF  }
0x98: {  	s19 =	sld [smem:$0x3FDB];
	_ =	sdelay $0x1  }
0x99: {  	s20 =	simm.s32 $_scs_section_size  }
0x9a: {  	s4 =	simm.s32 $_size__tile_overlayer_lowered;
	s5 =	simm.s32 $_tile_overlayer_lowered  }
0x9b: {  	s6 =	simm.s32 $0x1BFF;
	s21 =	sshll.u32 s5, $0x1;
	s3 =	sadd.s32 s20, s19  }
0x9c: {  	s22 =	simm.s32 $0x0;
	s4 =	sshll.u32 s4, $0x1;
	s5 =	sadd.s32 s21, s3  }
0x9d: {  	[timem:s22], [sflag:s6] =	dma.local [hbm:s5], s4  }
0x9e: {  	_ =	swait.ge [sflag:s6], s4  }
0x9f: {  	s4 =	ssub.s32 $0x0, s4;
	[sflag:s6] =	ssyncset.done $0x0  }
0xa0: {  	[sflag:s6] =	ssyncadd.s32 s4;
	_ =	sdelay $0x1  }
0xa1: {  	s23 =	simm.s32 $0x1B8B  }
0xa2: {  	_ =	swait.ge [sflag:s23], $0x1  }
0xa3: {  	[sflag:s23] =	ssyncset.done $0x0  }
0xa4: {  	[sflag:s23] =	ssyncadd.s32 $0xFFFFFFFF  }
0xa5: {  	s4 =	sld [smem:$0x0]  }
0xa6: {  	s5 =	sand.u32 $0xFFFFFFFE, s1  }
0xa7: {  	p0 =	sne.s32 s1, s5  }
0xa8: {  	s5 =	sshll.u32 @p0 s5, $0xE  }
0xa9: {  	s5 =	sadd.s32 @p0 $0x11B8D, s5;
	s6 =	sshll.u32 @p0 s4, $0x11  }
0xaa: {  	s5 =	sor.u32 @p0 s6, s5  }
0xab: {  	[sflag:s5] =	ssyncadd.remote.s32 @p0 $0x1;
	_ =	sdelay $0x1  }
0xac: {  	s5 =	simm.s32 @p0 $0x1B8D  }
0xad: {  	_ =	swait.eq @p0 [sflag:s5], $0x1  }
0xae: {  	[sflag:s5] =	ssyncadd.s32 @p0 $0xFFFFFFFF  }
0xaf: {  	s6 =	sshll.u32 @!p0 s1, $0xE  }
0xb0: {  	s6 =	sor.u32 @!p0 $0x4000, s6;
	s5 =	simm.s32 @!p0 $0x1B8D  }
0xb1: {  	s4 =	sshll.u32 @!p0 s4, $0x11;
	s6 =	sadd.s32 @!p0 $0x11B8D, s6;
	_ =	swait.eq @!p0 [sflag:s5], $0x1  }
0xb2: {  	s4 =	sor.u32 @!p0 s4, s6;
	[sflag:s5] =	ssyncadd.s32 @!p0 $0xFFFFFFFF  }
0xb3: {  	s25 =	simm.s32 $0x1B8E;
	s24 =	sld [smem:$0x3FFE];
	[sflag:s4] =	ssyncadd.remote.s32 @!p0 $0x1  }
0xb4: {  	s26 =	simm.s32 $execute0_lowered;
	[smem:$0x3FD2] =	sst s25  }
0xb5: {  	s5 =	sshll.u32 s26, $0x1;
	_ =	strace $0x8000004C;
	[dreg:$0x1] =	wrdreg $0xFFFFFFFF  }
0xb6: {  	s28 =	simm.s32 $_size_execute0_lowered;
	s3 =	sadd.s32 s3, s5;
	[dreg:$0x0] =	wrdreg $0x0  }
0xb7: {  	s5 =	sshll.u32 s28, $0x1;
	[dreg:$0x2] =	wrdreg s3  }
0xb8: {  	[dreg:$0x3] =	wrdreg s5  }
0xb9: {  	[dreg:$0x4] =	wrdreg $0xC0  }
0xba: {  	_ =	task [dreg:s22], $0x5FFFF  }
0xbb: {  	[dreg:$0x1] =	wrdreg $0xFFFFFFFF  }
0xbc: {  	[dreg:$0x0] =	wrdreg $0x60  }
0xbd: {  	[dreg:$0x2] =	wrdreg s24  }
0xbe: {  	[dreg:$0x3] =	wrdreg $0x8C000  }
0xbf: {  	[dreg:$0x4] =	wrdreg $0xA  }
0xc0: {  	_ =	task.clear_ibuf [dreg:s22], $0x5FFFF;
	_ =	strace $0x9000004C  }
0xc1: {  	s29 =	simm.s32 $0xA;
	_ =	strace $0x8000004E  }
0xc2: {  	_ =	swait.ge [sflag:s29], $0x1  }
0xc3: {  	[sflag:s29] =	ssyncadd.s32 $0xFFFFFFFF  }
0xc4: {  	_ =	strace $0x9000004E  }
0xc5: {  	_ =	sfence  }
0xc6: {  	s30 =	sld [smem:$0x0];
	_ =	sdelay $0x2  }
0xc7: {  	s31 =	sshll.u32 s1, $0xD;
	s1 =	sshrl.u32 s1, $0x2  }
0xc8: {  	s4 =	sand.u32 $0x4000, s31;
	s1 =	sadd.s32 s1, s30  }
0xc9: {  	s0 =	sor.u32 s4, s0;
	s1 =	sshll.u32 s1, $0x11  }
0xca: {  	s0 =	sor.u32 s1, s0  }
0xcb: {  	s0 =	sadd.s32 $0x8F2B, s0  }
0xcc: {  	[sflag:s0] =	ssyncadd.remote.s32 $0x1  }
0xcd: {  	_ =	sfence.sel $0xFFFF  }
0xce: {  	[dreg:$0x0] =	wrdreg $0xFFFFFFFF;
	(pc) =	sbr.abs _section_cstart, $3  }
0xcf: {  	[dreg:$0x1] =	wrdreg $0xFFFFFFFF  }
0xd0: {  	_ =	task.clear_ibuf [dreg:s22], $0x2FFFF;
	_ =	strace $0x9FFFFFFF  }
0xd1: {  	(tm) =	ssettm $0x7FFFFFFF  }
tec
execute0_lowered:
.L_overlay_start_1:
0x0: {  	(tag) =	ssettag $0x1  }
0x1: {  	s4 =	rddreg [dreg:$0x0]  }
0x2: {  	s0 =	srdreg.scid;
	s2 =	rddreg [dreg:$0x1]  }
0x3: {  	s1 =	stileid.u32;
	s3 =	simm.s32 $0x0;
	s16 =	simm.s32 $0x2  }
0x4: {  	s17 =	simm.s32 $0x80;
	s18 =	simm.s32 $0xC00;
	s19 =	simm.s32 $0x4C00  }
0x5: {  	s20 =	simm.s32 $0x3;
	s21 =	simm.s32 $0x100;
	s22 =	simm.s32 $0x980  }
0x6: {  	s5 =	sand.u32 $0x1, s0;
	s0 =	rddreg [dreg:$0x2];
	s7 =	smul.u32 $0x2800, s1  }
0x7: {  	s23 =	simm.s32 $0x0;
	[smem:$0x7FF] =	sst s3;
	s10 =	smul.u32 $0x50000, s1  }
0x8: {  	s13 =	sadd.s32 $0x30B400, s4;
	s29 =	sshll.u32 s1, $0x6;
	s6 =	sshll.u32 s5, $0x4  }
0x9: {  	_ =	strace $0x8000004D;
	s28 =	ssub.s32 $0x2, s5;
	s12 =	smul.u32 $0x500000, s5  }
0xa: {  	s5 =	sor.u32 $0x1C02, s29;
	s6 =	sor.u32 s1, s6;
	s7 =	sadd.s32 s7, s4  }
0xb: {  	s9 =	sshrl.u32 s28, $0x1;
	s11 =	sshrl.u32 s10, $0x2;
	s8 =	smul.u32 $0x180, s6  }
0xc: {  	s6 =	smul.u32 $0x50000, s6;
	s9 =	ssub.s32 s28, s9;
	s31 =	sadd.s32 s10, s12  }
0xd: {  	s14 =	sadd.s32 s11, s2;
	s12 =	sor.u32 $0x8000, s31;
	s15 =	sor.u32 $0xC000, s31  }
0xe: {  	s14 =	sshrl.u32 s14, $0x3;
	s8 =	sadd.s32 s8, s4;
	s4 =	sadd.s32 $0xD400, s7  }
0xf: {  	s30 =	sshrl.u32 s6, $0x3;
	s12 =	sshrl.u32 s12, $0x3;
	s15 =	sshrl.u32 s15, $0x3  }
0x10: {  	s6 =	sadd.s32 $0x308400, s8;
	s7 =	sadd.s32 s13, s30;
	s8 =	smax.u32 s9, $0x1  }
0x11: {  	s12 =	sadd.s32 s12, s13;
	s13 =	sadd.s32 s15, s13;
	s15 =	simm.s32 $0x1  }
0x12: {  	s9 =	sadd.s32 $0x800, s7;
	s10 =	sadd.s32 $0x9000, s7;
	s11 =	sadd.s32 $0x9800, s7  }
.LBB2_1:
0x13: {  	[spmem:s14], [sflag:s5] =	dma.local [hbm:s4], $0x2800  }
0x14: {  	[tilespmem:s3], [sflag:$0x1] =	stream.linear.gather [hbm4b:s6+s3], $0xA00, $0x38;
	[tilespmem:$0x1CC00] =	vst v63  }
0x15: {  	_ =	swait.ge [sflag:s15], $0xA00  }
0x16: {  	[sflag:s15] =	ssyncset.done $0x0  }
0x17: {  	[sflag:s15] =	ssyncadd.s32 $0xFFFFF600  }
0x18: {  	_ =	swait.ge [sflag:s16], $0x2800  }
0x19: {  	[sflag:s16] =	ssyncset.done $0x0  }
0x1a: {  	[sflag:s16] =	ssyncadd.s32 $0xFFFFD800  }
0x1b: {  	[bflag:$0x0] =	sbarrier.arrive $0xFFFF  }
0x1c: {  	[tilespmem:s18], [sflag:$0x1] =	stream.indirect.gather [spmem:s2], $0x80, s3, s17, $0xb8;
	[tilespmem:$0x1CC00] =	vst v63  }
0x1d: {  	_ = 	snop  }
0x1e: {  	[tilespmem:s19], [sflag:$0x1] =	stream.indirect.gather [spmem:s2], $0x80, s17, s17, $0xb8;
	[tilespmem:$0x1CC00] =	vst v63  }
0x1f: {  	_ =	swait.ge [sflag:s15], $0x4000  }
0x20: {  	[sflag:s15] =	ssyncset.done $0x0  }
0x21: {  	[sflag:s15] =	ssyncadd.s32 $0xFFFFC000  }
0x22: {  	[hbm4b:s7+s3] =	stream.linear.scatter [tilespmem:s18], [sflag:$0x3], $0x4000, $0x38;
	[tilespmem:$0x1CC00] =	vst v63  }
0x23: {  	_ =	swait.ge [sflag:s20], $0x4000  }
0x24: {  	[sflag:s20] =	ssyncset.done $0x0  }
0x25: {  	[sflag:s20] =	ssyncadd.s32 $0xFFFFC000  }
0x26: {  	[tilespmem:s18], [sflag:$0x1] =	stream.indirect.gather [spmem:s2], $0x80, s21, s17, $0xb8;
	[tilespmem:$0x1CC00] =	vst v63  }
0x27: {  	_ =	swait.ge [sflag:s15], $0x4000  }
0x28: {  	[sflag:s15] =	ssyncset.done $0x0  }
0x29: {  	[sflag:s15] =	ssyncadd.s32 $0xFFFFC000  }
0x2a: {  	[hbm4b:s9+s3] =	stream.linear.scatter [tilespmem:s19], [sflag:$0x3], $0x4000, $0x38;
	[tilespmem:$0x1CC00] =	vst v63  }
0x2b: {  	_ =	swait.ge [sflag:s20], $0x4000  }
0x2c: {  	[sflag:s20] =	ssyncset.done $0x0  }
0x2d: {  	s24 =	simm.s32 $0x180;
	[sflag:s20] =	ssyncadd.s32 $0xFFFFC000  }
0x2e: {  	[tilespmem:s19], [sflag:$0x1] =	stream.indirect.gather [spmem:s2], $0x80, s24, s17, $0xb8;
	[tilespmem:$0x1CC00] =	vst v63  }
0x2f: {  	_ =	swait.ge [sflag:s15], $0x4000  }
0x30: {  	[sflag:s15] =	ssyncset.done $0x0  }
0x31: {  	s30 =	sadd.s32 $0x0, s12;
	[sflag:s15] =	ssyncadd.s32 $0xFFFFC000  }
0x32: {  	[hbm4b:s30+s3] =	stream.linear.scatter [tilespmem:s18], [sflag:$0x3], $0x4000, $0x38;
	[tilespmem:$0x1CC00] =	vst v63  }
0x33: {  	_ =	swait.ge [sflag:s20], $0x4000  }
0x34: {  	[sflag:s20] =	ssyncset.done $0x0  }
0x35: {  	s31 =	simm.s32 $0x200;
	[sflag:s20] =	ssyncadd.s32 $0xFFFFC000  }
0x36: {  	[tilespmem:s18], [sflag:$0x1] =	stream.indirect.gather [spmem:s2], $0x80, s31, s17, $0xb8;
	[tilespmem:$0x1CC00] =	vst v63  }
0x37: {  	_ =	swait.ge [sflag:s15], $0x4000  }
0x38: {  	s26 =	sadd.s32 $0x0, s13;
	[sflag:s15] =	ssyncset.done $0x0  }
0x39: {  	s25 =	simm.s32 $0x300;
	s24 =	simm.s32 $0x1000;
	[sflag:s15] =	ssyncadd.s32 $0xFFFFC000  }
.LBB2_2:
0x3a: {  	[hbm4b:s26+s3] =	stream.linear.scatter [tilespmem:s19], [sflag:$0x3], $0x4000, $0x38;
	[tilespmem:$0x1CC00] =	vst v63  }
0x3b: {  	s26 =	smov.u32 s24  }
0x3c: {  	p0 =	sne.s32 s24, $0x7000;
	s24 =	sadd.s32 $0x1000, s24;
	_ =	swait.ge [sflag:s20], $0x4000  }
0x3d: {  	[sflag:s20] =	ssyncset.done $0x0  }
0x3e: {  	s28 =	sadd.s32 $0xFFFFFF80, s25;
	[sflag:s20] =	ssyncadd.s32 $0xFFFFC000  }
0x3f: {  	[tilespmem:s19], [sflag:$0x1] =	stream.indirect.gather [spmem:s2], $0x80, s28, s17, $0xb8;
	[tilespmem:$0x1CC00] =	vst v63  }
0x40: {  	_ =	swait.ge [sflag:s15], $0x4000  }
0x41: {  	[sflag:s15] =	ssyncset.done $0x0  }
0x42: {  	s28 =	sadd.s32 s26, s12;
	[sflag:s15] =	ssyncadd.s32 $0xFFFFC000  }
0x43: {  	[hbm4b:s28+s3] =	stream.linear.scatter [tilespmem:s18], [sflag:$0x3], $0x4000, $0x38;
	[tilespmem:$0x1CC00] =	vst v63  }
0x44: {  	_ =	swait.ge [sflag:s20], $0x4000  }
0x45: {  	[sflag:s20] =	ssyncset.done $0x0  }
.Ltmp0:
0x46: {  	[sflag:s20] =	ssyncadd.s32 $0xFFFFC000;
	(pc) =	sbr.rel @p0 .LBB2_2-.Ltmp0, $4  }
0x47: {  	[tilespmem:s18], [sflag:$0x1] =	stream.indirect.gather [spmem:s2], $0x80, s25, s17, $0xb8;
	[tilespmem:$0x1CC00] =	vst v63  }
0x48: {  	_ =	swait.ge [sflag:s15], $0x4000  }
0x49: {  	[sflag:s15] =	ssyncset.done $0x0  }
0x4a: {  	s26 =	sadd.s32 s26, s13;
	s25 =	sadd.s32 $0x100, s25;
	[sflag:s15] =	ssyncadd.s32 $0xFFFFC000  }
0x4b: {  	[hbm4b:s26+s3] =	stream.linear.scatter [tilespmem:s19], [sflag:$0x3], $0x4000, $0x38;
	[tilespmem:$0x1CC00] =	vst v63  }
0x4c: {  	_ =	swait.ge [sflag:s20], $0x4000  }
0x4d: {  	[sflag:s20] =	ssyncset.done $0x0  }
0x4e: {  	[sflag:s20] =	ssyncadd.s32 $0xFFFFC000  }
0x4f: {  	[tilespmem:s19], [sflag:$0x1] =	stream.indirect.gather [spmem:s2], $0x80, s22, s17, $0xb8;
	[tilespmem:$0x1CC00] =	vst v63  }
0x50: {  	_ =	swait.ge [sflag:s15], $0x4000  }
0x51: {  	[sflag:s15] =	ssyncset.done $0x0  }
0x52: {  	[sflag:s15] =	ssyncadd.s32 $0xFFFFC000  }
0x53: {  	[hbm4b:s10+s3] =	stream.linear.scatter [tilespmem:s18], [sflag:$0x3], $0x4000, $0x38;
	[tilespmem:$0x1CC00] =	vst v63  }
0x54: {  	_ =	swait.ge [sflag:s20], $0x4000  }
0x55: {  	[sflag:s20] =	ssyncset.done $0x0  }
0x56: {  	[sflag:s20] =	ssyncadd.s32 $0xFFFFC000  }
0x57: {  	s23 =	sadd.s32 $0x1, s23;
	_ =	swait.ge [sflag:s15], $0x4000  }
0x58: {  	p0 =	sne.s32 s23, s8;
	[sflag:s15] =	ssyncset.done $0x0  }
.Ltmp1:
0x59: {  	[sflag:s15] =	ssyncadd.s32 $0xFFFFC000;
	(pc) =	sbr.rel @p0 .LBB2_1-.Ltmp1, $4  }
0x5a: {  	[hbm4b:s11+s3] =	stream.linear.scatter [tilespmem:s19], [sflag:$0x3], $0x4000, $0x38;
	[tilespmem:$0x1CC00] =	vst v63  }
0x5b: {  	_ =	swait.ge [sflag:s20], $0x4000  }
0x5c: {  	[sflag:s20] =	ssyncset.done $0x0  }
0x5d: {  	[sflag:s20] =	ssyncadd.s32 $0xFFFFC000  }
0x5e: {  	_ =	sfence.sel $0x180000  }
0x5f: {  	[bflag:$0x0] =	sbarrier.arrive $0xFFFF  }
0x60: {  	p0 =	sne.s32 s1, $0x0;
	_ =	strace $0x9000004D  }
0x61: {  	s0 =	sadd.s32 @!p0 $0x100000, s0;
	[bflag:$0x2] =	sbarrier.arrive $0xFFFF  }
0x62: {  	[sflag:s0] =	ssyncadd.tile.s32 @!p0 $0x1;
	_ =	shalt  }
.Lfunc_end2:
_tile_overlayer_lowered:
.L_overlay_start_2:
0x63: {  	(tag) =	ssettag $0x2  }
0x64: {  	s0 =	rddreg [dreg:$0x0];
	s2 =	stileid.u32  }
0x65: {  	s1 =	rddreg [dreg:$0x1];
	p0 =	sne.s32 s2, $0x0  }
0x66: {  	s3 =	rddreg [dreg:$0x2];
	[bflag:$0x3] =	sbarrier.arrive $0xFFFF;
	s2 =	simm.s32 @!p0 $0x1C04  }
0x67: {  	[timem:s3], [sflag:s2] =	dma.local @!p0 [hbm:s0], s1  }
0x68: {  	s0 =	simm.s32 @!p0 $0x4  }
0x69: {  	_ =	swait.ge @!p0 [sflag:s0], s1  }
0x6a: {  	s1 =	ssub.s32 @!p0 $0x0, s1;
	[sflag:s0] =	ssyncset.done @!p0 $0x0  }
0x6b: {  	[sflag:s0] =	ssyncadd.s32 @!p0 s1  }
0x6c: {  	[bflag:$0x3] =	sbarrier.arrive $0xFFFF  }
0x6d: {  	_ =	shalt  }

// kernel: kernel.35.cloned.1.call-start
scs
__scs_entry_jumppad:
0x0: {  	(pc) =	sbr.rel $0x88, $3  }
0x1: {  	(tag) =	ssettag $0x0;
	lr =	simm.s32 $0x1  }
0x2: {  	[smem:$0x3F82] =	sst lr;
	_ =	strace $0xD0000000  }
0x3: {  	_ = 	snop  }
0x4: {  	_ = 	snop  }
0x5: {  	_ = 	snop  }
0x6: {  	_ = 	snop  }
0x7: {  	_ = 	snop  }
__scs_overlays_trampoline_lowered:
0x8: {  	[smem:$0x3F91] =	sst s0  }
0x9: {  	[smem:$0x3F92] =	sst s1  }
0xa: {  	[smem:$0x3F93] =	sst s2  }
0xb: {  	[smem:$0x3F94] =	sst s3  }
0xc: {  	[smem:$0x3F95] =	sst s4  }
0xd: {  	[smem:$0x3F96] =	sst s5  }
0xe: {  	[smem:$0x3F97] =	sst s6  }
0xf: {  	[smem:$0x3F98] =	sst s7  }
0x10: {  	[smem:$0x3F99] =	sst s8  }
0x11: {  	[smem:$0x3F9A] =	sst s9;
	s0 =	simm.s32 @!p0 $0x0  }
0x12: {  	s1 =	sld [smem:$0x3F80];
	s0 =	simm.s32 @p0 $0x1  }
0x13: {  	[smem:$0x3F9B] =	sst s0;
	s0 =	simm.s32 @!p1 $0x0  }
0x14: {  	s2 =	sld [smem:$0x3F7F];
	s0 =	simm.s32 @p1 $0x1  }
0x15: {  	[smem:$0x3F9C] =	sst s0;
	s0 =	simm.s32 @!p2 $0x0  }
0x16: {  	s3 =	sld [smem:$0x3FDB];
	s0 =	simm.s32 @p2 $0x1  }
0x17: {  	s4 =	simm.s32 $0x1BF5;
	[smem:$0x3F9E] =	sst s0  }
0x18: {  	s0 =	sld [smem:$0x3F81];
	_ =	swait.ge [sflag:s4], $0x0  }
0x19: {  	s7 =	sld [smem:$0x3F82]  }
0x1a: {  	s8 =	sadd.s32 $0xFFFFE003, lr  }
0x1b: {  	s9 =	sadd.s32 $0xFFFFFEF7, lr;
	s5 =	simm.s32 $0xFFFFFFFF;
	p2 =	slt.u32 s8, $0xFFFFF086  }
0x1c: {  	p1 =	slt.u32 s9, $0xF7A;
	s5 =	simm.s32 @!p2 $0x0  }
0x1d: {  	s5 =	simm.s32 @p1 $0x1;
	p0 =	seq.s32 s7, s2  }
0x1e: {  	s7 =	smul.u32 @!p0 $0xF7A, s2;
	p2 =	seq.s32 @!p0 s5, $0x0  }
0x1f: {  	s9 =	smul.u32 $0xF7A, s1;
	s8 =	simm.s32 @!p0 $0x1BF5;
	p2 =	por !p2, p0  }
0x20: {  	[sflag:s8] =	ssyncset.s32 @!p0 $0xFFFFF086;
	s6 =	sadd.s32 @!p0 s3, s7;
	s7 =	simm.s32 @!p0 $0x108  }
0x21: {  	s3 =	sadd.s32 s3, s9;
	s6 =	sadd.s32 @!p0 $0x88, s6;
	s7 =	simm.s32 @p2 $0x1082  }
0x22: {  	[simem:s7], [sflag:s8] =	dma.local @!p0 [hbm:s6], $0xF7A  }
0x23: {  	s9 =	sor.u32 $0xD0000000, s2;
	s6 =	simm.s32 $0x108;
	_ =	swait.ge @!p0 [sflag:s8], $0x0  }
0x24: {  	s3 =	sadd.s32 $0x88, s3;
	s6 =	simm.s32 @!p1 $0x1082;
	[sflag:s4] =	ssyncset.s32 $0xFFFFF086  }
0x25: {  	[simem:s6], [sflag:s4] =	dma.local [hbm:s3], $0xF7A  }
0x26: {  	[smem:$0x3F82] =	sst s1;
	(tag) =	ssettag s2;
	_ =	strace s9  }
0x27: {  	s1 =	sld [smem:$0x3F92]  }
0x28: {  	s2 =	sld [smem:$0x3F93]  }
0x29: {  	s4 =	sld [smem:$0x3F95]  }
0x2a: {  	p0 =	seq.s32 s5, $0x0;
	s5 =	sld [smem:$0x3F96]  }
0x2b: {  	s6 =	sld [smem:$0x3F97]  }
0x2c: {  	s7 =	sld [smem:$0x3F98]  }
0x2d: {  	s3 =	simm.s32 $0x108;
	s8 =	sld [smem:$0x3F99]  }
0x2e: {  	s3 =	simm.s32 @!p0 $0x1082;
	s9 =	sld [smem:$0x3F9A]  }
0x2f: {  	lr =	sadd.s32 s0, s3;
	s0 =	sld [smem:$0x3F91]  }
0x30: {  	s3 =	sld [smem:$0x3F94]  }
0x31: {  	[smem:$0x3F9D] =	sst s10  }
0x32: {  	s10 =	sld [smem:$0x3F9B];
	_ =	sdelay $0x3  }
0x33: {  	p0 =	seq.s32 s10, $0x1;
	s10 =	sld [smem:$0x3F9D];
	_ =	sdelay $0x3  }
0x34: {  	[smem:$0x3F9D] =	sst s10  }
0x35: {  	s10 =	sld [smem:$0x3F9C];
	_ =	sdelay $0x3  }
0x36: {  	p1 =	seq.s32 s10, $0x1;
	s10 =	sld [smem:$0x3F9D];
	_ =	sdelay $0x3  }
0x37: {  	[smem:$0x3F9D] =	sst s10  }
0x38: {  	s10 =	sld [smem:$0x3F9E]  }
0x39: {  	_ = 	snop;
	(pc) =	sbr.ind lr, $3  }
0x3a: {  	_ = 	snop  }
0x3b: {  	_ = 	snop  }
0x3c: {  	p2 =	seq.s32 s10, $0x1;
	s10 =	sld [smem:$0x3F9D]  }
0x3d: {  	_ =	shalt  }
0x3e: {  	_ =	shalt  }
0x3f: {  	_ =	shalt  }
0x40: {  	_ =	shalt  }
0x41: {  	_ =	shalt  }
0x42: {  	_ =	shalt  }
0x43: {  	_ =	shalt  }
0x44: {  	_ =	shalt  }
0x45: {  	_ =	shalt  }
0x46: {  	_ =	shalt  }
0x47: {  	_ =	shalt  }
0x48: {  	_ =	shalt  }
0x49: {  	_ =	shalt  }
0x4a: {  	_ =	shalt  }
0x4b: {  	_ =	shalt  }
0x4c: {  	_ =	shalt  }
0x4d: {  	_ =	shalt  }
0x4e: {  	_ =	shalt  }
0x4f: {  	_ =	shalt  }
0x50: {  	_ =	shalt  }
0x51: {  	_ =	shalt  }
0x52: {  	_ =	shalt  }
0x53: {  	_ =	shalt  }
0x54: {  	_ =	shalt  }
0x55: {  	_ =	shalt  }
0x56: {  	_ =	shalt  }
0x57: {  	_ =	shalt  }
0x58: {  	_ =	shalt  }
0x59: {  	_ =	shalt  }
0x5a: {  	_ =	shalt  }
0x5b: {  	_ =	shalt  }
0x5c: {  	_ =	shalt  }
0x5d: {  	_ =	shalt  }
0x5e: {  	_ =	shalt  }
0x5f: {  	_ =	shalt  }
0x60: {  	_ =	shalt  }
0x61: {  	_ =	shalt  }
0x62: {  	_ =	shalt  }
0x63: {  	_ =	shalt  }
0x64: {  	_ =	shalt  }
0x65: {  	_ =	shalt  }
0x66: {  	_ =	shalt  }
0x67: {  	_ =	shalt  }
0x68: {  	_ =	shalt  }
0x69: {  	_ =	shalt  }
0x6a: {  	_ =	shalt  }
0x6b: {  	_ =	shalt  }
0x6c: {  	_ =	shalt  }
0x6d: {  	_ =	shalt  }
0x6e: {  	_ =	shalt  }
0x6f: {  	_ =	shalt  }
0x70: {  	_ =	shalt  }
0x71: {  	_ =	shalt  }
0x72: {  	_ =	shalt  }
0x73: {  	_ =	shalt  }
0x74: {  	_ =	shalt  }
0x75: {  	_ =	shalt  }
0x76: {  	_ =	shalt  }
0x77: {  	_ =	shalt  }
0x78: {  	_ =	shalt  }
0x79: {  	_ =	shalt  }
0x7a: {  	_ =	shalt  }
0x7b: {  	_ =	shalt  }
0x7c: {  	_ =	shalt  }
0x7d: {  	_ =	shalt  }
0x7e: {  	_ =	shalt  }
0x7f: {  	_ =	shalt  }
0x80: {  	_ =	shalt  }
0x81: {  	_ =	shalt  }
0x82: {  	_ =	shalt  }
0x83: {  	_ =	shalt  }
0x84: {  	_ =	shalt  }
0x85: {  	_ =	shalt  }
0x86: {  	_ =	shalt  }
0x87: {  	_ =	shalt  }
.Lfunc_end0:
.L_simem_size_0:
called_computation.4_lowered:
.L_overlay_start_0:
0x88: {  	s2 =	sld [smem:$0x3FD9]  }
0x89: {  	s3 =	sld [smem:$0x3FFE];
	_ =	sdelay $0x1  }
0x8a: {  	s1 =	srdreg.scid  }
0x8b: {  	s0 =	sand.u32 $0x1, s1  }
0x8c: {  	s17 =	sshll.u32 s0, $0xA;
	s2 =	sadd.s32 s3, s2  }
0x8d: {  	s2 =	sadd.s32 s2, s17  }
0x8e: {  	[smem:$0x3FA9] =	sst s2  }
0x8f: {  	_ = 	snop  }
0x90: {  	(tm) =	ssettm $0x1  }
0x91: {  	s18 =	sld [smem:$0x3FFB];
	_ =	sdelay $0x3  }
0x92: {  	_ =	strace s18  }
0x93: {  	s2 =	sld [smem:$0x3FFC];
	_ =	sdelay $0x3  }
0x94: {  	_ =	strace s2  }
0x95: {  	s2 =	sld [smem:$0x3FFD];
	_ =	sdelay $0x3  }
0x96: {  	_ =	strace s2  }
0x97: {  	_ =	strace $0x8FFFFFFF  }
0x98: {  	s19 =	sld [smem:$0x3FDB];
	_ =	sdelay $0x1  }
0x99: {  	s20 =	simm.s32 $_scs_section_size  }
0x9a: {  	s4 =	simm.s32 $_size__tile_overlayer_lowered;
	s5 =	simm.s32 $_tile_overlayer_lowered  }
0x9b: {  	s6 =	simm.s32 $0x1BFF;
	s21 =	sshll.u32 s5, $0x1;
	s3 =	sadd.s32 s20, s19  }
0x9c: {  	s22 =	simm.s32 $0x0;
	s4 =	sshll.u32 s4, $0x1;
	s5 =	sadd.s32 s21, s3  }
0x9d: {  	[timem:s22], [sflag:s6] =	dma.local [hbm:s5], s4  }
0x9e: {  	_ =	swait.ge [sflag:s6], s4  }
0x9f: {  	s4 =	ssub.s32 $0x0, s4;
	[sflag:s6] =	ssyncset.done $0x0  }
0xa0: {  	[sflag:s6] =	ssyncadd.s32 s4;
	_ =	sdelay $0x1  }
0xa1: {  	s23 =	simm.s32 $0x1B8B  }
0xa2: {  	_ =	swait.ge [sflag:s23], $0x1  }
0xa3: {  	[sflag:s23] =	ssyncset.done $0x0  }
0xa4: {  	[sflag:s23] =	ssyncadd.s32 $0xFFFFFFFF  }
0xa5: {  	s4 =	sld [smem:$0x0]  }
0xa6: {  	s5 =	sand.u32 $0xFFFFFFFE, s1  }
0xa7: {  	p0 =	sne.s32 s1, s5  }
0xa8: {  	s5 =	sshll.u32 @p0 s5, $0xE  }
0xa9: {  	s5 =	sadd.s32 @p0 $0x11B8D, s5;
	s6 =	sshll.u32 @p0 s4, $0x11  }
0xaa: {  	s5 =	sor.u32 @p0 s6, s5  }
0xab: {  	[sflag:s5] =	ssyncadd.remote.s32 @p0 $0x1;
	_ =	sdelay $0x1  }
0xac: {  	s5 =	simm.s32 @p0 $0x1B8D  }
0xad: {  	_ =	swait.eq @p0 [sflag:s5], $0x1  }
0xae: {  	[sflag:s5] =	ssyncadd.s32 @p0 $0xFFFFFFFF  }
0xaf: {  	s6 =	sshll.u32 @!p0 s1, $0xE  }
0xb0: {  	s6 =	sor.u32 @!p0 $0x4000, s6;
	s5 =	simm.s32 @!p0 $0x1B8D  }
0xb1: {  	s4 =	sshll.u32 @!p0 s4, $0x11;
	s6 =	sadd.s32 @!p0 $0x11B8D, s6;
	_ =	swait.eq @!p0 [sflag:s5], $0x1  }
0xb2: {  	s4 =	sor.u32 @!p0 s4, s6;
	[sflag:s5] =	ssyncadd.s32 @!p0 $0xFFFFFFFF  }
0xb3: {  	s25 =	simm.s32 $0x1B8E;
	s24 =	sld [smem:$0x3FFE];
	[sflag:s4] =	ssyncadd.remote.s32 @!p0 $0x1  }
0xb4: {  	s26 =	simm.s32 $execute0_lowered;
	[smem:$0x3FD2] =	sst s25  }
0xb5: {  	s5 =	sshll.u32 s26, $0x1;
	_ =	strace $0x80000052;
	[dreg:$0x1] =	wrdreg $0xFFFFFFFF  }
0xb6: {  	s28 =	simm.s32 $_size_execute0_lowered;
	s3 =	sadd.s32 s3, s5;
	[dreg:$0x0] =	wrdreg $0x0  }
0xb7: {  	s5 =	sshll.u32 s28, $0x1;
	[dreg:$0x2] =	wrdreg s3  }
0xb8: {  	[dreg:$0x3] =	wrdreg s5  }
0xb9: {  	[dreg:$0x4] =	wrdreg $0xC0  }
0xba: {  	_ =	task [dreg:s22], $0x5FFFF  }
0xbb: {  	[dreg:$0x1] =	wrdreg $0xFFFFFFFF  }
0xbc: {  	[dreg:$0x0] =	wrdreg $0x60  }
0xbd: {  	[dreg:$0x2] =	wrdreg s24  }
0xbe: {  	[dreg:$0x3] =	wrdreg $0x8C000  }
0xbf: {  	[dreg:$0x4] =	wrdreg $0xB  }
0xc0: {  	_ =	task.clear_ibuf [dreg:s22], $0x5FFFF;
	_ =	strace $0x90000052  }
0xc1: {  	s29 =	simm.s32 $0xB;
	_ =	strace $0x80000054  }
0xc2: {  	_ =	swait.ge [sflag:s29], $0x1  }
0xc3: {  	[sflag:s29] =	ssyncadd.s32 $0xFFFFFFFF  }
0xc4: {  	_ =	strace $0x90000054  }
0xc5: {  	_ =	sfence  }
0xc6: {  	s30 =	sld [smem:$0x0];
	_ =	sdelay $0x2  }
0xc7: {  	s31 =	sshll.u32 s1, $0xD;
	s1 =	sshrl.u32 s1, $0x2  }
0xc8: {  	s4 =	sand.u32 $0x4000, s31;
	s1 =	sadd.s32 s1, s30  }
0xc9: {  	s0 =	sor.u32 s4, s0;
	s1 =	sshll.u32 s1, $0x11  }
0xca: {  	s0 =	sor.u32 s1, s0  }
0xcb: {  	s0 =	sadd.s32 $0x8F2B, s0  }
0xcc: {  	[sflag:s0] =	ssyncadd.remote.s32 $0x1  }
0xcd: {  	_ =	sfence.sel $0xFFFF  }
0xce: {  	[dreg:$0x0] =	wrdreg $0xFFFFFFFF;
	(pc) =	sbr.abs _section_cstart, $3  }
0xcf: {  	[dreg:$0x1] =	wrdreg $0xFFFFFFFF  }
0xd0: {  	_ =	task.clear_ibuf [dreg:s22], $0x2FFFF;
	_ =	strace $0x9FFFFFFF  }
0xd1: {  	(tm) =	ssettm $0x7FFFFFFF  }
tec
execute0_lowered:
.L_overlay_start_1:
0x0: {  	(tag) =	ssettag $0x1  }
0x1: {  	s4 =	rddreg [dreg:$0x0]  }
0x2: {  	s1 =	rddreg [dreg:$0x1]  }
0x3: {  	s2 =	srdreg.scid;
	s0 =	rddreg [dreg:$0x2];
	s3 =	simm.s32 $0x0  }
0x4: {  	s18 =	simm.s32 $0xC00;
	s19 =	simm.s32 $0x4C00;
	s20 =	simm.s32 $0x80  }
0x5: {  	s21 =	simm.s32 $0x2;
	s22 =	simm.s32 $0x900;
	s8 =	sand.u32 $0x1, s2  }
0x6: {  	s23 =	simm.s32 $0x980;
	s2 =	stileid.u32;
	s6 =	smul.u32 $0x140000, s8  }
0x7: {  	[smem:$0x7FF] =	sst s3;
	s14 =	sadd.s32 $0x58E400, s4;
	s7 =	smul.u32 $0x14000, s2  }
0x8: {  	s5 =	sshll.u32 s8, $0x4;
	_ =	strace $0x80000053;
	s11 =	smul.u32 $0x50000, s2  }
0x9: {  	s25 =	ssub.s32 $0x2, s8;
	s16 =	smul.u32 $0x500000, s8;
	s5 =	sor.u32 s2, s5  }
0xa: {  	s29 =	sshll.u32 s2, $0x6;
	s26 =	sshrl.u32 s25, $0x1;
	s9 =	smul.u32 $0x180, s5  }
0xb: {  	s6 =	sadd.s32 s7, s6;
	s28 =	sshrl.u32 s11, $0x2;
	s12 =	smul.u32 $0xA000, s5  }
0xc: {  	s13 =	smul.u32 $0x50000, s5;
	s5 =	sor.u32 $0x1C03, s29;
	s16 =	sadd.s32 s11, s16  }
0xd: {  	s6 =	sshrl.u32 s6, $0x3;
	s15 =	sadd.s32 s28, s1;
	s17 =	sadd.s32 $0x10000, s16  }
0xe: {  	s16 =	sor.u32 $0xC000, s16;
	s24 =	sadd.s32 s9, s4;
	s10 =	sadd.s32 s6, s4  }
0xf: {  	s9 =	ssub.s32 s25, s26;
	s7 =	sadd.s32 s14, s12;
	s30 =	sor.u32 $0x8000, s13  }
0x10: {  	s13 =	sshrl.u32 s13, $0x3;
	s31 =	sshrl.u32 s17, $0x3;
	s16 =	sshrl.u32 s16, $0x3  }
0x11: {  	s15 =	sshrl.u32 s15, $0x3;
	s17 =	simm.s32 $0x1;
	s4 =	sadd.s32 $0x85400, s10  }
0x12: {  	s6 =	sadd.s32 $0xA400, s24;
	s8 =	sadd.s32 $0xD5400, s10;
	s9 =	smax.u32 s9, $0x1  }
0x13: {  	s13 =	sadd.s32 s14, s13;
	s12 =	sshrl.u32 s30, $0x3;
	s24 =	simm.s32 $0x0  }
0x14: {  	s10 =	sadd.s32 $0x800, s13;
	s11 =	sadd.s32 s14, s12;
	s12 =	sadd.s32 $0x9800, s13  }
0x15: {  	s13 =	sadd.s32 s31, s14;
	s14 =	sadd.s32 s16, s14;
	s16 =	simm.s32 $0x3  }
.LBB2_1:
0x16: {  	[spmem:s15], [sflag:s5] =	dma.local [hbm:s4], $0x2800  }
0x17: {  	_ =	swait.ge [sflag:s16], $0x2800  }
0x18: {  	[sflag:s16] =	ssyncset.done $0x0  }
0x19: {  	[sflag:s16] =	ssyncadd.s32 $0xFFFFD800  }
0x1a: {  	[tilespmem:s3], [sflag:$0x1] =	stream.linear.gather [hbm4b:s6+s3], $0xA00, $0x38;
	[tilespmem:$0x1CC00] =	vst v63  }
0x1b: {  	_ =	swait.ge [sflag:s17], $0xA00  }
0x1c: {  	[sflag:s17] =	ssyncset.done $0x0  }
0x1d: {  	[sflag:s17] =	ssyncadd.s32 $0xFFFFF600  }
0x1e: {  	[bflag:$0x0] =	sbarrier.arrive $0xFFFF  }
0x1f: {  	[tilespmem:s18], [sflag:$0x1] =	stream.linear.gather [hbm4b:s7+s3], $0x4000, $0x38;
	[tilespmem:$0x1CC00] =	vst v63  }
0x20: {  	_ = 	snop  }
0x21: {  	[tilespmem:s19], [sflag:$0x1] =	stream.linear.gather [hbm4b:s10+s3], $0x4000, $0x38;
	[tilespmem:$0x1CC00] =	vst v63  }
0x22: {  	_ =	swait.ge [sflag:s17], $0x4000  }
0x23: {  	[sflag:s17] =	ssyncset.done $0x0  }
0x24: {  	[sflag:s17] =	ssyncadd.s32 $0xFFFFC000  }
0x25: {  	[spmem:s1] =	stream.indirect.scatter.add.f32 [tilespmem:s18], [sflag:$0x2], $0x80, s3, s20, $0xb8;
	[tilespmem:$0x1CC00] =	vst v63  }
0x26: {  	_ =	swait.ge [sflag:s21], $0x4000  }
0x27: {  	[sflag:s21] =	ssyncset.done $0x0  }
0x28: {  	[sflag:s21] =	ssyncadd.s32 $0xFFFFC000  }
0x29: {  	[tilespmem:s18], [sflag:$0x1] =	stream.linear.gather [hbm4b:s11+s3], $0x4000, $0x38;
	[tilespmem:$0x1CC00] =	vst v63  }
0x2a: {  	_ =	swait.ge [sflag:s17], $0x4000  }
0x2b: {  	[sflag:s17] =	ssyncset.done $0x0  }
0x2c: {  	[sflag:s17] =	ssyncadd.s32 $0xFFFFC000  }
0x2d: {  	[spmem:s1] =	stream.indirect.scatter.add.f32 [tilespmem:s19], [sflag:$0x2], $0x80, s20, s20, $0xb8;
	[tilespmem:$0x1CC00] =	vst v63  }
0x2e: {  	_ =	swait.ge [sflag:s21], $0x4000  }
0x2f: {  	[sflag:s21] =	ssyncset.done $0x0  }
0x30: {  	s25 =	sadd.s32 $0x0, s14;
	[sflag:s21] =	ssyncadd.s32 $0xFFFFC000  }
0x31: {  	[tilespmem:s19], [sflag:$0x1] =	stream.linear.gather [hbm4b:s25+s3], $0x4000, $0x38;
	[tilespmem:$0x1CC00] =	vst v63  }
0x32: {  	_ =	swait.ge [sflag:s17], $0x4000  }
0x33: {  	[sflag:s17] =	ssyncset.done $0x0  }
0x34: {  	s30 =	simm.s32 $0x100;
	[sflag:s17] =	ssyncadd.s32 $0xFFFFC000  }
0x35: {  	[spmem:s1] =	stream.indirect.scatter.add.f32 [tilespmem:s18], [sflag:$0x2], $0x80, s30, s20, $0xb8;
	[tilespmem:$0x1CC00] =	vst v63  }
0x36: {  	_ =	swait.ge [sflag:s21], $0x4000  }
0x37: {  	[sflag:s21] =	ssyncset.done $0x0  }
0x38: {  	s31 =	sadd.s32 $0x0, s13;
	[sflag:s21] =	ssyncadd.s32 $0xFFFFC000  }
0x39: {  	[tilespmem:s18], [sflag:$0x1] =	stream.linear.gather [hbm4b:s31+s3], $0x4000, $0x38;
	[tilespmem:$0x1CC00] =	vst v63  }
0x3a: {  	_ =	swait.ge [sflag:s17], $0x4000  }
0x3b: {  	s28 =	simm.s32 $0x180;
	[sflag:s17] =	ssyncset.done $0x0  }
0x3c: {  	s26 =	simm.s32 $0x200;
	s25 =	simm.s32 $0x1000;
	[sflag:s17] =	ssyncadd.s32 $0xFFFFC000  }
.LBB2_2:
0x3d: {  	[spmem:s1] =	stream.indirect.scatter.add.f32 [tilespmem:s19], [sflag:$0x2], $0x80, s28, s20, $0xb8;
	[tilespmem:$0x1CC00] =	vst v63  }
0x3e: {  	s28 =	smov.u32 s25  }
0x3f: {  	p0 =	sne.s32 s25, $0x7000;
	s25 =	sadd.s32 $0x1000, s25;
	_ =	swait.ge [sflag:s21], $0x4000  }
0x40: {  	[sflag:s21] =	ssyncset.done $0x0  }
0x41: {  	s29 =	sadd.s32 s28, s14;
	[sflag:s21] =	ssyncadd.s32 $0xFFFFC000  }
0x42: {  	[tilespmem:s19], [sflag:$0x1] =	stream.linear.gather [hbm4b:s29+s3], $0x4000, $0x38;
	[tilespmem:$0x1CC00] =	vst v63  }
0x43: {  	_ =	swait.ge [sflag:s17], $0x4000  }
0x44: {  	[sflag:s17] =	ssyncset.done $0x0  }
0x45: {  	[sflag:s17] =	ssyncadd.s32 $0xFFFFC000  }
0x46: {  	[spmem:s1] =	stream.indirect.scatter.add.f32 [tilespmem:s18], [sflag:$0x2], $0x80, s26, s20, $0xb8;
	[tilespmem:$0x1CC00] =	vst v63  }
0x47: {  	_ =	swait.ge [sflag:s21], $0x4000  }
0x48: {  	[sflag:s21] =	ssyncset.done $0x0  }
.Ltmp0:
0x49: {  	s28 =	sadd.s32 s28, s13;
	[sflag:s21] =	ssyncadd.s32 $0xFFFFC000;
	(pc) =	sbr.rel @p0 .LBB2_2-.Ltmp0, $4  }
0x4a: {  	[tilespmem:s18], [sflag:$0x1] =	stream.linear.gather [hbm4b:s28+s3], $0x4000, $0x38;
	[tilespmem:$0x1CC00] =	vst v63  }
0x4b: {  	_ =	swait.ge [sflag:s17], $0x4000  }
0x4c: {  	[sflag:s17] =	ssyncset.done $0x0  }
0x4d: {  	s28 =	sadd.s32 $0x80, s26;
	s26 =	sadd.s32 $0x100, s26;
	[sflag:s17] =	ssyncadd.s32 $0xFFFFC000  }
0x4e: {  	[spmem:s1] =	stream.indirect.scatter.add.f32 [tilespmem:s19], [sflag:$0x2], $0x80, s28, s20, $0xb8;
	[tilespmem:$0x1CC00] =	vst v63  }
0x4f: {  	_ =	swait.ge [sflag:s21], $0x4000  }
0x50: {  	[sflag:s21] =	ssyncset.done $0x0  }
0x51: {  	[sflag:s21] =	ssyncadd.s32 $0xFFFFC000  }
0x52: {  	[tilespmem:s19], [sflag:$0x1] =	stream.linear.gather [hbm4b:s12+s3], $0x4000, $0x38;
	[tilespmem:$0x1CC00] =	vst v63  }
0x53: {  	_ =	swait.ge [sflag:s17], $0x4000  }
0x54: {  	[sflag:s17] =	ssyncset.done $0x0  }
0x55: {  	[sflag:s17] =	ssyncadd.s32 $0xFFFFC000  }
0x56: {  	[spmem:s1] =	stream.indirect.scatter.add.f32 [tilespmem:s18], [sflag:$0x2], $0x80, s22, s20, $0xb8;
	[tilespmem:$0x1CC00] =	vst v63  }
0x57: {  	_ =	swait.ge [sflag:s21], $0x4000  }
0x58: {  	[sflag:s21] =	ssyncset.done $0x0  }
0x59: {  	[sflag:s21] =	ssyncadd.s32 $0xFFFFC000  }
0x5a: {  	_ =	swait.ge [sflag:s17], $0x4000  }
0x5b: {  	[sflag:s17] =	ssyncset.done $0x0  }
0x5c: {  	[sflag:s17] =	ssyncadd.s32 $0xFFFFC000  }
0x5d: {  	[spmem:s1] =	stream.indirect.scatter.add.f32 [tilespmem:s19], [sflag:$0x2], $0x80, s23, s20, $0xb8;
	[tilespmem:$0x1CC00] =	vst v63  }
0x5e: {  	_ =	swait.ge [sflag:s21], $0x4000  }
0x5f: {  	s24 =	sadd.s32 $0x1, s24;
	[sflag:s21] =	ssyncset.done $0x0  }
0x60: {  	p0 =	sne.s32 s24, s9;
	[sflag:s21] =	ssyncadd.s32 $0xFFFFC000  }
.Ltmp1:
0x61: {  	[bflag:$0x0] =	sbarrier.arrive $0xFFFF;
	(pc) =	sbr.rel @p0 .LBB2_1-.Ltmp1, $4  }
0x62: {  	[hbm:s8], [sflag:s5] =	dma.local [spmem:s15], $0x2800  }
0x63: {  	_ =	swait.ge [sflag:s16], $0x2800  }
0x64: {  	[sflag:s16] =	ssyncset.done $0x0  }
0x65: {  	[sflag:s16] =	ssyncadd.s32 $0xFFFFD800  }
0x66: {  	_ =	sfence.sel $0x180000  }
0x67: {  	[bflag:$0x0] =	sbarrier.arrive $0xFFFF  }
0x68: {  	p0 =	sne.s32 s2, $0x0;
	_ =	strace $0x90000053  }
0x69: {  	s0 =	sadd.s32 @!p0 $0x100000, s0;
	[bflag:$0x2] =	sbarrier.arrive $0xFFFF  }
0x6a: {  	[sflag:s0] =	ssyncadd.tile.s32 @!p0 $0x1;
	_ =	shalt  }
.Lfunc_end2:
_tile_overlayer_lowered:
.L_overlay_start_2:
0x6b: {  	(tag) =	ssettag $0x2  }
0x6c: {  	s0 =	rddreg [dreg:$0x0];
	s2 =	stileid.u32  }
0x6d: {  	s1 =	rddreg [dreg:$0x1];
	p0 =	sne.s32 s2, $0x0  }
0x6e: {  	s3 =	rddreg [dreg:$0x2];
	[bflag:$0x3] =	sbarrier.arrive $0xFFFF;
	s2 =	simm.s32 @!p0 $0x1C03  }
0x6f: {  	[timem:s3], [sflag:s2] =	dma.local @!p0 [hbm:s0], s1  }
0x70: {  	s0 =	simm.s32 @!p0 $0x3  }
0x71: {  	_ =	swait.ge @!p0 [sflag:s0], s1  }
0x72: {  	s1 =	ssub.s32 @!p0 $0x0, s1;
	[sflag:s0] =	ssyncset.done @!p0 $0x0  }
0x73: {  	[sflag:s0] =	ssyncadd.s32 @!p0 s1  }
0x74: {  	[bflag:$0x3] =	sbarrier.arrive $0xFFFF  }
0x75: {  	_ =	shalt  }

// kernel: kernel.38.cloned.1.call-start
scs
__scs_entry_jumppad:
0x0: {  	(pc) =	sbr.rel $0x88, $3  }
0x1: {  	(tag) =	ssettag $0x0;
	lr =	simm.s32 $0x1  }
0x2: {  	[smem:$0x3F82] =	sst lr;
	_ =	strace $0xD0000000  }
0x3: {  	_ = 	snop  }
0x4: {  	_ = 	snop  }
0x5: {  	_ = 	snop  }
0x6: {  	_ = 	snop  }
0x7: {  	_ = 	snop  }
__scs_overlays_trampoline_lowered:
0x8: {  	[smem:$0x3F91] =	sst s0  }
0x9: {  	[smem:$0x3F92] =	sst s1  }
0xa: {  	[smem:$0x3F93] =	sst s2  }
0xb: {  	[smem:$0x3F94] =	sst s3  }
0xc: {  	[smem:$0x3F95] =	sst s4  }
0xd: {  	[smem:$0x3F96] =	sst s5  }
0xe: {  	[smem:$0x3F97] =	sst s6  }
0xf: {  	[smem:$0x3F98] =	sst s7  }
0x10: {  	[smem:$0x3F99] =	sst s8  }
0x11: {  	[smem:$0x3F9A] =	sst s9;
	s0 =	simm.s32 @!p0 $0x0  }
0x12: {  	s1 =	sld [smem:$0x3F80];
	s0 =	simm.s32 @p0 $0x1  }
0x13: {  	[smem:$0x3F9B] =	sst s0;
	s0 =	simm.s32 @!p1 $0x0  }
0x14: {  	s2 =	sld [smem:$0x3F7F];
	s0 =	simm.s32 @p1 $0x1  }
0x15: {  	[smem:$0x3F9C] =	sst s0;
	s0 =	simm.s32 @!p2 $0x0  }
0x16: {  	s3 =	sld [smem:$0x3FDB];
	s0 =	simm.s32 @p2 $0x1  }
0x17: {  	s4 =	simm.s32 $0x1BF5;
	[smem:$0x3F9E] =	sst s0  }
0x18: {  	s0 =	sld [smem:$0x3F81];
	_ =	swait.ge [sflag:s4], $0x0  }
0x19: {  	s7 =	sld [smem:$0x3F82]  }
0x1a: {  	s8 =	sadd.s32 $0xFFFFE003, lr  }
0x1b: {  	s9 =	sadd.s32 $0xFFFFFEF7, lr;
	s5 =	simm.s32 $0xFFFFFFFF;
	p2 =	slt.u32 s8, $0xFFFFF086  }
0x1c: {  	p1 =	slt.u32 s9, $0xF7A;
	s5 =	simm.s32 @!p2 $0x0  }
0x1d: {  	s5 =	simm.s32 @p1 $0x1;
	p0 =	seq.s32 s7, s2  }
0x1e: {  	s7 =	smul.u32 @!p0 $0xF7A, s2;
	p2 =	seq.s32 @!p0 s5, $0x0  }
0x1f: {  	s9 =	smul.u32 $0xF7A, s1;
	s8 =	simm.s32 @!p0 $0x1BF5;
	p2 =	por !p2, p0  }
0x20: {  	[sflag:s8] =	ssyncset.s32 @!p0 $0xFFFFF086;
	s6 =	sadd.s32 @!p0 s3, s7;
	s7 =	simm.s32 @!p0 $0x108  }
0x21: {  	s3 =	sadd.s32 s3, s9;
	s6 =	sadd.s32 @!p0 $0x88, s6;
	s7 =	simm.s32 @p2 $0x1082  }
0x22: {  	[simem:s7], [sflag:s8] =	dma.local @!p0 [hbm:s6], $0xF7A  }
0x23: {  	s9 =	sor.u32 $0xD0000000, s2;
	s6 =	simm.s32 $0x108;
	_ =	swait.ge @!p0 [sflag:s8], $0x0  }
0x24: {  	s3 =	sadd.s32 $0x88, s3;
	s6 =	simm.s32 @!p1 $0x1082;
	[sflag:s4] =	ssyncset.s32 $0xFFFFF086  }
0x25: {  	[simem:s6], [sflag:s4] =	dma.local [hbm:s3], $0xF7A  }
0x26: {  	[smem:$0x3F82] =	sst s1;
	(tag) =	ssettag s2;
	_ =	strace s9  }
0x27: {  	s1 =	sld [smem:$0x3F92]  }
0x28: {  	s2 =	sld [smem:$0x3F93]  }
0x29: {  	s4 =	sld [smem:$0x3F95]  }
0x2a: {  	p0 =	seq.s32 s5, $0x0;
	s5 =	sld [smem:$0x3F96]  }
0x2b: {  	s6 =	sld [smem:$0x3F97]  }
0x2c: {  	s7 =	sld [smem:$0x3F98]  }
0x2d: {  	s3 =	simm.s32 $0x108;
	s8 =	sld [smem:$0x3F99]  }
0x2e: {  	s3 =	simm.s32 @!p0 $0x1082;
	s9 =	sld [smem:$0x3F9A]  }
0x2f: {  	lr =	sadd.s32 s0, s3;
	s0 =	sld [smem:$0x3F91]  }
0x30: {  	s3 =	sld [smem:$0x3F94]  }
0x31: {  	[smem:$0x3F9D] =	sst s10  }
0x32: {  	s10 =	sld [smem:$0x3F9B];
	_ =	sdelay $0x3  }
0x33: {  	p0 =	seq.s32 s10, $0x1;
	s10 =	sld [smem:$0x3F9D];
	_ =	sdelay $0x3  }
0x34: {  	[smem:$0x3F9D] =	sst s10  }
0x35: {  	s10 =	sld [smem:$0x3F9C];
	_ =	sdelay $0x3  }
0x36: {  	p1 =	seq.s32 s10, $0x1;
	s10 =	sld [smem:$0x3F9D];
	_ =	sdelay $0x3  }
0x37: {  	[smem:$0x3F9D] =	sst s10  }
0x38: {  	s10 =	sld [smem:$0x3F9E]  }
0x39: {  	_ = 	snop;
	(pc) =	sbr.ind lr, $3  }
0x3a: {  	_ = 	snop  }
0x3b: {  	_ = 	snop  }
0x3c: {  	p2 =	seq.s32 s10, $0x1;
	s10 =	sld [smem:$0x3F9D]  }
0x3d: {  	_ =	shalt  }
0x3e: {  	_ =	shalt  }
0x3f: {  	_ =	shalt  }
0x40: {  	_ =	shalt  }
0x41: {  	_ =	shalt  }
0x42: {  	_ =	shalt  }
0x43: {  	_ =	shalt  }
0x44: {  	_ =	shalt  }
0x45: {  	_ =	shalt  }
0x46: {  	_ =	shalt  }
0x47: {  	_ =	shalt  }
0x48: {  	_ =	shalt  }
0x49: {  	_ =	shalt  }
0x4a: {  	_ =	shalt  }
0x4b: {  	_ =	shalt  }
0x4c: {  	_ =	shalt  }
0x4d: {  	_ =	shalt  }
0x4e: {  	_ =	shalt  }
0x4f: {  	_ =	shalt  }
0x50: {  	_ =	shalt  }
0x51: {  	_ =	shalt  }
0x52: {  	_ =	shalt  }
0x53: {  	_ =	shalt  }
0x54: {  	_ =	shalt  }
0x55: {  	_ =	shalt  }
0x56: {  	_ =	shalt  }
0x57: {  	_ =	shalt  }
0x58: {  	_ =	shalt  }
0x59: {  	_ =	shalt  }
0x5a: {  	_ =	shalt  }
0x5b: {  	_ =	shalt  }
0x5c: {  	_ =	shalt  }
0x5d: {  	_ =	shalt  }
0x5e: {  	_ =	shalt  }
0x5f: {  	_ =	shalt  }
0x60: {  	_ =	shalt  }
0x61: {  	_ =	shalt  }
0x62: {  	_ =	shalt  }
0x63: {  	_ =	shalt  }
0x64: {  	_ =	shalt  }
0x65: {  	_ =	shalt  }
0x66: {  	_ =	shalt  }
0x67: {  	_ =	shalt  }
0x68: {  	_ =	shalt  }
0x69: {  	_ =	shalt  }
0x6a: {  	_ =	shalt  }
0x6b: {  	_ =	shalt  }
0x6c: {  	_ =	shalt  }
0x6d: {  	_ =	shalt  }
0x6e: {  	_ =	shalt  }
0x6f: {  	_ =	shalt  }
0x70: {  	_ =	shalt  }
0x71: {  	_ =	shalt  }
0x72: {  	_ =	shalt  }
0x73: {  	_ =	shalt  }
0x74: {  	_ =	shalt  }
0x75: {  	_ =	shalt  }
0x76: {  	_ =	shalt  }
0x77: {  	_ =	shalt  }
0x78: {  	_ =	shalt  }
0x79: {  	_ =	shalt  }
0x7a: {  	_ =	shalt  }
0x7b: {  	_ =	shalt  }
0x7c: {  	_ =	shalt  }
0x7d: {  	_ =	shalt  }
0x7e: {  	_ =	shalt  }
0x7f: {  	_ =	shalt  }
0x80: {  	_ =	shalt  }
0x81: {  	_ =	shalt  }
0x82: {  	_ =	shalt  }
0x83: {  	_ =	shalt  }
0x84: {  	_ =	shalt  }
0x85: {  	_ =	shalt  }
0x86: {  	_ =	shalt  }
0x87: {  	_ =	shalt  }
.Lfunc_end0:
.L_simem_size_0:
called_computation.5_lowered:
.L_overlay_start_0:
0x88: {  	s2 =	sld [smem:$0x3FD9]  }
0x89: {  	s3 =	sld [smem:$0x3FFE];
	_ =	sdelay $0x1  }
0x8a: {  	s1 =	srdreg.scid  }
0x8b: {  	s0 =	sand.u32 $0x1, s1  }
0x8c: {  	s17 =	sshll.u32 s0, $0xA;
	s2 =	sadd.s32 s3, s2  }
0x8d: {  	s2 =	sadd.s32 s2, s17  }
0x8e: {  	[smem:$0x3FA9] =	sst s2  }
0x8f: {  	_ = 	snop  }
0x90: {  	s2 =	sld [smem:$0x3FD0];
	(tm) =	ssettm $0x1  }
0x91: {  	s18 =	sld [smem:$0x3FFB];
	_ =	sdelay $0x3  }
0x92: {  	_ =	strace s18  }
0x93: {  	s3 =	sld [smem:$0x3FFC];
	_ =	sdelay $0x3  }
0x94: {  	_ =	strace s3  }
0x95: {  	s3 =	sld [smem:$0x3FFD];
	_ =	sdelay $0x3  }
0x96: {  	_ =	strace s3  }
0x97: {  	_ =	strace $0x8FFFFFFF  }
0x98: {  	s19 =	sld [smem:$0x3FDB];
	_ =	sdelay $0x1  }
0x99: {  	s4 =	simm.s32 $_scs_section_size  }
0x9a: {  	s5 =	simm.s32 $_size__tile_overlayer_lowered;
	s6 =	simm.s32 $_tile_overlayer_lowered  }
0x9b: {  	s22 =	simm.s32 $0x1BFF;
	s21 =	sshll.u32 s6, $0x1;
	s3 =	sadd.s32 s4, s19  }
0x9c: {  	s7 =	simm.s32 $0x0;
	s20 =	sshll.u32 s5, $0x1;
	s5 =	sadd.s32 s21, s3  }
0x9d: {  	[timem:s7], [sflag:s22] =	dma.local [hbm:s5], s20  }
0x9e: {  	_ =	swait.ge [sflag:s22], s20  }
0x9f: {  	s4 =	ssub.s32 $0x0, s20;
	[sflag:s22] =	ssyncset.done $0x0  }
0xa0: {  	[sflag:s22] =	ssyncadd.s32 s4;
	_ =	sdelay $0x1  }
0xa1: {  	s23 =	simm.s32 $0x1B8B  }
0xa2: {  	_ =	swait.ge [sflag:s23], $0x1  }
0xa3: {  	[sflag:s23] =	ssyncset.done $0x0  }
0xa4: {  	s25 =	simm.s32 $0x1B8E;
	s24 =	sld [smem:$0x3FFE];
	[sflag:s23] =	ssyncadd.s32 $0xFFFFFFFF  }
0xa5: {  	s26 =	simm.s32 $execute0_lowered;
	[smem:$0x3FD2] =	sst s25  }
0xa6: {  	s5 =	sshll.u32 s26, $0x1;
	_ =	strace $0x80000055;
	[dreg:$0x1] =	wrdreg $0xFFFFFFFF  }
0xa7: {  	s28 =	simm.s32 $_size_execute0_lowered;
	s3 =	sadd.s32 s3, s5;
	[dreg:$0x0] =	wrdreg $0x0  }
0xa8: {  	s5 =	sshll.u32 s28, $0x1;
	[dreg:$0x2] =	wrdreg s3  }
0xa9: {  	[dreg:$0x3] =	wrdreg s5  }
0xaa: {  	[dreg:$0x4] =	wrdreg $0xC0  }
0xab: {  	_ =	task [dreg:s7], $0x5FFFF  }
0xac: {  	[dreg:$0x1] =	wrdreg $0xFFFFFFFF  }
0xad: {  	[dreg:$0x0] =	wrdreg $0x60  }
0xae: {  	[dreg:$0x2] =	wrdreg s24  }
0xaf: {  	[dreg:$0x3] =	wrdreg s2  }
0xb0: {  	[dreg:$0x4] =	wrdreg $0x8C000  }
0xb1: {  	[dreg:$0x5] =	wrdreg $0x9  }
0xb2: {  	_ =	task.clear_ibuf [dreg:s7], $0x6FFFF;
	_ =	strace $0x90000055  }
0xb3: {  	s29 =	simm.s32 $0x9;
	_ =	strace $0x80000057  }
0xb4: {  	_ =	swait.ge [sflag:s29], $0x1  }
0xb5: {  	[sflag:s29] =	ssyncadd.s32 $0xFFFFFFFF  }
0xb6: {  	_ =	strace $0x90000057  }
0xb7: {  	_ =	sfence  }
0xb8: {  	s30 =	sld [smem:$0x0];
	_ =	sdelay $0x2  }
0xb9: {  	s31 =	sshll.u32 s1, $0xD;
	s1 =	sshrl.u32 s1, $0x2  }
0xba: {  	s3 =	sand.u32 $0x4000, s31;
	s1 =	sadd.s32 s1, s30  }
0xbb: {  	s0 =	sor.u32 s3, s0;
	s1 =	sshll.u32 s1, $0x11  }
0xbc: {  	s0 =	sor.u32 s1, s0  }
0xbd: {  	s0 =	sadd.s32 $0x8F2B, s0  }
0xbe: {  	[sflag:s0] =	ssyncadd.remote.s32 $0x1  }
0xbf: {  	_ =	sfence.sel $0xFFFF  }
0xc0: {  	[dreg:$0x0] =	wrdreg $0xFFFFFFFF;
	(pc) =	sbr.abs _section_cstart, $3  }
0xc1: {  	[dreg:$0x1] =	wrdreg $0xFFFFFFFF  }
0xc2: {  	_ =	task.clear_ibuf [dreg:s7], $0x2FFFF;
	_ =	strace $0x9FFFFFFF  }
0xc3: {  	(tm) =	ssettm $0x7FFFFFFF  }
tec
execute0_lowered:
.L_overlay_start_1:
0x0: {  	(tag) =	ssettag $0x1  }
0x1: {  	s4 =	rddreg [dreg:$0x0]  }
0x2: {  	s6 =	rddreg [dreg:$0x1];
	s0 =	srdreg.scid  }
0x3: {  	s2 =	rddreg [dreg:$0x2];
	s1 =	stileid.u32  }
0x4: {  	s3 =	simm.s32 $0x0;
	s18 =	simm.s32 $0xC00;
	s19 =	simm.s32 $0x4C00  }
0x5: {  	s8 =	sand.u32 $0x1, s0;
	s0 =	rddreg [dreg:$0x3];
	s7 =	smul.u32 $0x14000, s1  }
0x6: {  	[smem:$0x7FF] =	sst s3;
	s14 =	sadd.s32 $0x1C8400, s4;
	s11 =	smul.u32 $0x50000, s1  }
0x7: {  	s25 =	sshll.u32 s1, $0x6;
	s5 =	smul.u32 $0x140000, s8;
	_ =	strace $0x80000056  }
0x8: {  	s20 =	sshll.u32 s8, $0x4;
	s21 =	ssub.s32 $0x2, s8;
	s29 =	smul.u32 $0x500000, s8  }
0x9: {  	s22 =	sor.u32 s1, s20;
	s23 =	sshrl.u32 s21, $0x1;
	s10 =	sshrl.u32 s11, $0x2  }
0xa: {  	s20 =	simm.s32 $0x80;
	s5 =	sadd.s32 s7, s5;
	s12 =	smul.u32 $0x180, s22  }
0xb: {  	s13 =	ssub.s32 s21, s23;
	s15 =	sadd.s32 s10, s2;
	s24 =	smul.u32 $0xA000, s22  }
0xc: {  	s16 =	smul.u32 $0x50000, s22;
	s21 =	simm.s32 $0x2;
	s22 =	simm.s32 $0x900  }
0xd: {  	s23 =	simm.s32 $0x980;
	s5 =	sshrl.u32 s5, $0x3;
	s15 =	sshrl.u32 s15, $0x3  }
0xe: {  	s9 =	sadd.s32 s5, s4;
	s5 =	sor.u32 $0x1C03, s25;
	s6 =	sadd.s32 s6, s12  }
0xf: {  	s7 =	sadd.s32 s14, s24;
	s26 =	sor.u32 $0x8000, s16;
	s28 =	sshrl.u32 s16, $0x3  }
0x10: {  	s16 =	sadd.s32 s11, s29;
	s24 =	simm.s32 $0x0;
	s4 =	sadd.s32 $0xD5400, s9  }
0x11: {  	s8 =	sadd.s32 $0xD400, s9;
	s9 =	smax.u32 s13, $0x1;
	s30 =	sadd.s32 s14, s28  }
0x12: {  	s12 =	sshrl.u32 s26, $0x3;
	s17 =	sadd.s32 $0x10000, s16;
	s16 =	sor.u32 $0xC000, s16  }
0x13: {  	s10 =	sadd.s32 $0x800, s30;
	s11 =	sadd.s32 s14, s12;
	s12 =	sadd.s32 $0x9800, s30  }
0x14: {  	s31 =	sshrl.u32 s17, $0x3;
	s16 =	sshrl.u32 s16, $0x3;
	s17 =	simm.s32 $0x1  }
0x15: {  	s13 =	sadd.s32 s31, s14;
	s14 =	sadd.s32 s16, s14;
	s16 =	simm.s32 $0x3  }
.LBB2_1:
0x16: {  	[spmem:s15], [sflag:s5] =	dma.local [hbm:s4], $0x2800  }
0x17: {  	_ =	swait.ge [sflag:s16], $0x2800  }
0x18: {  	[sflag:s16] =	ssyncset.done $0x0  }
0x19: {  	[sflag:s16] =	ssyncadd.s32 $0xFFFFD800  }
0x1a: {  	[tilespmem:s3], [sflag:$0x1] =	stream.linear.gather [hbm4b:s6+s3], $0xA00, $0x38;
	[tilespmem:$0x1CC00] =	vst v63  }
0x1b: {  	_ =	swait.ge [sflag:s17], $0xA00  }
0x1c: {  	[sflag:s17] =	ssyncset.done $0x0  }
0x1d: {  	[sflag:s17] =	ssyncadd.s32 $0xFFFFF600  }
0x1e: {  	[bflag:$0x0] =	sbarrier.arrive $0xFFFF  }
0x1f: {  	[tilespmem:s18], [sflag:$0x1] =	stream.linear.gather [hbm4b:s7+s3], $0x4000, $0x38;
	[tilespmem:$0x1CC00] =	vst v63  }
0x20: {  	_ = 	snop  }
0x21: {  	[tilespmem:s19], [sflag:$0x1] =	stream.linear.gather [hbm4b:s10+s3], $0x4000, $0x38;
	[tilespmem:$0x1CC00] =	vst v63  }
0x22: {  	_ =	swait.ge [sflag:s17], $0x4000  }
0x23: {  	[sflag:s17] =	ssyncset.done $0x0  }
0x24: {  	[sflag:s17] =	ssyncadd.s32 $0xFFFFC000  }
0x25: {  	[spmem:s2] =	stream.indirect.scatter.add.f32 [tilespmem:s18], [sflag:$0x2], $0x80, s3, s20, $0xb8;
	[tilespmem:$0x1CC00] =	vst v63  }
0x26: {  	_ =	swait.ge [sflag:s21], $0x4000  }
0x27: {  	[sflag:s21] =	ssyncset.done $0x0  }
0x28: {  	[sflag:s21] =	ssyncadd.s32 $0xFFFFC000  }
0x29: {  	[tilespmem:s18], [sflag:$0x1] =	stream.linear.gather [hbm4b:s11+s3], $0x4000, $0x38;
	[tilespmem:$0x1CC00] =	vst v63  }
0x2a: {  	_ =	swait.ge [sflag:s17], $0x4000  }
0x2b: {  	[sflag:s17] =	ssyncset.done $0x0  }
0x2c: {  	[sflag:s17] =	ssyncadd.s32 $0xFFFFC000  }
0x2d: {  	[spmem:s2] =	stream.indirect.scatter.add.f32 [tilespmem:s19], [sflag:$0x2], $0x80, s20, s20, $0xb8;
	[tilespmem:$0x1CC00] =	vst v63  }
0x2e: {  	_ =	swait.ge [sflag:s21], $0x4000  }
0x2f: {  	[sflag:s21] =	ssyncset.done $0x0  }
0x30: {  	s25 =	sadd.s32 $0x0, s14;
	[sflag:s21] =	ssyncadd.s32 $0xFFFFC000  }
0x31: {  	[tilespmem:s19], [sflag:$0x1] =	stream.linear.gather [hbm4b:s25+s3], $0x4000, $0x38;
	[tilespmem:$0x1CC00] =	vst v63  }
0x32: {  	_ =	swait.ge [sflag:s17], $0x4000  }
0x33: {  	[sflag:s17] =	ssyncset.done $0x0  }
0x34: {  	s30 =	simm.s32 $0x100;
	[sflag:s17] =	ssyncadd.s32 $0xFFFFC000  }
0x35: {  	[spmem:s2] =	stream.indirect.scatter.add.f32 [tilespmem:s18], [sflag:$0x2], $0x80, s30, s20, $0xb8;
	[tilespmem:$0x1CC00] =	vst v63  }
0x36: {  	_ =	swait.ge [sflag:s21], $0x4000  }
0x37: {  	[sflag:s21] =	ssyncset.done $0x0  }
0x38: {  	s31 =	sadd.s32 $0x0, s13;
	[sflag:s21] =	ssyncadd.s32 $0xFFFFC000  }
0x39: {  	[tilespmem:s18], [sflag:$0x1] =	stream.linear.gather [hbm4b:s31+s3], $0x4000, $0x38;
	[tilespmem:$0x1CC00] =	vst v63  }
0x3a: {  	_ =	swait.ge [sflag:s17], $0x4000  }
0x3b: {  	s28 =	simm.s32 $0x180;
	[sflag:s17] =	ssyncset.done $0x0  }
0x3c: {  	s26 =	simm.s32 $0x200;
	s25 =	simm.s32 $0x1000;
	[sflag:s17] =	ssyncadd.s32 $0xFFFFC000  }
.LBB2_2:
0x3d: {  	[spmem:s2] =	stream.indirect.scatter.add.f32 [tilespmem:s19], [sflag:$0x2], $0x80, s28, s20, $0xb8;
	[tilespmem:$0x1CC00] =	vst v63  }
0x3e: {  	s28 =	smov.u32 s25  }
0x3f: {  	p0 =	sne.s32 s25, $0x7000;
	s25 =	sadd.s32 $0x1000, s25;
	_ =	swait.ge [sflag:s21], $0x4000  }
0x40: {  	[sflag:s21] =	ssyncset.done $0x0  }
0x41: {  	s29 =	sadd.s32 s28, s14;
	[sflag:s21] =	ssyncadd.s32 $0xFFFFC000  }
0x42: {  	[tilespmem:s19], [sflag:$0x1] =	stream.linear.gather [hbm4b:s29+s3], $0x4000, $0x38;
	[tilespmem:$0x1CC00] =	vst v63  }
0x43: {  	_ =	swait.ge [sflag:s17], $0x4000  }
0x44: {  	[sflag:s17] =	ssyncset.done $0x0  }
0x45: {  	[sflag:s17] =	ssyncadd.s32 $0xFFFFC000  }
0x46: {  	[spmem:s2] =	stream.indirect.scatter.add.f32 [tilespmem:s18], [sflag:$0x2], $0x80, s26, s20, $0xb8;
	[tilespmem:$0x1CC00] =	vst v63  }
0x47: {  	_ =	swait.ge [sflag:s21], $0x4000  }
0x48: {  	[sflag:s21] =	ssyncset.done $0x0  }
.Ltmp0:
0x49: {  	s28 =	sadd.s32 s28, s13;
	[sflag:s21] =	ssyncadd.s32 $0xFFFFC000;
	(pc) =	sbr.rel @p0 .LBB2_2-.Ltmp0, $4  }
0x4a: {  	[tilespmem:s18], [sflag:$0x1] =	stream.linear.gather [hbm4b:s28+s3], $0x4000, $0x38;
	[tilespmem:$0x1CC00] =	vst v63  }
0x4b: {  	_ =	swait.ge [sflag:s17], $0x4000  }
0x4c: {  	[sflag:s17] =	ssyncset.done $0x0  }
0x4d: {  	s28 =	sadd.s32 $0x80, s26;
	s26 =	sadd.s32 $0x100, s26;
	[sflag:s17] =	ssyncadd.s32 $0xFFFFC000  }
0x4e: {  	[spmem:s2] =	stream.indirect.scatter.add.f32 [tilespmem:s19], [sflag:$0x2], $0x80, s28, s20, $0xb8;
	[tilespmem:$0x1CC00] =	vst v63  }
0x4f: {  	_ =	swait.ge [sflag:s21], $0x4000  }
0x50: {  	[sflag:s21] =	ssyncset.done $0x0  }
0x51: {  	[sflag:s21] =	ssyncadd.s32 $0xFFFFC000  }
0x52: {  	[tilespmem:s19], [sflag:$0x1] =	stream.linear.gather [hbm4b:s12+s3], $0x4000, $0x38;
	[tilespmem:$0x1CC00] =	vst v63  }
0x53: {  	_ =	swait.ge [sflag:s17], $0x4000  }
0x54: {  	[sflag:s17] =	ssyncset.done $0x0  }
0x55: {  	[sflag:s17] =	ssyncadd.s32 $0xFFFFC000  }
0x56: {  	[spmem:s2] =	stream.indirect.scatter.add.f32 [tilespmem:s18], [sflag:$0x2], $0x80, s22, s20, $0xb8;
	[tilespmem:$0x1CC00] =	vst v63  }
0x57: {  	_ =	swait.ge [sflag:s21], $0x4000  }
0x58: {  	[sflag:s21] =	ssyncset.done $0x0  }
0x59: {  	[sflag:s21] =	ssyncadd.s32 $0xFFFFC000  }
0x5a: {  	_ =	swait.ge [sflag:s17], $0x4000  }
0x5b: {  	[sflag:s17] =	ssyncset.done $0x0  }
0x5c: {  	[sflag:s17] =	ssyncadd.s32 $0xFFFFC000  }
0x5d: {  	[spmem:s2] =	stream.indirect.scatter.add.f32 [tilespmem:s19], [sflag:$0x2], $0x80, s23, s20, $0xb8;
	[tilespmem:$0x1CC00] =	vst v63  }
0x5e: {  	_ =	swait.ge [sflag:s21], $0x4000  }
0x5f: {  	s24 =	sadd.s32 $0x1, s24;
	[sflag:s21] =	ssyncset.done $0x0  }
0x60: {  	p0 =	sne.s32 s24, s9;
	[sflag:s21] =	ssyncadd.s32 $0xFFFFC000  }
.Ltmp1:
0x61: {  	[bflag:$0x0] =	sbarrier.arrive $0xFFFF;
	(pc) =	sbr.rel @p0 .LBB2_1-.Ltmp1, $4  }
0x62: {  	[hbm:s8], [sflag:s5] =	dma.local [spmem:s15], $0x2800  }
0x63: {  	_ =	swait.ge [sflag:s16], $0x2800  }
0x64: {  	[sflag:s16] =	ssyncset.done $0x0  }
0x65: {  	[sflag:s16] =	ssyncadd.s32 $0xFFFFD800  }
0x66: {  	_ =	sfence.sel $0x180000  }
0x67: {  	[bflag:$0x0] =	sbarrier.arrive $0xFFFF  }
0x68: {  	p0 =	sne.s32 s1, $0x0;
	_ =	strace $0x90000056  }
0x69: {  	s0 =	sadd.s32 @!p0 $0x100000, s0;
	[bflag:$0x2] =	sbarrier.arrive $0xFFFF  }
0x6a: {  	[sflag:s0] =	ssyncadd.tile.s32 @!p0 $0x1;
	_ =	shalt  }
.Lfunc_end2:
_tile_overlayer_lowered:
.L_overlay_start_2:
0x6b: {  	(tag) =	ssettag $0x2  }
0x6c: {  	s0 =	rddreg [dreg:$0x0];
	s2 =	stileid.u32  }
0x6d: {  	s1 =	rddreg [dreg:$0x1];
	p0 =	sne.s32 s2, $0x0  }
0x6e: {  	s3 =	rddreg [dreg:$0x2];
	[bflag:$0x3] =	sbarrier.arrive $0xFFFF;
	s2 =	simm.s32 @!p0 $0x1C03  }
0x6f: {  	[timem:s3], [sflag:s2] =	dma.local @!p0 [hbm:s0], s1  }
0x70: {  	s0 =	simm.s32 @!p0 $0x3  }
0x71: {  	_ =	swait.ge @!p0 [sflag:s0], s1  }
0x72: {  	s1 =	ssub.s32 @!p0 $0x0, s1;
	[sflag:s0] =	ssyncset.done @!p0 $0x0  }
0x73: {  	[sflag:s0] =	ssyncadd.s32 @!p0 s1  }
0x74: {  	[bflag:$0x3] =	sbarrier.arrive $0xFFFF  }
0x75: {  	_ =	shalt  }

// kernel: kernel.41.cloned.1.call-start
scs
__scs_entry_jumppad:
0x0: {  	(pc) =	sbr.rel $0x88, $3  }
0x1: {  	(tag) =	ssettag $0x0;
	lr =	simm.s32 $0x1  }
0x2: {  	[smem:$0x3F82] =	sst lr;
	_ =	strace $0xD0000000  }
0x3: {  	_ = 	snop  }
0x4: {  	_ = 	snop  }
0x5: {  	_ = 	snop  }
0x6: {  	_ = 	snop  }
0x7: {  	_ = 	snop  }
__scs_overlays_trampoline_lowered:
0x8: {  	[smem:$0x3F91] =	sst s0  }
0x9: {  	[smem:$0x3F92] =	sst s1  }
0xa: {  	[smem:$0x3F93] =	sst s2  }
0xb: {  	[smem:$0x3F94] =	sst s3  }
0xc: {  	[smem:$0x3F95] =	sst s4  }
0xd: {  	[smem:$0x3F96] =	sst s5  }
0xe: {  	[smem:$0x3F97] =	sst s6  }
0xf: {  	[smem:$0x3F98] =	sst s7  }
0x10: {  	[smem:$0x3F99] =	sst s8  }
0x11: {  	[smem:$0x3F9A] =	sst s9;
	s0 =	simm.s32 @!p0 $0x0  }
0x12: {  	s1 =	sld [smem:$0x3F80];
	s0 =	simm.s32 @p0 $0x1  }
0x13: {  	[smem:$0x3F9B] =	sst s0;
	s0 =	simm.s32 @!p1 $0x0  }
0x14: {  	s2 =	sld [smem:$0x3F7F];
	s0 =	simm.s32 @p1 $0x1  }
0x15: {  	[smem:$0x3F9C] =	sst s0;
	s0 =	simm.s32 @!p2 $0x0  }
0x16: {  	s3 =	sld [smem:$0x3FDB];
	s0 =	simm.s32 @p2 $0x1  }
0x17: {  	s4 =	simm.s32 $0x1BF5;
	[smem:$0x3F9E] =	sst s0  }
0x18: {  	s0 =	sld [smem:$0x3F81];
	_ =	swait.ge [sflag:s4], $0x0  }
0x19: {  	s7 =	sld [smem:$0x3F82]  }
0x1a: {  	s8 =	sadd.s32 $0xFFFFE003, lr  }
0x1b: {  	s9 =	sadd.s32 $0xFFFFFEF7, lr;
	s5 =	simm.s32 $0xFFFFFFFF;
	p2 =	slt.u32 s8, $0xFFFFF086  }
0x1c: {  	p1 =	slt.u32 s9, $0xF7A;
	s5 =	simm.s32 @!p2 $0x0  }
0x1d: {  	s5 =	simm.s32 @p1 $0x1;
	p0 =	seq.s32 s7, s2  }
0x1e: {  	s7 =	smul.u32 @!p0 $0xF7A, s2;
	p2 =	seq.s32 @!p0 s5, $0x0  }
0x1f: {  	s9 =	smul.u32 $0xF7A, s1;
	s8 =	simm.s32 @!p0 $0x1BF5;
	p2 =	por !p2, p0  }
0x20: {  	[sflag:s8] =	ssyncset.s32 @!p0 $0xFFFFF086;
	s6 =	sadd.s32 @!p0 s3, s7;
	s7 =	simm.s32 @!p0 $0x108  }
0x21: {  	s3 =	sadd.s32 s3, s9;
	s6 =	sadd.s32 @!p0 $0x88, s6;
	s7 =	simm.s32 @p2 $0x1082  }
0x22: {  	[simem:s7], [sflag:s8] =	dma.local @!p0 [hbm:s6], $0xF7A  }
0x23: {  	s9 =	sor.u32 $0xD0000000, s2;
	s6 =	simm.s32 $0x108;
	_ =	swait.ge @!p0 [sflag:s8], $0x0  }
0x24: {  	s3 =	sadd.s32 $0x88, s3;
	s6 =	simm.s32 @!p1 $0x1082;
	[sflag:s4] =	ssyncset.s32 $0xFFFFF086  }
0x25: {  	[simem:s6], [sflag:s4] =	dma.local [hbm:s3], $0xF7A  }
0x26: {  	[smem:$0x3F82] =	sst s1;
	(tag) =	ssettag s2;
	_ =	strace s9  }
0x27: {  	s1 =	sld [smem:$0x3F92]  }
0x28: {  	s2 =	sld [smem:$0x3F93]  }
0x29: {  	s4 =	sld [smem:$0x3F95]  }
0x2a: {  	p0 =	seq.s32 s5, $0x0;
	s5 =	sld [smem:$0x3F96]  }
0x2b: {  	s6 =	sld [smem:$0x3F97]  }
0x2c: {  	s7 =	sld [smem:$0x3F98]  }
0x2d: {  	s3 =	simm.s32 $0x108;
	s8 =	sld [smem:$0x3F99]  }
0x2e: {  	s3 =	simm.s32 @!p0 $0x1082;
	s9 =	sld [smem:$0x3F9A]  }
0x2f: {  	lr =	sadd.s32 s0, s3;
	s0 =	sld [smem:$0x3F91]  }
0x30: {  	s3 =	sld [smem:$0x3F94]  }
0x31: {  	[smem:$0x3F9D] =	sst s10  }
0x32: {  	s10 =	sld [smem:$0x3F9B];
	_ =	sdelay $0x3  }
0x33: {  	p0 =	seq.s32 s10, $0x1;
	s10 =	sld [smem:$0x3F9D];
	_ =	sdelay $0x3  }
0x34: {  	[smem:$0x3F9D] =	sst s10  }
0x35: {  	s10 =	sld [smem:$0x3F9C];
	_ =	sdelay $0x3  }
0x36: {  	p1 =	seq.s32 s10, $0x1;
	s10 =	sld [smem:$0x3F9D];
	_ =	sdelay $0x3  }
0x37: {  	[smem:$0x3F9D] =	sst s10  }
0x38: {  	s10 =	sld [smem:$0x3F9E]  }
0x39: {  	_ = 	snop;
	(pc) =	sbr.ind lr, $3  }
0x3a: {  	_ = 	snop  }
0x3b: {  	_ = 	snop  }
0x3c: {  	p2 =	seq.s32 s10, $0x1;
	s10 =	sld [smem:$0x3F9D]  }
0x3d: {  	_ =	shalt  }
0x3e: {  	_ =	shalt  }
0x3f: {  	_ =	shalt  }
0x40: {  	_ =	shalt  }
0x41: {  	_ =	shalt  }
0x42: {  	_ =	shalt  }
0x43: {  	_ =	shalt  }
0x44: {  	_ =	shalt  }
0x45: {  	_ =	shalt  }
0x46: {  	_ =	shalt  }
0x47: {  	_ =	shalt  }
0x48: {  	_ =	shalt  }
0x49: {  	_ =	shalt  }
0x4a: {  	_ =	shalt  }
0x4b: {  	_ =	shalt  }
0x4c: {  	_ =	shalt  }
0x4d: {  	_ =	shalt  }
0x4e: {  	_ =	shalt  }
0x4f: {  	_ =	shalt  }
0x50: {  	_ =	shalt  }
0x51: {  	_ =	shalt  }
0x52: {  	_ =	shalt  }
0x53: {  	_ =	shalt  }
0x54: {  	_ =	shalt  }
0x55: {  	_ =	shalt  }
0x56: {  	_ =	shalt  }
0x57: {  	_ =	shalt  }
0x58: {  	_ =	shalt  }
0x59: {  	_ =	shalt  }
0x5a: {  	_ =	shalt  }
0x5b: {  	_ =	shalt  }
0x5c: {  	_ =	shalt  }
0x5d: {  	_ =	shalt  }
0x5e: {  	_ =	shalt  }
0x5f: {  	_ =	shalt  }
0x60: {  	_ =	shalt  }
0x61: {  	_ =	shalt  }
0x62: {  	_ =	shalt  }
0x63: {  	_ =	shalt  }
0x64: {  	_ =	shalt  }
0x65: {  	_ =	shalt  }
0x66: {  	_ =	shalt  }
0x67: {  	_ =	shalt  }
0x68: {  	_ =	shalt  }
0x69: {  	_ =	shalt  }
0x6a: {  	_ =	shalt  }
0x6b: {  	_ =	shalt  }
0x6c: {  	_ =	shalt  }
0x6d: {  	_ =	shalt  }
0x6e: {  	_ =	shalt  }
0x6f: {  	_ =	shalt  }
0x70: {  	_ =	shalt  }
0x71: {  	_ =	shalt  }
0x72: {  	_ =	shalt  }
0x73: {  	_ =	shalt  }
0x74: {  	_ =	shalt  }
0x75: {  	_ =	shalt  }
0x76: {  	_ =	shalt  }
0x77: {  	_ =	shalt  }
0x78: {  	_ =	shalt  }
0x79: {  	_ =	shalt  }
0x7a: {  	_ =	shalt  }
0x7b: {  	_ =	shalt  }
0x7c: {  	_ =	shalt  }
0x7d: {  	_ =	shalt  }
0x7e: {  	_ =	shalt  }
0x7f: {  	_ =	shalt  }
0x80: {  	_ =	shalt  }
0x81: {  	_ =	shalt  }
0x82: {  	_ =	shalt  }
0x83: {  	_ =	shalt  }
0x84: {  	_ =	shalt  }
0x85: {  	_ =	shalt  }
0x86: {  	_ =	shalt  }
0x87: {  	_ =	shalt  }
.Lfunc_end0:
.L_simem_size_0:
called_computation.6_lowered:
.L_overlay_start_0:
0x88: {  	s2 =	sld [smem:$0x3FD9]  }
0x89: {  	s3 =	sld [smem:$0x3FFE];
	_ =	sdelay $0x1  }
0x8a: {  	s1 =	srdreg.scid  }
0x8b: {  	s0 =	sand.u32 $0x1, s1  }
0x8c: {  	s16 =	sshll.u32 s0, $0xA;
	s2 =	sadd.s32 s3, s2  }
0x8d: {  	s2 =	sadd.s32 s2, s16  }
0x8e: {  	[smem:$0x3FA9] =	sst s2  }
0x8f: {  	_ = 	snop  }
0x90: {  	(tm) =	ssettm $0x1  }
0x91: {  	s17 =	sld [smem:$0x3FFB];
	_ =	sdelay $0x3  }
0x92: {  	_ =	strace s17  }
0x93: {  	s2 =	sld [smem:$0x3FFC];
	_ =	sdelay $0x3  }
0x94: {  	_ =	strace s2  }
0x95: {  	s2 =	sld [smem:$0x3FFD];
	_ =	sdelay $0x3  }
0x96: {  	_ =	strace s2  }
0x97: {  	_ =	strace $0x8FFFFFFF  }
0x98: {  	s18 =	sld [smem:$0x3FDB];
	_ =	sdelay $0x1  }
0x99: {  	s19 =	simm.s32 $_scs_section_size  }
0x9a: {  	s4 =	simm.s32 $_size__tile_overlayer_lowered;
	s5 =	simm.s32 $_tile_overlayer_lowered  }
0x9b: {  	s22 =	simm.s32 $0x1BFF;
	s21 =	sshll.u32 s5, $0x1;
	s2 =	sadd.s32 s19, s18  }
0x9c: {  	s6 =	simm.s32 $0x0;
	s20 =	sshll.u32 s4, $0x1;
	s4 =	sadd.s32 s21, s2  }
0x9d: {  	[timem:s6], [sflag:s22] =	dma.local [hbm:s4], s20  }
0x9e: {  	_ =	swait.ge [sflag:s22], s20  }
0x9f: {  	s3 =	ssub.s32 $0x0, s20;
	[sflag:s22] =	ssyncset.done $0x0  }
0xa0: {  	[sflag:s22] =	ssyncadd.s32 s3;
	_ =	sdelay $0x1  }
0xa1: {  	s23 =	simm.s32 $0x1B8B  }
0xa2: {  	_ =	swait.ge [sflag:s23], $0x1  }
0xa3: {  	[sflag:s23] =	ssyncset.done $0x0  }
0xa4: {  	s25 =	simm.s32 $0x1B8E;
	s24 =	sld [smem:$0x3FFE];
	[sflag:s23] =	ssyncadd.s32 $0xFFFFFFFF  }
0xa5: {  	s26 =	simm.s32 $execute0_lowered;
	[smem:$0x3FD2] =	sst s25  }
0xa6: {  	s4 =	sshll.u32 s26, $0x1;
	_ =	strace $0x80000058;
	[dreg:$0x1] =	wrdreg $0xFFFFFFFF  }
0xa7: {  	s28 =	simm.s32 $_size_execute0_lowered;
	s2 =	sadd.s32 s2, s4;
	[dreg:$0x0] =	wrdreg $0x0  }
0xa8: {  	s4 =	sshll.u32 s28, $0x1;
	[dreg:$0x2] =	wrdreg s2  }
0xa9: {  	[dreg:$0x3] =	wrdreg s4  }
0xaa: {  	[dreg:$0x4] =	wrdreg $0xC0  }
0xab: {  	_ =	task [dreg:s6], $0x5FFFF  }
0xac: {  	[dreg:$0x1] =	wrdreg $0xFFFFFFFF  }
0xad: {  	[dreg:$0x0] =	wrdreg $0x60  }
0xae: {  	[dreg:$0x2] =	wrdreg s24  }
0xaf: {  	[dreg:$0x3] =	wrdreg $0x8C000  }
0xb0: {  	[dreg:$0x4] =	wrdreg $0xB  }
0xb1: {  	_ =	task.clear_ibuf [dreg:s6], $0x5FFFF;
	_ =	strace $0x90000058  }
0xb2: {  	s29 =	simm.s32 $0xB;
	_ =	strace $0x8000005A  }
0xb3: {  	_ =	swait.ge [sflag:s29], $0x1  }
0xb4: {  	[sflag:s29] =	ssyncadd.s32 $0xFFFFFFFF  }
0xb5: {  	_ =	strace $0x9000005A  }
0xb6: {  	_ =	sfence  }
0xb7: {  	s30 =	sld [smem:$0x0];
	_ =	sdelay $0x2  }
0xb8: {  	s31 =	sshll.u32 s1, $0xD;
	s1 =	sshrl.u32 s1, $0x2  }
0xb9: {  	s3 =	sand.u32 $0x4000, s31;
	s1 =	sadd.s32 s1, s30  }
0xba: {  	s0 =	sor.u32 s3, s0;
	s1 =	sshll.u32 s1, $0x11  }
0xbb: {  	s0 =	sor.u32 s1, s0  }
0xbc: {  	s0 =	sadd.s32 $0x8F2B, s0  }
0xbd: {  	[sflag:s0] =	ssyncadd.remote.s32 $0x1  }
0xbe: {  	_ =	sfence.sel $0xFFFF  }
0xbf: {  	[dreg:$0x0] =	wrdreg $0xFFFFFFFF;
	(pc) =	sbr.abs _section_cstart, $3  }
0xc0: {  	[dreg:$0x1] =	wrdreg $0xFFFFFFFF  }
0xc1: {  	_ =	task.clear_ibuf [dreg:s6], $0x2FFFF;
	_ =	strace $0x9FFFFFFF  }
0xc2: {  	(tm) =	ssettm $0x7FFFFFFF  }
0xc3: {  	_ =	shalt  }
tec
execute0_lowered:
.L_overlay_start_1:
0x0: {  	(tag) =	ssettag $0x1  }
0x1: {  	s4 =	rddreg [dreg:$0x0]  }
0x2: {  	s0 =	srdreg.scid;
	s2 =	rddreg [dreg:$0x1]  }
0x3: {  	s1 =	stileid.u32;
	s3 =	simm.s32 $0x0;
	s16 =	simm.s32 $0x2  }
0x4: {  	s17 =	simm.s32 $0x80;
	s18 =	simm.s32 $0xC00;
	s19 =	simm.s32 $0x4C00  }
0x5: {  	s20 =	simm.s32 $0x3;
	s21 =	simm.s32 $0x100;
	s22 =	simm.s32 $0x980  }
0x6: {  	s5 =	sand.u32 $0x1, s0;
	s0 =	rddreg [dreg:$0x2];
	s7 =	smul.u32 $0x2800, s1  }
0x7: {  	s23 =	simm.s32 $0x0;
	[smem:$0x7FF] =	sst s3;
	s10 =	smul.u32 $0x50000, s1  }
0x8: {  	s13 =	sadd.s32 $0x1C8400, s4;
	s29 =	sshll.u32 s1, $0x6;
	s6 =	sshll.u32 s5, $0x4  }
0x9: {  	_ =	strace $0x80000059;
	s28 =	ssub.s32 $0x2, s5;
	s12 =	smul.u32 $0x500000, s5  }
0xa: {  	s5 =	sor.u32 $0x1C02, s29;
	s6 =	sor.u32 s1, s6;
	s7 =	sadd.s32 s7, s4  }
0xb: {  	s9 =	sshrl.u32 s28, $0x1;
	s11 =	sshrl.u32 s10, $0x2;
	s8 =	smul.u32 $0x180, s6  }
0xc: {  	s6 =	smul.u32 $0x50000, s6;
	s9 =	ssub.s32 s28, s9;
	s31 =	sadd.s32 s10, s12  }
0xd: {  	s14 =	sadd.s32 s11, s2;
	s12 =	sor.u32 $0x8000, s31;
	s15 =	sor.u32 $0xC000, s31  }
0xe: {  	s14 =	sshrl.u32 s14, $0x3;
	s8 =	sadd.s32 s8, s4;
	s4 =	sadd.s32 $0xD400, s7  }
0xf: {  	s30 =	sshrl.u32 s6, $0x3;
	s12 =	sshrl.u32 s12, $0x3;
	s15 =	sshrl.u32 s15, $0x3  }
0x10: {  	s6 =	sadd.s32 $0x1C5400, s8;
	s7 =	sadd.s32 s13, s30;
	s8 =	smax.u32 s9, $0x1  }
0x11: {  	s12 =	sadd.s32 s12, s13;
	s13 =	sadd.s32 s15, s13;
	s15 =	simm.s32 $0x1  }
0x12: {  	s9 =	sadd.s32 $0x800, s7;
	s10 =	sadd.s32 $0x9000, s7;
	s11 =	sadd.s32 $0x9800, s7  }
.LBB2_1:
0x13: {  	[spmem:s14], [sflag:s5] =	dma.local [hbm:s4], $0x2800  }
0x14: {  	[tilespmem:s3], [sflag:$0x1] =	stream.linear.gather [hbm4b:s6+s3], $0xA00, $0x38;
	[tilespmem:$0x1CC00] =	vst v63  }
0x15: {  	_ =	swait.ge [sflag:s15], $0xA00  }
0x16: {  	[sflag:s15] =	ssyncset.done $0x0  }
0x17: {  	[sflag:s15] =	ssyncadd.s32 $0xFFFFF600  }
0x18: {  	_ =	swait.ge [sflag:s16], $0x2800  }
0x19: {  	[sflag:s16] =	ssyncset.done $0x0  }
0x1a: {  	[sflag:s16] =	ssyncadd.s32 $0xFFFFD800  }
0x1b: {  	[bflag:$0x0] =	sbarrier.arrive $0xFFFF  }
0x1c: {  	[tilespmem:s18], [sflag:$0x1] =	stream.indirect.gather [spmem:s2], $0x80, s3, s17, $0xb8;
	[tilespmem:$0x1CC00] =	vst v63  }
0x1d: {  	_ = 	snop  }
0x1e: {  	[tilespmem:s19], [sflag:$0x1] =	stream.indirect.gather [spmem:s2], $0x80, s17, s17, $0xb8;
	[tilespmem:$0x1CC00] =	vst v63  }
0x1f: {  	_ =	swait.ge [sflag:s15], $0x4000  }
0x20: {  	[sflag:s15] =	ssyncset.done $0x0  }
0x21: {  	[sflag:s15] =	ssyncadd.s32 $0xFFFFC000  }
0x22: {  	[hbm4b:s7+s3] =	stream.linear.scatter [tilespmem:s18], [sflag:$0x3], $0x4000, $0x38;
	[tilespmem:$0x1CC00] =	vst v63  }
0x23: {  	_ =	swait.ge [sflag:s20], $0x4000  }
0x24: {  	[sflag:s20] =	ssyncset.done $0x0  }
0x25: {  	[sflag:s20] =	ssyncadd.s32 $0xFFFFC000  }
0x26: {  	[tilespmem:s18], [sflag:$0x1] =	stream.indirect.gather [spmem:s2], $0x80, s21, s17, $0xb8;
	[tilespmem:$0x1CC00] =	vst v63  }
0x27: {  	_ =	swait.ge [sflag:s15], $0x4000  }
0x28: {  	[sflag:s15] =	ssyncset.done $0x0  }
0x29: {  	[sflag:s15] =	ssyncadd.s32 $0xFFFFC000  }
0x2a: {  	[hbm4b:s9+s3] =	stream.linear.scatter [tilespmem:s19], [sflag:$0x3], $0x4000, $0x38;
	[tilespmem:$0x1CC00] =	vst v63  }
0x2b: {  	_ =	swait.ge [sflag:s20], $0x4000  }
0x2c: {  	[sflag:s20] =	ssyncset.done $0x0  }
0x2d: {  	s24 =	simm.s32 $0x180;
	[sflag:s20] =	ssyncadd.s32 $0xFFFFC000  }
0x2e: {  	[tilespmem:s19], [sflag:$0x1] =	stream.indirect.gather [spmem:s2], $0x80, s24, s17, $0xb8;
	[tilespmem:$0x1CC00] =	vst v63  }
0x2f: {  	_ =	swait.ge [sflag:s15], $0x4000  }
0x30: {  	[sflag:s15] =	ssyncset.done $0x0  }
0x31: {  	s30 =	sadd.s32 $0x0, s12;
	[sflag:s15] =	ssyncadd.s32 $0xFFFFC000  }
0x32: {  	[hbm4b:s30+s3] =	stream.linear.scatter [tilespmem:s18], [sflag:$0x3], $0x4000, $0x38;
	[tilespmem:$0x1CC00] =	vst v63  }
0x33: {  	_ =	swait.ge [sflag:s20], $0x4000  }
0x34: {  	[sflag:s20] =	ssyncset.done $0x0  }
0x35: {  	s31 =	simm.s32 $0x200;
	[sflag:s20] =	ssyncadd.s32 $0xFFFFC000  }
0x36: {  	[tilespmem:s18], [sflag:$0x1] =	stream.indirect.gather [spmem:s2], $0x80, s31, s17, $0xb8;
	[tilespmem:$0x1CC00] =	vst v63  }
0x37: {  	_ =	swait.ge [sflag:s15], $0x4000  }
0x38: {  	s26 =	sadd.s32 $0x0, s13;
	[sflag:s15] =	ssyncset.done $0x0  }
0x39: {  	s25 =	simm.s32 $0x300;
	s24 =	simm.s32 $0x1000;
	[sflag:s15] =	ssyncadd.s32 $0xFFFFC000  }
.LBB2_2:
0x3a: {  	[hbm4b:s26+s3] =	stream.linear.scatter [tilespmem:s19], [sflag:$0x3], $0x4000, $0x38;
	[tilespmem:$0x1CC00] =	vst v63  }
0x3b: {  	s26 =	smov.u32 s24  }
0x3c: {  	p0 =	sne.s32 s24, $0x7000;
	s24 =	sadd.s32 $0x1000, s24;
	_ =	swait.ge [sflag:s20], $0x4000  }
0x3d: {  	[sflag:s20] =	ssyncset.done $0x0  }
0x3e: {  	s28 =	sadd.s32 $0xFFFFFF80, s25;
	[sflag:s20] =	ssyncadd.s32 $0xFFFFC000  }
0x3f: {  	[tilespmem:s19], [sflag:$0x1] =	stream.indirect.gather [spmem:s2], $0x80, s28, s17, $0xb8;
	[tilespmem:$0x1CC00] =	vst v63  }
0x40: {  	_ =	swait.ge [sflag:s15], $0x4000  }
0x41: {  	[sflag:s15] =	ssyncset.done $0x0  }
0x42: {  	s28 =	sadd.s32 s26, s12;
	[sflag:s15] =	ssyncadd.s32 $0xFFFFC000  }
0x43: {  	[hbm4b:s28+s3] =	stream.linear.scatter [tilespmem:s18], [sflag:$0x3], $0x4000, $0x38;
	[tilespmem:$0x1CC00] =	vst v63  }
0x44: {  	_ =	swait.ge [sflag:s20], $0x4000  }
0x45: {  	[sflag:s20] =	ssyncset.done $0x0  }
.Ltmp0:
0x46: {  	[sflag:s20] =	ssyncadd.s32 $0xFFFFC000;
	(pc) =	sbr.rel @p0 .LBB2_2-.Ltmp0, $4  }
0x47: {  	[tilespmem:s18], [sflag:$0x1] =	stream.indirect.gather [spmem:s2], $0x80, s25, s17, $0xb8;
	[tilespmem:$0x1CC00] =	vst v63  }
0x48: {  	_ =	swait.ge [sflag:s15], $0x4000  }
0x49: {  	[sflag:s15] =	ssyncset.done $0x0  }
0x4a: {  	s26 =	sadd.s32 s26, s13;
	s25 =	sadd.s32 $0x100, s25;
	[sflag:s15] =	ssyncadd.s32 $0xFFFFC000  }
0x4b: {  	[hbm4b:s26+s3] =	stream.linear.scatter [tilespmem:s19], [sflag:$0x3], $0x4000, $0x38;
	[tilespmem:$0x1CC00] =	vst v63  }
0x4c: {  	_ =	swait.ge [sflag:s20], $0x4000  }
0x4d: {  	[sflag:s20] =	ssyncset.done $0x0  }
0x4e: {  	[sflag:s20] =	ssyncadd.s32 $0xFFFFC000  }
0x4f: {  	[tilespmem:s19], [sflag:$0x1] =	stream.indirect.gather [spmem:s2], $0x80, s22, s17, $0xb8;
	[tilespmem:$0x1CC00] =	vst v63  }
0x50: {  	_ =	swait.ge [sflag:s15], $0x4000  }
0x51: {  	[sflag:s15] =	ssyncset.done $0x0  }
0x52: {  	[sflag:s15] =	ssyncadd.s32 $0xFFFFC000  }
0x53: {  	[hbm4b:s10+s3] =	stream.linear.scatter [tilespmem:s18], [sflag:$0x3], $0x4000, $0x38;
	[tilespmem:$0x1CC00] =	vst v63  }
0x54: {  	_ =	swait.ge [sflag:s20], $0x4000  }
0x55: {  	[sflag:s20] =	ssyncset.done $0x0  }
0x56: {  	[sflag:s20] =	ssyncadd.s32 $0xFFFFC000  }
0x57: {  	s23 =	sadd.s32 $0x1, s23;
	_ =	swait.ge [sflag:s15], $0x4000  }
0x58: {  	p0 =	sne.s32 s23, s8;
	[sflag:s15] =	ssyncset.done $0x0  }
.Ltmp1:
0x59: {  	[sflag:s15] =	ssyncadd.s32 $0xFFFFC000;
	(pc) =	sbr.rel @p0 .LBB2_1-.Ltmp1, $4  }
0x5a: {  	[hbm4b:s11+s3] =	stream.linear.scatter [tilespmem:s19], [sflag:$0x3], $0x4000, $0x38;
	[tilespmem:$0x1CC00] =	vst v63  }
0x5b: {  	_ =	swait.ge [sflag:s20], $0x4000  }
0x5c: {  	[sflag:s20] =	ssyncset.done $0x0  }
0x5d: {  	[sflag:s20] =	ssyncadd.s32 $0xFFFFC000  }
0x5e: {  	_ =	sfence.sel $0x180000  }
0x5f: {  	[bflag:$0x0] =	sbarrier.arrive $0xFFFF  }
0x60: {  	p0 =	sne.s32 s1, $0x0;
	_ =	strace $0x90000059  }
0x61: {  	s0 =	sadd.s32 @!p0 $0x100000, s0;
	[bflag:$0x2] =	sbarrier.arrive $0xFFFF  }
0x62: {  	[sflag:s0] =	ssyncadd.tile.s32 @!p0 $0x1;
	_ =	shalt  }
.Lfunc_end2:
_tile_overlayer_lowered:
.L_overlay_start_2:
0x63: {  	(tag) =	ssettag $0x2  }
0x64: {  	s0 =	rddreg [dreg:$0x0];
	s2 =	stileid.u32  }
0x65: {  	s1 =	rddreg [dreg:$0x1];
	p0 =	sne.s32 s2, $0x0  }
0x66: {  	s3 =	rddreg [dreg:$0x2];
	[bflag:$0x3] =	sbarrier.arrive $0xFFFF;
	s2 =	simm.s32 @!p0 $0x1C04  }
0x67: {  	[timem:s3], [sflag:s2] =	dma.local @!p0 [hbm:s0], s1  }
0x68: {  	s0 =	simm.s32 @!p0 $0x4  }
0x69: {  	_ =	swait.ge @!p0 [sflag:s0], s1  }
0x6a: {  	s1 =	ssub.s32 @!p0 $0x0, s1;
	[sflag:s0] =	ssyncset.done @!p0 $0x0  }
0x6b: {  	[sflag:s0] =	ssyncadd.s32 @!p0 s1  }
0x6c: {  	[bflag:$0x3] =	sbarrier.arrive $0xFFFF  }
0x6d: {  	_ =	shalt  }

// kernel: kernel.44.cloned.1.call-start
scs
__scs_entry_jumppad:
0x0: {  	(pc) =	sbr.rel $0x88, $3  }
0x1: {  	(tag) =	ssettag $0x0;
	lr =	simm.s32 $0x1  }
0x2: {  	[smem:$0x3F82] =	sst lr;
	_ =	strace $0xD0000000  }
0x3: {  	_ = 	snop  }
0x4: {  	_ = 	snop  }
0x5: {  	_ = 	snop  }
0x6: {  	_ = 	snop  }
0x7: {  	_ = 	snop  }
__scs_overlays_trampoline_lowered:
0x8: {  	[smem:$0x3F91] =	sst s0  }
0x9: {  	[smem:$0x3F92] =	sst s1  }
0xa: {  	[smem:$0x3F93] =	sst s2  }
0xb: {  	[smem:$0x3F94] =	sst s3  }
0xc: {  	[smem:$0x3F95] =	sst s4  }
0xd: {  	[smem:$0x3F96] =	sst s5  }
0xe: {  	[smem:$0x3F97] =	sst s6  }
0xf: {  	[smem:$0x3F98] =	sst s7  }
0x10: {  	[smem:$0x3F99] =	sst s8  }
0x11: {  	[smem:$0x3F9A] =	sst s9;
	s0 =	simm.s32 @!p0 $0x0  }
0x12: {  	s1 =	sld [smem:$0x3F80];
	s0 =	simm.s32 @p0 $0x1  }
0x13: {  	[smem:$0x3F9B] =	sst s0;
	s0 =	simm.s32 @!p1 $0x0  }
0x14: {  	s2 =	sld [smem:$0x3F7F];
	s0 =	simm.s32 @p1 $0x1  }
0x15: {  	[smem:$0x3F9C] =	sst s0;
	s0 =	simm.s32 @!p2 $0x0  }
0x16: {  	s3 =	sld [smem:$0x3FDB];
	s0 =	simm.s32 @p2 $0x1  }
0x17: {  	s4 =	simm.s32 $0x1BF5;
	[smem:$0x3F9E] =	sst s0  }
0x18: {  	s0 =	sld [smem:$0x3F81];
	_ =	swait.ge [sflag:s4], $0x0  }
0x19: {  	s7 =	sld [smem:$0x3F82]  }
0x1a: {  	s8 =	sadd.s32 $0xFFFFE003, lr  }
0x1b: {  	s9 =	sadd.s32 $0xFFFFFEF7, lr;
	s5 =	simm.s32 $0xFFFFFFFF;
	p2 =	slt.u32 s8, $0xFFFFF086  }
0x1c: {  	p1 =	slt.u32 s9, $0xF7A;
	s5 =	simm.s32 @!p2 $0x0  }
0x1d: {  	s5 =	simm.s32 @p1 $0x1;
	p0 =	seq.s32 s7, s2  }
0x1e: {  	s7 =	smul.u32 @!p0 $0xF7A, s2;
	p2 =	seq.s32 @!p0 s5, $0x0  }
0x1f: {  	s9 =	smul.u32 $0xF7A, s1;
	s8 =	simm.s32 @!p0 $0x1BF5;
	p2 =	por !p2, p0  }
0x20: {  	[sflag:s8] =	ssyncset.s32 @!p0 $0xFFFFF086;
	s6 =	sadd.s32 @!p0 s3, s7;
	s7 =	simm.s32 @!p0 $0x108  }
0x21: {  	s3 =	sadd.s32 s3, s9;
	s6 =	sadd.s32 @!p0 $0x88, s6;
	s7 =	simm.s32 @p2 $0x1082  }
0x22: {  	[simem:s7], [sflag:s8] =	dma.local @!p0 [hbm:s6], $0xF7A  }
0x23: {  	s9 =	sor.u32 $0xD0000000, s2;
	s6 =	simm.s32 $0x108;
	_ =	swait.ge @!p0 [sflag:s8], $0x0  }
0x24: {  	s3 =	sadd.s32 $0x88, s3;
	s6 =	simm.s32 @!p1 $0x1082;
	[sflag:s4] =	ssyncset.s32 $0xFFFFF086  }
0x25: {  	[simem:s6], [sflag:s4] =	dma.local [hbm:s3], $0xF7A  }
0x26: {  	[smem:$0x3F82] =	sst s1;
	(tag) =	ssettag s2;
	_ =	strace s9  }
0x27: {  	s1 =	sld [smem:$0x3F92]  }
0x28: {  	s2 =	sld [smem:$0x3F93]  }
0x29: {  	s4 =	sld [smem:$0x3F95]  }
0x2a: {  	p0 =	seq.s32 s5, $0x0;
	s5 =	sld [smem:$0x3F96]  }
0x2b: {  	s6 =	sld [smem:$0x3F97]  }
0x2c: {  	s7 =	sld [smem:$0x3F98]  }
0x2d: {  	s3 =	simm.s32 $0x108;
	s8 =	sld [smem:$0x3F99]  }
0x2e: {  	s3 =	simm.s32 @!p0 $0x1082;
	s9 =	sld [smem:$0x3F9A]  }
0x2f: {  	lr =	sadd.s32 s0, s3;
	s0 =	sld [smem:$0x3F91]  }
0x30: {  	s3 =	sld [smem:$0x3F94]  }
0x31: {  	[smem:$0x3F9D] =	sst s10  }
0x32: {  	s10 =	sld [smem:$0x3F9B];
	_ =	sdelay $0x3  }
0x33: {  	p0 =	seq.s32 s10, $0x1;
	s10 =	sld [smem:$0x3F9D];
	_ =	sdelay $0x3  }
0x34: {  	[smem:$0x3F9D] =	sst s10  }
0x35: {  	s10 =	sld [smem:$0x3F9C];
	_ =	sdelay $0x3  }
0x36: {  	p1 =	seq.s32 s10, $0x1;
	s10 =	sld [smem:$0x3F9D];
	_ =	sdelay $0x3  }
0x37: {  	[smem:$0x3F9D] =	sst s10  }
0x38: {  	s10 =	sld [smem:$0x3F9E]  }
0x39: {  	_ = 	snop;
	(pc) =	sbr.ind lr, $3  }
0x3a: {  	_ = 	snop  }
0x3b: {  	_ = 	snop  }
0x3c: {  	p2 =	seq.s32 s10, $0x1;
	s10 =	sld [smem:$0x3F9D]  }
0x3d: {  	_ =	shalt  }
0x3e: {  	_ =	shalt  }
0x3f: {  	_ =	shalt  }
0x40: {  	_ =	shalt  }
0x41: {  	_ =	shalt  }
0x42: {  	_ =	shalt  }
0x43: {  	_ =	shalt  }
0x44: {  	_ =	shalt  }
0x45: {  	_ =	shalt  }
0x46: {  	_ =	shalt  }
0x47: {  	_ =	shalt  }
0x48: {  	_ =	shalt  }
0x49: {  	_ =	shalt  }
0x4a: {  	_ =	shalt  }
0x4b: {  	_ =	shalt  }
0x4c: {  	_ =	shalt  }
0x4d: {  	_ =	shalt  }
0x4e: {  	_ =	shalt  }
0x4f: {  	_ =	shalt  }
0x50: {  	_ =	shalt  }
0x51: {  	_ =	shalt  }
0x52: {  	_ =	shalt  }
0x53: {  	_ =	shalt  }
0x54: {  	_ =	shalt  }
0x55: {  	_ =	shalt  }
0x56: {  	_ =	shalt  }
0x57: {  	_ =	shalt  }
0x58: {  	_ =	shalt  }
0x59: {  	_ =	shalt  }
0x5a: {  	_ =	shalt  }
0x5b: {  	_ =	shalt  }
0x5c: {  	_ =	shalt  }
0x5d: {  	_ =	shalt  }
0x5e: {  	_ =	shalt  }
0x5f: {  	_ =	shalt  }
0x60: {  	_ =	shalt  }
0x61: {  	_ =	shalt  }
0x62: {  	_ =	shalt  }
0x63: {  	_ =	shalt  }
0x64: {  	_ =	shalt  }
0x65: {  	_ =	shalt  }
0x66: {  	_ =	shalt  }
0x67: {  	_ =	shalt  }
0x68: {  	_ =	shalt  }
0x69: {  	_ =	shalt  }
0x6a: {  	_ =	shalt  }
0x6b: {  	_ =	shalt  }
0x6c: {  	_ =	shalt  }
0x6d: {  	_ =	shalt  }
0x6e: {  	_ =	shalt  }
0x6f: {  	_ =	shalt  }
0x70: {  	_ =	shalt  }
0x71: {  	_ =	shalt  }
0x72: {  	_ =	shalt  }
0x73: {  	_ =	shalt  }
0x74: {  	_ =	shalt  }
0x75: {  	_ =	shalt  }
0x76: {  	_ =	shalt  }
0x77: {  	_ =	shalt  }
0x78: {  	_ =	shalt  }
0x79: {  	_ =	shalt  }
0x7a: {  	_ =	shalt  }
0x7b: {  	_ =	shalt  }
0x7c: {  	_ =	shalt  }
0x7d: {  	_ =	shalt  }
0x7e: {  	_ =	shalt  }
0x7f: {  	_ =	shalt  }
0x80: {  	_ =	shalt  }
0x81: {  	_ =	shalt  }
0x82: {  	_ =	shalt  }
0x83: {  	_ =	shalt  }
0x84: {  	_ =	shalt  }
0x85: {  	_ =	shalt  }
0x86: {  	_ =	shalt  }
0x87: {  	_ =	shalt  }
.Lfunc_end0:
.L_simem_size_0:
called_computation.7_lowered:
.L_overlay_start_0:
0x88: {  	s2 =	sld [smem:$0x3FD9]  }
0x89: {  	s3 =	sld [smem:$0x3FFE];
	_ =	sdelay $0x1  }
0x8a: {  	s1 =	srdreg.scid  }
0x8b: {  	s0 =	sand.u32 $0x1, s1  }
0x8c: {  	s17 =	sshll.u32 s0, $0xA;
	s2 =	sadd.s32 s3, s2  }
0x8d: {  	s2 =	sadd.s32 s2, s17  }
0x8e: {  	[smem:$0x3FA9] =	sst s2  }
0x8f: {  	_ = 	snop  }
0x90: {  	(tm) =	ssettm $0x1  }
0x91: {  	s18 =	sld [smem:$0x3FFB];
	_ =	sdelay $0x3  }
0x92: {  	_ =	strace s18  }
0x93: {  	s2 =	sld [smem:$0x3FFC];
	_ =	sdelay $0x3  }
0x94: {  	_ =	strace s2  }
0x95: {  	s2 =	sld [smem:$0x3FFD];
	_ =	sdelay $0x3  }
0x96: {  	_ =	strace s2  }
0x97: {  	_ =	strace $0x8FFFFFFF  }
0x98: {  	s19 =	sld [smem:$0x3FDB];
	_ =	sdelay $0x1  }
0x99: {  	s20 =	simm.s32 $_scs_section_size  }
0x9a: {  	s4 =	simm.s32 $_size__tile_overlayer_lowered;
	s5 =	simm.s32 $_tile_overlayer_lowered  }
0x9b: {  	s6 =	simm.s32 $0x1BFF;
	s21 =	sshll.u32 s5, $0x1;
	s3 =	sadd.s32 s20, s19  }
0x9c: {  	s22 =	simm.s32 $0x0;
	s4 =	sshll.u32 s4, $0x1;
	s5 =	sadd.s32 s21, s3  }
0x9d: {  	[timem:s22], [sflag:s6] =	dma.local [hbm:s5], s4  }
0x9e: {  	_ =	swait.ge [sflag:s6], s4  }
0x9f: {  	s4 =	ssub.s32 $0x0, s4;
	[sflag:s6] =	ssyncset.done $0x0  }
0xa0: {  	[sflag:s6] =	ssyncadd.s32 s4;
	_ =	sdelay $0x1  }
0xa1: {  	s23 =	simm.s32 $0x1B8B  }
0xa2: {  	_ =	swait.ge [sflag:s23], $0x1  }
0xa3: {  	[sflag:s23] =	ssyncset.done $0x0  }
0xa4: {  	[sflag:s23] =	ssyncadd.s32 $0xFFFFFFFF  }
0xa5: {  	s4 =	sld [smem:$0x0]  }
0xa6: {  	s5 =	sand.u32 $0xFFFFFFFE, s1  }
0xa7: {  	p0 =	sne.s32 s1, s5  }
0xa8: {  	s5 =	sshll.u32 @p0 s5, $0xE  }
0xa9: {  	s5 =	sadd.s32 @p0 $0x11B8D, s5;
	s6 =	sshll.u32 @p0 s4, $0x11  }
0xaa: {  	s5 =	sor.u32 @p0 s6, s5  }
0xab: {  	[sflag:s5] =	ssyncadd.remote.s32 @p0 $0x1;
	_ =	sdelay $0x1  }
0xac: {  	s5 =	simm.s32 @p0 $0x1B8D  }
0xad: {  	_ =	swait.eq @p0 [sflag:s5], $0x1  }
0xae: {  	[sflag:s5] =	ssyncadd.s32 @p0 $0xFFFFFFFF  }
0xaf: {  	s6 =	sshll.u32 @!p0 s1, $0xE  }
0xb0: {  	s6 =	sor.u32 @!p0 $0x4000, s6;
	s5 =	simm.s32 @!p0 $0x1B8D  }
0xb1: {  	s4 =	sshll.u32 @!p0 s4, $0x11;
	s6 =	sadd.s32 @!p0 $0x11B8D, s6;
	_ =	swait.eq @!p0 [sflag:s5], $0x1  }
0xb2: {  	s4 =	sor.u32 @!p0 s4, s6;
	[sflag:s5] =	ssyncadd.s32 @!p0 $0xFFFFFFFF  }
0xb3: {  	s25 =	simm.s32 $0x1B8E;
	s24 =	sld [smem:$0x3FFE];
	[sflag:s4] =	ssyncadd.remote.s32 @!p0 $0x1  }
0xb4: {  	s26 =	simm.s32 $execute0_lowered;
	[smem:$0x3FD2] =	sst s25  }
0xb5: {  	s5 =	sshll.u32 s26, $0x1;
	_ =	strace $0x8000005B;
	[dreg:$0x1] =	wrdreg $0xFFFFFFFF  }
0xb6: {  	s28 =	simm.s32 $_size_execute0_lowered;
	s3 =	sadd.s32 s3, s5;
	[dreg:$0x0] =	wrdreg $0x0  }
0xb7: {  	s5 =	sshll.u32 s28, $0x1;
	[dreg:$0x2] =	wrdreg s3  }
0xb8: {  	[dreg:$0x3] =	wrdreg s5  }
0xb9: {  	[dreg:$0x4] =	wrdreg $0xC0  }
0xba: {  	_ =	task [dreg:s22], $0x5FFFF  }
0xbb: {  	[dreg:$0x1] =	wrdreg $0xFFFFFFFF  }
0xbc: {  	[dreg:$0x0] =	wrdreg $0x60  }
0xbd: {  	[dreg:$0x2] =	wrdreg s24  }
0xbe: {  	[dreg:$0x3] =	wrdreg $0x8C000  }
0xbf: {  	[dreg:$0x4] =	wrdreg $0xC  }
0xc0: {  	_ =	task.clear_ibuf [dreg:s22], $0x5FFFF;
	_ =	strace $0x9000005B  }
0xc1: {  	s29 =	simm.s32 $0xC;
	_ =	strace $0x8000005D  }
0xc2: {  	_ =	swait.ge [sflag:s29], $0x1  }
0xc3: {  	[sflag:s29] =	ssyncadd.s32 $0xFFFFFFFF  }
0xc4: {  	_ =	strace $0x9000005D  }
0xc5: {  	_ =	sfence  }
0xc6: {  	s30 =	sld [smem:$0x0];
	_ =	sdelay $0x2  }
0xc7: {  	s31 =	sshll.u32 s1, $0xD;
	s1 =	sshrl.u32 s1, $0x2  }
0xc8: {  	s4 =	sand.u32 $0x4000, s31;
	s1 =	sadd.s32 s1, s30  }
0xc9: {  	s0 =	sor.u32 s4, s0;
	s1 =	sshll.u32 s1, $0x11  }
0xca: {  	s0 =	sor.u32 s1, s0  }
0xcb: {  	s0 =	sadd.s32 $0x8F2B, s0  }
0xcc: {  	[sflag:s0] =	ssyncadd.remote.s32 $0x1  }
0xcd: {  	_ =	sfence.sel $0xFFFF  }
0xce: {  	[dreg:$0x0] =	wrdreg $0xFFFFFFFF;
	(pc) =	sbr.abs _section_cstart, $3  }
0xcf: {  	[dreg:$0x1] =	wrdreg $0xFFFFFFFF  }
0xd0: {  	_ =	task.clear_ibuf [dreg:s22], $0x2FFFF;
	_ =	strace $0x9FFFFFFF  }
0xd1: {  	(tm) =	ssettm $0x7FFFFFFF  }
tec
execute0_lowered:
.L_overlay_start_1:
0x0: {  	(tag) =	ssettag $0x1  }
0x1: {  	s4 =	rddreg [dreg:$0x0]  }
0x2: {  	s0 =	srdreg.scid;
	s2 =	rddreg [dreg:$0x1]  }
0x3: {  	s1 =	stileid.u32;
	s3 =	simm.s32 $0x0;
	s16 =	simm.s32 $0x2  }
0x4: {  	s17 =	simm.s32 $0x80;
	s18 =	simm.s32 $0xC00;
	s19 =	simm.s32 $0x4C00  }
0x5: {  	s20 =	simm.s32 $0x3;
	s21 =	simm.s32 $0x100;
	s22 =	simm.s32 $0x980  }
0x6: {  	s5 =	sand.u32 $0x1, s0;
	s0 =	rddreg [dreg:$0x2];
	s7 =	smul.u32 $0x2800, s1  }
0x7: {  	s23 =	simm.s32 $0x0;
	[smem:$0x7FF] =	sst s3;
	s10 =	smul.u32 $0x50000, s1  }
0x8: {  	s13 =	sadd.s32 $0x30B400, s4;
	s29 =	sshll.u32 s1, $0x6;
	s6 =	sshll.u32 s5, $0x4  }
0x9: {  	_ =	strace $0x8000005C;
	s28 =	ssub.s32 $0x2, s5;
	s12 =	smul.u32 $0x500000, s5  }
0xa: {  	s5 =	sor.u32 $0x1C02, s29;
	s6 =	sor.u32 s1, s6;
	s7 =	sadd.s32 s7, s4  }
0xb: {  	s9 =	sshrl.u32 s28, $0x1;
	s11 =	sshrl.u32 s10, $0x2;
	s8 =	smul.u32 $0x180, s6  }
0xc: {  	s6 =	smul.u32 $0x50000, s6;
	s9 =	ssub.s32 s28, s9;
	s31 =	sadd.s32 s10, s12  }
0xd: {  	s14 =	sadd.s32 s11, s2;
	s12 =	sor.u32 $0x8000, s31;
	s15 =	sor.u32 $0xC000, s31  }
0xe: {  	s14 =	sshrl.u32 s14, $0x3;
	s8 =	sadd.s32 s8, s4;
	s4 =	sadd.s32 $0x35400, s7  }
0xf: {  	s30 =	sshrl.u32 s6, $0x3;
	s12 =	sshrl.u32 s12, $0x3;
	s15 =	sshrl.u32 s15, $0x3  }
0x10: {  	s6 =	sadd.s32 $0xA400, s8;
	s7 =	sadd.s32 s13, s30;
	s8 =	smax.u32 s9, $0x1  }
0x11: {  	s12 =	sadd.s32 s12, s13;
	s13 =	sadd.s32 s15, s13;
	s15 =	simm.s32 $0x1  }
0x12: {  	s9 =	sadd.s32 $0x800, s7;
	s10 =	sadd.s32 $0x9000, s7;
	s11 =	sadd.s32 $0x9800, s7  }
.LBB2_1:
0x13: {  	[spmem:s14], [sflag:s5] =	dma.local [hbm:s4], $0x2800  }
0x14: {  	[tilespmem:s3], [sflag:$0x1] =	stream.linear.gather [hbm4b:s6+s3], $0xA00, $0x38;
	[tilespmem:$0x1CC00] =	vst v63  }
0x15: {  	_ =	swait.ge [sflag:s15], $0xA00  }
0x16: {  	[sflag:s15] =	ssyncset.done $0x0  }
0x17: {  	[sflag:s15] =	ssyncadd.s32 $0xFFFFF600  }
0x18: {  	_ =	swait.ge [sflag:s16], $0x2800  }
0x19: {  	[sflag:s16] =	ssyncset.done $0x0  }
0x1a: {  	[sflag:s16] =	ssyncadd.s32 $0xFFFFD800  }
0x1b: {  	[bflag:$0x0] =	sbarrier.arrive $0xFFFF  }
0x1c: {  	[tilespmem:s18], [sflag:$0x1] =	stream.indirect.gather [spmem:s2], $0x80, s3, s17, $0xb8;
	[tilespmem:$0x1CC00] =	vst v63  }
0x1d: {  	_ = 	snop  }
0x1e: {  	[tilespmem:s19], [sflag:$0x1] =	stream.indirect.gather [spmem:s2], $0x80, s17, s17, $0xb8;
	[tilespmem:$0x1CC00] =	vst v63  }
0x1f: {  	_ =	swait.ge [sflag:s15], $0x4000  }
0x20: {  	[sflag:s15] =	ssyncset.done $0x0  }
0x21: {  	[sflag:s15] =	ssyncadd.s32 $0xFFFFC000  }
0x22: {  	[hbm4b:s7+s3] =	stream.linear.scatter [tilespmem:s18], [sflag:$0x3], $0x4000, $0x38;
	[tilespmem:$0x1CC00] =	vst v63  }
0x23: {  	_ =	swait.ge [sflag:s20], $0x4000  }
0x24: {  	[sflag:s20] =	ssyncset.done $0x0  }
0x25: {  	[sflag:s20] =	ssyncadd.s32 $0xFFFFC000  }
0x26: {  	[tilespmem:s18], [sflag:$0x1] =	stream.indirect.gather [spmem:s2], $0x80, s21, s17, $0xb8;
	[tilespmem:$0x1CC00] =	vst v63  }
0x27: {  	_ =	swait.ge [sflag:s15], $0x4000  }
0x28: {  	[sflag:s15] =	ssyncset.done $0x0  }
0x29: {  	[sflag:s15] =	ssyncadd.s32 $0xFFFFC000  }
0x2a: {  	[hbm4b:s9+s3] =	stream.linear.scatter [tilespmem:s19], [sflag:$0x3], $0x4000, $0x38;
	[tilespmem:$0x1CC00] =	vst v63  }
0x2b: {  	_ =	swait.ge [sflag:s20], $0x4000  }
0x2c: {  	[sflag:s20] =	ssyncset.done $0x0  }
0x2d: {  	s24 =	simm.s32 $0x180;
	[sflag:s20] =	ssyncadd.s32 $0xFFFFC000  }
0x2e: {  	[tilespmem:s19], [sflag:$0x1] =	stream.indirect.gather [spmem:s2], $0x80, s24, s17, $0xb8;
	[tilespmem:$0x1CC00] =	vst v63  }
0x2f: {  	_ =	swait.ge [sflag:s15], $0x4000  }
0x30: {  	[sflag:s15] =	ssyncset.done $0x0  }
0x31: {  	s30 =	sadd.s32 $0x0, s12;
	[sflag:s15] =	ssyncadd.s32 $0xFFFFC000  }
0x32: {  	[hbm4b:s30+s3] =	stream.linear.scatter [tilespmem:s18], [sflag:$0x3], $0x4000, $0x38;
	[tilespmem:$0x1CC00] =	vst v63  }
0x33: {  	_ =	swait.ge [sflag:s20], $0x4000  }
0x34: {  	[sflag:s20] =	ssyncset.done $0x0  }
0x35: {  	s31 =	simm.s32 $0x200;
	[sflag:s20] =	ssyncadd.s32 $0xFFFFC000  }
0x36: {  	[tilespmem:s18], [sflag:$0x1] =	stream.indirect.gather [spmem:s2], $0x80, s31, s17, $0xb8;
	[tilespmem:$0x1CC00] =	vst v63  }
0x37: {  	_ =	swait.ge [sflag:s15], $0x4000  }
0x38: {  	s26 =	sadd.s32 $0x0, s13;
	[sflag:s15] =	ssyncset.done $0x0  }
0x39: {  	s25 =	simm.s32 $0x300;
	s24 =	simm.s32 $0x1000;
	[sflag:s15] =	ssyncadd.s32 $0xFFFFC000  }
.LBB2_2:
0x3a: {  	[hbm4b:s26+s3] =	stream.linear.scatter [tilespmem:s19], [sflag:$0x3], $0x4000, $0x38;
	[tilespmem:$0x1CC00] =	vst v63  }
0x3b: {  	s26 =	smov.u32 s24  }
0x3c: {  	p0 =	sne.s32 s24, $0x7000;
	s24 =	sadd.s32 $0x1000, s24;
	_ =	swait.ge [sflag:s20], $0x4000  }
0x3d: {  	[sflag:s20] =	ssyncset.done $0x0  }
0x3e: {  	s28 =	sadd.s32 $0xFFFFFF80, s25;
	[sflag:s20] =	ssyncadd.s32 $0xFFFFC000  }
0x3f: {  	[tilespmem:s19], [sflag:$0x1] =	stream.indirect.gather [spmem:s2], $0x80, s28, s17, $0xb8;
	[tilespmem:$0x1CC00] =	vst v63  }
0x40: {  	_ =	swait.ge [sflag:s15], $0x4000  }
0x41: {  	[sflag:s15] =	ssyncset.done $0x0  }
0x42: {  	s28 =	sadd.s32 s26, s12;
	[sflag:s15] =	ssyncadd.s32 $0xFFFFC000  }
0x43: {  	[hbm4b:s28+s3] =	stream.linear.scatter [tilespmem:s18], [sflag:$0x3], $0x4000, $0x38;
	[tilespmem:$0x1CC00] =	vst v63  }
0x44: {  	_ =	swait.ge [sflag:s20], $0x4000  }
0x45: {  	[sflag:s20] =	ssyncset.done $0x0  }
.Ltmp0:
0x46: {  	[sflag:s20] =	ssyncadd.s32 $0xFFFFC000;
	(pc) =	sbr.rel @p0 .LBB2_2-.Ltmp0, $4  }
0x47: {  	[tilespmem:s18], [sflag:$0x1] =	stream.indirect.gather [spmem:s2], $0x80, s25, s17, $0xb8;
	[tilespmem:$0x1CC00] =	vst v63  }
0x48: {  	_ =	swait.ge [sflag:s15], $0x4000  }
0x49: {  	[sflag:s15] =	ssyncset.done $0x0  }
0x4a: {  	s26 =	sadd.s32 s26, s13;
	s25 =	sadd.s32 $0x100, s25;
	[sflag:s15] =	ssyncadd.s32 $0xFFFFC000  }
0x4b: {  	[hbm4b:s26+s3] =	stream.linear.scatter [tilespmem:s19], [sflag:$0x3], $0x4000, $0x38;
	[tilespmem:$0x1CC00] =	vst v63  }
0x4c: {  	_ =	swait.ge [sflag:s20], $0x4000  }
0x4d: {  	[sflag:s20] =	ssyncset.done $0x0  }
0x4e: {  	[sflag:s20] =	ssyncadd.s32 $0xFFFFC000  }
0x4f: {  	[tilespmem:s19], [sflag:$0x1] =	stream.indirect.gather [spmem:s2], $0x80, s22, s17, $0xb8;
	[tilespmem:$0x1CC00] =	vst v63  }
0x50: {  	_ =	swait.ge [sflag:s15], $0x4000  }
0x51: {  	[sflag:s15] =	ssyncset.done $0x0  }
0x52: {  	[sflag:s15] =	ssyncadd.s32 $0xFFFFC000  }
0x53: {  	[hbm4b:s10+s3] =	stream.linear.scatter [tilespmem:s18], [sflag:$0x3], $0x4000, $0x38;
	[tilespmem:$0x1CC00] =	vst v63  }
0x54: {  	_ =	swait.ge [sflag:s20], $0x4000  }
0x55: {  	[sflag:s20] =	ssyncset.done $0x0  }
0x56: {  	[sflag:s20] =	ssyncadd.s32 $0xFFFFC000  }
0x57: {  	s23 =	sadd.s32 $0x1, s23;
	_ =	swait.ge [sflag:s15], $0x4000  }
0x58: {  	p0 =	sne.s32 s23, s8;
	[sflag:s15] =	ssyncset.done $0x0  }
.Ltmp1:
0x59: {  	[sflag:s15] =	ssyncadd.s32 $0xFFFFC000;
	(pc) =	sbr.rel @p0 .LBB2_1-.Ltmp1, $4  }
0x5a: {  	[hbm4b:s11+s3] =	stream.linear.scatter [tilespmem:s19], [sflag:$0x3], $0x4000, $0x38;
	[tilespmem:$0x1CC00] =	vst v63  }
0x5b: {  	_ =	swait.ge [sflag:s20], $0x4000  }
0x5c: {  	[sflag:s20] =	ssyncset.done $0x0  }
0x5d: {  	[sflag:s20] =	ssyncadd.s32 $0xFFFFC000  }
0x5e: {  	_ =	sfence.sel $0x180000  }
0x5f: {  	[bflag:$0x0] =	sbarrier.arrive $0xFFFF  }
0x60: {  	p0 =	sne.s32 s1, $0x0;
	_ =	strace $0x9000005C  }
0x61: {  	s0 =	sadd.s32 @!p0 $0x100000, s0;
	[bflag:$0x2] =	sbarrier.arrive $0xFFFF  }
0x62: {  	[sflag:s0] =	ssyncadd.tile.s32 @!p0 $0x1;
	_ =	shalt  }
.Lfunc_end2:
_tile_overlayer_lowered:
.L_overlay_start_2:
0x63: {  	(tag) =	ssettag $0x2  }
0x64: {  	s0 =	rddreg [dreg:$0x0];
	s2 =	stileid.u32  }
0x65: {  	s1 =	rddreg [dreg:$0x1];
	p0 =	sne.s32 s2, $0x0  }
0x66: {  	s3 =	rddreg [dreg:$0x2];
	[bflag:$0x3] =	sbarrier.arrive $0xFFFF;
	s2 =	simm.s32 @!p0 $0x1C04  }
0x67: {  	[timem:s3], [sflag:s2] =	dma.local @!p0 [hbm:s0], s1  }
0x68: {  	s0 =	simm.s32 @!p0 $0x4  }
0x69: {  	_ =	swait.ge @!p0 [sflag:s0], s1  }
0x6a: {  	s1 =	ssub.s32 @!p0 $0x0, s1;
	[sflag:s0] =	ssyncset.done @!p0 $0x0  }
0x6b: {  	[sflag:s0] =	ssyncadd.s32 @!p0 s1  }
0x6c: {  	[bflag:$0x3] =	sbarrier.arrive $0xFFFF  }
0x6d: {  	_ =	shalt  }

// kernel: kernel.47.cloned.1.call-start
scs
__scs_entry_jumppad:
0x0: {  	(pc) =	sbr.rel $0x88, $3  }
0x1: {  	(tag) =	ssettag $0x0;
	lr =	simm.s32 $0x1  }
0x2: {  	[smem:$0x3F82] =	sst lr;
	_ =	strace $0xD0000000  }
0x3: {  	_ = 	snop  }
0x4: {  	_ = 	snop  }
0x5: {  	_ = 	snop  }
0x6: {  	_ = 	snop  }
0x7: {  	_ = 	snop  }
__scs_overlays_trampoline_lowered:
0x8: {  	[smem:$0x3F91] =	sst s0  }
0x9: {  	[smem:$0x3F92] =	sst s1  }
0xa: {  	[smem:$0x3F93] =	sst s2  }
0xb: {  	[smem:$0x3F94] =	sst s3  }
0xc: {  	[smem:$0x3F95] =	sst s4  }
0xd: {  	[smem:$0x3F96] =	sst s5  }
0xe: {  	[smem:$0x3F97] =	sst s6  }
0xf: {  	[smem:$0x3F98] =	sst s7  }
0x10: {  	[smem:$0x3F99] =	sst s8  }
0x11: {  	[smem:$0x3F9A] =	sst s9;
	s0 =	simm.s32 @!p0 $0x0  }
0x12: {  	s1 =	sld [smem:$0x3F80];
	s0 =	simm.s32 @p0 $0x1  }
0x13: {  	[smem:$0x3F9B] =	sst s0;
	s0 =	simm.s32 @!p1 $0x0  }
0x14: {  	s2 =	sld [smem:$0x3F7F];
	s0 =	simm.s32 @p1 $0x1  }
0x15: {  	[smem:$0x3F9C] =	sst s0;
	s0 =	simm.s32 @!p2 $0x0  }
0x16: {  	s3 =	sld [smem:$0x3FDB];
	s0 =	simm.s32 @p2 $0x1  }
0x17: {  	s4 =	simm.s32 $0x1BF5;
	[smem:$0x3F9E] =	sst s0  }
0x18: {  	s0 =	sld [smem:$0x3F81];
	_ =	swait.ge [sflag:s4], $0x0  }
0x19: {  	s7 =	sld [smem:$0x3F82]  }
0x1a: {  	s8 =	sadd.s32 $0xFFFFE003, lr  }
0x1b: {  	s9 =	sadd.s32 $0xFFFFFEF7, lr;
	s5 =	simm.s32 $0xFFFFFFFF;
	p2 =	slt.u32 s8, $0xFFFFF086  }
0x1c: {  	p1 =	slt.u32 s9, $0xF7A;
	s5 =	simm.s32 @!p2 $0x0  }
0x1d: {  	s5 =	simm.s32 @p1 $0x1;
	p0 =	seq.s32 s7, s2  }
0x1e: {  	s7 =	smul.u32 @!p0 $0xF7A, s2;
	p2 =	seq.s32 @!p0 s5, $0x0  }
0x1f: {  	s9 =	smul.u32 $0xF7A, s1;
	s8 =	simm.s32 @!p0 $0x1BF5;
	p2 =	por !p2, p0  }
0x20: {  	[sflag:s8] =	ssyncset.s32 @!p0 $0xFFFFF086;
	s6 =	sadd.s32 @!p0 s3, s7;
	s7 =	simm.s32 @!p0 $0x108  }
0x21: {  	s3 =	sadd.s32 s3, s9;
	s6 =	sadd.s32 @!p0 $0x88, s6;
	s7 =	simm.s32 @p2 $0x1082  }
0x22: {  	[simem:s7], [sflag:s8] =	dma.local @!p0 [hbm:s6], $0xF7A  }
0x23: {  	s9 =	sor.u32 $0xD0000000, s2;
	s6 =	simm.s32 $0x108;
	_ =	swait.ge @!p0 [sflag:s8], $0x0  }
0x24: {  	s3 =	sadd.s32 $0x88, s3;
	s6 =	simm.s32 @!p1 $0x1082;
	[sflag:s4] =	ssyncset.s32 $0xFFFFF086  }
0x25: {  	[simem:s6], [sflag:s4] =	dma.local [hbm:s3], $0xF7A  }
0x26: {  	[smem:$0x3F82] =	sst s1;
	(tag) =	ssettag s2;
	_ =	strace s9  }
0x27: {  	s1 =	sld [smem:$0x3F92]  }
0x28: {  	s2 =	sld [smem:$0x3F93]  }
0x29: {  	s4 =	sld [smem:$0x3F95]  }
0x2a: {  	p0 =	seq.s32 s5, $0x0;
	s5 =	sld [smem:$0x3F96]  }
0x2b: {  	s6 =	sld [smem:$0x3F97]  }
0x2c: {  	s7 =	sld [smem:$0x3F98]  }
0x2d: {  	s3 =	simm.s32 $0x108;
	s8 =	sld [smem:$0x3F99]  }
0x2e: {  	s3 =	simm.s32 @!p0 $0x1082;
	s9 =	sld [smem:$0x3F9A]  }
0x2f: {  	lr =	sadd.s32 s0, s3;
	s0 =	sld [smem:$0x3F91]  }
0x30: {  	s3 =	sld [smem:$0x3F94]  }
0x31: {  	[smem:$0x3F9D] =	sst s10  }
0x32: {  	s10 =	sld [smem:$0x3F9B];
	_ =	sdelay $0x3  }
0x33: {  	p0 =	seq.s32 s10, $0x1;
	s10 =	sld [smem:$0x3F9D];
	_ =	sdelay $0x3  }
0x34: {  	[smem:$0x3F9D] =	sst s10  }
0x35: {  	s10 =	sld [smem:$0x3F9C];
	_ =	sdelay $0x3  }
0x36: {  	p1 =	seq.s32 s10, $0x1;
	s10 =	sld [smem:$0x3F9D];
	_ =	sdelay $0x3  }
0x37: {  	[smem:$0x3F9D] =	sst s10  }
0x38: {  	s10 =	sld [smem:$0x3F9E]  }
0x39: {  	_ = 	snop;
	(pc) =	sbr.ind lr, $3  }
0x3a: {  	_ = 	snop  }
0x3b: {  	_ = 	snop  }
0x3c: {  	p2 =	seq.s32 s10, $0x1;
	s10 =	sld [smem:$0x3F9D]  }
0x3d: {  	_ =	shalt  }
0x3e: {  	_ =	shalt  }
0x3f: {  	_ =	shalt  }
0x40: {  	_ =	shalt  }
0x41: {  	_ =	shalt  }
0x42: {  	_ =	shalt  }
0x43: {  	_ =	shalt  }
0x44: {  	_ =	shalt  }
0x45: {  	_ =	shalt  }
0x46: {  	_ =	shalt  }
0x47: {  	_ =	shalt  }
0x48: {  	_ =	shalt  }
0x49: {  	_ =	shalt  }
0x4a: {  	_ =	shalt  }
0x4b: {  	_ =	shalt  }
0x4c: {  	_ =	shalt  }
0x4d: {  	_ =	shalt  }
0x4e: {  	_ =	shalt  }
0x4f: {  	_ =	shalt  }
0x50: {  	_ =	shalt  }
0x51: {  	_ =	shalt  }
0x52: {  	_ =	shalt  }
0x53: {  	_ =	shalt  }
0x54: {  	_ =	shalt  }
0x55: {  	_ =	shalt  }
0x56: {  	_ =	shalt  }
0x57: {  	_ =	shalt  }
0x58: {  	_ =	shalt  }
0x59: {  	_ =	shalt  }
0x5a: {  	_ =	shalt  }
0x5b: {  	_ =	shalt  }
0x5c: {  	_ =	shalt  }
0x5d: {  	_ =	shalt  }
0x5e: {  	_ =	shalt  }
0x5f: {  	_ =	shalt  }
0x60: {  	_ =	shalt  }
0x61: {  	_ =	shalt  }
0x62: {  	_ =	shalt  }
0x63: {  	_ =	shalt  }
0x64: {  	_ =	shalt  }
0x65: {  	_ =	shalt  }
0x66: {  	_ =	shalt  }
0x67: {  	_ =	shalt  }
0x68: {  	_ =	shalt  }
0x69: {  	_ =	shalt  }
0x6a: {  	_ =	shalt  }
0x6b: {  	_ =	shalt  }
0x6c: {  	_ =	shalt  }
0x6d: {  	_ =	shalt  }
0x6e: {  	_ =	shalt  }
0x6f: {  	_ =	shalt  }
0x70: {  	_ =	shalt  }
0x71: {  	_ =	shalt  }
0x72: {  	_ =	shalt  }
0x73: {  	_ =	shalt  }
0x74: {  	_ =	shalt  }
0x75: {  	_ =	shalt  }
0x76: {  	_ =	shalt  }
0x77: {  	_ =	shalt  }
0x78: {  	_ =	shalt  }
0x79: {  	_ =	shalt  }
0x7a: {  	_ =	shalt  }
0x7b: {  	_ =	shalt  }
0x7c: {  	_ =	shalt  }
0x7d: {  	_ =	shalt  }
0x7e: {  	_ =	shalt  }
0x7f: {  	_ =	shalt  }
0x80: {  	_ =	shalt  }
0x81: {  	_ =	shalt  }
0x82: {  	_ =	shalt  }
0x83: {  	_ =	shalt  }
0x84: {  	_ =	shalt  }
0x85: {  	_ =	shalt  }
0x86: {  	_ =	shalt  }
0x87: {  	_ =	shalt  }
.Lfunc_end0:
.L_simem_size_0:
called_computation.8_lowered:
.L_overlay_start_0:
0x88: {  	s2 =	sld [smem:$0x3FD9]  }
0x89: {  	s3 =	sld [smem:$0x3FFE];
	_ =	sdelay $0x1  }
0x8a: {  	s1 =	srdreg.scid  }
0x8b: {  	s0 =	sand.u32 $0x1, s1  }
0x8c: {  	s17 =	sshll.u32 s0, $0xA;
	s2 =	sadd.s32 s3, s2  }
0x8d: {  	s2 =	sadd.s32 s2, s17  }
0x8e: {  	[smem:$0x3FA9] =	sst s2  }
0x8f: {  	_ = 	snop  }
0x90: {  	(tm) =	ssettm $0x1  }
0x91: {  	s18 =	sld [smem:$0x3FFB];
	_ =	sdelay $0x3  }
0x92: {  	_ =	strace s18  }
0x93: {  	s2 =	sld [smem:$0x3FFC];
	_ =	sdelay $0x3  }
0x94: {  	_ =	strace s2  }
0x95: {  	s2 =	sld [smem:$0x3FFD];
	_ =	sdelay $0x3  }
0x96: {  	_ =	strace s2  }
0x97: {  	_ =	strace $0x8FFFFFFF  }
0x98: {  	s19 =	sld [smem:$0x3FDB];
	_ =	sdelay $0x1  }
0x99: {  	s20 =	simm.s32 $_scs_section_size  }
0x9a: {  	s4 =	simm.s32 $_size__tile_overlayer_lowered;
	s5 =	simm.s32 $_tile_overlayer_lowered  }
0x9b: {  	s6 =	simm.s32 $0x1BFF;
	s21 =	sshll.u32 s5, $0x1;
	s3 =	sadd.s32 s20, s19  }
0x9c: {  	s22 =	simm.s32 $0x0;
	s4 =	sshll.u32 s4, $0x1;
	s5 =	sadd.s32 s21, s3  }
0x9d: {  	[timem:s22], [sflag:s6] =	dma.local [hbm:s5], s4  }
0x9e: {  	_ =	swait.ge [sflag:s6], s4  }
0x9f: {  	s4 =	ssub.s32 $0x0, s4;
	[sflag:s6] =	ssyncset.done $0x0  }
0xa0: {  	[sflag:s6] =	ssyncadd.s32 s4;
	_ =	sdelay $0x1  }
0xa1: {  	s23 =	simm.s32 $0x1B8B  }
0xa2: {  	_ =	swait.ge [sflag:s23], $0x1  }
0xa3: {  	[sflag:s23] =	ssyncset.done $0x0  }
0xa4: {  	[sflag:s23] =	ssyncadd.s32 $0xFFFFFFFF  }
0xa5: {  	s4 =	sld [smem:$0x0]  }
0xa6: {  	s5 =	sand.u32 $0xFFFFFFFE, s1  }
0xa7: {  	p0 =	sne.s32 s1, s5  }
0xa8: {  	s5 =	sshll.u32 @p0 s5, $0xE  }
0xa9: {  	s5 =	sadd.s32 @p0 $0x11B8D, s5;
	s6 =	sshll.u32 @p0 s4, $0x11  }
0xaa: {  	s5 =	sor.u32 @p0 s6, s5  }
0xab: {  	[sflag:s5] =	ssyncadd.remote.s32 @p0 $0x1;
	_ =	sdelay $0x1  }
0xac: {  	s5 =	simm.s32 @p0 $0x1B8D  }
0xad: {  	_ =	swait.eq @p0 [sflag:s5], $0x1  }
0xae: {  	[sflag:s5] =	ssyncadd.s32 @p0 $0xFFFFFFFF  }
0xaf: {  	s6 =	sshll.u32 @!p0 s1, $0xE  }
0xb0: {  	s6 =	sor.u32 @!p0 $0x4000, s6;
	s5 =	simm.s32 @!p0 $0x1B8D  }
0xb1: {  	s4 =	sshll.u32 @!p0 s4, $0x11;
	s6 =	sadd.s32 @!p0 $0x11B8D, s6;
	_ =	swait.eq @!p0 [sflag:s5], $0x1  }
0xb2: {  	s4 =	sor.u32 @!p0 s4, s6;
	[sflag:s5] =	ssyncadd.s32 @!p0 $0xFFFFFFFF  }
0xb3: {  	s25 =	simm.s32 $0x1B8E;
	s24 =	sld [smem:$0x3FFE];
	[sflag:s4] =	ssyncadd.remote.s32 @!p0 $0x1  }
0xb4: {  	s26 =	simm.s32 $execute0_lowered;
	[smem:$0x3FD2] =	sst s25  }
0xb5: {  	s5 =	sshll.u32 s26, $0x1;
	_ =	strace $0x80000061;
	[dreg:$0x1] =	wrdreg $0xFFFFFFFF  }
0xb6: {  	s28 =	simm.s32 $_size_execute0_lowered;
	s3 =	sadd.s32 s3, s5;
	[dreg:$0x0] =	wrdreg $0x0  }
0xb7: {  	s5 =	sshll.u32 s28, $0x1;
	[dreg:$0x2] =	wrdreg s3  }
0xb8: {  	[dreg:$0x3] =	wrdreg s5  }
0xb9: {  	[dreg:$0x4] =	wrdreg $0xC0  }
0xba: {  	_ =	task [dreg:s22], $0x5FFFF  }
0xbb: {  	[dreg:$0x1] =	wrdreg $0xFFFFFFFF  }
0xbc: {  	[dreg:$0x0] =	wrdreg $0x60  }
0xbd: {  	[dreg:$0x2] =	wrdreg s24  }
0xbe: {  	[dreg:$0x3] =	wrdreg $0x8C000  }
0xbf: {  	[dreg:$0x4] =	wrdreg $0x9  }
0xc0: {  	_ =	task.clear_ibuf [dreg:s22], $0x5FFFF;
	_ =	strace $0x90000061  }
0xc1: {  	s29 =	simm.s32 $0x9;
	_ =	strace $0x80000063  }
0xc2: {  	_ =	swait.ge [sflag:s29], $0x1  }
0xc3: {  	[sflag:s29] =	ssyncadd.s32 $0xFFFFFFFF  }
0xc4: {  	_ =	strace $0x90000063  }
0xc5: {  	_ =	sfence  }
0xc6: {  	s30 =	sld [smem:$0x0];
	_ =	sdelay $0x2  }
0xc7: {  	s31 =	sshll.u32 s1, $0xD;
	s1 =	sshrl.u32 s1, $0x2  }
0xc8: {  	s4 =	sand.u32 $0x4000, s31;
	s1 =	sadd.s32 s1, s30  }
0xc9: {  	s0 =	sor.u32 s4, s0;
	s1 =	sshll.u32 s1, $0x11  }
0xca: {  	s0 =	sor.u32 s1, s0  }
0xcb: {  	s0 =	sadd.s32 $0x8F2B, s0  }
0xcc: {  	[sflag:s0] =	ssyncadd.remote.s32 $0x1  }
0xcd: {  	_ =	sfence.sel $0xFFFF  }
0xce: {  	[dreg:$0x0] =	wrdreg $0xFFFFFFFF;
	(pc) =	sbr.abs _section_cstart, $3  }
0xcf: {  	[dreg:$0x1] =	wrdreg $0xFFFFFFFF  }
0xd0: {  	_ =	task.clear_ibuf [dreg:s22], $0x2FFFF;
	_ =	strace $0x9FFFFFFF  }
0xd1: {  	(tm) =	ssettm $0x7FFFFFFF  }
tec
execute0_lowered:
.L_overlay_start_1:
0x0: {  	(tag) =	ssettag $0x1  }
0x1: {  	s4 =	rddreg [dreg:$0x0]  }
0x2: {  	s0 =	srdreg.scid;
	s2 =	rddreg [dreg:$0x1]  }
0x3: {  	s1 =	stileid.u32;
	s3 =	simm.s32 $0x0;
	s16 =	simm.s32 $0x2  }
0x4: {  	s17 =	simm.s32 $0x80;
	s18 =	simm.s32 $0xC00;
	s19 =	simm.s32 $0x4C00  }
0x5: {  	s20 =	simm.s32 $0x3;
	s21 =	simm.s32 $0x100;
	s22 =	simm.s32 $0x980  }
0x6: {  	s5 =	sand.u32 $0x1, s0;
	s0 =	rddreg [dreg:$0x2];
	s7 =	smul.u32 $0x2800, s1  }
0x7: {  	s23 =	simm.s32 $0x0;
	[smem:$0x7FF] =	sst s3;
	s10 =	smul.u32 $0x50000, s1  }
0x8: {  	s13 =	sadd.s32 $0x58E400, s4;
	s29 =	sshll.u32 s1, $0x6;
	s6 =	sshll.u32 s5, $0x4  }
0x9: {  	_ =	strace $0x80000062;
	s28 =	ssub.s32 $0x2, s5;
	s12 =	smul.u32 $0x500000, s5  }
0xa: {  	s5 =	sor.u32 $0x1C02, s29;
	s6 =	sor.u32 s1, s6;
	s7 =	sadd.s32 s7, s4  }
0xb: {  	s9 =	sshrl.u32 s28, $0x1;
	s11 =	sshrl.u32 s10, $0x2;
	s8 =	smul.u32 $0x180, s6  }
0xc: {  	s6 =	smul.u32 $0x50000, s6;
	s9 =	ssub.s32 s28, s9;
	s31 =	sadd.s32 s10, s12  }
0xd: {  	s14 =	sadd.s32 s11, s2;
	s12 =	sor.u32 $0x8000, s31;
	s15 =	sor.u32 $0xC000, s31  }
0xe: {  	s14 =	sshrl.u32 s14, $0x3;
	s8 =	sadd.s32 s8, s4;
	s4 =	sadd.s32 $0xD400, s7  }
0xf: {  	s30 =	sshrl.u32 s6, $0x3;
	s12 =	sshrl.u32 s12, $0x3;
	s15 =	sshrl.u32 s15, $0x3  }
0x10: {  	s6 =	sadd.s32 $0x44B400, s8;
	s7 =	sadd.s32 s13, s30;
	s8 =	smax.u32 s9, $0x1  }
0x11: {  	s12 =	sadd.s32 s12, s13;
	s13 =	sadd.s32 s15, s13;
	s15 =	simm.s32 $0x1  }
0x12: {  	s9 =	sadd.s32 $0x800, s7;
	s10 =	sadd.s32 $0x9000, s7;
	s11 =	sadd.s32 $0x9800, s7  }
.LBB2_1:
0x13: {  	[spmem:s14], [sflag:s5] =	dma.local [hbm:s4], $0x2800  }
0x14: {  	[tilespmem:s3], [sflag:$0x1] =	stream.linear.gather [hbm4b:s6+s3], $0xA00, $0x38;
	[tilespmem:$0x1CC00] =	vst v63  }
0x15: {  	_ =	swait.ge [sflag:s15], $0xA00  }
0x16: {  	[sflag:s15] =	ssyncset.done $0x0  }
0x17: {  	[sflag:s15] =	ssyncadd.s32 $0xFFFFF600  }
0x18: {  	_ =	swait.ge [sflag:s16], $0x2800  }
0x19: {  	[sflag:s16] =	ssyncset.done $0x0  }
0x1a: {  	[sflag:s16] =	ssyncadd.s32 $0xFFFFD800  }
0x1b: {  	[bflag:$0x0] =	sbarrier.arrive $0xFFFF  }
0x1c: {  	[tilespmem:s18], [sflag:$0x1] =	stream.indirect.gather [spmem:s2], $0x80, s3, s17, $0xb8;
	[tilespmem:$0x1CC00] =	vst v63  }
0x1d: {  	_ = 	snop  }
0x1e: {  	[tilespmem:s19], [sflag:$0x1] =	stream.indirect.gather [spmem:s2], $0x80, s17, s17, $0xb8;
	[tilespmem:$0x1CC00] =	vst v63  }
0x1f: {  	_ =	swait.ge [sflag:s15], $0x4000  }
0x20: {  	[sflag:s15] =	ssyncset.done $0x0  }
0x21: {  	[sflag:s15] =	ssyncadd.s32 $0xFFFFC000  }
0x22: {  	[hbm4b:s7+s3] =	stream.linear.scatter [tilespmem:s18], [sflag:$0x3], $0x4000, $0x38;
	[tilespmem:$0x1CC00] =	vst v63  }
0x23: {  	_ =	swait.ge [sflag:s20], $0x4000  }
0x24: {  	[sflag:s20] =	ssyncset.done $0x0  }
0x25: {  	[sflag:s20] =	ssyncadd.s32 $0xFFFFC000  }
0x26: {  	[tilespmem:s18], [sflag:$0x1] =	stream.indirect.gather [spmem:s2], $0x80, s21, s17, $0xb8;
	[tilespmem:$0x1CC00] =	vst v63  }
0x27: {  	_ =	swait.ge [sflag:s15], $0x4000  }
0x28: {  	[sflag:s15] =	ssyncset.done $0x0  }
0x29: {  	[sflag:s15] =	ssyncadd.s32 $0xFFFFC000  }
0x2a: {  	[hbm4b:s9+s3] =	stream.linear.scatter [tilespmem:s19], [sflag:$0x3], $0x4000, $0x38;
	[tilespmem:$0x1CC00] =	vst v63  }
0x2b: {  	_ =	swait.ge [sflag:s20], $0x4000  }
0x2c: {  	[sflag:s20] =	ssyncset.done $0x0  }
0x2d: {  	s24 =	simm.s32 $0x180;
	[sflag:s20] =	ssyncadd.s32 $0xFFFFC000  }
0x2e: {  	[tilespmem:s19], [sflag:$0x1] =	stream.indirect.gather [spmem:s2], $0x80, s24, s17, $0xb8;
	[tilespmem:$0x1CC00] =	vst v63  }
0x2f: {  	_ =	swait.ge [sflag:s15], $0x4000  }
0x30: {  	[sflag:s15] =	ssyncset.done $0x0  }
0x31: {  	s30 =	sadd.s32 $0x0, s12;
	[sflag:s15] =	ssyncadd.s32 $0xFFFFC000  }
0x32: {  	[hbm4b:s30+s3] =	stream.linear.scatter [tilespmem:s18], [sflag:$0x3], $0x4000, $0x38;
	[tilespmem:$0x1CC00] =	vst v63  }
0x33: {  	_ =	swait.ge [sflag:s20], $0x4000  }
0x34: {  	[sflag:s20] =	ssyncset.done $0x0  }
0x35: {  	s31 =	simm.s32 $0x200;
	[sflag:s20] =	ssyncadd.s32 $0xFFFFC000  }
0x36: {  	[tilespmem:s18], [sflag:$0x1] =	stream.indirect.gather [spmem:s2], $0x80, s31, s17, $0xb8;
	[tilespmem:$0x1CC00] =	vst v63  }
0x37: {  	_ =	swait.ge [sflag:s15], $0x4000  }
0x38: {  	s26 =	sadd.s32 $0x0, s13;
	[sflag:s15] =	ssyncset.done $0x0  }
0x39: {  	s25 =	simm.s32 $0x300;
	s24 =	simm.s32 $0x1000;
	[sflag:s15] =	ssyncadd.s32 $0xFFFFC000  }
.LBB2_2:
0x3a: {  	[hbm4b:s26+s3] =	stream.linear.scatter [tilespmem:s19], [sflag:$0x3], $0x4000, $0x38;
	[tilespmem:$0x1CC00] =	vst v63  }
0x3b: {  	s26 =	smov.u32 s24  }
0x3c: {  	p0 =	sne.s32 s24, $0x7000;
	s24 =	sadd.s32 $0x1000, s24;
	_ =	swait.ge [sflag:s20], $0x4000  }
0x3d: {  	[sflag:s20] =	ssyncset.done $0x0  }
0x3e: {  	s28 =	sadd.s32 $0xFFFFFF80, s25;
	[sflag:s20] =	ssyncadd.s32 $0xFFFFC000  }
0x3f: {  	[tilespmem:s19], [sflag:$0x1] =	stream.indirect.gather [spmem:s2], $0x80, s28, s17, $0xb8;
	[tilespmem:$0x1CC00] =	vst v63  }
0x40: {  	_ =	swait.ge [sflag:s15], $0x4000  }
0x41: {  	[sflag:s15] =	ssyncset.done $0x0  }
0x42: {  	s28 =	sadd.s32 s26, s12;
	[sflag:s15] =	ssyncadd.s32 $0xFFFFC000  }
0x43: {  	[hbm4b:s28+s3] =	stream.linear.scatter [tilespmem:s18], [sflag:$0x3], $0x4000, $0x38;
	[tilespmem:$0x1CC00] =	vst v63  }
0x44: {  	_ =	swait.ge [sflag:s20], $0x4000  }
0x45: {  	[sflag:s20] =	ssyncset.done $0x0  }
.Ltmp0:
0x46: {  	[sflag:s20] =	ssyncadd.s32 $0xFFFFC000;
	(pc) =	sbr.rel @p0 .LBB2_2-.Ltmp0, $4  }
0x47: {  	[tilespmem:s18], [sflag:$0x1] =	stream.indirect.gather [spmem:s2], $0x80, s25, s17, $0xb8;
	[tilespmem:$0x1CC00] =	vst v63  }
0x48: {  	_ =	swait.ge [sflag:s15], $0x4000  }
0x49: {  	[sflag:s15] =	ssyncset.done $0x0  }
0x4a: {  	s26 =	sadd.s32 s26, s13;
	s25 =	sadd.s32 $0x100, s25;
	[sflag:s15] =	ssyncadd.s32 $0xFFFFC000  }
0x4b: {  	[hbm4b:s26+s3] =	stream.linear.scatter [tilespmem:s19], [sflag:$0x3], $0x4000, $0x38;
	[tilespmem:$0x1CC00] =	vst v63  }
0x4c: {  	_ =	swait.ge [sflag:s20], $0x4000  }
0x4d: {  	[sflag:s20] =	ssyncset.done $0x0  }
0x4e: {  	[sflag:s20] =	ssyncadd.s32 $0xFFFFC000  }
0x4f: {  	[tilespmem:s19], [sflag:$0x1] =	stream.indirect.gather [spmem:s2], $0x80, s22, s17, $0xb8;
	[tilespmem:$0x1CC00] =	vst v63  }
0x50: {  	_ =	swait.ge [sflag:s15], $0x4000  }
0x51: {  	[sflag:s15] =	ssyncset.done $0x0  }
0x52: {  	[sflag:s15] =	ssyncadd.s32 $0xFFFFC000  }
0x53: {  	[hbm4b:s10+s3] =	stream.linear.scatter [tilespmem:s18], [sflag:$0x3], $0x4000, $0x38;
	[tilespmem:$0x1CC00] =	vst v63  }
0x54: {  	_ =	swait.ge [sflag:s20], $0x4000  }
0x55: {  	[sflag:s20] =	ssyncset.done $0x0  }
0x56: {  	[sflag:s20] =	ssyncadd.s32 $0xFFFFC000  }
0x57: {  	s23 =	sadd.s32 $0x1, s23;
	_ =	swait.ge [sflag:s15], $0x4000  }
0x58: {  	p0 =	sne.s32 s23, s8;
	[sflag:s15] =	ssyncset.done $0x0  }
.Ltmp1:
0x59: {  	[sflag:s15] =	ssyncadd.s32 $0xFFFFC000;
	(pc) =	sbr.rel @p0 .LBB2_1-.Ltmp1, $4  }
0x5a: {  	[hbm4b:s11+s3] =	stream.linear.scatter [tilespmem:s19], [sflag:$0x3], $0x4000, $0x38;
	[tilespmem:$0x1CC00] =	vst v63  }
0x5b: {  	_ =	swait.ge [sflag:s20], $0x4000  }
0x5c: {  	[sflag:s20] =	ssyncset.done $0x0  }
0x5d: {  	[sflag:s20] =	ssyncadd.s32 $0xFFFFC000  }
0x5e: {  	_ =	sfence.sel $0x180000  }
0x5f: {  	[bflag:$0x0] =	sbarrier.arrive $0xFFFF  }
0x60: {  	p0 =	sne.s32 s1, $0x0;
	_ =	strace $0x90000062  }
0x61: {  	s0 =	sadd.s32 @!p0 $0x100000, s0;
	[bflag:$0x2] =	sbarrier.arrive $0xFFFF  }
0x62: {  	[sflag:s0] =	ssyncadd.tile.s32 @!p0 $0x1;
	_ =	shalt  }
.Lfunc_end2:
_tile_overlayer_lowered:
.L_overlay_start_2:
0x63: {  	(tag) =	ssettag $0x2  }
0x64: {  	s0 =	rddreg [dreg:$0x0];
	s2 =	stileid.u32  }
0x65: {  	s1 =	rddreg [dreg:$0x1];
	p0 =	sne.s32 s2, $0x0  }
0x66: {  	s3 =	rddreg [dreg:$0x2];
	[bflag:$0x3] =	sbarrier.arrive $0xFFFF;
	s2 =	simm.s32 @!p0 $0x1C04  }
0x67: {  	[timem:s3], [sflag:s2] =	dma.local @!p0 [hbm:s0], s1  }
0x68: {  	s0 =	simm.s32 @!p0 $0x4  }
0x69: {  	_ =	swait.ge @!p0 [sflag:s0], s1  }
0x6a: {  	s1 =	ssub.s32 @!p0 $0x0, s1;
	[sflag:s0] =	ssyncset.done @!p0 $0x0  }
0x6b: {  	[sflag:s0] =	ssyncadd.s32 @!p0 s1  }
0x6c: {  	[bflag:$0x3] =	sbarrier.arrive $0xFFFF  }
0x6d: {  	_ =	shalt  }

// kernel: kernel.50.cloned.1.call-start
scs
__scs_entry_jumppad:
0x0: {  	(pc) =	sbr.rel $0x88, $3  }
0x1: {  	(tag) =	ssettag $0x0;
	lr =	simm.s32 $0x1  }
0x2: {  	[smem:$0x3F82] =	sst lr;
	_ =	strace $0xD0000000  }
0x3: {  	_ = 	snop  }
0x4: {  	_ = 	snop  }
0x5: {  	_ = 	snop  }
0x6: {  	_ = 	snop  }
0x7: {  	_ = 	snop  }
__scs_overlays_trampoline_lowered:
0x8: {  	[smem:$0x3F91] =	sst s0  }
0x9: {  	[smem:$0x3F92] =	sst s1  }
0xa: {  	[smem:$0x3F93] =	sst s2  }
0xb: {  	[smem:$0x3F94] =	sst s3  }
0xc: {  	[smem:$0x3F95] =	sst s4  }
0xd: {  	[smem:$0x3F96] =	sst s5  }
0xe: {  	[smem:$0x3F97] =	sst s6  }
0xf: {  	[smem:$0x3F98] =	sst s7  }
0x10: {  	[smem:$0x3F99] =	sst s8  }
0x11: {  	[smem:$0x3F9A] =	sst s9;
	s0 =	simm.s32 @!p0 $0x0  }
0x12: {  	s1 =	sld [smem:$0x3F80];
	s0 =	simm.s32 @p0 $0x1  }
0x13: {  	[smem:$0x3F9B] =	sst s0;
	s0 =	simm.s32 @!p1 $0x0  }
0x14: {  	s2 =	sld [smem:$0x3F7F];
	s0 =	simm.s32 @p1 $0x1  }
0x15: {  	[smem:$0x3F9C] =	sst s0;
	s0 =	simm.s32 @!p2 $0x0  }
0x16: {  	s3 =	sld [smem:$0x3FDB];
	s0 =	simm.s32 @p2 $0x1  }
0x17: {  	s4 =	simm.s32 $0x1BF5;
	[smem:$0x3F9E] =	sst s0  }
0x18: {  	s0 =	sld [smem:$0x3F81];
	_ =	swait.ge [sflag:s4], $0x0  }
0x19: {  	s7 =	sld [smem:$0x3F82]  }
0x1a: {  	s8 =	sadd.s32 $0xFFFFE003, lr  }
0x1b: {  	s9 =	sadd.s32 $0xFFFFFEF7, lr;
	s5 =	simm.s32 $0xFFFFFFFF;
	p2 =	slt.u32 s8, $0xFFFFF086  }
0x1c: {  	p1 =	slt.u32 s9, $0xF7A;
	s5 =	simm.s32 @!p2 $0x0  }
0x1d: {  	s5 =	simm.s32 @p1 $0x1;
	p0 =	seq.s32 s7, s2  }
0x1e: {  	s7 =	smul.u32 @!p0 $0xF7A, s2;
	p2 =	seq.s32 @!p0 s5, $0x0  }
0x1f: {  	s9 =	smul.u32 $0xF7A, s1;
	s8 =	simm.s32 @!p0 $0x1BF5;
	p2 =	por !p2, p0  }
0x20: {  	[sflag:s8] =	ssyncset.s32 @!p0 $0xFFFFF086;
	s6 =	sadd.s32 @!p0 s3, s7;
	s7 =	simm.s32 @!p0 $0x108  }
0x21: {  	s3 =	sadd.s32 s3, s9;
	s6 =	sadd.s32 @!p0 $0x88, s6;
	s7 =	simm.s32 @p2 $0x1082  }
0x22: {  	[simem:s7], [sflag:s8] =	dma.local @!p0 [hbm:s6], $0xF7A  }
0x23: {  	s9 =	sor.u32 $0xD0000000, s2;
	s6 =	simm.s32 $0x108;
	_ =	swait.ge @!p0 [sflag:s8], $0x0  }
0x24: {  	s3 =	sadd.s32 $0x88, s3;
	s6 =	simm.s32 @!p1 $0x1082;
	[sflag:s4] =	ssyncset.s32 $0xFFFFF086  }
0x25: {  	[simem:s6], [sflag:s4] =	dma.local [hbm:s3], $0xF7A  }
0x26: {  	[smem:$0x3F82] =	sst s1;
	(tag) =	ssettag s2;
	_ =	strace s9  }
0x27: {  	s1 =	sld [smem:$0x3F92]  }
0x28: {  	s2 =	sld [smem:$0x3F93]  }
0x29: {  	s4 =	sld [smem:$0x3F95]  }
0x2a: {  	p0 =	seq.s32 s5, $0x0;
	s5 =	sld [smem:$0x3F96]  }
0x2b: {  	s6 =	sld [smem:$0x3F97]  }
0x2c: {  	s7 =	sld [smem:$0x3F98]  }
0x2d: {  	s3 =	simm.s32 $0x108;
	s8 =	sld [smem:$0x3F99]  }
0x2e: {  	s3 =	simm.s32 @!p0 $0x1082;
	s9 =	sld [smem:$0x3F9A]  }
0x2f: {  	lr =	sadd.s32 s0, s3;
	s0 =	sld [smem:$0x3F91]  }
0x30: {  	s3 =	sld [smem:$0x3F94]  }
0x31: {  	[smem:$0x3F9D] =	sst s10  }
0x32: {  	s10 =	sld [smem:$0x3F9B];
	_ =	sdelay $0x3  }
0x33: {  	p0 =	seq.s32 s10, $0x1;
	s10 =	sld [smem:$0x3F9D];
	_ =	sdelay $0x3  }
0x34: {  	[smem:$0x3F9D] =	sst s10  }
0x35: {  	s10 =	sld [smem:$0x3F9C];
	_ =	sdelay $0x3  }
0x36: {  	p1 =	seq.s32 s10, $0x1;
	s10 =	sld [smem:$0x3F9D];
	_ =	sdelay $0x3  }
0x37: {  	[smem:$0x3F9D] =	sst s10  }
0x38: {  	s10 =	sld [smem:$0x3F9E]  }
0x39: {  	_ = 	snop;
	(pc) =	sbr.ind lr, $3  }
0x3a: {  	_ = 	snop  }
0x3b: {  	_ = 	snop  }
0x3c: {  	p2 =	seq.s32 s10, $0x1;
	s10 =	sld [smem:$0x3F9D]  }
0x3d: {  	_ =	shalt  }
0x3e: {  	_ =	shalt  }
0x3f: {  	_ =	shalt  }
0x40: {  	_ =	shalt  }
0x41: {  	_ =	shalt  }
0x42: {  	_ =	shalt  }
0x43: {  	_ =	shalt  }
0x44: {  	_ =	shalt  }
0x45: {  	_ =	shalt  }
0x46: {  	_ =	shalt  }
0x47: {  	_ =	shalt  }
0x48: {  	_ =	shalt  }
0x49: {  	_ =	shalt  }
0x4a: {  	_ =	shalt  }
0x4b: {  	_ =	shalt  }
0x4c: {  	_ =	shalt  }
0x4d: {  	_ =	shalt  }
0x4e: {  	_ =	shalt  }
0x4f: {  	_ =	shalt  }
0x50: {  	_ =	shalt  }
0x51: {  	_ =	shalt  }
0x52: {  	_ =	shalt  }
0x53: {  	_ =	shalt  }
0x54: {  	_ =	shalt  }
0x55: {  	_ =	shalt  }
0x56: {  	_ =	shalt  }
0x57: {  	_ =	shalt  }
0x58: {  	_ =	shalt  }
0x59: {  	_ =	shalt  }
0x5a: {  	_ =	shalt  }
0x5b: {  	_ =	shalt  }
0x5c: {  	_ =	shalt  }
0x5d: {  	_ =	shalt  }
0x5e: {  	_ =	shalt  }
0x5f: {  	_ =	shalt  }
0x60: {  	_ =	shalt  }
0x61: {  	_ =	shalt  }
0x62: {  	_ =	shalt  }
0x63: {  	_ =	shalt  }
0x64: {  	_ =	shalt  }
0x65: {  	_ =	shalt  }
0x66: {  	_ =	shalt  }
0x67: {  	_ =	shalt  }
0x68: {  	_ =	shalt  }
0x69: {  	_ =	shalt  }
0x6a: {  	_ =	shalt  }
0x6b: {  	_ =	shalt  }
0x6c: {  	_ =	shalt  }
0x6d: {  	_ =	shalt  }
0x6e: {  	_ =	shalt  }
0x6f: {  	_ =	shalt  }
0x70: {  	_ =	shalt  }
0x71: {  	_ =	shalt  }
0x72: {  	_ =	shalt  }
0x73: {  	_ =	shalt  }
0x74: {  	_ =	shalt  }
0x75: {  	_ =	shalt  }
0x76: {  	_ =	shalt  }
0x77: {  	_ =	shalt  }
0x78: {  	_ =	shalt  }
0x79: {  	_ =	shalt  }
0x7a: {  	_ =	shalt  }
0x7b: {  	_ =	shalt  }
0x7c: {  	_ =	shalt  }
0x7d: {  	_ =	shalt  }
0x7e: {  	_ =	shalt  }
0x7f: {  	_ =	shalt  }
0x80: {  	_ =	shalt  }
0x81: {  	_ =	shalt  }
0x82: {  	_ =	shalt  }
0x83: {  	_ =	shalt  }
0x84: {  	_ =	shalt  }
0x85: {  	_ =	shalt  }
0x86: {  	_ =	shalt  }
0x87: {  	_ =	shalt  }
.Lfunc_end0:
.L_simem_size_0:
called_computation.9_lowered:
.L_overlay_start_0:
0x88: {  	s2 =	sld [smem:$0x3FD9]  }
0x89: {  	s3 =	sld [smem:$0x3FFE];
	_ =	sdelay $0x1  }
0x8a: {  	s1 =	srdreg.scid  }
0x8b: {  	s0 =	sand.u32 $0x1, s1  }
0x8c: {  	s17 =	sshll.u32 s0, $0xA;
	s2 =	sadd.s32 s3, s2  }
0x8d: {  	s2 =	sadd.s32 s2, s17  }
0x8e: {  	[smem:$0x3FA9] =	sst s2  }
0x8f: {  	_ = 	snop  }
0x90: {  	(tm) =	ssettm $0x1  }
0x91: {  	s18 =	sld [smem:$0x3FFB];
	_ =	sdelay $0x3  }
0x92: {  	_ =	strace s18  }
0x93: {  	s2 =	sld [smem:$0x3FFC];
	_ =	sdelay $0x3  }
0x94: {  	_ =	strace s2  }
0x95: {  	s2 =	sld [smem:$0x3FFD];
	_ =	sdelay $0x3  }
0x96: {  	_ =	strace s2  }
0x97: {  	_ =	strace $0x8FFFFFFF  }
0x98: {  	s19 =	sld [smem:$0x3FDB];
	_ =	sdelay $0x1  }
0x99: {  	s20 =	simm.s32 $_scs_section_size  }
0x9a: {  	s4 =	simm.s32 $_size__tile_overlayer_lowered;
	s5 =	simm.s32 $_tile_overlayer_lowered  }
0x9b: {  	s6 =	simm.s32 $0x1BFF;
	s21 =	sshll.u32 s5, $0x1;
	s3 =	sadd.s32 s20, s19  }
0x9c: {  	s22 =	simm.s32 $0x0;
	s4 =	sshll.u32 s4, $0x1;
	s5 =	sadd.s32 s21, s3  }
0x9d: {  	[timem:s22], [sflag:s6] =	dma.local [hbm:s5], s4  }
0x9e: {  	_ =	swait.ge [sflag:s6], s4  }
0x9f: {  	s4 =	ssub.s32 $0x0, s4;
	[sflag:s6] =	ssyncset.done $0x0  }
0xa0: {  	[sflag:s6] =	ssyncadd.s32 s4;
	_ =	sdelay $0x1  }
0xa1: {  	s23 =	simm.s32 $0x1B8B  }
0xa2: {  	_ =	swait.ge [sflag:s23], $0x1  }
0xa3: {  	[sflag:s23] =	ssyncset.done $0x0  }
0xa4: {  	[sflag:s23] =	ssyncadd.s32 $0xFFFFFFFF  }
0xa5: {  	s4 =	sld [smem:$0x0]  }
0xa6: {  	s5 =	sand.u32 $0xFFFFFFFE, s1  }
0xa7: {  	p0 =	sne.s32 s1, s5  }
0xa8: {  	s5 =	sshll.u32 @p0 s5, $0xE  }
0xa9: {  	s5 =	sadd.s32 @p0 $0x11B8D, s5;
	s6 =	sshll.u32 @p0 s4, $0x11  }
0xaa: {  	s5 =	sor.u32 @p0 s6, s5  }
0xab: {  	[sflag:s5] =	ssyncadd.remote.s32 @p0 $0x1;
	_ =	sdelay $0x1  }
0xac: {  	s5 =	simm.s32 @p0 $0x1B8D  }
0xad: {  	_ =	swait.eq @p0 [sflag:s5], $0x1  }
0xae: {  	[sflag:s5] =	ssyncadd.s32 @p0 $0xFFFFFFFF  }
0xaf: {  	s6 =	sshll.u32 @!p0 s1, $0xE  }
0xb0: {  	s6 =	sor.u32 @!p0 $0x4000, s6;
	s5 =	simm.s32 @!p0 $0x1B8D  }
0xb1: {  	s4 =	sshll.u32 @!p0 s4, $0x11;
	s6 =	sadd.s32 @!p0 $0x11B8D, s6;
	_ =	swait.eq @!p0 [sflag:s5], $0x1  }
0xb2: {  	s4 =	sor.u32 @!p0 s4, s6;
	[sflag:s5] =	ssyncadd.s32 @!p0 $0xFFFFFFFF  }
0xb3: {  	s25 =	simm.s32 $0x1B8E;
	s24 =	sld [smem:$0x3FFE];
	[sflag:s4] =	ssyncadd.remote.s32 @!p0 $0x1  }
0xb4: {  	s26 =	simm.s32 $execute0_lowered;
	[smem:$0x3FD2] =	sst s25  }
0xb5: {  	s5 =	sshll.u32 s26, $0x1;
	_ =	strace $0x8000005E;
	[dreg:$0x1] =	wrdreg $0xFFFFFFFF  }
0xb6: {  	s28 =	simm.s32 $_size_execute0_lowered;
	s3 =	sadd.s32 s3, s5;
	[dreg:$0x0] =	wrdreg $0x0  }
0xb7: {  	s5 =	sshll.u32 s28, $0x1;
	[dreg:$0x2] =	wrdreg s3  }
0xb8: {  	[dreg:$0x3] =	wrdreg s5  }
0xb9: {  	[dreg:$0x4] =	wrdreg $0xC0  }
0xba: {  	_ =	task [dreg:s22], $0x5FFFF  }
0xbb: {  	[dreg:$0x1] =	wrdreg $0xFFFFFFFF  }
0xbc: {  	[dreg:$0x0] =	wrdreg $0x60  }
0xbd: {  	[dreg:$0x2] =	wrdreg s24  }
0xbe: {  	[dreg:$0x3] =	wrdreg $0x8C000  }
0xbf: {  	[dreg:$0x4] =	wrdreg $0xA  }
0xc0: {  	_ =	task.clear_ibuf [dreg:s22], $0x5FFFF;
	_ =	strace $0x9000005E  }
0xc1: {  	s29 =	simm.s32 $0xA;
	_ =	strace $0x80000060  }
0xc2: {  	_ =	swait.ge [sflag:s29], $0x1  }
0xc3: {  	[sflag:s29] =	ssyncadd.s32 $0xFFFFFFFF  }
0xc4: {  	_ =	strace $0x90000060  }
0xc5: {  	_ =	sfence  }
0xc6: {  	s30 =	sld [smem:$0x0];
	_ =	sdelay $0x2  }
0xc7: {  	s31 =	sshll.u32 s1, $0xD;
	s1 =	sshrl.u32 s1, $0x2  }
0xc8: {  	s4 =	sand.u32 $0x4000, s31;
	s1 =	sadd.s32 s1, s30  }
0xc9: {  	s0 =	sor.u32 s4, s0;
	s1 =	sshll.u32 s1, $0x11  }
0xca: {  	s0 =	sor.u32 s1, s0  }
0xcb: {  	s0 =	sadd.s32 $0x8F2B, s0  }
0xcc: {  	[sflag:s0] =	ssyncadd.remote.s32 $0x1  }
0xcd: {  	_ =	sfence.sel $0xFFFF  }
0xce: {  	[dreg:$0x0] =	wrdreg $0xFFFFFFFF;
	(pc) =	sbr.abs _section_cstart, $3  }
0xcf: {  	[dreg:$0x1] =	wrdreg $0xFFFFFFFF  }
0xd0: {  	_ =	task.clear_ibuf [dreg:s22], $0x2FFFF;
	_ =	strace $0x9FFFFFFF  }
0xd1: {  	(tm) =	ssettm $0x7FFFFFFF  }
tec
execute0_lowered:
.L_overlay_start_1:
0x0: {  	(tag) =	ssettag $0x1  }
0x1: {  	s4 =	rddreg [dreg:$0x0]  }
0x2: {  	s0 =	srdreg.scid;
	s2 =	rddreg [dreg:$0x1]  }
0x3: {  	s1 =	stileid.u32;
	s3 =	simm.s32 $0x0;
	s16 =	simm.s32 $0x2  }
0x4: {  	s17 =	simm.s32 $0x80;
	s18 =	simm.s32 $0xC00;
	s19 =	simm.s32 $0x4C00  }
0x5: {  	s20 =	simm.s32 $0x3;
	s21 =	simm.s32 $0x100;
	s22 =	simm.s32 $0x980  }
0x6: {  	s5 =	sand.u32 $0x1, s0;
	s0 =	rddreg [dreg:$0x2];
	s7 =	smul.u32 $0x2800, s1  }
0x7: {  	s23 =	simm.s32 $0x0;
	[smem:$0x7FF] =	sst s3;
	s10 =	smul.u32 $0x50000, s1  }
0x8: {  	s13 =	sadd.s32 $0x44E400, s4;
	s29 =	sshll.u32 s1, $0x6;
	s6 =	sshll.u32 s5, $0x4  }
0x9: {  	_ =	strace $0x8000005F;
	s28 =	ssub.s32 $0x2, s5;
	s12 =	smul.u32 $0x500000, s5  }
0xa: {  	s5 =	sor.u32 $0x1C02, s29;
	s6 =	sor.u32 s1, s6;
	s7 =	sadd.s32 s7, s4  }
0xb: {  	s9 =	sshrl.u32 s28, $0x1;
	s11 =	sshrl.u32 s10, $0x2;
	s8 =	smul.u32 $0x180, s6  }
0xc: {  	s6 =	smul.u32 $0x50000, s6;
	s9 =	ssub.s32 s28, s9;
	s31 =	sadd.s32 s10, s12  }
0xd: {  	s14 =	sadd.s32 s11, s2;
	s12 =	sor.u32 $0x8000, s31;
	s15 =	sor.u32 $0xC000, s31  }
0xe: {  	s14 =	sshrl.u32 s14, $0x3;
	s8 =	sadd.s32 s8, s4;
	s4 =	sadd.s32 $0x35400, s7  }
0xf: {  	s30 =	sshrl.u32 s6, $0x3;
	s12 =	sshrl.u32 s12, $0x3;
	s15 =	sshrl.u32 s15, $0x3  }
0x10: {  	s6 =	sadd.s32 $0x308400, s8;
	s7 =	sadd.s32 s13, s30;
	s8 =	smax.u32 s9, $0x1  }
0x11: {  	s12 =	sadd.s32 s12, s13;
	s13 =	sadd.s32 s15, s13;
	s15 =	simm.s32 $0x1  }
0x12: {  	s9 =	sadd.s32 $0x800, s7;
	s10 =	sadd.s32 $0x9000, s7;
	s11 =	sadd.s32 $0x9800, s7  }
.LBB2_1:
0x13: {  	[spmem:s14], [sflag:s5] =	dma.local [hbm:s4], $0x2800  }
0x14: {  	[tilespmem:s3], [sflag:$0x1] =	stream.linear.gather [hbm4b:s6+s3], $0xA00, $0x38;
	[tilespmem:$0x1CC00] =	vst v63  }
0x15: {  	_ =	swait.ge [sflag:s15], $0xA00  }
0x16: {  	[sflag:s15] =	ssyncset.done $0x0  }
0x17: {  	[sflag:s15] =	ssyncadd.s32 $0xFFFFF600  }
0x18: {  	_ =	swait.ge [sflag:s16], $0x2800  }
0x19: {  	[sflag:s16] =	ssyncset.done $0x0  }
0x1a: {  	[sflag:s16] =	ssyncadd.s32 $0xFFFFD800  }
0x1b: {  	[bflag:$0x0] =	sbarrier.arrive $0xFFFF  }
0x1c: {  	[tilespmem:s18], [sflag:$0x1] =	stream.indirect.gather [spmem:s2], $0x80, s3, s17, $0xb8;
	[tilespmem:$0x1CC00] =	vst v63  }
0x1d: {  	_ = 	snop  }
0x1e: {  	[tilespmem:s19], [sflag:$0x1] =	stream.indirect.gather [spmem:s2], $0x80, s17, s17, $0xb8;
	[tilespmem:$0x1CC00] =	vst v63  }
0x1f: {  	_ =	swait.ge [sflag:s15], $0x4000  }
0x20: {  	[sflag:s15] =	ssyncset.done $0x0  }
0x21: {  	[sflag:s15] =	ssyncadd.s32 $0xFFFFC000  }
0x22: {  	[hbm4b:s7+s3] =	stream.linear.scatter [tilespmem:s18], [sflag:$0x3], $0x4000, $0x38;
	[tilespmem:$0x1CC00] =	vst v63  }
0x23: {  	_ =	swait.ge [sflag:s20], $0x4000  }
0x24: {  	[sflag:s20] =	ssyncset.done $0x0  }
0x25: {  	[sflag:s20] =	ssyncadd.s32 $0xFFFFC000  }
0x26: {  	[tilespmem:s18], [sflag:$0x1] =	stream.indirect.gather [spmem:s2], $0x80, s21, s17, $0xb8;
	[tilespmem:$0x1CC00] =	vst v63  }
0x27: {  	_ =	swait.ge [sflag:s15], $0x4000  }
0x28: {  	[sflag:s15] =	ssyncset.done $0x0  }
0x29: {  	[sflag:s15] =	ssyncadd.s32 $0xFFFFC000  }
0x2a: {  	[hbm4b:s9+s3] =	stream.linear.scatter [tilespmem:s19], [sflag:$0x3], $0x4000, $0x38;
	[tilespmem:$0x1CC00] =	vst v63  }
0x2b: {  	_ =	swait.ge [sflag:s20], $0x4000  }
0x2c: {  	[sflag:s20] =	ssyncset.done $0x0  }
0x2d: {  	s24 =	simm.s32 $0x180;
	[sflag:s20] =	ssyncadd.s32 $0xFFFFC000  }
0x2e: {  	[tilespmem:s19], [sflag:$0x1] =	stream.indirect.gather [spmem:s2], $0x80, s24, s17, $0xb8;
	[tilespmem:$0x1CC00] =	vst v63  }
0x2f: {  	_ =	swait.ge [sflag:s15], $0x4000  }
0x30: {  	[sflag:s15] =	ssyncset.done $0x0  }
0x31: {  	s30 =	sadd.s32 $0x0, s12;
	[sflag:s15] =	ssyncadd.s32 $0xFFFFC000  }
0x32: {  	[hbm4b:s30+s3] =	stream.linear.scatter [tilespmem:s18], [sflag:$0x3], $0x4000, $0x38;
	[tilespmem:$0x1CC00] =	vst v63  }
0x33: {  	_ =	swait.ge [sflag:s20], $0x4000  }
0x34: {  	[sflag:s20] =	ssyncset.done $0x0  }
0x35: {  	s31 =	simm.s32 $0x200;
	[sflag:s20] =	ssyncadd.s32 $0xFFFFC000  }
0x36: {  	[tilespmem:s18], [sflag:$0x1] =	stream.indirect.gather [spmem:s2], $0x80, s31, s17, $0xb8;
	[tilespmem:$0x1CC00] =	vst v63  }
0x37: {  	_ =	swait.ge [sflag:s15], $0x4000  }
0x38: {  	s26 =	sadd.s32 $0x0, s13;
	[sflag:s15] =	ssyncset.done $0x0  }
0x39: {  	s25 =	simm.s32 $0x300;
	s24 =	simm.s32 $0x1000;
	[sflag:s15] =	ssyncadd.s32 $0xFFFFC000  }
.LBB2_2:
0x3a: {  	[hbm4b:s26+s3] =	stream.linear.scatter [tilespmem:s19], [sflag:$0x3], $0x4000, $0x38;
	[tilespmem:$0x1CC00] =	vst v63  }
0x3b: {  	s26 =	smov.u32 s24  }
0x3c: {  	p0 =	sne.s32 s24, $0x7000;
	s24 =	sadd.s32 $0x1000, s24;
	_ =	swait.ge [sflag:s20], $0x4000  }
0x3d: {  	[sflag:s20] =	ssyncset.done $0x0  }
0x3e: {  	s28 =	sadd.s32 $0xFFFFFF80, s25;
	[sflag:s20] =	ssyncadd.s32 $0xFFFFC000  }
0x3f: {  	[tilespmem:s19], [sflag:$0x1] =	stream.indirect.gather [spmem:s2], $0x80, s28, s17, $0xb8;
	[tilespmem:$0x1CC00] =	vst v63  }
0x40: {  	_ =	swait.ge [sflag:s15], $0x4000  }
0x41: {  	[sflag:s15] =	ssyncset.done $0x0  }
0x42: {  	s28 =	sadd.s32 s26, s12;
	[sflag:s15] =	ssyncadd.s32 $0xFFFFC000  }
0x43: {  	[hbm4b:s28+s3] =	stream.linear.scatter [tilespmem:s18], [sflag:$0x3], $0x4000, $0x38;
	[tilespmem:$0x1CC00] =	vst v63  }
0x44: {  	_ =	swait.ge [sflag:s20], $0x4000  }
0x45: {  	[sflag:s20] =	ssyncset.done $0x0  }
.Ltmp0:
0x46: {  	[sflag:s20] =	ssyncadd.s32 $0xFFFFC000;
	(pc) =	sbr.rel @p0 .LBB2_2-.Ltmp0, $4  }
0x47: {  	[tilespmem:s18], [sflag:$0x1] =	stream.indirect.gather [spmem:s2], $0x80, s25, s17, $0xb8;
	[tilespmem:$0x1CC00] =	vst v63  }
0x48: {  	_ =	swait.ge [sflag:s15], $0x4000  }
0x49: {  	[sflag:s15] =	ssyncset.done $0x0  }
0x4a: {  	s26 =	sadd.s32 s26, s13;
	s25 =	sadd.s32 $0x100, s25;
	[sflag:s15] =	ssyncadd.s32 $0xFFFFC000  }
0x4b: {  	[hbm4b:s26+s3] =	stream.linear.scatter [tilespmem:s19], [sflag:$0x3], $0x4000, $0x38;
	[tilespmem:$0x1CC00] =	vst v63  }
0x4c: {  	_ =	swait.ge [sflag:s20], $0x4000  }
0x4d: {  	[sflag:s20] =	ssyncset.done $0x0  }
0x4e: {  	[sflag:s20] =	ssyncadd.s32 $0xFFFFC000  }
0x4f: {  	[tilespmem:s19], [sflag:$0x1] =	stream.indirect.gather [spmem:s2], $0x80, s22, s17, $0xb8;
	[tilespmem:$0x1CC00] =	vst v63  }
0x50: {  	_ =	swait.ge [sflag:s15], $0x4000  }
0x51: {  	[sflag:s15] =	ssyncset.done $0x0  }
0x52: {  	[sflag:s15] =	ssyncadd.s32 $0xFFFFC000  }
0x53: {  	[hbm4b:s10+s3] =	stream.linear.scatter [tilespmem:s18], [sflag:$0x3], $0x4000, $0x38;
	[tilespmem:$0x1CC00] =	vst v63  }
0x54: {  	_ =	swait.ge [sflag:s20], $0x4000  }
0x55: {  	[sflag:s20] =	ssyncset.done $0x0  }
0x56: {  	[sflag:s20] =	ssyncadd.s32 $0xFFFFC000  }
0x57: {  	s23 =	sadd.s32 $0x1, s23;
	_ =	swait.ge [sflag:s15], $0x4000  }
0x58: {  	p0 =	sne.s32 s23, s8;
	[sflag:s15] =	ssyncset.done $0x0  }
.Ltmp1:
0x59: {  	[sflag:s15] =	ssyncadd.s32 $0xFFFFC000;
	(pc) =	sbr.rel @p0 .LBB2_1-.Ltmp1, $4  }
0x5a: {  	[hbm4b:s11+s3] =	stream.linear.scatter [tilespmem:s19], [sflag:$0x3], $0x4000, $0x38;
	[tilespmem:$0x1CC00] =	vst v63  }
0x5b: {  	_ =	swait.ge [sflag:s20], $0x4000  }
0x5c: {  	[sflag:s20] =	ssyncset.done $0x0  }
0x5d: {  	[sflag:s20] =	ssyncadd.s32 $0xFFFFC000  }
0x5e: {  	_ =	sfence.sel $0x180000  }
0x5f: {  	[bflag:$0x0] =	sbarrier.arrive $0xFFFF  }
0x60: {  	p0 =	sne.s32 s1, $0x0;
	_ =	strace $0x9000005F  }
0x61: {  	s0 =	sadd.s32 @!p0 $0x100000, s0;
	[bflag:$0x2] =	sbarrier.arrive $0xFFFF  }
0x62: {  	[sflag:s0] =	ssyncadd.tile.s32 @!p0 $0x1;
	_ =	shalt  }
.Lfunc_end2:
_tile_overlayer_lowered:
.L_overlay_start_2:
0x63: {  	(tag) =	ssettag $0x2  }
0x64: {  	s0 =	rddreg [dreg:$0x0];
	s2 =	stileid.u32  }
0x65: {  	s1 =	rddreg [dreg:$0x1];
	p0 =	sne.s32 s2, $0x0  }
0x66: {  	s3 =	rddreg [dreg:$0x2];
	[bflag:$0x3] =	sbarrier.arrive $0xFFFF;
	s2 =	simm.s32 @!p0 $0x1C04  }
0x67: {  	[timem:s3], [sflag:s2] =	dma.local @!p0 [hbm:s0], s1  }
0x68: {  	s0 =	simm.s32 @!p0 $0x4  }
0x69: {  	_ =	swait.ge @!p0 [sflag:s0], s1  }
0x6a: {  	s1 =	ssub.s32 @!p0 $0x0, s1;
	[sflag:s0] =	ssyncset.done @!p0 $0x0  }
0x6b: {  	[sflag:s0] =	ssyncadd.s32 @!p0 s1  }
0x6c: {  	[bflag:$0x3] =	sbarrier.arrive $0xFFFF  }
0x6d: {  	_ =	shalt  }

// kernel: kernel.53.cloned.1.call-start
scs
__scs_entry_jumppad:
0x0: {  	(pc) =	sbr.rel $0x88, $3  }
0x1: {  	(tag) =	ssettag $0x0;
	lr =	simm.s32 $0x1  }
0x2: {  	[smem:$0x3F82] =	sst lr;
	_ =	strace $0xD0000000  }
0x3: {  	_ = 	snop  }
0x4: {  	_ = 	snop  }
0x5: {  	_ = 	snop  }
0x6: {  	_ = 	snop  }
0x7: {  	_ = 	snop  }
__scs_overlays_trampoline_lowered:
0x8: {  	[smem:$0x3F91] =	sst s0  }
0x9: {  	[smem:$0x3F92] =	sst s1  }
0xa: {  	[smem:$0x3F93] =	sst s2  }
0xb: {  	[smem:$0x3F94] =	sst s3  }
0xc: {  	[smem:$0x3F95] =	sst s4  }
0xd: {  	[smem:$0x3F96] =	sst s5  }
0xe: {  	[smem:$0x3F97] =	sst s6  }
0xf: {  	[smem:$0x3F98] =	sst s7  }
0x10: {  	[smem:$0x3F99] =	sst s8  }
0x11: {  	[smem:$0x3F9A] =	sst s9;
	s0 =	simm.s32 @!p0 $0x0  }
0x12: {  	s1 =	sld [smem:$0x3F80];
	s0 =	simm.s32 @p0 $0x1  }
0x13: {  	[smem:$0x3F9B] =	sst s0;
	s0 =	simm.s32 @!p1 $0x0  }
0x14: {  	s2 =	sld [smem:$0x3F7F];
	s0 =	simm.s32 @p1 $0x1  }
0x15: {  	[smem:$0x3F9C] =	sst s0;
	s0 =	simm.s32 @!p2 $0x0  }
0x16: {  	s3 =	sld [smem:$0x3FDB];
	s0 =	simm.s32 @p2 $0x1  }
0x17: {  	s4 =	simm.s32 $0x1BF5;
	[smem:$0x3F9E] =	sst s0  }
0x18: {  	s0 =	sld [smem:$0x3F81];
	_ =	swait.ge [sflag:s4], $0x0  }
0x19: {  	s7 =	sld [smem:$0x3F82]  }
0x1a: {  	s8 =	sadd.s32 $0xFFFFE003, lr  }
0x1b: {  	s9 =	sadd.s32 $0xFFFFFEF7, lr;
	s5 =	simm.s32 $0xFFFFFFFF;
	p2 =	slt.u32 s8, $0xFFFFF086  }
0x1c: {  	p1 =	slt.u32 s9, $0xF7A;
	s5 =	simm.s32 @!p2 $0x0  }
0x1d: {  	s5 =	simm.s32 @p1 $0x1;
	p0 =	seq.s32 s7, s2  }
0x1e: {  	s7 =	smul.u32 @!p0 $0xF7A, s2;
	p2 =	seq.s32 @!p0 s5, $0x0  }
0x1f: {  	s9 =	smul.u32 $0xF7A, s1;
	s8 =	simm.s32 @!p0 $0x1BF5;
	p2 =	por !p2, p0  }
0x20: {  	[sflag:s8] =	ssyncset.s32 @!p0 $0xFFFFF086;
	s6 =	sadd.s32 @!p0 s3, s7;
	s7 =	simm.s32 @!p0 $0x108  }
0x21: {  	s3 =	sadd.s32 s3, s9;
	s6 =	sadd.s32 @!p0 $0x88, s6;
	s7 =	simm.s32 @p2 $0x1082  }
0x22: {  	[simem:s7], [sflag:s8] =	dma.local @!p0 [hbm:s6], $0xF7A  }
0x23: {  	s9 =	sor.u32 $0xD0000000, s2;
	s6 =	simm.s32 $0x108;
	_ =	swait.ge @!p0 [sflag:s8], $0x0  }
0x24: {  	s3 =	sadd.s32 $0x88, s3;
	s6 =	simm.s32 @!p1 $0x1082;
	[sflag:s4] =	ssyncset.s32 $0xFFFFF086  }
0x25: {  	[simem:s6], [sflag:s4] =	dma.local [hbm:s3], $0xF7A  }
0x26: {  	[smem:$0x3F82] =	sst s1;
	(tag) =	ssettag s2;
	_ =	strace s9  }
0x27: {  	s1 =	sld [smem:$0x3F92]  }
0x28: {  	s2 =	sld [smem:$0x3F93]  }
0x29: {  	s4 =	sld [smem:$0x3F95]  }
0x2a: {  	p0 =	seq.s32 s5, $0x0;
	s5 =	sld [smem:$0x3F96]  }
0x2b: {  	s6 =	sld [smem:$0x3F97]  }
0x2c: {  	s7 =	sld [smem:$0x3F98]  }
0x2d: {  	s3 =	simm.s32 $0x108;
	s8 =	sld [smem:$0x3F99]  }
0x2e: {  	s3 =	simm.s32 @!p0 $0x1082;
	s9 =	sld [smem:$0x3F9A]  }
0x2f: {  	lr =	sadd.s32 s0, s3;
	s0 =	sld [smem:$0x3F91]  }
0x30: {  	s3 =	sld [smem:$0x3F94]  }
0x31: {  	[smem:$0x3F9D] =	sst s10  }
0x32: {  	s10 =	sld [smem:$0x3F9B];
	_ =	sdelay $0x3  }
0x33: {  	p0 =	seq.s32 s10, $0x1;
	s10 =	sld [smem:$0x3F9D];
	_ =	sdelay $0x3  }
0x34: {  	[smem:$0x3F9D] =	sst s10  }
0x35: {  	s10 =	sld [smem:$0x3F9C];
	_ =	sdelay $0x3  }
0x36: {  	p1 =	seq.s32 s10, $0x1;
	s10 =	sld [smem:$0x3F9D];
	_ =	sdelay $0x3  }
0x37: {  	[smem:$0x3F9D] =	sst s10  }
0x38: {  	s10 =	sld [smem:$0x3F9E]  }
0x39: {  	_ = 	snop;
	(pc) =	sbr.ind lr, $3  }
0x3a: {  	_ = 	snop  }
0x3b: {  	_ = 	snop  }
0x3c: {  	p2 =	seq.s32 s10, $0x1;
	s10 =	sld [smem:$0x3F9D]  }
0x3d: {  	_ =	shalt  }
0x3e: {  	_ =	shalt  }
0x3f: {  	_ =	shalt  }
0x40: {  	_ =	shalt  }
0x41: {  	_ =	shalt  }
0x42: {  	_ =	shalt  }
0x43: {  	_ =	shalt  }
0x44: {  	_ =	shalt  }
0x45: {  	_ =	shalt  }
0x46: {  	_ =	shalt  }
0x47: {  	_ =	shalt  }
0x48: {  	_ =	shalt  }
0x49: {  	_ =	shalt  }
0x4a: {  	_ =	shalt  }
0x4b: {  	_ =	shalt  }
0x4c: {  	_ =	shalt  }
0x4d: {  	_ =	shalt  }
0x4e: {  	_ =	shalt  }
0x4f: {  	_ =	shalt  }
0x50: {  	_ =	shalt  }
0x51: {  	_ =	shalt  }
0x52: {  	_ =	shalt  }
0x53: {  	_ =	shalt  }
0x54: {  	_ =	shalt  }
0x55: {  	_ =	shalt  }
0x56: {  	_ =	shalt  }
0x57: {  	_ =	shalt  }
0x58: {  	_ =	shalt  }
0x59: {  	_ =	shalt  }
0x5a: {  	_ =	shalt  }
0x5b: {  	_ =	shalt  }
0x5c: {  	_ =	shalt  }
0x5d: {  	_ =	shalt  }
0x5e: {  	_ =	shalt  }
0x5f: {  	_ =	shalt  }
0x60: {  	_ =	shalt  }
0x61: {  	_ =	shalt  }
0x62: {  	_ =	shalt  }
0x63: {  	_ =	shalt  }
0x64: {  	_ =	shalt  }
0x65: {  	_ =	shalt  }
0x66: {  	_ =	shalt  }
0x67: {  	_ =	shalt  }
0x68: {  	_ =	shalt  }
0x69: {  	_ =	shalt  }
0x6a: {  	_ =	shalt  }
0x6b: {  	_ =	shalt  }
0x6c: {  	_ =	shalt  }
0x6d: {  	_ =	shalt  }
0x6e: {  	_ =	shalt  }
0x6f: {  	_ =	shalt  }
0x70: {  	_ =	shalt  }
0x71: {  	_ =	shalt  }
0x72: {  	_ =	shalt  }
0x73: {  	_ =	shalt  }
0x74: {  	_ =	shalt  }
0x75: {  	_ =	shalt  }
0x76: {  	_ =	shalt  }
0x77: {  	_ =	shalt  }
0x78: {  	_ =	shalt  }
0x79: {  	_ =	shalt  }
0x7a: {  	_ =	shalt  }
0x7b: {  	_ =	shalt  }
0x7c: {  	_ =	shalt  }
0x7d: {  	_ =	shalt  }
0x7e: {  	_ =	shalt  }
0x7f: {  	_ =	shalt  }
0x80: {  	_ =	shalt  }
0x81: {  	_ =	shalt  }
0x82: {  	_ =	shalt  }
0x83: {  	_ =	shalt  }
0x84: {  	_ =	shalt  }
0x85: {  	_ =	shalt  }
0x86: {  	_ =	shalt  }
0x87: {  	_ =	shalt  }
.Lfunc_end0:
.L_simem_size_0:
called_computation.10_lowered:
.L_overlay_start_0:
0x88: {  	s2 =	sld [smem:$0x3FD9]  }
0x89: {  	s3 =	sld [smem:$0x3FFE];
	_ =	sdelay $0x1  }
0x8a: {  	s1 =	srdreg.scid  }
0x8b: {  	s0 =	sand.u32 $0x1, s1  }
0x8c: {  	s17 =	sshll.u32 s0, $0xA;
	s2 =	sadd.s32 s3, s2  }
0x8d: {  	s2 =	sadd.s32 s2, s17  }
0x8e: {  	[smem:$0x3FA9] =	sst s2  }
0x8f: {  	_ = 	snop  }
0x90: {  	(tm) =	ssettm $0x1  }
0x91: {  	s18 =	sld [smem:$0x3FFB];
	_ =	sdelay $0x3  }
0x92: {  	_ =	strace s18  }
0x93: {  	s2 =	sld [smem:$0x3FFC];
	_ =	sdelay $0x3  }
0x94: {  	_ =	strace s2  }
0x95: {  	s2 =	sld [smem:$0x3FFD];
	_ =	sdelay $0x3  }
0x96: {  	_ =	strace s2  }
0x97: {  	_ =	strace $0x8FFFFFFF  }
0x98: {  	s19 =	sld [smem:$0x3FDB];
	_ =	sdelay $0x1  }
0x99: {  	s20 =	simm.s32 $_scs_section_size  }
0x9a: {  	s4 =	simm.s32 $_size__tile_overlayer_lowered;
	s5 =	simm.s32 $_tile_overlayer_lowered  }
0x9b: {  	s6 =	simm.s32 $0x1BFF;
	s21 =	sshll.u32 s5, $0x1;
	s3 =	sadd.s32 s20, s19  }
0x9c: {  	s22 =	simm.s32 $0x0;
	s4 =	sshll.u32 s4, $0x1;
	s5 =	sadd.s32 s21, s3  }
0x9d: {  	[timem:s22], [sflag:s6] =	dma.local [hbm:s5], s4  }
0x9e: {  	_ =	swait.ge [sflag:s6], s4  }
0x9f: {  	s4 =	ssub.s32 $0x0, s4;
	[sflag:s6] =	ssyncset.done $0x0  }
0xa0: {  	[sflag:s6] =	ssyncadd.s32 s4;
	_ =	sdelay $0x1  }
0xa1: {  	s23 =	simm.s32 $0x1B8B  }
0xa2: {  	_ =	swait.ge [sflag:s23], $0x1  }
0xa3: {  	[sflag:s23] =	ssyncset.done $0x0  }
0xa4: {  	[sflag:s23] =	ssyncadd.s32 $0xFFFFFFFF  }
0xa5: {  	s4 =	sld [smem:$0x0]  }
0xa6: {  	s5 =	sand.u32 $0xFFFFFFFE, s1  }
0xa7: {  	p0 =	sne.s32 s1, s5  }
0xa8: {  	s5 =	sshll.u32 @p0 s5, $0xE  }
0xa9: {  	s5 =	sadd.s32 @p0 $0x11B8D, s5;
	s6 =	sshll.u32 @p0 s4, $0x11  }
0xaa: {  	s5 =	sor.u32 @p0 s6, s5  }
0xab: {  	[sflag:s5] =	ssyncadd.remote.s32 @p0 $0x1;
	_ =	sdelay $0x1  }
0xac: {  	s5 =	simm.s32 @p0 $0x1B8D  }
0xad: {  	_ =	swait.eq @p0 [sflag:s5], $0x1  }
0xae: {  	[sflag:s5] =	ssyncadd.s32 @p0 $0xFFFFFFFF  }
0xaf: {  	s6 =	sshll.u32 @!p0 s1, $0xE  }
0xb0: {  	s6 =	sor.u32 @!p0 $0x4000, s6;
	s5 =	simm.s32 @!p0 $0x1B8D  }
0xb1: {  	s4 =	sshll.u32 @!p0 s4, $0x11;
	s6 =	sadd.s32 @!p0 $0x11B8D, s6;
	_ =	swait.eq @!p0 [sflag:s5], $0x1  }
0xb2: {  	s4 =	sor.u32 @!p0 s4, s6;
	[sflag:s5] =	ssyncadd.s32 @!p0 $0xFFFFFFFF  }
0xb3: {  	s25 =	simm.s32 $0x1B8E;
	s24 =	sld [smem:$0x3FFE];
	[sflag:s4] =	ssyncadd.remote.s32 @!p0 $0x1  }
0xb4: {  	s26 =	simm.s32 $execute0_lowered;
	[smem:$0x3FD2] =	sst s25  }
0xb5: {  	s5 =	sshll.u32 s26, $0x1;
	_ =	strace $0x80000064;
	[dreg:$0x1] =	wrdreg $0xFFFFFFFF  }
0xb6: {  	s28 =	simm.s32 $_size_execute0_lowered;
	s3 =	sadd.s32 s3, s5;
	[dreg:$0x0] =	wrdreg $0x0  }
0xb7: {  	s5 =	sshll.u32 s28, $0x1;
	[dreg:$0x2] =	wrdreg s3  }
0xb8: {  	[dreg:$0x3] =	wrdreg s5  }
0xb9: {  	[dreg:$0x4] =	wrdreg $0xC0  }
0xba: {  	_ =	task [dreg:s22], $0x5FFFF  }
0xbb: {  	[dreg:$0x1] =	wrdreg $0xFFFFFFFF  }
0xbc: {  	[dreg:$0x0] =	wrdreg $0x60  }
0xbd: {  	[dreg:$0x2] =	wrdreg s24  }
0xbe: {  	[dreg:$0x3] =	wrdreg $0x8C000  }
0xbf: {  	[dreg:$0x4] =	wrdreg $0xB  }
0xc0: {  	_ =	task.clear_ibuf [dreg:s22], $0x5FFFF;
	_ =	strace $0x90000064  }
0xc1: {  	s29 =	simm.s32 $0xB;
	_ =	strace $0x80000066  }
0xc2: {  	_ =	swait.ge [sflag:s29], $0x1  }
0xc3: {  	[sflag:s29] =	ssyncadd.s32 $0xFFFFFFFF  }
0xc4: {  	_ =	strace $0x90000066  }
0xc5: {  	_ =	sfence  }
0xc6: {  	s30 =	sld [smem:$0x0];
	_ =	sdelay $0x2  }
0xc7: {  	s31 =	sshll.u32 s1, $0xD;
	s1 =	sshrl.u32 s1, $0x2  }
0xc8: {  	s4 =	sand.u32 $0x4000, s31;
	s1 =	sadd.s32 s1, s30  }
0xc9: {  	s0 =	sor.u32 s4, s0;
	s1 =	sshll.u32 s1, $0x11  }
0xca: {  	s0 =	sor.u32 s1, s0  }
0xcb: {  	s0 =	sadd.s32 $0x8F2B, s0  }
0xcc: {  	[sflag:s0] =	ssyncadd.remote.s32 $0x1  }
0xcd: {  	_ =	sfence.sel $0xFFFF  }
0xce: {  	[dreg:$0x0] =	wrdreg $0xFFFFFFFF;
	(pc) =	sbr.abs _section_cstart, $3  }
0xcf: {  	[dreg:$0x1] =	wrdreg $0xFFFFFFFF  }
0xd0: {  	_ =	task.clear_ibuf [dreg:s22], $0x2FFFF;
	_ =	strace $0x9FFFFFFF  }
0xd1: {  	(tm) =	ssettm $0x7FFFFFFF  }
tec
execute0_lowered:
.L_overlay_start_1:
0x0: {  	(tag) =	ssettag $0x1  }
0x1: {  	s4 =	rddreg [dreg:$0x0]  }
0x2: {  	s1 =	rddreg [dreg:$0x1]  }
0x3: {  	s2 =	srdreg.scid;
	s0 =	rddreg [dreg:$0x2];
	s3 =	simm.s32 $0x0  }
0x4: {  	s18 =	simm.s32 $0xC00;
	s19 =	simm.s32 $0x4C00;
	s20 =	simm.s32 $0x80  }
0x5: {  	s21 =	simm.s32 $0x2;
	s22 =	simm.s32 $0x900;
	s8 =	sand.u32 $0x1, s2  }
0x6: {  	s23 =	simm.s32 $0x980;
	s2 =	stileid.u32;
	s6 =	smul.u32 $0x140000, s8  }
0x7: {  	[smem:$0x7FF] =	sst s3;
	s14 =	sadd.s32 $0xA8E400, s4;
	s7 =	smul.u32 $0x14000, s2  }
0x8: {  	s5 =	sshll.u32 s8, $0x4;
	_ =	strace $0x80000065;
	s11 =	smul.u32 $0x50000, s2  }
0x9: {  	s25 =	ssub.s32 $0x2, s8;
	s16 =	smul.u32 $0x500000, s8;
	s5 =	sor.u32 s2, s5  }
0xa: {  	s29 =	sshll.u32 s2, $0x6;
	s26 =	sshrl.u32 s25, $0x1;
	s9 =	smul.u32 $0x180, s5  }
0xb: {  	s6 =	sadd.s32 s7, s6;
	s28 =	sshrl.u32 s11, $0x2;
	s12 =	smul.u32 $0xA000, s5  }
0xc: {  	s13 =	smul.u32 $0x50000, s5;
	s5 =	sor.u32 $0x1C03, s29;
	s16 =	sadd.s32 s11, s16  }
0xd: {  	s6 =	sshrl.u32 s6, $0x3;
	s15 =	sadd.s32 s28, s1;
	s17 =	sadd.s32 $0x10000, s16  }
0xe: {  	s16 =	sor.u32 $0xC000, s16;
	s24 =	sadd.s32 s9, s4;
	s10 =	sadd.s32 s6, s4  }
0xf: {  	s9 =	ssub.s32 s25, s26;
	s7 =	sadd.s32 s14, s12;
	s30 =	sor.u32 $0x8000, s13  }
0x10: {  	s13 =	sshrl.u32 s13, $0x3;
	s31 =	sshrl.u32 s17, $0x3;
	s16 =	sshrl.u32 s16, $0x3  }
0x11: {  	s15 =	sshrl.u32 s15, $0x3;
	s17 =	simm.s32 $0x1;
	s4 =	sadd.s32 $0x85400, s10  }
0x12: {  	s6 =	sadd.s32 $0xA400, s24;
	s8 =	sadd.s32 $0x30B400, s10;
	s9 =	smax.u32 s9, $0x1  }
0x13: {  	s13 =	sadd.s32 s14, s13;
	s12 =	sshrl.u32 s30, $0x3;
	s24 =	simm.s32 $0x0  }
0x14: {  	s10 =	sadd.s32 $0x800, s13;
	s11 =	sadd.s32 s14, s12;
	s12 =	sadd.s32 $0x9800, s13  }
0x15: {  	s13 =	sadd.s32 s31, s14;
	s14 =	sadd.s32 s16, s14;
	s16 =	simm.s32 $0x3  }
.LBB2_1:
0x16: {  	[spmem:s15], [sflag:s5] =	dma.local [hbm:s4], $0x2800  }
0x17: {  	_ =	swait.ge [sflag:s16], $0x2800  }
0x18: {  	[sflag:s16] =	ssyncset.done $0x0  }
0x19: {  	[sflag:s16] =	ssyncadd.s32 $0xFFFFD800  }
0x1a: {  	[tilespmem:s3], [sflag:$0x1] =	stream.linear.gather [hbm4b:s6+s3], $0xA00, $0x38;
	[tilespmem:$0x1CC00] =	vst v63  }
0x1b: {  	_ =	swait.ge [sflag:s17], $0xA00  }
0x1c: {  	[sflag:s17] =	ssyncset.done $0x0  }
0x1d: {  	[sflag:s17] =	ssyncadd.s32 $0xFFFFF600  }
0x1e: {  	[bflag:$0x0] =	sbarrier.arrive $0xFFFF  }
0x1f: {  	[tilespmem:s18], [sflag:$0x1] =	stream.linear.gather [hbm4b:s7+s3], $0x4000, $0x38;
	[tilespmem:$0x1CC00] =	vst v63  }
0x20: {  	_ = 	snop  }
0x21: {  	[tilespmem:s19], [sflag:$0x1] =	stream.linear.gather [hbm4b:s10+s3], $0x4000, $0x38;
	[tilespmem:$0x1CC00] =	vst v63  }
0x22: {  	_ =	swait.ge [sflag:s17], $0x4000  }
0x23: {  	[sflag:s17] =	ssyncset.done $0x0  }
0x24: {  	[sflag:s17] =	ssyncadd.s32 $0xFFFFC000  }
0x25: {  	[spmem:s1] =	stream.indirect.scatter.add.f32 [tilespmem:s18], [sflag:$0x2], $0x80, s3, s20, $0xb8;
	[tilespmem:$0x1CC00] =	vst v63  }
0x26: {  	_ =	swait.ge [sflag:s21], $0x4000  }
0x27: {  	[sflag:s21] =	ssyncset.done $0x0  }
0x28: {  	[sflag:s21] =	ssyncadd.s32 $0xFFFFC000  }
0x29: {  	[tilespmem:s18], [sflag:$0x1] =	stream.linear.gather [hbm4b:s11+s3], $0x4000, $0x38;
	[tilespmem:$0x1CC00] =	vst v63  }
0x2a: {  	_ =	swait.ge [sflag:s17], $0x4000  }
0x2b: {  	[sflag:s17] =	ssyncset.done $0x0  }
0x2c: {  	[sflag:s17] =	ssyncadd.s32 $0xFFFFC000  }
0x2d: {  	[spmem:s1] =	stream.indirect.scatter.add.f32 [tilespmem:s19], [sflag:$0x2], $0x80, s20, s20, $0xb8;
	[tilespmem:$0x1CC00] =	vst v63  }
0x2e: {  	_ =	swait.ge [sflag:s21], $0x4000  }
0x2f: {  	[sflag:s21] =	ssyncset.done $0x0  }
0x30: {  	s25 =	sadd.s32 $0x0, s14;
	[sflag:s21] =	ssyncadd.s32 $0xFFFFC000  }
0x31: {  	[tilespmem:s19], [sflag:$0x1] =	stream.linear.gather [hbm4b:s25+s3], $0x4000, $0x38;
	[tilespmem:$0x1CC00] =	vst v63  }
0x32: {  	_ =	swait.ge [sflag:s17], $0x4000  }
0x33: {  	[sflag:s17] =	ssyncset.done $0x0  }
0x34: {  	s30 =	simm.s32 $0x100;
	[sflag:s17] =	ssyncadd.s32 $0xFFFFC000  }
0x35: {  	[spmem:s1] =	stream.indirect.scatter.add.f32 [tilespmem:s18], [sflag:$0x2], $0x80, s30, s20, $0xb8;
	[tilespmem:$0x1CC00] =	vst v63  }
0x36: {  	_ =	swait.ge [sflag:s21], $0x4000  }
0x37: {  	[sflag:s21] =	ssyncset.done $0x0  }
0x38: {  	s31 =	sadd.s32 $0x0, s13;
	[sflag:s21] =	ssyncadd.s32 $0xFFFFC000  }
0x39: {  	[tilespmem:s18], [sflag:$0x1] =	stream.linear.gather [hbm4b:s31+s3], $0x4000, $0x38;
	[tilespmem:$0x1CC00] =	vst v63  }
0x3a: {  	_ =	swait.ge [sflag:s17], $0x4000  }
0x3b: {  	s28 =	simm.s32 $0x180;
	[sflag:s17] =	ssyncset.done $0x0  }
0x3c: {  	s26 =	simm.s32 $0x200;
	s25 =	simm.s32 $0x1000;
	[sflag:s17] =	ssyncadd.s32 $0xFFFFC000  }
.LBB2_2:
0x3d: {  	[spmem:s1] =	stream.indirect.scatter.add.f32 [tilespmem:s19], [sflag:$0x2], $0x80, s28, s20, $0xb8;
	[tilespmem:$0x1CC00] =	vst v63  }
0x3e: {  	s28 =	smov.u32 s25  }
0x3f: {  	p0 =	sne.s32 s25, $0x7000;
	s25 =	sadd.s32 $0x1000, s25;
	_ =	swait.ge [sflag:s21], $0x4000  }
0x40: {  	[sflag:s21] =	ssyncset.done $0x0  }
0x41: {  	s29 =	sadd.s32 s28, s14;
	[sflag:s21] =	ssyncadd.s32 $0xFFFFC000  }
0x42: {  	[tilespmem:s19], [sflag:$0x1] =	stream.linear.gather [hbm4b:s29+s3], $0x4000, $0x38;
	[tilespmem:$0x1CC00] =	vst v63  }
0x43: {  	_ =	swait.ge [sflag:s17], $0x4000  }
0x44: {  	[sflag:s17] =	ssyncset.done $0x0  }
0x45: {  	[sflag:s17] =	ssyncadd.s32 $0xFFFFC000  }
0x46: {  	[spmem:s1] =	stream.indirect.scatter.add.f32 [tilespmem:s18], [sflag:$0x2], $0x80, s26, s20, $0xb8;
	[tilespmem:$0x1CC00] =	vst v63  }
0x47: {  	_ =	swait.ge [sflag:s21], $0x4000  }
0x48: {  	[sflag:s21] =	ssyncset.done $0x0  }
.Ltmp0:
0x49: {  	s28 =	sadd.s32 s28, s13;
	[sflag:s21] =	ssyncadd.s32 $0xFFFFC000;
	(pc) =	sbr.rel @p0 .LBB2_2-.Ltmp0, $4  }
0x4a: {  	[tilespmem:s18], [sflag:$0x1] =	stream.linear.gather [hbm4b:s28+s3], $0x4000, $0x38;
	[tilespmem:$0x1CC00] =	vst v63  }
0x4b: {  	_ =	swait.ge [sflag:s17], $0x4000  }
0x4c: {  	[sflag:s17] =	ssyncset.done $0x0  }
0x4d: {  	s28 =	sadd.s32 $0x80, s26;
	s26 =	sadd.s32 $0x100, s26;
	[sflag:s17] =	ssyncadd.s32 $0xFFFFC000  }
0x4e: {  	[spmem:s1] =	stream.indirect.scatter.add.f32 [tilespmem:s19], [sflag:$0x2], $0x80, s28, s20, $0xb8;
	[tilespmem:$0x1CC00] =	vst v63  }
0x4f: {  	_ =	swait.ge [sflag:s21], $0x4000  }
0x50: {  	[sflag:s21] =	ssyncset.done $0x0  }
0x51: {  	[sflag:s21] =	ssyncadd.s32 $0xFFFFC000  }
0x52: {  	[tilespmem:s19], [sflag:$0x1] =	stream.linear.gather [hbm4b:s12+s3], $0x4000, $0x38;
	[tilespmem:$0x1CC00] =	vst v63  }
0x53: {  	_ =	swait.ge [sflag:s17], $0x4000  }
0x54: {  	[sflag:s17] =	ssyncset.done $0x0  }
0x55: {  	[sflag:s17] =	ssyncadd.s32 $0xFFFFC000  }
0x56: {  	[spmem:s1] =	stream.indirect.scatter.add.f32 [tilespmem:s18], [sflag:$0x2], $0x80, s22, s20, $0xb8;
	[tilespmem:$0x1CC00] =	vst v63  }
0x57: {  	_ =	swait.ge [sflag:s21], $0x4000  }
0x58: {  	[sflag:s21] =	ssyncset.done $0x0  }
0x59: {  	[sflag:s21] =	ssyncadd.s32 $0xFFFFC000  }
0x5a: {  	_ =	swait.ge [sflag:s17], $0x4000  }
0x5b: {  	[sflag:s17] =	ssyncset.done $0x0  }
0x5c: {  	[sflag:s17] =	ssyncadd.s32 $0xFFFFC000  }
0x5d: {  	[spmem:s1] =	stream.indirect.scatter.add.f32 [tilespmem:s19], [sflag:$0x2], $0x80, s23, s20, $0xb8;
	[tilespmem:$0x1CC00] =	vst v63  }
0x5e: {  	_ =	swait.ge [sflag:s21], $0x4000  }
0x5f: {  	s24 =	sadd.s32 $0x1, s24;
	[sflag:s21] =	ssyncset.done $0x0  }
0x60: {  	p0 =	sne.s32 s24, s9;
	[sflag:s21] =	ssyncadd.s32 $0xFFFFC000  }
.Ltmp1:
0x61: {  	[bflag:$0x0] =	sbarrier.arrive $0xFFFF;
	(pc) =	sbr.rel @p0 .LBB2_1-.Ltmp1, $4  }
0x62: {  	[hbm:s8], [sflag:s5] =	dma.local [spmem:s15], $0x2800  }
0x63: {  	_ =	swait.ge [sflag:s16], $0x2800  }
0x64: {  	[sflag:s16] =	ssyncset.done $0x0  }
0x65: {  	[sflag:s16] =	ssyncadd.s32 $0xFFFFD800  }
0x66: {  	_ =	sfence.sel $0x180000  }
0x67: {  	[bflag:$0x0] =	sbarrier.arrive $0xFFFF  }
0x68: {  	p0 =	sne.s32 s2, $0x0;
	_ =	strace $0x90000065  }
0x69: {  	s0 =	sadd.s32 @!p0 $0x100000, s0;
	[bflag:$0x2] =	sbarrier.arrive $0xFFFF  }
0x6a: {  	[sflag:s0] =	ssyncadd.tile.s32 @!p0 $0x1;
	_ =	shalt  }
.Lfunc_end2:
_tile_overlayer_lowered:
.L_overlay_start_2:
0x6b: {  	(tag) =	ssettag $0x2  }
0x6c: {  	s0 =	rddreg [dreg:$0x0];
	s2 =	stileid.u32  }
0x6d: {  	s1 =	rddreg [dreg:$0x1];
	p0 =	sne.s32 s2, $0x0  }
0x6e: {  	s3 =	rddreg [dreg:$0x2];
	[bflag:$0x3] =	sbarrier.arrive $0xFFFF;
	s2 =	simm.s32 @!p0 $0x1C03  }
0x6f: {  	[timem:s3], [sflag:s2] =	dma.local @!p0 [hbm:s0], s1  }
0x70: {  	s0 =	simm.s32 @!p0 $0x3  }
0x71: {  	_ =	swait.ge @!p0 [sflag:s0], s1  }
0x72: {  	s1 =	ssub.s32 @!p0 $0x0, s1;
	[sflag:s0] =	ssyncset.done @!p0 $0x0  }
0x73: {  	[sflag:s0] =	ssyncadd.s32 @!p0 s1  }
0x74: {  	[bflag:$0x3] =	sbarrier.arrive $0xFFFF  }
0x75: {  	_ =	shalt  }

// kernel: kernel.56.cloned.1.call-start
scs
__scs_entry_jumppad:
0x0: {  	(pc) =	sbr.rel $0x88, $3  }
0x1: {  	(tag) =	ssettag $0x0;
	lr =	simm.s32 $0x1  }
0x2: {  	[smem:$0x3F82] =	sst lr;
	_ =	strace $0xD0000000  }
0x3: {  	_ = 	snop  }
0x4: {  	_ = 	snop  }
0x5: {  	_ = 	snop  }
0x6: {  	_ = 	snop  }
0x7: {  	_ = 	snop  }
__scs_overlays_trampoline_lowered:
0x8: {  	[smem:$0x3F91] =	sst s0  }
0x9: {  	[smem:$0x3F92] =	sst s1  }
0xa: {  	[smem:$0x3F93] =	sst s2  }
0xb: {  	[smem:$0x3F94] =	sst s3  }
0xc: {  	[smem:$0x3F95] =	sst s4  }
0xd: {  	[smem:$0x3F96] =	sst s5  }
0xe: {  	[smem:$0x3F97] =	sst s6  }
0xf: {  	[smem:$0x3F98] =	sst s7  }
0x10: {  	[smem:$0x3F99] =	sst s8  }
0x11: {  	[smem:$0x3F9A] =	sst s9;
	s0 =	simm.s32 @!p0 $0x0  }
0x12: {  	s1 =	sld [smem:$0x3F80];
	s0 =	simm.s32 @p0 $0x1  }
0x13: {  	[smem:$0x3F9B] =	sst s0;
	s0 =	simm.s32 @!p1 $0x0  }
0x14: {  	s2 =	sld [smem:$0x3F7F];
	s0 =	simm.s32 @p1 $0x1  }
0x15: {  	[smem:$0x3F9C] =	sst s0;
	s0 =	simm.s32 @!p2 $0x0  }
0x16: {  	s3 =	sld [smem:$0x3FDB];
	s0 =	simm.s32 @p2 $0x1  }
0x17: {  	s4 =	simm.s32 $0x1BF5;
	[smem:$0x3F9E] =	sst s0  }
0x18: {  	s0 =	sld [smem:$0x3F81];
	_ =	swait.ge [sflag:s4], $0x0  }
0x19: {  	s7 =	sld [smem:$0x3F82]  }
0x1a: {  	s8 =	sadd.s32 $0xFFFFE003, lr  }
0x1b: {  	s9 =	sadd.s32 $0xFFFFFEF7, lr;
	s5 =	simm.s32 $0xFFFFFFFF;
	p2 =	slt.u32 s8, $0xFFFFF086  }
0x1c: {  	p1 =	slt.u32 s9, $0xF7A;
	s5 =	simm.s32 @!p2 $0x0  }
0x1d: {  	s5 =	simm.s32 @p1 $0x1;
	p0 =	seq.s32 s7, s2  }
0x1e: {  	s7 =	smul.u32 @!p0 $0xF7A, s2;
	p2 =	seq.s32 @!p0 s5, $0x0  }
0x1f: {  	s9 =	smul.u32 $0xF7A, s1;
	s8 =	simm.s32 @!p0 $0x1BF5;
	p2 =	por !p2, p0  }
0x20: {  	[sflag:s8] =	ssyncset.s32 @!p0 $0xFFFFF086;
	s6 =	sadd.s32 @!p0 s3, s7;
	s7 =	simm.s32 @!p0 $0x108  }
0x21: {  	s3 =	sadd.s32 s3, s9;
	s6 =	sadd.s32 @!p0 $0x88, s6;
	s7 =	simm.s32 @p2 $0x1082  }
0x22: {  	[simem:s7], [sflag:s8] =	dma.local @!p0 [hbm:s6], $0xF7A  }
0x23: {  	s9 =	sor.u32 $0xD0000000, s2;
	s6 =	simm.s32 $0x108;
	_ =	swait.ge @!p0 [sflag:s8], $0x0  }
0x24: {  	s3 =	sadd.s32 $0x88, s3;
	s6 =	simm.s32 @!p1 $0x1082;
	[sflag:s4] =	ssyncset.s32 $0xFFFFF086  }
0x25: {  	[simem:s6], [sflag:s4] =	dma.local [hbm:s3], $0xF7A  }
0x26: {  	[smem:$0x3F82] =	sst s1;
	(tag) =	ssettag s2;
	_ =	strace s9  }
0x27: {  	s1 =	sld [smem:$0x3F92]  }
0x28: {  	s2 =	sld [smem:$0x3F93]  }
0x29: {  	s4 =	sld [smem:$0x3F95]  }
0x2a: {  	p0 =	seq.s32 s5, $0x0;
	s5 =	sld [smem:$0x3F96]  }
0x2b: {  	s6 =	sld [smem:$0x3F97]  }
0x2c: {  	s7 =	sld [smem:$0x3F98]  }
0x2d: {  	s3 =	simm.s32 $0x108;
	s8 =	sld [smem:$0x3F99]  }
0x2e: {  	s3 =	simm.s32 @!p0 $0x1082;
	s9 =	sld [smem:$0x3F9A]  }
0x2f: {  	lr =	sadd.s32 s0, s3;
	s0 =	sld [smem:$0x3F91]  }
0x30: {  	s3 =	sld [smem:$0x3F94]  }
0x31: {  	[smem:$0x3F9D] =	sst s10  }
0x32: {  	s10 =	sld [smem:$0x3F9B];
	_ =	sdelay $0x3  }
0x33: {  	p0 =	seq.s32 s10, $0x1;
	s10 =	sld [smem:$0x3F9D];
	_ =	sdelay $0x3  }
0x34: {  	[smem:$0x3F9D] =	sst s10  }
0x35: {  	s10 =	sld [smem:$0x3F9C];
	_ =	sdelay $0x3  }
0x36: {  	p1 =	seq.s32 s10, $0x1;
	s10 =	sld [smem:$0x3F9D];
	_ =	sdelay $0x3  }
0x37: {  	[smem:$0x3F9D] =	sst s10  }
0x38: {  	s10 =	sld [smem:$0x3F9E]  }
0x39: {  	_ = 	snop;
	(pc) =	sbr.ind lr, $3  }
0x3a: {  	_ = 	snop  }
0x3b: {  	_ = 	snop  }
0x3c: {  	p2 =	seq.s32 s10, $0x1;
	s10 =	sld [smem:$0x3F9D]  }
0x3d: {  	_ =	shalt  }
0x3e: {  	_ =	shalt  }
0x3f: {  	_ =	shalt  }
0x40: {  	_ =	shalt  }
0x41: {  	_ =	shalt  }
0x42: {  	_ =	shalt  }
0x43: {  	_ =	shalt  }
0x44: {  	_ =	shalt  }
0x45: {  	_ =	shalt  }
0x46: {  	_ =	shalt  }
0x47: {  	_ =	shalt  }
0x48: {  	_ =	shalt  }
0x49: {  	_ =	shalt  }
0x4a: {  	_ =	shalt  }
0x4b: {  	_ =	shalt  }
0x4c: {  	_ =	shalt  }
0x4d: {  	_ =	shalt  }
0x4e: {  	_ =	shalt  }
0x4f: {  	_ =	shalt  }
0x50: {  	_ =	shalt  }
0x51: {  	_ =	shalt  }
0x52: {  	_ =	shalt  }
0x53: {  	_ =	shalt  }
0x54: {  	_ =	shalt  }
0x55: {  	_ =	shalt  }
0x56: {  	_ =	shalt  }
0x57: {  	_ =	shalt  }
0x58: {  	_ =	shalt  }
0x59: {  	_ =	shalt  }
0x5a: {  	_ =	shalt  }
0x5b: {  	_ =	shalt  }
0x5c: {  	_ =	shalt  }
0x5d: {  	_ =	shalt  }
0x5e: {  	_ =	shalt  }
0x5f: {  	_ =	shalt  }
0x60: {  	_ =	shalt  }
0x61: {  	_ =	shalt  }
0x62: {  	_ =	shalt  }
0x63: {  	_ =	shalt  }
0x64: {  	_ =	shalt  }
0x65: {  	_ =	shalt  }
0x66: {  	_ =	shalt  }
0x67: {  	_ =	shalt  }
0x68: {  	_ =	shalt  }
0x69: {  	_ =	shalt  }
0x6a: {  	_ =	shalt  }
0x6b: {  	_ =	shalt  }
0x6c: {  	_ =	shalt  }
0x6d: {  	_ =	shalt  }
0x6e: {  	_ =	shalt  }
0x6f: {  	_ =	shalt  }
0x70: {  	_ =	shalt  }
0x71: {  	_ =	shalt  }
0x72: {  	_ =	shalt  }
0x73: {  	_ =	shalt  }
0x74: {  	_ =	shalt  }
0x75: {  	_ =	shalt  }
0x76: {  	_ =	shalt  }
0x77: {  	_ =	shalt  }
0x78: {  	_ =	shalt  }
0x79: {  	_ =	shalt  }
0x7a: {  	_ =	shalt  }
0x7b: {  	_ =	shalt  }
0x7c: {  	_ =	shalt  }
0x7d: {  	_ =	shalt  }
0x7e: {  	_ =	shalt  }
0x7f: {  	_ =	shalt  }
0x80: {  	_ =	shalt  }
0x81: {  	_ =	shalt  }
0x82: {  	_ =	shalt  }
0x83: {  	_ =	shalt  }
0x84: {  	_ =	shalt  }
0x85: {  	_ =	shalt  }
0x86: {  	_ =	shalt  }
0x87: {  	_ =	shalt  }
.Lfunc_end0:
.L_simem_size_0:
called_computation.11_lowered:
.L_overlay_start_0:
0x88: {  	s2 =	sld [smem:$0x3FD9]  }
0x89: {  	s3 =	sld [smem:$0x3FFE];
	_ =	sdelay $0x1  }
0x8a: {  	s1 =	srdreg.scid  }
0x8b: {  	s0 =	sand.u32 $0x1, s1  }
0x8c: {  	s17 =	sshll.u32 s0, $0xA;
	s2 =	sadd.s32 s3, s2  }
0x8d: {  	s2 =	sadd.s32 s2, s17  }
0x8e: {  	[smem:$0x3FA9] =	sst s2  }
0x8f: {  	_ = 	snop  }
0x90: {  	s2 =	sld [smem:$0x3FD0];
	(tm) =	ssettm $0x1  }
0x91: {  	s18 =	sld [smem:$0x3FFB];
	_ =	sdelay $0x3  }
0x92: {  	_ =	strace s18  }
0x93: {  	s3 =	sld [smem:$0x3FFC];
	_ =	sdelay $0x3  }
0x94: {  	_ =	strace s3  }
0x95: {  	s3 =	sld [smem:$0x3FFD];
	_ =	sdelay $0x3  }
0x96: {  	_ =	strace s3  }
0x97: {  	_ =	strace $0x8FFFFFFF  }
0x98: {  	s19 =	sld [smem:$0x3FDB];
	_ =	sdelay $0x1  }
0x99: {  	s4 =	simm.s32 $_scs_section_size  }
0x9a: {  	s5 =	simm.s32 $_size__tile_overlayer_lowered;
	s6 =	simm.s32 $_tile_overlayer_lowered  }
0x9b: {  	s22 =	simm.s32 $0x1BFF;
	s21 =	sshll.u32 s6, $0x1;
	s3 =	sadd.s32 s4, s19  }
0x9c: {  	s7 =	simm.s32 $0x0;
	s20 =	sshll.u32 s5, $0x1;
	s5 =	sadd.s32 s21, s3  }
0x9d: {  	[timem:s7], [sflag:s22] =	dma.local [hbm:s5], s20  }
0x9e: {  	_ =	swait.ge [sflag:s22], s20  }
0x9f: {  	s4 =	ssub.s32 $0x0, s20;
	[sflag:s22] =	ssyncset.done $0x0  }
0xa0: {  	[sflag:s22] =	ssyncadd.s32 s4;
	_ =	sdelay $0x1  }
0xa1: {  	s23 =	simm.s32 $0x1B8B  }
0xa2: {  	_ =	swait.ge [sflag:s23], $0x1  }
0xa3: {  	[sflag:s23] =	ssyncset.done $0x0  }
0xa4: {  	s25 =	simm.s32 $0x1B8E;
	s24 =	sld [smem:$0x3FFE];
	[sflag:s23] =	ssyncadd.s32 $0xFFFFFFFF  }
0xa5: {  	s26 =	simm.s32 $execute0_lowered;
	[smem:$0x3FD2] =	sst s25  }
0xa6: {  	s5 =	sshll.u32 s26, $0x1;
	_ =	strace $0x80000067;
	[dreg:$0x1] =	wrdreg $0xFFFFFFFF  }
0xa7: {  	s28 =	simm.s32 $_size_execute0_lowered;
	s3 =	sadd.s32 s3, s5;
	[dreg:$0x0] =	wrdreg $0x0  }
0xa8: {  	s5 =	sshll.u32 s28, $0x1;
	[dreg:$0x2] =	wrdreg s3  }
0xa9: {  	[dreg:$0x3] =	wrdreg s5  }
0xaa: {  	[dreg:$0x4] =	wrdreg $0xC0  }
0xab: {  	_ =	task [dreg:s7], $0x5FFFF  }
0xac: {  	[dreg:$0x1] =	wrdreg $0xFFFFFFFF  }
0xad: {  	[dreg:$0x0] =	wrdreg $0x60  }
0xae: {  	[dreg:$0x2] =	wrdreg s24  }
0xaf: {  	[dreg:$0x3] =	wrdreg s2  }
0xb0: {  	[dreg:$0x4] =	wrdreg $0x8C000  }
0xb1: {  	[dreg:$0x5] =	wrdreg $0x9  }
0xb2: {  	_ =	task.clear_ibuf [dreg:s7], $0x6FFFF;
	_ =	strace $0x90000067  }
0xb3: {  	s29 =	simm.s32 $0x9;
	_ =	strace $0x80000069  }
0xb4: {  	_ =	swait.ge [sflag:s29], $0x1  }
0xb5: {  	[sflag:s29] =	ssyncadd.s32 $0xFFFFFFFF  }
0xb6: {  	_ =	strace $0x90000069  }
0xb7: {  	_ =	sfence  }
0xb8: {  	s30 =	sld [smem:$0x0];
	_ =	sdelay $0x2  }
0xb9: {  	s31 =	sshll.u32 s1, $0xD;
	s1 =	sshrl.u32 s1, $0x2  }
0xba: {  	s3 =	sand.u32 $0x4000, s31;
	s1 =	sadd.s32 s1, s30  }
0xbb: {  	s0 =	sor.u32 s3, s0;
	s1 =	sshll.u32 s1, $0x11  }
0xbc: {  	s0 =	sor.u32 s1, s0  }
0xbd: {  	s0 =	sadd.s32 $0x8F2B, s0  }
0xbe: {  	[sflag:s0] =	ssyncadd.remote.s32 $0x1  }
0xbf: {  	_ =	sfence.sel $0xFFFF  }
0xc0: {  	[dreg:$0x0] =	wrdreg $0xFFFFFFFF;
	(pc) =	sbr.abs _section_cstart, $3  }
0xc1: {  	[dreg:$0x1] =	wrdreg $0xFFFFFFFF  }
0xc2: {  	_ =	task.clear_ibuf [dreg:s7], $0x2FFFF;
	_ =	strace $0x9FFFFFFF  }
0xc3: {  	(tm) =	ssettm $0x7FFFFFFF  }
tec
execute0_lowered:
.L_overlay_start_1:
0x0: {  	(tag) =	ssettag $0x1  }
0x1: {  	s4 =	rddreg [dreg:$0x0]  }
0x2: {  	s6 =	rddreg [dreg:$0x1];
	s0 =	srdreg.scid  }
0x3: {  	s2 =	rddreg [dreg:$0x2];
	s1 =	stileid.u32  }
0x4: {  	s3 =	simm.s32 $0x0;
	s18 =	simm.s32 $0xC00;
	s19 =	simm.s32 $0x4C00  }
0x5: {  	s8 =	sand.u32 $0x1, s0;
	s0 =	rddreg [dreg:$0x3];
	s7 =	smul.u32 $0x14000, s1  }
0x6: {  	[smem:$0x7FF] =	sst s3;
	s14 =	sadd.s32 $0x94E400, s4;
	s11 =	smul.u32 $0x50000, s1  }
0x7: {  	s25 =	sshll.u32 s1, $0x6;
	s5 =	smul.u32 $0x140000, s8;
	_ =	strace $0x80000068  }
0x8: {  	s20 =	sshll.u32 s8, $0x4;
	s21 =	ssub.s32 $0x2, s8;
	s29 =	smul.u32 $0x500000, s8  }
0x9: {  	s22 =	sor.u32 s1, s20;
	s23 =	sshrl.u32 s21, $0x1;
	s10 =	sshrl.u32 s11, $0x2  }
0xa: {  	s20 =	simm.s32 $0x80;
	s5 =	sadd.s32 s7, s5;
	s12 =	smul.u32 $0x180, s22  }
0xb: {  	s13 =	ssub.s32 s21, s23;
	s15 =	sadd.s32 s10, s2;
	s24 =	smul.u32 $0xA000, s22  }
0xc: {  	s16 =	smul.u32 $0x50000, s22;
	s21 =	simm.s32 $0x2;
	s22 =	simm.s32 $0x900  }
0xd: {  	s23 =	simm.s32 $0x980;
	s5 =	sshrl.u32 s5, $0x3;
	s15 =	sshrl.u32 s15, $0x3  }
0xe: {  	s9 =	sadd.s32 s5, s4;
	s5 =	sor.u32 $0x1C03, s25;
	s6 =	sadd.s32 s6, s12  }
0xf: {  	s7 =	sadd.s32 s14, s24;
	s26 =	sor.u32 $0x8000, s16;
	s28 =	sshrl.u32 s16, $0x3  }
0x10: {  	s16 =	sadd.s32 s11, s29;
	s24 =	simm.s32 $0x0;
	s4 =	sadd.s32 $0x30B400, s9  }
0x11: {  	s8 =	sadd.s32 $0x9C00, s9;
	s9 =	smax.u32 s13, $0x1;
	s30 =	sadd.s32 s14, s28  }
0x12: {  	s12 =	sshrl.u32 s26, $0x3;
	s17 =	sadd.s32 $0x10000, s16;
	s16 =	sor.u32 $0xC000, s16  }
0x13: {  	s10 =	sadd.s32 $0x800, s30;
	s11 =	sadd.s32 s14, s12;
	s12 =	sadd.s32 $0x9800, s30  }
0x14: {  	s31 =	sshrl.u32 s17, $0x3;
	s16 =	sshrl.u32 s16, $0x3;
	s17 =	simm.s32 $0x1  }
0x15: {  	s13 =	sadd.s32 s31, s14;
	s14 =	sadd.s32 s16, s14;
	s16 =	simm.s32 $0x3  }
.LBB2_1:
0x16: {  	[spmem:s15], [sflag:s5] =	dma.local [hbm:s4], $0x2800  }
0x17: {  	_ =	swait.ge [sflag:s16], $0x2800  }
0x18: {  	[sflag:s16] =	ssyncset.done $0x0  }
0x19: {  	[sflag:s16] =	ssyncadd.s32 $0xFFFFD800  }
0x1a: {  	[tilespmem:s3], [sflag:$0x1] =	stream.linear.gather [hbm4b:s6+s3], $0xA00, $0x38;
	[tilespmem:$0x1CC00] =	vst v63  }
0x1b: {  	_ =	swait.ge [sflag:s17], $0xA00  }
0x1c: {  	[sflag:s17] =	ssyncset.done $0x0  }
0x1d: {  	[sflag:s17] =	ssyncadd.s32 $0xFFFFF600  }
0x1e: {  	[bflag:$0x0] =	sbarrier.arrive $0xFFFF  }
0x1f: {  	[tilespmem:s18], [sflag:$0x1] =	stream.linear.gather [hbm4b:s7+s3], $0x4000, $0x38;
	[tilespmem:$0x1CC00] =	vst v63  }
0x20: {  	_ = 	snop  }
0x21: {  	[tilespmem:s19], [sflag:$0x1] =	stream.linear.gather [hbm4b:s10+s3], $0x4000, $0x38;
	[tilespmem:$0x1CC00] =	vst v63  }
0x22: {  	_ =	swait.ge [sflag:s17], $0x4000  }
0x23: {  	[sflag:s17] =	ssyncset.done $0x0  }
0x24: {  	[sflag:s17] =	ssyncadd.s32 $0xFFFFC000  }
0x25: {  	[spmem:s2] =	stream.indirect.scatter.add.f32 [tilespmem:s18], [sflag:$0x2], $0x80, s3, s20, $0xb8;
	[tilespmem:$0x1CC00] =	vst v63  }
0x26: {  	_ =	swait.ge [sflag:s21], $0x4000  }
0x27: {  	[sflag:s21] =	ssyncset.done $0x0  }
0x28: {  	[sflag:s21] =	ssyncadd.s32 $0xFFFFC000  }
0x29: {  	[tilespmem:s18], [sflag:$0x1] =	stream.linear.gather [hbm4b:s11+s3], $0x4000, $0x38;
	[tilespmem:$0x1CC00] =	vst v63  }
0x2a: {  	_ =	swait.ge [sflag:s17], $0x4000  }
0x2b: {  	[sflag:s17] =	ssyncset.done $0x0  }
0x2c: {  	[sflag:s17] =	ssyncadd.s32 $0xFFFFC000  }
0x2d: {  	[spmem:s2] =	stream.indirect.scatter.add.f32 [tilespmem:s19], [sflag:$0x2], $0x80, s20, s20, $0xb8;
	[tilespmem:$0x1CC00] =	vst v63  }
0x2e: {  	_ =	swait.ge [sflag:s21], $0x4000  }
0x2f: {  	[sflag:s21] =	ssyncset.done $0x0  }
0x30: {  	s25 =	sadd.s32 $0x0, s14;
	[sflag:s21] =	ssyncadd.s32 $0xFFFFC000  }
0x31: {  	[tilespmem:s19], [sflag:$0x1] =	stream.linear.gather [hbm4b:s25+s3], $0x4000, $0x38;
	[tilespmem:$0x1CC00] =	vst v63  }
0x32: {  	_ =	swait.ge [sflag:s17], $0x4000  }
0x33: {  	[sflag:s17] =	ssyncset.done $0x0  }
0x34: {  	s30 =	simm.s32 $0x100;
	[sflag:s17] =	ssyncadd.s32 $0xFFFFC000  }
0x35: {  	[spmem:s2] =	stream.indirect.scatter.add.f32 [tilespmem:s18], [sflag:$0x2], $0x80, s30, s20, $0xb8;
	[tilespmem:$0x1CC00] =	vst v63  }
0x36: {  	_ =	swait.ge [sflag:s21], $0x4000  }
0x37: {  	[sflag:s21] =	ssyncset.done $0x0  }
0x38: {  	s31 =	sadd.s32 $0x0, s13;
	[sflag:s21] =	ssyncadd.s32 $0xFFFFC000  }
0x39: {  	[tilespmem:s18], [sflag:$0x1] =	stream.linear.gather [hbm4b:s31+s3], $0x4000, $0x38;
	[tilespmem:$0x1CC00] =	vst v63  }
0x3a: {  	_ =	swait.ge [sflag:s17], $0x4000  }
0x3b: {  	s28 =	simm.s32 $0x180;
	[sflag:s17] =	ssyncset.done $0x0  }
0x3c: {  	s26 =	simm.s32 $0x200;
	s25 =	simm.s32 $0x1000;
	[sflag:s17] =	ssyncadd.s32 $0xFFFFC000  }
.LBB2_2:
0x3d: {  	[spmem:s2] =	stream.indirect.scatter.add.f32 [tilespmem:s19], [sflag:$0x2], $0x80, s28, s20, $0xb8;
	[tilespmem:$0x1CC00] =	vst v63  }
0x3e: {  	s28 =	smov.u32 s25  }
0x3f: {  	p0 =	sne.s32 s25, $0x7000;
	s25 =	sadd.s32 $0x1000, s25;
	_ =	swait.ge [sflag:s21], $0x4000  }
0x40: {  	[sflag:s21] =	ssyncset.done $0x0  }
0x41: {  	s29 =	sadd.s32 s28, s14;
	[sflag:s21] =	ssyncadd.s32 $0xFFFFC000  }
0x42: {  	[tilespmem:s19], [sflag:$0x1] =	stream.linear.gather [hbm4b:s29+s3], $0x4000, $0x38;
	[tilespmem:$0x1CC00] =	vst v63  }
0x43: {  	_ =	swait.ge [sflag:s17], $0x4000  }
0x44: {  	[sflag:s17] =	ssyncset.done $0x0  }
0x45: {  	[sflag:s17] =	ssyncadd.s32 $0xFFFFC000  }
0x46: {  	[spmem:s2] =	stream.indirect.scatter.add.f32 [tilespmem:s18], [sflag:$0x2], $0x80, s26, s20, $0xb8;
	[tilespmem:$0x1CC00] =	vst v63  }
0x47: {  	_ =	swait.ge [sflag:s21], $0x4000  }
0x48: {  	[sflag:s21] =	ssyncset.done $0x0  }
.Ltmp0:
0x49: {  	s28 =	sadd.s32 s28, s13;
	[sflag:s21] =	ssyncadd.s32 $0xFFFFC000;
	(pc) =	sbr.rel @p0 .LBB2_2-.Ltmp0, $4  }
0x4a: {  	[tilespmem:s18], [sflag:$0x1] =	stream.linear.gather [hbm4b:s28+s3], $0x4000, $0x38;
	[tilespmem:$0x1CC00] =	vst v63  }
0x4b: {  	_ =	swait.ge [sflag:s17], $0x4000  }
0x4c: {  	[sflag:s17] =	ssyncset.done $0x0  }
0x4d: {  	s28 =	sadd.s32 $0x80, s26;
	s26 =	sadd.s32 $0x100, s26;
	[sflag:s17] =	ssyncadd.s32 $0xFFFFC000  }
0x4e: {  	[spmem:s2] =	stream.indirect.scatter.add.f32 [tilespmem:s19], [sflag:$0x2], $0x80, s28, s20, $0xb8;
	[tilespmem:$0x1CC00] =	vst v63  }
0x4f: {  	_ =	swait.ge [sflag:s21], $0x4000  }
0x50: {  	[sflag:s21] =	ssyncset.done $0x0  }
0x51: {  	[sflag:s21] =	ssyncadd.s32 $0xFFFFC000  }
0x52: {  	[tilespmem:s19], [sflag:$0x1] =	stream.linear.gather [hbm4b:s12+s3], $0x4000, $0x38;
	[tilespmem:$0x1CC00] =	vst v63  }
0x53: {  	_ =	swait.ge [sflag:s17], $0x4000  }
0x54: {  	[sflag:s17] =	ssyncset.done $0x0  }
0x55: {  	[sflag:s17] =	ssyncadd.s32 $0xFFFFC000  }
0x56: {  	[spmem:s2] =	stream.indirect.scatter.add.f32 [tilespmem:s18], [sflag:$0x2], $0x80, s22, s20, $0xb8;
	[tilespmem:$0x1CC00] =	vst v63  }
0x57: {  	_ =	swait.ge [sflag:s21], $0x4000  }
0x58: {  	[sflag:s21] =	ssyncset.done $0x0  }
0x59: {  	[sflag:s21] =	ssyncadd.s32 $0xFFFFC000  }
0x5a: {  	_ =	swait.ge [sflag:s17], $0x4000  }
0x5b: {  	[sflag:s17] =	ssyncset.done $0x0  }
0x5c: {  	[sflag:s17] =	ssyncadd.s32 $0xFFFFC000  }
0x5d: {  	[spmem:s2] =	stream.indirect.scatter.add.f32 [tilespmem:s19], [sflag:$0x2], $0x80, s23, s20, $0xb8;
	[tilespmem:$0x1CC00] =	vst v63  }
0x5e: {  	_ =	swait.ge [sflag:s21], $0x4000  }
0x5f: {  	s24 =	sadd.s32 $0x1, s24;
	[sflag:s21] =	ssyncset.done $0x0  }
0x60: {  	p0 =	sne.s32 s24, s9;
	[sflag:s21] =	ssyncadd.s32 $0xFFFFC000  }
.Ltmp1:
0x61: {  	[bflag:$0x0] =	sbarrier.arrive $0xFFFF;
	(pc) =	sbr.rel @p0 .LBB2_1-.Ltmp1, $4  }
0x62: {  	[hbm:s8], [sflag:s5] =	dma.local [spmem:s15], $0x2800  }
0x63: {  	_ =	swait.ge [sflag:s16], $0x2800  }
0x64: {  	[sflag:s16] =	ssyncset.done $0x0  }
0x65: {  	[sflag:s16] =	ssyncadd.s32 $0xFFFFD800  }
0x66: {  	_ =	sfence.sel $0x180000  }
0x67: {  	[bflag:$0x0] =	sbarrier.arrive $0xFFFF  }
0x68: {  	p0 =	sne.s32 s1, $0x0;
	_ =	strace $0x90000068  }
0x69: {  	s0 =	sadd.s32 @!p0 $0x100000, s0;
	[bflag:$0x2] =	sbarrier.arrive $0xFFFF  }
0x6a: {  	[sflag:s0] =	ssyncadd.tile.s32 @!p0 $0x1;
	_ =	shalt  }
.Lfunc_end2:
_tile_overlayer_lowered:
.L_overlay_start_2:
0x6b: {  	(tag) =	ssettag $0x2  }
0x6c: {  	s0 =	rddreg [dreg:$0x0];
	s2 =	stileid.u32  }
0x6d: {  	s1 =	rddreg [dreg:$0x1];
	p0 =	sne.s32 s2, $0x0  }
0x6e: {  	s3 =	rddreg [dreg:$0x2];
	[bflag:$0x3] =	sbarrier.arrive $0xFFFF;
	s2 =	simm.s32 @!p0 $0x1C03  }
0x6f: {  	[timem:s3], [sflag:s2] =	dma.local @!p0 [hbm:s0], s1  }
0x70: {  	s0 =	simm.s32 @!p0 $0x3  }
0x71: {  	_ =	swait.ge @!p0 [sflag:s0], s1  }
0x72: {  	s1 =	ssub.s32 @!p0 $0x0, s1;
	[sflag:s0] =	ssyncset.done @!p0 $0x0  }
0x73: {  	[sflag:s0] =	ssyncadd.s32 @!p0 s1  }
0x74: {  	[bflag:$0x3] =	sbarrier.arrive $0xFFFF  }
0x75: {  	_ =	shalt  }

</sc_bundles>
